<compile_context>
chip_gen: v7x
topology: tpu7x:2x2x1
jax: 0.10.2.dev20260603
libtpu: 0.0.44.dev20260713+nightly
codegen_flags: <defaults>
</compile_context>

<pallas_src>
import functools

import jax
import jax.numpy as jnp
from jax import lax
from jax.experimental import pallas as pl
from jax.experimental.pallas import tpu as pltpu
from jax.experimental.pallas import tpu_sc as plsc

VOCAB = 1000000
D = 64
DP = 128
S = 512
B = 1024
N = B * S

NC = 2
NS = 16
NW = NC * NS
PER_W = N // NW

N_STRIPES = (VOCAB - D) // DP
TAIL = VOCAB - N_STRIPES * DP
MAX_STRIPES_PER_W = (N_STRIPES + 2 * NW - 1) // (2 * NW)

CHUNK = 128
N_CHUNKS = PER_W // CHUNK
POS_PER_CHUNK = S // CHUNK


@functools.partial(
    pl.kernel,
    mesh=plsc.VectorSubcoreMesh(core_axis_name="c", subcore_axis_name="s"),
    out_type=jax.ShapeDtypeStruct((VOCAB, DP), jnp.float32),
    compiler_params=pltpu.CompilerParams(needs_layout_passes=False),
    scratch_types=[
        pltpu.VMEM((D, DP), jnp.float32),
        pltpu.VMEM((D, DP), jnp.float32),
        pltpu.VMEM((DP, DP), jnp.float32),
        pltpu.VMEM((DP, DP), jnp.float32),
        pltpu.VMEM((TAIL // 2, DP), jnp.float32),
        pltpu.VMEM((DP * 16,), jnp.int32),
        pltpu.SemaphoreType.DMA,
        pltpu.SemaphoreType.DMA,
        pltpu.SemaphoreType.DMA,
        pltpu.SemaphoreType.DMA,
    ],
)
def _sc_relayout(tokT_hbm, tail_hbm, scr_hbm, in0, in1, tr0, tr1, tail_v,
                 sv_v, gi0, gi1, so0, so1):
    wid = lax.axis_index("s") * NC + lax.axis_index("c")
    in_v = (in0, in1)
    tr_v = (tr0, tr1)
    gsem = (gi0, gi1)
    ssem = (so0, so1)

    iota = lax.iota(jnp.int32, 16)
    dvecs = [c * 16 + iota for c in range(D // 16)]

    def stripe_of(i, b):
        return (2 * i + b) * NW + wid

    def sv_body(v, _):
        sv_v[pl.ds(v * 16, 16)] = jnp.full((16,), v, dtype=jnp.int32)
        return ()

    lax.fori_loop(0, DP, sv_body, (), unroll=4)

    @pl.when(stripe_of(0, 0) < N_STRIPES)
    def _():
        vt = stripe_of(0, 0)
        pltpu.async_copy(tokT_hbm.at[:, pl.ds(vt * DP, DP)], in0, gi0)

    @pl.when(stripe_of(0, 1) < N_STRIPES)
    def _():
        vt = stripe_of(0, 1)
        pltpu.async_copy(tokT_hbm.at[:, pl.ds(vt * DP, DP)], in1, gi1)

    def outer(i, _):
        for b in range(2):
            vt = stripe_of(i, b)

            @pl.when(vt < N_STRIPES)
            def _():
                inv = in_v[b]
                trv = tr_v[b]
                pltpu.make_async_copy(
                    tokT_hbm.at[:, pl.ds(vt * DP, DP)], inv, gsem[b]).wait()

                @plsc.parallel_loop(0, DP, step=1, unroll=8)
                def col_body(vloc):
                    vs = sv_v[pl.ds(vloc * 16, 16)]
                    for c in range(D // 16):
                        trv[vloc, pl.ds(c * 16, 16)] = plsc.load_gather(
                            inv, [dvecs[c], vs])

                @pl.when(i > 0)
                def _():
                    pvt = stripe_of(i - 1, b)
                    pltpu.make_async_copy(
                        trv, scr_hbm.at[pl.ds(pvt * DP, DP)], ssem[b]).wait()

                pltpu.async_copy(trv, scr_hbm.at[pl.ds(vt * DP, DP)], ssem[b])

                nvt = stripe_of(i + 1, b)

                @pl.when(nvt < N_STRIPES)
                def _():
                    pltpu.async_copy(
                        tokT_hbm.at[:, pl.ds(nvt * DP, DP)], inv, gsem[b])
        return ()

    lax.fori_loop(0, MAX_STRIPES_PER_W, outer, ())

    for b in range(2):
        n_done = (N_STRIPES - wid - b * NW + 2 * NW - 1) // (2 * NW)

        @pl.when(n_done > 0)
        def _():
            lvt = (2 * (n_done - 1) + b) * NW + wid
            pltpu.make_async_copy(
                tr_v[b], scr_hbm.at[pl.ds(lvt * DP, DP)], ssem[b]).wait()

    @pl.when(wid == 0)
    def _():
        pltpu.sync_copy(tail_hbm, tail_v)
        for v in range(TAIL):
            half = (v % 2) * 64
            for c in range(D // 16):
                tr0[v % DP, pl.ds(c * 16, 16)] = \
                    tail_v[v // 2, pl.ds(half + c * 16, 16)]
        pltpu.sync_copy(tr0.at[pl.ds(0, TAIL)],
                        scr_hbm.at[pl.ds(N_STRIPES * DP, TAIL)])


@functools.partial(
    pl.kernel,
    mesh=plsc.VectorSubcoreMesh(core_axis_name="c", subcore_axis_name="s"),
    out_type=jax.ShapeDtypeStruct((B * D, S), jnp.float32),
    compiler_params=pltpu.CompilerParams(needs_layout_passes=False),
    scratch_types=[
        pltpu.VMEM((CHUNK,), jnp.int32),
        pltpu.VMEM((CHUNK,), jnp.int32),
        pltpu.VMEM((CHUNK, DP), jnp.float32),
        pltpu.VMEM((CHUNK, DP), jnp.float32),
        pltpu.VMEM((S // DP, D, DP), jnp.float32),
        pltpu.VMEM((D, DP), jnp.float32),
        pltpu.VMEM((D, DP), jnp.float32),
        pltpu.VMEM((D * 16,), jnp.int32),
        pltpu.SemaphoreType.DMA,
        pltpu.SemaphoreType.DMA,
        pltpu.SemaphoreType.DMA,
        pltpu.SemaphoreType.DMA,
    ],
)
def _sc_gather(x_hbm, scr_hbm, posT_hbm, out_hbm, ix0, ix1, rows0, rows1,
               pos_v, ob0, ob1, sv_v, g0, g1, s0, s1):
    wid = lax.axis_index("s") * NC + lax.axis_index("c")
    base = wid * PER_W
    ix_v = (ix0, ix1)
    rows_v = (rows0, rows1)
    ob_v = (ob0, ob1)
    gsem = (g0, g1)
    ssem = (s0, s1)

    iota = lax.iota(jnp.int32, 16)
    rowts = [t * 16 + iota for t in range(CHUNK // 16)]

    for k in range(S // DP):
        pltpu.sync_copy(posT_hbm.at[:, pl.ds(k * DP, DP)], pos_v.at[k])

    def sv_body(d, _):
        sv_v[pl.ds(d * 16, 16)] = jnp.full((16,), d, dtype=jnp.int32)
        return ()

    lax.fori_loop(0, D, sv_body, (), unroll=4)

    def out_slice(g):
        fbase = base + g * CHUNK
        bseq = fbase // S
        qs = lax.rem(fbase, S) // DP
        ro = pl.multiple_of(bseq * D, D)
        co = pl.multiple_of(qs * DP, DP)
        return out_hbm.at[pl.ds(ro, D), pl.ds(co, DP)]

    def fetch(g, b):
        off = pl.multiple_of(base + g * CHUNK, CHUNK)
        pltpu.sync_copy(x_hbm.at[pl.ds(off, CHUNK)], ix_v[b])
        pltpu.async_copy(scr_hbm.at[ix_v[b]], rows_v[b], gsem[b])

    fetch(0, 0)
    fetch(1, 1)

    def outer(c, _):
        for b in range(2):
            g = c * 2 + b
            rows = rows_v[b]
            obuf = ob_v[b]
            pltpu.make_async_copy(scr_hbm.at[ix_v[b]], rows, gsem[b]).wait()

            fbase = base + g * CHUNK
            qs = lax.rem(fbase, S) // DP

            @pl.when(g >= 2)
            def _():
                pltpu.make_async_copy(obuf, out_slice(g - 2), ssem[b]).wait()

            @plsc.parallel_loop(0, D, step=1, unroll=4)
            def d_body(d):
                ds_ = sv_v[pl.ds(d * 16, 16)]
                for t in range(CHUNK // 16):
                    sl = pl.ds(t * 16, 16)
                    obuf[d, sl] = plsc.load_gather(
                        rows, [rowts[t], ds_]) + pos_v[qs, d, sl]

            pltpu.async_copy(obuf, out_slice(g), ssem[b])

            @pl.when(g + 2 < N_CHUNKS)
            def _():
                fetch(g + 2, b)
        return ()

    lax.fori_loop(0, N_CHUNKS // 2, outer, ())

    for b in range(2):
        lg = N_CHUNKS - 2 + b
        pltpu.make_async_copy(ob_v[b], out_slice(lg), ssem[b]).wait()


def kernel(x, token_table, pos_table):
    xf = x.reshape(-1).astype(jnp.int32)
    tokT = token_table.T
    tail2 = token_table[VOCAB - TAIL:].reshape(TAIL // 2, DP)
    scr = _sc_relayout(tokT, tail2)
    out_t = _sc_gather(xf, scr, pos_table.T)
    return jnp.transpose(out_t.reshape(B, D, S), (0, 2, 1))

# --- scband reference (transcript-rebuilt; emitter-appended) ---
"""Pipeline reference for scband-token-and-position-embedding-37357625540897 (READ-ONLY COPY).

The authoritative reference and input builder live on the scoring server;
editing this copy changes nothing except your own understanding.
"""

import jax, jax.numpy as jnp
import numpy as np

VOCAB = 1000000
D_MODEL = 64
MAX_LEN = 512
BATCH = 1024
SEQ_LEN = 512


def setup_inputs(seed: int = 0) -> dict:
    key = jax.random.key(seed)
    k1, k2, k3 = jax.random.split(key, 3)
    x = jax.random.randint(k1, (BATCH, SEQ_LEN), 0, VOCAB, dtype=jnp.int64 if jax.config.jax_enable_x64 else jnp.int32)
    token_table = jax.random.normal(k2, (VOCAB, D_MODEL), dtype=jnp.float32) * 0.02
    pos_table = jax.random.normal(k3, (MAX_LEN, D_MODEL), dtype=jnp.float32) * 0.02
    return {"x": x, "token_table": token_table, "pos_table": pos_table}


def reference(x, token_table, pos_table):
    batch_size, seq_len = x.shape
    # token embedding lookup (gather)
    token_embeddings = jnp.take(token_table, x, axis=0)  # [B, S, D]
    # positional embedding lookup
    positions = jnp.arange(seq_len)
    pos_embeddings = jnp.take(pos_table, positions, axis=0)  # [S, D]
    pos_embeddings = jnp.broadcast_to(pos_embeddings[None, :, :], (batch_size, seq_len, pos_table.shape[1]))
    embeddings = token_embeddings + pos_embeddings
    # dropout in eval mode is identity
    return embeddings

if __name__ == "__main__":
    import jax
    _d = setup_inputs()
    print(jax.jit(kernel)(*tuple(_d.values())))

</pallas_src>

<mosaic_0001>
#map = affine_map<(d0, d1) -> (0, 0)>
module attributes {stable_mosaic.version = 14 : i64} {
  func.func @_sc_relayout(%arg0: i32, %arg1: i32, %arg2: memref<64x1000000xf32, #tpu.memory_space<hbm>>, %arg3: memref<32x128xf32, #tpu.memory_space<hbm>>, %arg4: memref<1000000x128xf32, #tpu.memory_space<hbm>>, %arg5: memref<64x128xf32, #tpu.memory_space<vmem>>, %arg6: memref<64x128xf32, #tpu.memory_space<vmem>>, %arg7: memref<128x128xf32, #tpu.memory_space<vmem>>, %arg8: memref<128x128xf32, #tpu.memory_space<vmem>>, %arg9: memref<32x128xf32, #tpu.memory_space<vmem>>, %arg10: memref<2048xi32, #tpu.memory_space<vmem>>, %arg11: memref<!tpu.dma_semaphore, #tpu.memory_space<semaphore_mem>>, %arg12: memref<!tpu.dma_semaphore, #tpu.memory_space<semaphore_mem>>, %arg13: memref<!tpu.dma_semaphore, #tpu.memory_space<semaphore_mem>>, %arg14: memref<!tpu.dma_semaphore, #tpu.memory_space<semaphore_mem>>) attributes {dimension_semantics = [#tpu.dimension_semantics<core_parallel>, #tpu.dimension_semantics<subcore_parallel>], iteration_bounds = array<i64: 2, 16>, scalar_prefetch = 0 : i64, scratch_operands = 10 : i64, tpu.core_type = #tpu.core_type<sc_vector_subcore>, window_params = [{transform_indices = #map}, {transform_indices = #map}, {transform_indices = #map}]} {
    %mul3A = arith.constant 2 : i32
    %mul3A_0 = arith.muli %arg1, %mul3A : i32
    %add3A = arith.addi %mul3A_0, %arg0 : i32
    %iota3A = tpu.iota {dimensions = array<i32: 0>} : vector<16xi32>
    %add3A_1 = arith.constant 0 : i32
    %add3A_2 = vector.broadcast %add3A_1 : i32 to vector<16xi32>
    %add3A_3 = arith.addi %add3A_2, %iota3A : vector<16xi32>
    %add3A_4 = arith.constant 16 : i32
    %add3A_5 = vector.broadcast %add3A_4 : i32 to vector<16xi32>
    %add3A_6 = arith.addi %add3A_5, %iota3A : vector<16xi32>
    %add3A_7 = arith.constant 32 : i32
    %add3A_8 = vector.broadcast %add3A_7 : i32 to vector<16xi32>
    %add3A_9 = arith.addi %add3A_8, %iota3A : vector<16xi32>
    %add3A_10 = arith.constant 48 : i32
    %add3A_11 = vector.broadcast %add3A_10 : i32 to vector<16xi32>
    %add3A_12 = arith.addi %add3A_11, %iota3A : vector<16xi32>
    %scan3A = arith.constant 0 : i32
    %scan3A_13 = arith.constant 128 : i32
    %scan3A_14 = arith.addi %scan3A, %scan3A_13 : i32
    %scan3A_15 = arith.constant 4 : i32
    scf.for %scan3A_102 = %scan3A to %scan3A_14 step %scan3A_15  : i32 {
      %broadcast_in_dim3A = vector.broadcast %scan3A_102 : i32 to vector<16xi32>
      %mul3A_103 = arith.constant 16 : i32
      %mul3A_104 = arith.muli %scan3A_102, %mul3A_103 : i32
      %swap3A = arith.index_cast %mul3A_104 : i32 to index
      %swap3A_105 = tpu.vector_load %arg10[%swap3A] {strides = array<i32>} : memref<2048xi32, #tpu.memory_space<vmem>>, vector<16xi32>,
      tpu.vector_store %arg10[%swap3A], %broadcast_in_dim3A {strides = array<i32>} : memref<2048xi32, #tpu.memory_space<vmem>>, vector<16xi32>,
      %scan3A_106 = arith.constant 1 : i32
      %scan3A_107 = arith.addi %scan3A_102, %scan3A_106 : i32
      %broadcast_in_dim3A_108 = vector.broadcast %scan3A_107 : i32 to vector<16xi32>
      %mul3A_109 = arith.constant 16 : i32
      %mul3A_110 = arith.muli %scan3A_107, %mul3A_109 : i32
      %swap3A_111 = arith.index_cast %mul3A_110 : i32 to index
      %swap3A_112 = tpu.vector_load %arg10[%swap3A_111] {strides = array<i32>} : memref<2048xi32, #tpu.memory_space<vmem>>, vector<16xi32>,
      tpu.vector_store %arg10[%swap3A_111], %broadcast_in_dim3A_108 {strides = array<i32>} : memref<2048xi32, #tpu.memory_space<vmem>>, vector<16xi32>,
      %scan3A_113 = arith.constant 2 : i32
      %scan3A_114 = arith.addi %scan3A_102, %scan3A_113 : i32
      %broadcast_in_dim3A_115 = vector.broadcast %scan3A_114 : i32 to vector<16xi32>
      %mul3A_116 = arith.constant 16 : i32
      %mul3A_117 = arith.muli %scan3A_114, %mul3A_116 : i32
      %swap3A_118 = arith.index_cast %mul3A_117 : i32 to index
      %swap3A_119 = tpu.vector_load %arg10[%swap3A_118] {strides = array<i32>} : memref<2048xi32, #tpu.memory_space<vmem>>, vector<16xi32>,
      tpu.vector_store %arg10[%swap3A_118], %broadcast_in_dim3A_115 {strides = array<i32>} : memref<2048xi32, #tpu.memory_space<vmem>>, vector<16xi32>,
      %scan3A_120 = arith.constant 3 : i32
      %scan3A_121 = arith.addi %scan3A_102, %scan3A_120 : i32
      %broadcast_in_dim3A_122 = vector.broadcast %scan3A_121 : i32 to vector<16xi32>
      %mul3A_123 = arith.constant 16 : i32
      %mul3A_124 = arith.muli %scan3A_121, %mul3A_123 : i32
      %swap3A_125 = arith.index_cast %mul3A_124 : i32 to index
      %swap3A_126 = tpu.vector_load %arg10[%swap3A_125] {strides = array<i32>} : memref<2048xi32, #tpu.memory_space<vmem>>, vector<16xi32>,
      tpu.vector_store %arg10[%swap3A_125], %broadcast_in_dim3A_122 {strides = array<i32>} : memref<2048xi32, #tpu.memory_space<vmem>>, vector<16xi32>,
    }
    %scan3A_16 = arith.constant 128 : i32
    %add3A_17 = arith.constant 0 : i32
    %add3A_18 = arith.addi %add3A_17, %add3A : i32
    %lt3A = arith.constant 7812 : i32
    %lt3A_19 = arith.cmpi slt, %add3A_18, %lt3A : i32
    %convert_element_type3A = arith.extui %lt3A_19 : i1 to i32
    %cond3A = arith.constant 0 : i32
    %cond3A_20 = arith.cmpi ne, %convert_element_type3A, %cond3A : i32
    scf.if %cond3A_20 {
      %add3A_102 = arith.constant 0 : i32
      %add3A_103 = arith.addi %add3A_102, %add3A : i32
      %mul3A_104 = arith.constant 128 : i32
      %mul3A_105 = arith.muli %add3A_103, %mul3A_104 : i32
      %dma_start3A = arith.constant 0 : i32
      %dma_start3A_106 = tpu.memref_slice %arg2[%dma_start3A, %mul3A_105] : memref<64x1000000xf32, #tpu.memory_space<hbm>> -> memref<64x128xf32, #tpu.memory_space<hbm>>
      %dma_start3A_107 = arith.constant 0 : i32
      %dma_start3A_108 = tpu.memref_slice %arg2[%dma_start3A_107, %mul3A_105] : memref<64x1000000xf32, #tpu.memory_space<hbm>> -> memref<64x128xf32, #tpu.memory_space<hbm>>
      tpu.enqueue_dma source(%dma_start3A_108 : memref<64x128xf32, #tpu.memory_space<hbm>>) target(%arg5 : memref<64x128xf32, #tpu.memory_space<vmem>>) target_semaphore(%arg11 : memref<!tpu.dma_semaphore, #tpu.memory_space<semaphore_mem>>)
    } else {
    }
    %add3A_21 = arith.constant 32 : i32
    %add3A_22 = arith.addi %add3A_21, %add3A : i32
    %lt3A_23 = arith.constant 7812 : i32
    %lt3A_24 = arith.cmpi slt, %add3A_22, %lt3A_23 : i32
    %convert_element_type3A_25 = arith.extui %lt3A_24 : i1 to i32
    %cond3A_26 = arith.constant 0 : i32
    %cond3A_27 = arith.cmpi ne, %convert_element_type3A_25, %cond3A_26 : i32
    scf.if %cond3A_27 {
      %add3A_102 = arith.constant 32 : i32
      %add3A_103 = arith.addi %add3A_102, %add3A : i32
      %mul3A_104 = arith.constant 128 : i32
      %mul3A_105 = arith.muli %add3A_103, %mul3A_104 : i32
      %dma_start3A = arith.constant 0 : i32
      %dma_start3A_106 = tpu.memref_slice %arg2[%dma_start3A, %mul3A_105] : memref<64x1000000xf32, #tpu.memory_space<hbm>> -> memref<64x128xf32, #tpu.memory_space<hbm>>
      %dma_start3A_107 = arith.constant 0 : i32
      %dma_start3A_108 = tpu.memref_slice %arg2[%dma_start3A_107, %mul3A_105] : memref<64x1000000xf32, #tpu.memory_space<hbm>> -> memref<64x128xf32, #tpu.memory_space<hbm>>
      tpu.enqueue_dma source(%dma_start3A_108 : memref<64x128xf32, #tpu.memory_space<hbm>>) target(%arg6 : memref<64x128xf32, #tpu.memory_space<vmem>>) target_semaphore(%arg12 : memref<!tpu.dma_semaphore, #tpu.memory_space<semaphore_mem>>)
    } else {
    }
    %scan3A_28 = arith.constant 0 : i32
    %scan3A_29 = arith.constant 123 : i32
    %scan3A_30 = arith.addi %scan3A_28, %scan3A_29 : i32
    %scan3A_31 = arith.constant 1 : i32
    scf.for %scan3A_102 = %scan3A_28 to %scan3A_30 step %scan3A_31  : i32 {
      %mul3A_103 = arith.constant 2 : i32
      %mul3A_104 = arith.muli %mul3A_103, %scan3A_102 : i32
      %add3A_105 = arith.constant 0 : i32
      %add3A_106 = arith.addi %mul3A_104, %add3A_105 : i32
      %mul3A_107 = arith.constant 32 : i32
      %mul3A_108 = arith.muli %add3A_106, %mul3A_107 : i32
      %add3A_109 = arith.addi %mul3A_108, %add3A : i32
      %lt3A_110 = arith.constant 7812 : i32
      %lt3A_111 = arith.cmpi slt, %add3A_109, %lt3A_110 : i32
      %convert_element_type3A_112 = arith.extui %lt3A_111 : i1 to i32
      %cond3A_113 = arith.constant 0 : i32
      %cond3A_114 = arith.cmpi ne, %convert_element_type3A_112, %cond3A_113 : i32
      scf.if %cond3A_114 {
        %mul3A_127 = arith.constant 128 : i32
        %mul3A_128 = arith.muli %add3A_109, %mul3A_127 : i32
        %dma_wait3A = arith.constant 0 : i32
        %dma_wait3A_129 = tpu.memref_slice %arg2[%dma_wait3A, %mul3A_128] : memref<64x1000000xf32, #tpu.memory_space<hbm>> -> memref<64x128xf32, #tpu.memory_space<hbm>>
        %dma_wait3A_130 = arith.constant 0 : i32
        %dma_wait3A_131 = tpu.memref_slice %arg2[%dma_wait3A_130, %mul3A_128] : memref<64x1000000xf32, #tpu.memory_space<hbm>> -> memref<64x128xf32, #tpu.memory_space<hbm>>
        tpu.wait_dma2 semaphore(%arg11 : memref<!tpu.dma_semaphore, #tpu.memory_space<semaphore_mem>>) src(%dma_wait3A_131 : memref<64x128xf32, #tpu.memory_space<hbm>>) dst(%arg5 : memref<64x128xf32, #tpu.memory_space<vmem>>)
        %parallel_loop3A = arith.constant 0 : i32
        %parallel_loop3A_132 = arith.constant 128 : i32
        %parallel_loop3A_133 = arith.constant 1 : i32
        scf.for %parallel_loop3A_158 = %parallel_loop3A to %parallel_loop3A_132 step %parallel_loop3A_133  : i32 {
          %parallel_loop3A_159 = arith.constant 16 : i32
          %parallel_loop3A_160 = arith.muli %parallel_loop3A_158, %parallel_loop3A_159 : i32
          %parallel_loop3A_161 = arith.index_cast %parallel_loop3A_160 : i32 to index
          %parallel_loop3A_162 = tpu.vector_load %arg10[%parallel_loop3A_161] {strides = array<i32>} : memref<2048xi32, #tpu.memory_space<vmem>>, vector<16xi32>,
          %parallel_loop3A_163 = tpu.vector_load_idx %arg5[%add3A_3, %parallel_loop3A_162] : memref<64x128xf32, #tpu.memory_space<vmem>>[vector<16xi32>, vector<16xi32>], vector<16xf32>,
          %parallel_loop3A_164 = arith.index_cast %parallel_loop3A_158 : i32 to index
          %parallel_loop3A_165 = arith.constant 0 : index
          %parallel_loop3A_166 = tpu.vector_load %arg7[%parallel_loop3A_164, %parallel_loop3A_165] {strides = array<i32>} : memref<128x128xf32, #tpu.memory_space<vmem>>, vector<16xf32>,
          tpu.vector_store %arg7[%parallel_loop3A_164, %parallel_loop3A_165], %parallel_loop3A_163 {strides = array<i32>} : memref<128x128xf32, #tpu.memory_space<vmem>>, vector<16xf32>,
          %parallel_loop3A_167 = tpu.vector_load_idx %arg5[%add3A_6, %parallel_loop3A_162] : memref<64x128xf32, #tpu.memory_space<vmem>>[vector<16xi32>, vector<16xi32>], vector<16xf32>,
          %parallel_loop3A_168 = arith.index_cast %parallel_loop3A_158 : i32 to index
          %parallel_loop3A_169 = arith.constant 16 : index
          %parallel_loop3A_170 = tpu.vector_load %arg7[%parallel_loop3A_168, %parallel_loop3A_169] {strides = array<i32>} : memref<128x128xf32, #tpu.memory_space<vmem>>, vector<16xf32>,
          tpu.vector_store %arg7[%parallel_loop3A_168, %parallel_loop3A_169], %parallel_loop3A_167 {strides = array<i32>} : memref<128x128xf32, #tpu.memory_space<vmem>>, vector<16xf32>,
          %parallel_loop3A_171 = tpu.vector_load_idx %arg5[%add3A_9, %parallel_loop3A_162] : memref<64x128xf32, #tpu.memory_space<vmem>>[vector<16xi32>, vector<16xi32>], vector<16xf32>,
          %parallel_loop3A_172 = arith.index_cast %parallel_loop3A_158 : i32 to index
          %parallel_loop3A_173 = arith.constant 32 : index
          %parallel_loop3A_174 = tpu.vector_load %arg7[%parallel_loop3A_172, %parallel_loop3A_173] {strides = array<i32>} : memref<128x128xf32, #tpu.memory_space<vmem>>, vector<16xf32>,
          tpu.vector_store %arg7[%parallel_loop3A_172, %parallel_loop3A_173], %parallel_loop3A_171 {strides = array<i32>} : memref<128x128xf32, #tpu.memory_space<vmem>>, vector<16xf32>,
          %parallel_loop3A_175 = tpu.vector_load_idx %arg5[%add3A_12, %parallel_loop3A_162] : memref<64x128xf32, #tpu.memory_space<vmem>>[vector<16xi32>, vector<16xi32>], vector<16xf32>,
          %parallel_loop3A_176 = arith.index_cast %parallel_loop3A_158 : i32 to index
          %parallel_loop3A_177 = arith.constant 48 : index
          %parallel_loop3A_178 = tpu.vector_load %arg7[%parallel_loop3A_176, %parallel_loop3A_177] {strides = array<i32>} : memref<128x128xf32, #tpu.memory_space<vmem>>, vector<16xf32>,
          tpu.vector_store %arg7[%parallel_loop3A_176, %parallel_loop3A_177], %parallel_loop3A_175 {strides = array<i32>} : memref<128x128xf32, #tpu.memory_space<vmem>>, vector<16xf32>,
        } {sc.loop_unroll_factor = 8 : i64, sc.parallel_access}
        %gt3A_134 = arith.constant 0 : i32
        %gt3A_135 = arith.cmpi sgt, %scan3A_102, %gt3A_134 : i32
        %convert_element_type3A_136 = arith.extui %gt3A_135 : i1 to i32
        %cond3A_137 = arith.constant 0 : i32
        %cond3A_138 = arith.cmpi ne, %convert_element_type3A_136, %cond3A_137 : i32
        scf.if %cond3A_138 {
          %sub3A_158 = arith.constant 1 : i32
          %sub3A_159 = arith.subi %scan3A_102, %sub3A_158 : i32
          %mul3A_160 = arith.constant 2 : i32
          %mul3A_161 = arith.muli %mul3A_160, %sub3A_159 : i32
          %add3A_162 = arith.constant 0 : i32
          %add3A_163 = arith.addi %mul3A_161, %add3A_162 : i32
          %mul3A_164 = arith.constant 32 : i32
          %mul3A_165 = arith.muli %add3A_163, %mul3A_164 : i32
          %add3A_166 = arith.addi %mul3A_165, %add3A : i32
          %mul3A_167 = arith.constant 128 : i32
          %mul3A_168 = arith.muli %add3A_166, %mul3A_167 : i32
          %dma_wait3A_169 = arith.constant 0 : i32
          %dma_wait3A_170 = tpu.memref_slice %arg4[%mul3A_168, %dma_wait3A_169] : memref<1000000x128xf32, #tpu.memory_space<hbm>> -> memref<128x128xf32, #tpu.memory_space<hbm>>
          %dma_wait3A_171 = arith.constant 0 : i32
          %dma_wait3A_172 = tpu.memref_slice %arg4[%mul3A_168, %dma_wait3A_171] : memref<1000000x128xf32, #tpu.memory_space<hbm>> -> memref<128x128xf32, #tpu.memory_space<hbm>>
          tpu.wait_dma2 semaphore(%arg13 : memref<!tpu.dma_semaphore, #tpu.memory_space<semaphore_mem>>) src(%arg7 : memref<128x128xf32, #tpu.memory_space<vmem>>) dst(%dma_wait3A_172 : memref<128x128xf32, #tpu.memory_space<hbm>>)
        } else {
        }
        %mul3A_139 = arith.constant 128 : i32
        %mul3A_140 = arith.muli %add3A_109, %mul3A_139 : i32
        %dma_start3A = arith.constant 0 : i32
        %dma_start3A_141 = tpu.memref_slice %arg4[%mul3A_140, %dma_start3A] : memref<1000000x128xf32, #tpu.memory_space<hbm>> -> memref<128x128xf32, #tpu.memory_space<hbm>>
        %dma_start3A_142 = arith.constant 0 : i32
        %dma_start3A_143 = tpu.memref_slice %arg4[%mul3A_140, %dma_start3A_142] : memref<1000000x128xf32, #tpu.memory_space<hbm>> -> memref<128x128xf32, #tpu.memory_space<hbm>>
        tpu.enqueue_dma source(%arg7 : memref<128x128xf32, #tpu.memory_space<vmem>>) target(%dma_start3A_143 : memref<128x128xf32, #tpu.memory_space<hbm>>) target_semaphore(%arg13 : memref<!tpu.dma_semaphore, #tpu.memory_space<semaphore_mem>>)
        %add3A_144 = arith.constant 1 : i32
        %add3A_145 = arith.addi %scan3A_102, %add3A_144 : i32
        %mul3A_146 = arith.constant 2 : i32
        %mul3A_147 = arith.muli %mul3A_146, %add3A_145 : i32
        %add3A_148 = arith.constant 0 : i32
        %add3A_149 = arith.addi %mul3A_147, %add3A_148 : i32
        %mul3A_150 = arith.constant 32 : i32
        %mul3A_151 = arith.muli %add3A_149, %mul3A_150 : i32
        %add3A_152 = arith.addi %mul3A_151, %add3A : i32
        %lt3A_153 = arith.constant 7812 : i32
        %lt3A_154 = arith.cmpi slt, %add3A_152, %lt3A_153 : i32
        %convert_element_type3A_155 = arith.extui %lt3A_154 : i1 to i32
        %cond3A_156 = arith.constant 0 : i32
        %cond3A_157 = arith.cmpi ne, %convert_element_type3A_155, %cond3A_156 : i32
        scf.if %cond3A_157 {
          %mul3A_158 = arith.constant 128 : i32
          %mul3A_159 = arith.muli %add3A_152, %mul3A_158 : i32
          %dma_start3A_160 = arith.constant 0 : i32
          %dma_start3A_161 = tpu.memref_slice %arg2[%dma_start3A_160, %mul3A_159] : memref<64x1000000xf32, #tpu.memory_space<hbm>> -> memref<64x128xf32, #tpu.memory_space<hbm>>
          %dma_start3A_162 = arith.constant 0 : i32
          %dma_start3A_163 = tpu.memref_slice %arg2[%dma_start3A_162, %mul3A_159] : memref<64x1000000xf32, #tpu.memory_space<hbm>> -> memref<64x128xf32, #tpu.memory_space<hbm>>
          tpu.enqueue_dma source(%dma_start3A_163 : memref<64x128xf32, #tpu.memory_space<hbm>>) target(%arg5 : memref<64x128xf32, #tpu.memory_space<vmem>>) target_semaphore(%arg11 : memref<!tpu.dma_semaphore, #tpu.memory_space<semaphore_mem>>)
        } else {
        }
      } else {
      }
      %mul3A_115 = arith.constant 2 : i32
      %mul3A_116 = arith.muli %mul3A_115, %scan3A_102 : i32
      %add3A_117 = arith.constant 1 : i32
      %add3A_118 = arith.addi %mul3A_116, %add3A_117 : i32
      %mul3A_119 = arith.constant 32 : i32
      %mul3A_120 = arith.muli %add3A_118, %mul3A_119 : i32
      %add3A_121 = arith.addi %mul3A_120, %add3A : i32
      %lt3A_122 = arith.constant 7812 : i32
      %lt3A_123 = arith.cmpi slt, %add3A_121, %lt3A_122 : i32
      %convert_element_type3A_124 = arith.extui %lt3A_123 : i1 to i32
      %cond3A_125 = arith.constant 0 : i32
      %cond3A_126 = arith.cmpi ne, %convert_element_type3A_124, %cond3A_125 : i32
      scf.if %cond3A_126 {
        %mul3A_127 = arith.constant 128 : i32
        %mul3A_128 = arith.muli %add3A_121, %mul3A_127 : i32
        %dma_wait3A = arith.constant 0 : i32
        %dma_wait3A_129 = tpu.memref_slice %arg2[%dma_wait3A, %mul3A_128] : memref<64x1000000xf32, #tpu.memory_space<hbm>> -> memref<64x128xf32, #tpu.memory_space<hbm>>
        %dma_wait3A_130 = arith.constant 0 : i32
        %dma_wait3A_131 = tpu.memref_slice %arg2[%dma_wait3A_130, %mul3A_128] : memref<64x1000000xf32, #tpu.memory_space<hbm>> -> memref<64x128xf32, #tpu.memory_space<hbm>>
        tpu.wait_dma2 semaphore(%arg12 : memref<!tpu.dma_semaphore, #tpu.memory_space<semaphore_mem>>) src(%dma_wait3A_131 : memref<64x128xf32, #tpu.memory_space<hbm>>) dst(%arg6 : memref<64x128xf32, #tpu.memory_space<vmem>>)
        %parallel_loop3A = arith.constant 0 : i32
        %parallel_loop3A_132 = arith.constant 128 : i32
        %parallel_loop3A_133 = arith.constant 1 : i32
        scf.for %parallel_loop3A_158 = %parallel_loop3A to %parallel_loop3A_132 step %parallel_loop3A_133  : i32 {
          %parallel_loop3A_159 = arith.constant 16 : i32
          %parallel_loop3A_160 = arith.muli %parallel_loop3A_158, %parallel_loop3A_159 : i32
          %parallel_loop3A_161 = arith.index_cast %parallel_loop3A_160 : i32 to index
          %parallel_loop3A_162 = tpu.vector_load %arg10[%parallel_loop3A_161] {strides = array<i32>} : memref<2048xi32, #tpu.memory_space<vmem>>, vector<16xi32>,
          %parallel_loop3A_163 = tpu.vector_load_idx %arg6[%add3A_3, %parallel_loop3A_162] : memref<64x128xf32, #tpu.memory_space<vmem>>[vector<16xi32>, vector<16xi32>], vector<16xf32>,
          %parallel_loop3A_164 = arith.index_cast %parallel_loop3A_158 : i32 to index
          %parallel_loop3A_165 = arith.constant 0 : index
          %parallel_loop3A_166 = tpu.vector_load %arg8[%parallel_loop3A_164, %parallel_loop3A_165] {strides = array<i32>} : memref<128x128xf32, #tpu.memory_space<vmem>>, vector<16xf32>,
          tpu.vector_store %arg8[%parallel_loop3A_164, %parallel_loop3A_165], %parallel_loop3A_163 {strides = array<i32>} : memref<128x128xf32, #tpu.memory_space<vmem>>, vector<16xf32>,
          %parallel_loop3A_167 = tpu.vector_load_idx %arg6[%add3A_6, %parallel_loop3A_162] : memref<64x128xf32, #tpu.memory_space<vmem>>[vector<16xi32>, vector<16xi32>], vector<16xf32>,
          %parallel_loop3A_168 = arith.index_cast %parallel_loop3A_158 : i32 to index
          %parallel_loop3A_169 = arith.constant 16 : index
          %parallel_loop3A_170 = tpu.vector_load %arg8[%parallel_loop3A_168, %parallel_loop3A_169] {strides = array<i32>} : memref<128x128xf32, #tpu.memory_space<vmem>>, vector<16xf32>,
          tpu.vector_store %arg8[%parallel_loop3A_168, %parallel_loop3A_169], %parallel_loop3A_167 {strides = array<i32>} : memref<128x128xf32, #tpu.memory_space<vmem>>, vector<16xf32>,
          %parallel_loop3A_171 = tpu.vector_load_idx %arg6[%add3A_9, %parallel_loop3A_162] : memref<64x128xf32, #tpu.memory_space<vmem>>[vector<16xi32>, vector<16xi32>], vector<16xf32>,
          %parallel_loop3A_172 = arith.index_cast %parallel_loop3A_158 : i32 to index
          %parallel_loop3A_173 = arith.constant 32 : index
          %parallel_loop3A_174 = tpu.vector_load %arg8[%parallel_loop3A_172, %parallel_loop3A_173] {strides = array<i32>} : memref<128x128xf32, #tpu.memory_space<vmem>>, vector<16xf32>,
          tpu.vector_store %arg8[%parallel_loop3A_172, %parallel_loop3A_173], %parallel_loop3A_171 {strides = array<i32>} : memref<128x128xf32, #tpu.memory_space<vmem>>, vector<16xf32>,
          %parallel_loop3A_175 = tpu.vector_load_idx %arg6[%add3A_12, %parallel_loop3A_162] : memref<64x128xf32, #tpu.memory_space<vmem>>[vector<16xi32>, vector<16xi32>], vector<16xf32>,
          %parallel_loop3A_176 = arith.index_cast %parallel_loop3A_158 : i32 to index
          %parallel_loop3A_177 = arith.constant 48 : index
          %parallel_loop3A_178 = tpu.vector_load %arg8[%parallel_loop3A_176, %parallel_loop3A_177] {strides = array<i32>} : memref<128x128xf32, #tpu.memory_space<vmem>>, vector<16xf32>,
          tpu.vector_store %arg8[%parallel_loop3A_176, %parallel_loop3A_177], %parallel_loop3A_175 {strides = array<i32>} : memref<128x128xf32, #tpu.memory_space<vmem>>, vector<16xf32>,
        } {sc.loop_unroll_factor = 8 : i64, sc.parallel_access}
        %gt3A_134 = arith.constant 0 : i32
        %gt3A_135 = arith.cmpi sgt, %scan3A_102, %gt3A_134 : i32
        %convert_element_type3A_136 = arith.extui %gt3A_135 : i1 to i32
        %cond3A_137 = arith.constant 0 : i32
        %cond3A_138 = arith.cmpi ne, %convert_element_type3A_136, %cond3A_137 : i32
        scf.if %cond3A_138 {
          %sub3A_158 = arith.constant 1 : i32
          %sub3A_159 = arith.subi %scan3A_102, %sub3A_158 : i32
          %mul3A_160 = arith.constant 2 : i32
          %mul3A_161 = arith.muli %mul3A_160, %sub3A_159 : i32
          %add3A_162 = arith.constant 1 : i32
          %add3A_163 = arith.addi %mul3A_161, %add3A_162 : i32
          %mul3A_164 = arith.constant 32 : i32
          %mul3A_165 = arith.muli %add3A_163, %mul3A_164 : i32
          %add3A_166 = arith.addi %mul3A_165, %add3A : i32
          %mul3A_167 = arith.constant 128 : i32
          %mul3A_168 = arith.muli %add3A_166, %mul3A_167 : i32
          %dma_wait3A_169 = arith.constant 0 : i32
          %dma_wait3A_170 = tpu.memref_slice %arg4[%mul3A_168, %dma_wait3A_169] : memref<1000000x128xf32, #tpu.memory_space<hbm>> -> memref<128x128xf32, #tpu.memory_space<hbm>>
          %dma_wait3A_171 = arith.constant 0 : i32
          %dma_wait3A_172 = tpu.memref_slice %arg4[%mul3A_168, %dma_wait3A_171] : memref<1000000x128xf32, #tpu.memory_space<hbm>> -> memref<128x128xf32, #tpu.memory_space<hbm>>
          tpu.wait_dma2 semaphore(%arg14 : memref<!tpu.dma_semaphore, #tpu.memory_space<semaphore_mem>>) src(%arg8 : memref<128x128xf32, #tpu.memory_space<vmem>>) dst(%dma_wait3A_172 : memref<128x128xf32, #tpu.memory_space<hbm>>)
        } else {
        }
        %mul3A_139 = arith.constant 128 : i32
        %mul3A_140 = arith.muli %add3A_121, %mul3A_139 : i32
        %dma_start3A = arith.constant 0 : i32
        %dma_start3A_141 = tpu.memref_slice %arg4[%mul3A_140, %dma_start3A] : memref<1000000x128xf32, #tpu.memory_space<hbm>> -> memref<128x128xf32, #tpu.memory_space<hbm>>
        %dma_start3A_142 = arith.constant 0 : i32
        %dma_start3A_143 = tpu.memref_slice %arg4[%mul3A_140, %dma_start3A_142] : memref<1000000x128xf32, #tpu.memory_space<hbm>> -> memref<128x128xf32, #tpu.memory_space<hbm>>
        tpu.enqueue_dma source(%arg8 : memref<128x128xf32, #tpu.memory_space<vmem>>) target(%dma_start3A_143 : memref<128x128xf32, #tpu.memory_space<hbm>>) target_semaphore(%arg14 : memref<!tpu.dma_semaphore, #tpu.memory_space<semaphore_mem>>)
        %add3A_144 = arith.constant 1 : i32
        %add3A_145 = arith.addi %scan3A_102, %add3A_144 : i32
        %mul3A_146 = arith.constant 2 : i32
        %mul3A_147 = arith.muli %mul3A_146, %add3A_145 : i32
        %add3A_148 = arith.constant 1 : i32
        %add3A_149 = arith.addi %mul3A_147, %add3A_148 : i32
        %mul3A_150 = arith.constant 32 : i32
        %mul3A_151 = arith.muli %add3A_149, %mul3A_150 : i32
        %add3A_152 = arith.addi %mul3A_151, %add3A : i32
        %lt3A_153 = arith.constant 7812 : i32
        %lt3A_154 = arith.cmpi slt, %add3A_152, %lt3A_153 : i32
        %convert_element_type3A_155 = arith.extui %lt3A_154 : i1 to i32
        %cond3A_156 = arith.constant 0 : i32
        %cond3A_157 = arith.cmpi ne, %convert_element_type3A_155, %cond3A_156 : i32
        scf.if %cond3A_157 {
          %mul3A_158 = arith.constant 128 : i32
          %mul3A_159 = arith.muli %add3A_152, %mul3A_158 : i32
          %dma_start3A_160 = arith.constant 0 : i32
          %dma_start3A_161 = tpu.memref_slice %arg2[%dma_start3A_160, %mul3A_159] : memref<64x1000000xf32, #tpu.memory_space<hbm>> -> memref<64x128xf32, #tpu.memory_space<hbm>>
          %dma_start3A_162 = arith.constant 0 : i32
          %dma_start3A_163 = tpu.memref_slice %arg2[%dma_start3A_162, %mul3A_159] : memref<64x1000000xf32, #tpu.memory_space<hbm>> -> memref<64x128xf32, #tpu.memory_space<hbm>>
          tpu.enqueue_dma source(%dma_start3A_163 : memref<64x128xf32, #tpu.memory_space<hbm>>) target(%arg6 : memref<64x128xf32, #tpu.memory_space<vmem>>) target_semaphore(%arg12 : memref<!tpu.dma_semaphore, #tpu.memory_space<semaphore_mem>>)
        } else {
        }
      } else {
      }
    }
    %scan3A_32 = arith.constant 123 : i32
    %sub3A = arith.constant 7812 : i32
    %sub3A_33 = arith.subi %sub3A, %add3A : i32
    %sub3A_34 = arith.constant 0 : i32
    %sub3A_35 = arith.subi %sub3A_33, %sub3A_34 : i32
    %add3A_36 = arith.constant 64 : i32
    %add3A_37 = arith.addi %sub3A_35, %add3A_36 : i32
    %sub3A_38 = arith.constant 1 : i32
    %sub3A_39 = arith.subi %add3A_37, %sub3A_38 : i32
    %jit3A = arith.constant 64 : i32
    %div3A = arith.divsi %sub3A_39, %jit3A : i32
    %sign3A = arith.constant 0 : i32
    %sign3A_40 = arith.cmpi sgt, %sub3A_39, %sign3A : i32
    %sign3A_41 = arith.extui %sign3A_40 : i1 to i32
    %sign3A_42 = arith.constant 0 : i32
    %sign3A_43 = arith.cmpi slt, %sub3A_39, %sign3A_42 : i32
    %sign3A_44 = arith.extui %sign3A_43 : i1 to i32
    %sign3A_45 = arith.subi %sign3A_41, %sign3A_44 : i32
    %sign3A_46 = arith.constant 0 : i32
    %sign3A_47 = arith.cmpi sgt, %jit3A, %sign3A_46 : i32
    %sign3A_48 = arith.extui %sign3A_47 : i1 to i32
    %sign3A_49 = arith.constant 0 : i32
    %sign3A_50 = arith.cmpi slt, %jit3A, %sign3A_49 : i32
    %sign3A_51 = arith.extui %sign3A_50 : i1 to i32
    %sign3A_52 = arith.subi %sign3A_48, %sign3A_51 : i32
    %ne3A = arith.cmpi ne, %sign3A_45, %sign3A_52 : i32
    %rem3A = arith.remsi %sub3A_39, %jit3A : i32
    %ne3A_53 = arith.constant 0 : i32
    %ne3A_54 = arith.cmpi ne, %rem3A, %ne3A_53 : i32
    %and3A = arith.andi %ne3A, %ne3A_54 : i1
    %sub3A_55 = arith.constant 1 : i32
    %sub3A_56 = arith.subi %div3A, %sub3A_55 : i32
    %select_n3A = arith.select %and3A, %sub3A_56, %div3A : i32
    %gt3A = arith.constant 0 : i32
    %gt3A_57 = arith.cmpi sgt, %select_n3A, %gt3A : i32
    %convert_element_type3A_58 = arith.extui %gt3A_57 : i1 to i32
    %cond3A_59 = arith.constant 0 : i32
    %cond3A_60 = arith.cmpi ne, %convert_element_type3A_58, %cond3A_59 : i32
    scf.if %cond3A_60 {
      %sub3A_102 = arith.constant 1 : i32
      %sub3A_103 = arith.subi %select_n3A, %sub3A_102 : i32
      %mul3A_104 = arith.constant 2 : i32
      %mul3A_105 = arith.muli %mul3A_104, %sub3A_103 : i32
      %add3A_106 = arith.constant 0 : i32
      %add3A_107 = arith.addi %mul3A_105, %add3A_106 : i32
      %mul3A_108 = arith.constant 32 : i32
      %mul3A_109 = arith.muli %add3A_107, %mul3A_108 : i32
      %add3A_110 = arith.addi %mul3A_109, %add3A : i32
      %mul3A_111 = arith.constant 128 : i32
      %mul3A_112 = arith.muli %add3A_110, %mul3A_111 : i32
      %dma_wait3A = arith.constant 0 : i32
      %dma_wait3A_113 = tpu.memref_slice %arg4[%mul3A_112, %dma_wait3A] : memref<1000000x128xf32, #tpu.memory_space<hbm>> -> memref<128x128xf32, #tpu.memory_space<hbm>>
      %dma_wait3A_114 = arith.constant 0 : i32
      %dma_wait3A_115 = tpu.memref_slice %arg4[%mul3A_112, %dma_wait3A_114] : memref<1000000x128xf32, #tpu.memory_space<hbm>> -> memref<128x128xf32, #tpu.memory_space<hbm>>
      tpu.wait_dma2 semaphore(%arg13 : memref<!tpu.dma_semaphore, #tpu.memory_space<semaphore_mem>>) src(%arg7 : memref<128x128xf32, #tpu.memory_space<vmem>>) dst(%dma_wait3A_115 : memref<128x128xf32, #tpu.memory_space<hbm>>)
    } else {
    }
    %sub3A_61 = arith.constant 7812 : i32
    %sub3A_62 = arith.subi %sub3A_61, %add3A : i32
    %sub3A_63 = arith.constant 32 : i32
    %sub3A_64 = arith.subi %sub3A_62, %sub3A_63 : i32
    %add3A_65 = arith.constant 64 : i32
    %add3A_66 = arith.addi %sub3A_64, %add3A_65 : i32
    %sub3A_67 = arith.constant 1 : i32
    %sub3A_68 = arith.subi %add3A_66, %sub3A_67 : i32
    %jit3A_69 = arith.constant 64 : i32
    %div3A_70 = arith.divsi %sub3A_68, %jit3A_69 : i32
    %sign3A_71 = arith.constant 0 : i32
    %sign3A_72 = arith.cmpi sgt, %sub3A_68, %sign3A_71 : i32
    %sign3A_73 = arith.extui %sign3A_72 : i1 to i32
    %sign3A_74 = arith.constant 0 : i32
    %sign3A_75 = arith.cmpi slt, %sub3A_68, %sign3A_74 : i32
    %sign3A_76 = arith.extui %sign3A_75 : i1 to i32
    %sign3A_77 = arith.subi %sign3A_73, %sign3A_76 : i32
    %sign3A_78 = arith.constant 0 : i32
    %sign3A_79 = arith.cmpi sgt, %jit3A_69, %sign3A_78 : i32
    %sign3A_80 = arith.extui %sign3A_79 : i1 to i32
    %sign3A_81 = arith.constant 0 : i32
    %sign3A_82 = arith.cmpi slt, %jit3A_69, %sign3A_81 : i32
    %sign3A_83 = arith.extui %sign3A_82 : i1 to i32
    %sign3A_84 = arith.subi %sign3A_80, %sign3A_83 : i32
    %ne3A_85 = arith.cmpi ne, %sign3A_77, %sign3A_84 : i32
    %rem3A_86 = arith.remsi %sub3A_68, %jit3A_69 : i32
    %ne3A_87 = arith.constant 0 : i32
    %ne3A_88 = arith.cmpi ne, %rem3A_86, %ne3A_87 : i32
    %and3A_89 = arith.andi %ne3A_85, %ne3A_88 : i1
    %sub3A_90 = arith.constant 1 : i32
    %sub3A_91 = arith.subi %div3A_70, %sub3A_90 : i32
    %select_n3A_92 = arith.select %and3A_89, %sub3A_91, %div3A_70 : i32
    %gt3A_93 = arith.constant 0 : i32
    %gt3A_94 = arith.cmpi sgt, %select_n3A_92, %gt3A_93 : i32
    %convert_element_type3A_95 = arith.extui %gt3A_94 : i1 to i32
    %cond3A_96 = arith.constant 0 : i32
    %cond3A_97 = arith.cmpi ne, %convert_element_type3A_95, %cond3A_96 : i32
    scf.if %cond3A_97 {
      %sub3A_102 = arith.constant 1 : i32
      %sub3A_103 = arith.subi %select_n3A_92, %sub3A_102 : i32
      %mul3A_104 = arith.constant 2 : i32
      %mul3A_105 = arith.muli %mul3A_104, %sub3A_103 : i32
      %add3A_106 = arith.constant 1 : i32
      %add3A_107 = arith.addi %mul3A_105, %add3A_106 : i32
      %mul3A_108 = arith.constant 32 : i32
      %mul3A_109 = arith.muli %add3A_107, %mul3A_108 : i32
      %add3A_110 = arith.addi %mul3A_109, %add3A : i32
      %mul3A_111 = arith.constant 128 : i32
      %mul3A_112 = arith.muli %add3A_110, %mul3A_111 : i32
      %dma_wait3A = arith.constant 0 : i32
      %dma_wait3A_113 = tpu.memref_slice %arg4[%mul3A_112, %dma_wait3A] : memref<1000000x128xf32, #tpu.memory_space<hbm>> -> memref<128x128xf32, #tpu.memory_space<hbm>>
      %dma_wait3A_114 = arith.constant 0 : i32
      %dma_wait3A_115 = tpu.memref_slice %arg4[%mul3A_112, %dma_wait3A_114] : memref<1000000x128xf32, #tpu.memory_space<hbm>> -> memref<128x128xf32, #tpu.memory_space<hbm>>
      tpu.wait_dma2 semaphore(%arg14 : memref<!tpu.dma_semaphore, #tpu.memory_space<semaphore_mem>>) src(%arg8 : memref<128x128xf32, #tpu.memory_space<vmem>>) dst(%dma_wait3A_115 : memref<128x128xf32, #tpu.memory_space<hbm>>)
    } else {
    }
    %eq3A = arith.constant 0 : i32
    %eq3A_98 = arith.cmpi eq, %add3A, %eq3A : i32
    %convert_element_type3A_99 = arith.extui %eq3A_98 : i1 to i32
    %cond3A_100 = arith.constant 0 : i32
    %cond3A_101 = arith.cmpi ne, %convert_element_type3A_99, %cond3A_100 : i32
    scf.if %cond3A_101 {
      "tpu.region"() ({
        %run_scoped3A = tpu.sem_alloc : memref<!tpu.dma_semaphore, #tpu.memory_space<semaphore_mem>>
        tpu.enqueue_dma source(%arg3 : memref<32x128xf32, #tpu.memory_space<hbm>>) target(%arg9 : memref<32x128xf32, #tpu.memory_space<vmem>>) target_semaphore(%run_scoped3A : memref<!tpu.dma_semaphore, #tpu.memory_space<semaphore_mem>>)
        tpu.wait_dma2 semaphore(%run_scoped3A : memref<!tpu.dma_semaphore, #tpu.memory_space<semaphore_mem>>) src(%arg3 : memref<32x128xf32, #tpu.memory_space<hbm>>) dst(%arg9 : memref<32x128xf32, #tpu.memory_space<vmem>>)
        tpu.yield
      }) : () -> ()
      %get3A = arith.constant 0 : i32
      %get3A_102 = arith.index_cast %get3A : i32 to index
      %get3A_103 = arith.constant 0 : index
      %get3A_104 = tpu.vector_load %arg9[%get3A_102, %get3A_103] {strides = array<i32>} : memref<32x128xf32, #tpu.memory_space<vmem>>, vector<16xf32>,
      %swap3A = arith.constant 0 : i32
      %swap3A_105 = arith.index_cast %swap3A : i32 to index
      %swap3A_106 = arith.constant 0 : index
      %swap3A_107 = tpu.vector_load %arg7[%swap3A_105, %swap3A_106] {strides = array<i32>} : memref<128x128xf32, #tpu.memory_space<vmem>>, vector<16xf32>,
      tpu.vector_store %arg7[%swap3A_105, %swap3A_106], %get3A_104 {strides = array<i32>} : memref<128x128xf32, #tpu.memory_space<vmem>>, vector<16xf32>,
      %get3A_108 = arith.constant 0 : i32
      %get3A_109 = arith.index_cast %get3A_108 : i32 to index
      %get3A_110 = arith.constant 16 : index
      %get3A_111 = tpu.vector_load %arg9[%get3A_109, %get3A_110] {strides = array<i32>} : memref<32x128xf32, #tpu.memory_space<vmem>>, vector<16xf32>,
      %swap3A_112 = arith.constant 0 : i32
      %swap3A_113 = arith.index_cast %swap3A_112 : i32 to index
      %swap3A_114 = arith.constant 16 : index
      %swap3A_115 = tpu.vector_load %arg7[%swap3A_113, %swap3A_114] {strides = array<i32>} : memref<128x128xf32, #tpu.memory_space<vmem>>, vector<16xf32>,
      tpu.vector_store %arg7[%swap3A_113, %swap3A_114], %get3A_111 {strides = array<i32>} : memref<128x128xf32, #tpu.memory_space<vmem>>, vector<16xf32>,
      %get3A_116 = arith.constant 0 : i32
      %get3A_117 = arith.index_cast %get3A_116 : i32 to index
      %get3A_118 = arith.constant 32 : index
      %get3A_119 = tpu.vector_load %arg9[%get3A_117, %get3A_118] {strides = array<i32>} : memref<32x128xf32, #tpu.memory_space<vmem>>, vector<16xf32>,
      %swap3A_120 = arith.constant 0 : i32
      %swap3A_121 = arith.index_cast %swap3A_120 : i32 to index
      %swap3A_122 = arith.constant 32 : index
      %swap3A_123 = tpu.vector_load %arg7[%swap3A_121, %swap3A_122] {strides = array<i32>} : memref<128x128xf32, #tpu.memory_space<vmem>>, vector<16xf32>,
      tpu.vector_store %arg7[%swap3A_121, %swap3A_122], %get3A_119 {strides = array<i32>} : memref<128x128xf32, #tpu.memory_space<vmem>>, vector<16xf32>,
      %get3A_124 = arith.constant 0 : i32
      %get3A_125 = arith.index_cast %get3A_124 : i32 to index
      %get3A_126 = arith.constant 48 : index
      %get3A_127 = tpu.vector_load %arg9[%get3A_125, %get3A_126] {strides = array<i32>} : memref<32x128xf32, #tpu.memory_space<vmem>>, vector<16xf32>,
      %swap3A_128 = arith.constant 0 : i32
      %swap3A_129 = arith.index_cast %swap3A_128 : i32 to index
      %swap3A_130 = arith.constant 48 : index
      %swap3A_131 = tpu.vector_load %arg7[%swap3A_129, %swap3A_130] {strides = array<i32>} : memref<128x128xf32, #tpu.memory_space<vmem>>, vector<16xf32>,
      tpu.vector_store %arg7[%swap3A_129, %swap3A_130], %get3A_127 {strides = array<i32>} : memref<128x128xf32, #tpu.memory_space<vmem>>, vector<16xf32>,
      %get3A_132 = arith.constant 0 : i32
      %get3A_133 = arith.index_cast %get3A_132 : i32 to index
      %get3A_134 = arith.constant 64 : index
      %get3A_135 = tpu.vector_load %arg9[%get3A_133, %get3A_134] {strides = array<i32>} : memref<32x128xf32, #tpu.memory_space<vmem>>, vector<16xf32>,
      %swap3A_136 = arith.constant 1 : i32
      %swap3A_137 = arith.index_cast %swap3A_136 : i32 to index
      %swap3A_138 = arith.constant 0 : index
      %swap3A_139 = tpu.vector_load %arg7[%swap3A_137, %swap3A_138] {strides = array<i32>} : memref<128x128xf32, #tpu.memory_space<vmem>>, vector<16xf32>,
      tpu.vector_store %arg7[%swap3A_137, %swap3A_138], %get3A_135 {strides = array<i32>} : memref<128x128xf32, #tpu.memory_space<vmem>>, vector<16xf32>,
      %get3A_140 = arith.constant 0 : i32
      %get3A_141 = arith.index_cast %get3A_140 : i32 to index
      %get3A_142 = arith.constant 80 : index
      %get3A_143 = tpu.vector_load %arg9[%get3A_141, %get3A_142] {strides = array<i32>} : memref<32x128xf32, #tpu.memory_space<vmem>>, vector<16xf32>,
      %swap3A_144 = arith.constant 1 : i32
      %swap3A_145 = arith.index_cast %swap3A_144 : i32 to index
      %swap3A_146 = arith.constant 16 : index
      %swap3A_147 = tpu.vector_load %arg7[%swap3A_145, %swap3A_146] {strides = array<i32>} : memref<128x128xf32, #tpu.memory_space<vmem>>, vector<16xf32>,
      tpu.vector_store %arg7[%swap3A_145, %swap3A_146], %get3A_143 {strides = array<i32>} : memref<128x128xf32, #tpu.memory_space<vmem>>, vector<16xf32>,
      %get3A_148 = arith.constant 0 : i32
      %get3A_149 = arith.index_cast %get3A_148 : i32 to index
      %get3A_150 = arith.constant 96 : index
      %get3A_151 = tpu.vector_load %arg9[%get3A_149, %get3A_150] {strides = array<i32>} : memref<32x128xf32, #tpu.memory_space<vmem>>, vector<16xf32>,
      %swap3A_152 = arith.constant 1 : i32
      %swap3A_153 = arith.index_cast %swap3A_152 : i32 to index
      %swap3A_154 = arith.constant 32 : index
      %swap3A_155 = tpu.vector_load %arg7[%swap3A_153, %swap3A_154] {strides = array<i32>} : memref<128x128xf32, #tpu.memory_space<vmem>>, vector<16xf32>,
      tpu.vector_store %arg7[%swap3A_153, %swap3A_154], %get3A_151 {strides = array<i32>} : memref<128x128xf32, #tpu.memory_space<vmem>>, vector<16xf32>,
      %get3A_156 = arith.constant 0 : i32
      %get3A_157 = arith.index_cast %get3A_156 : i32 to index
      %get3A_158 = arith.constant 112 : index
      %get3A_159 = tpu.vector_load %arg9[%get3A_157, %get3A_158] {strides = array<i32>} : memref<32x128xf32, #tpu.memory_space<vmem>>, vector<16xf32>,
      %swap3A_160 = arith.constant 1 : i32
      %swap3A_161 = arith.index_cast %swap3A_160 : i32 to index
      %swap3A_162 = arith.constant 48 : index
      %swap3A_163 = tpu.vector_load %arg7[%swap3A_161, %swap3A_162] {strides = array<i32>} : memref<128x128xf32, #tpu.memory_space<vmem>>, vector<16xf32>,
      tpu.vector_store %arg7[%swap3A_161, %swap3A_162], %get3A_159 {strides = array<i32>} : memref<128x128xf32, #tpu.memory_space<vmem>>, vector<16xf32>,
      %get3A_164 = arith.constant 1 : i32
      %get3A_165 = arith.index_cast %get3A_164 : i32 to index
      %get3A_166 = arith.constant 0 : index
      %get3A_167 = tpu.vector_load %arg9[%get3A_165, %get3A_166] {strides = array<i32>} : memref<32x128xf32, #tpu.memory_space<vmem>>, vector<16xf32>,
      %swap3A_168 = arith.constant 2 : i32
      %swap3A_169 = arith.index_cast %swap3A_168 : i32 to index
      %swap3A_170 = arith.constant 0 : index
      %swap3A_171 = tpu.vector_load %arg7[%swap3A_169, %swap3A_170] {strides = array<i32>} : memref<128x128xf32, #tpu.memory_space<vmem>>, vector<16xf32>,
      tpu.vector_store %arg7[%swap3A_169, %swap3A_170], %get3A_167 {strides = array<i32>} : memref<128x128xf32, #tpu.memory_space<vmem>>, vector<16xf32>,
      %get3A_172 = arith.constant 1 : i32
      %get3A_173 = arith.index_cast %get3A_172 : i32 to index
      %get3A_174 = arith.constant 16 : index
      %get3A_175 = tpu.vector_load %arg9[%get3A_173, %get3A_174] {strides = array<i32>} : memref<32x128xf32, #tpu.memory_space<vmem>>, vector<16xf32>,
      %swap3A_176 = arith.constant 2 : i32
      %swap3A_177 = arith.index_cast %swap3A_176 : i32 to index
      %swap3A_178 = arith.constant 16 : index
      %swap3A_179 = tpu.vector_load %arg7[%swap3A_177, %swap3A_178] {strides = array<i32>} : memref<128x128xf32, #tpu.memory_space<vmem>>, vector<16xf32>,
      tpu.vector_store %arg7[%swap3A_177, %swap3A_178], %get3A_175 {strides = array<i32>} : memref<128x128xf32, #tpu.memory_space<vmem>>, vector<16xf32>,
      %get3A_180 = arith.constant 1 : i32
      %get3A_181 = arith.index_cast %get3A_180 : i32 to index
      %get3A_182 = arith.constant 32 : index
      %get3A_183 = tpu.vector_load %arg9[%get3A_181, %get3A_182] {strides = array<i32>} : memref<32x128xf32, #tpu.memory_space<vmem>>, vector<16xf32>,
      %swap3A_184 = arith.constant 2 : i32
      %swap3A_185 = arith.index_cast %swap3A_184 : i32 to index
      %swap3A_186 = arith.constant 32 : index
      %swap3A_187 = tpu.vector_load %arg7[%swap3A_185, %swap3A_186] {strides = array<i32>} : memref<128x128xf32, #tpu.memory_space<vmem>>, vector<16xf32>,
      tpu.vector_store %arg7[%swap3A_185, %swap3A_186], %get3A_183 {strides = array<i32>} : memref<128x128xf32, #tpu.memory_space<vmem>>, vector<16xf32>,
      %get3A_188 = arith.constant 1 : i32
      %get3A_189 = arith.index_cast %get3A_188 : i32 to index
      %get3A_190 = arith.constant 48 : index
      %get3A_191 = tpu.vector_load %arg9[%get3A_189, %get3A_190] {strides = array<i32>} : memref<32x128xf32, #tpu.memory_space<vmem>>, vector<16xf32>,
      %swap3A_192 = arith.constant 2 : i32
      %swap3A_193 = arith.index_cast %swap3A_192 : i32 to index
      %swap3A_194 = arith.constant 48 : index
      %swap3A_195 = tpu.vector_load %arg7[%swap3A_193, %swap3A_194] {strides = array<i32>} : memref<128x128xf32, #tpu.memory_space<vmem>>, vector<16xf32>,
      tpu.vector_store %arg7[%swap3A_193, %swap3A_194], %get3A_191 {strides = array<i32>} : memref<128x128xf32, #tpu.memory_space<vmem>>, vector<16xf32>,
      %get3A_196 = arith.constant 1 : i32
      %get3A_197 = arith.index_cast %get3A_196 : i32 to index
      %get3A_198 = arith.constant 64 : index
      %get3A_199 = tpu.vector_load %arg9[%get3A_197, %get3A_198] {strides = array<i32>} : memref<32x128xf32, #tpu.memory_space<vmem>>, vector<16xf32>,
      %swap3A_200 = arith.constant 3 : i32
      %swap3A_201 = arith.index_cast %swap3A_200 : i32 to index
      %swap3A_202 = arith.constant 0 : index
      %swap3A_203 = tpu.vector_load %arg7[%swap3A_201, %swap3A_202] {strides = array<i32>} : memref<128x128xf32, #tpu.memory_space<vmem>>, vector<16xf32>,
      tpu.vector_store %arg7[%swap3A_201, %swap3A_202], %get3A_199 {strides = array<i32>} : memref<128x128xf32, #tpu.memory_space<vmem>>, vector<16xf32>,
      %get3A_204 = arith.constant 1 : i32
      %get3A_205 = arith.index_cast %get3A_204 : i32 to index
      %get3A_206 = arith.constant 80 : index
      %get3A_207 = tpu.vector_load %arg9[%get3A_205, %get3A_206] {strides = array<i32>} : memref<32x128xf32, #tpu.memory_space<vmem>>, vector<16xf32>,
      %swap3A_208 = arith.constant 3 : i32
      %swap3A_209 = arith.index_cast %swap3A_208 : i32 to index
      %swap3A_210 = arith.constant 16 : index
      %swap3A_211 = tpu.vector_load %arg7[%swap3A_209, %swap3A_210] {strides = array<i32>} : memref<128x128xf32, #tpu.memory_space<vmem>>, vector<16xf32>,
      tpu.vector_store %arg7[%swap3A_209, %swap3A_210], %get3A_207 {strides = array<i32>} : memref<128x128xf32, #tpu.memory_space<vmem>>, vector<16xf32>,
      %get3A_212 = arith.constant 1 : i32
      %get3A_213 = arith.index_cast %get3A_212 : i32 to index
      %get3A_214 = arith.constant 96 : index
      %get3A_215 = tpu.vector_load %arg9[%get3A_213, %get3A_214] {strides = array<i32>} : memref<32x128xf32, #tpu.memory_space<vmem>>, vector<16xf32>,
      %swap3A_216 = arith.constant 3 : i32
      %swap3A_217 = arith.index_cast %swap3A_216 : i32 to index
      %swap3A_218 = arith.constant 32 : index
      %swap3A_219 = tpu.vector_load %arg7[%swap3A_217, %swap3A_218] {strides = array<i32>} : memref<128x128xf32, #tpu.memory_space<vmem>>, vector<16xf32>,
      tpu.vector_store %arg7[%swap3A_217, %swap3A_218], %get3A_215 {strides = array<i32>} : memref<128x128xf32, #tpu.memory_space<vmem>>, vector<16xf32>,
      %get3A_220 = arith.constant 1 : i32
      %get3A_221 = arith.index_cast %get3A_220 : i32 to index
      %get3A_222 = arith.constant 112 : index
      %get3A_223 = tpu.vector_load %arg9[%get3A_221, %get3A_222] {strides = array<i32>} : memref<32x128xf32, #tpu.memory_space<vmem>>, vector<16xf32>,
      %swap3A_224 = arith.constant 3 : i32
      %swap3A_225 = arith.index_cast %swap3A_224 : i32 to index
      %swap3A_226 = arith.constant 48 : index
      %swap3A_227 = tpu.vector_load %arg7[%swap3A_225, %swap3A_226] {strides = array<i32>} : memref<128x128xf32, #tpu.memory_space<vmem>>, vector<16xf32>,
      tpu.vector_store %arg7[%swap3A_225, %swap3A_226], %get3A_223 {strides = array<i32>} : memref<128x128xf32, #tpu.memory_space<vmem>>, vector<16xf32>,
      %get3A_228 = arith.constant 2 : i32
      %get3A_229 = arith.index_cast %get3A_228 : i32 to index
      %get3A_230 = arith.constant 0 : index
      %get3A_231 = tpu.vector_load %arg9[%get3A_229, %get3A_230] {strides = array<i32>} : memref<32x128xf32, #tpu.memory_space<vmem>>, vector<16xf32>,
      %swap3A_232 = arith.constant 4 : i32
      %swap3A_233 = arith.index_cast %swap3A_232 : i32 to index
      %swap3A_234 = arith.constant 0 : index
      %swap3A_235 = tpu.vector_load %arg7[%swap3A_233, %swap3A_234] {strides = array<i32>} : memref<128x128xf32, #tpu.memory_space<vmem>>, vector<16xf32>,
      tpu.vector_store %arg7[%swap3A_233, %swap3A_234], %get3A_231 {strides = array<i32>} : memref<128x128xf32, #tpu.memory_space<vmem>>, vector<16xf32>,
      %get3A_236 = arith.constant 2 : i32
      %get3A_237 = arith.index_cast %get3A_236 : i32 to index
      %get3A_238 = arith.constant 16 : index
      %get3A_239 = tpu.vector_load %arg9[%get3A_237, %get3A_238] {strides = array<i32>} : memref<32x128xf32, #tpu.memory_space<vmem>>, vector<16xf32>,
      %swap3A_240 = arith.constant 4 : i32
      %swap3A_241 = arith.index_cast %swap3A_240 : i32 to index
      %swap3A_242 = arith.constant 16 : index
      %swap3A_243 = tpu.vector_load %arg7[%swap3A_241, %swap3A_242] {strides = array<i32>} : memref<128x128xf32, #tpu.memory_space<vmem>>, vector<16xf32>,
      tpu.vector_store %arg7[%swap3A_241, %swap3A_242], %get3A_239 {strides = array<i32>} : memref<128x128xf32, #tpu.memory_space<vmem>>, vector<16xf32>,
      %get3A_244 = arith.constant 2 : i32
      %get3A_245 = arith.index_cast %get3A_244 : i32 to index
      %get3A_246 = arith.constant 32 : index
      %get3A_247 = tpu.vector_load %arg9[%get3A_245, %get3A_246] {strides = array<i32>} : memref<32x128xf32, #tpu.memory_space<vmem>>, vector<16xf32>,
      %swap3A_248 = arith.constant 4 : i32
      %swap3A_249 = arith.index_cast %swap3A_248 : i32 to index
      %swap3A_250 = arith.constant 32 : index
      %swap3A_251 = tpu.vector_load %arg7[%swap3A_249, %swap3A_250] {strides = array<i32>} : memref<128x128xf32, #tpu.memory_space<vmem>>, vector<16xf32>,
      tpu.vector_store %arg7[%swap3A_249, %swap3A_250], %get3A_247 {strides = array<i32>} : memref<128x128xf32, #tpu.memory_space<vmem>>, vector<16xf32>,
      %get3A_252 = arith.constant 2 : i32
      %get3A_253 = arith.index_cast %get3A_252 : i32 to index
      %get3A_254 = arith.constant 48 : index
      %get3A_255 = tpu.vector_load %arg9[%get3A_253, %get3A_254] {strides = array<i32>} : memref<32x128xf32, #tpu.memory_space<vmem>>, vector<16xf32>,
      %swap3A_256 = arith.constant 4 : i32
      %swap3A_257 = arith.index_cast %swap3A_256 : i32 to index
      %swap3A_258 = arith.constant 48 : index
      %swap3A_259 = tpu.vector_load %arg7[%swap3A_257, %swap3A_258] {strides = array<i32>} : memref<128x128xf32, #tpu.memory_space<vmem>>, vector<16xf32>,
      tpu.vector_store %arg7[%swap3A_257, %swap3A_258], %get3A_255 {strides = array<i32>} : memref<128x128xf32, #tpu.memory_space<vmem>>, vector<16xf32>,
      %get3A_260 = arith.constant 2 : i32
      %get3A_261 = arith.index_cast %get3A_260 : i32 to index
      %get3A_262 = arith.constant 64 : index
      %get3A_263 = tpu.vector_load %arg9[%get3A_261, %get3A_262] {strides = array<i32>} : memref<32x128xf32, #tpu.memory_space<vmem>>, vector<16xf32>,
      %swap3A_264 = arith.constant 5 : i32
      %swap3A_265 = arith.index_cast %swap3A_264 : i32 to index
      %swap3A_266 = arith.constant 0 : index
      %swap3A_267 = tpu.vector_load %arg7[%swap3A_265, %swap3A_266] {strides = array<i32>} : memref<128x128xf32, #tpu.memory_space<vmem>>, vector<16xf32>,
      tpu.vector_store %arg7[%swap3A_265, %swap3A_266], %get3A_263 {strides = array<i32>} : memref<128x128xf32, #tpu.memory_space<vmem>>, vector<16xf32>,
      %get3A_268 = arith.constant 2 : i32
      %get3A_269 = arith.index_cast %get3A_268 : i32 to index
      %get3A_270 = arith.constant 80 : index
      %get3A_271 = tpu.vector_load %arg9[%get3A_269, %get3A_270] {strides = array<i32>} : memref<32x128xf32, #tpu.memory_space<vmem>>, vector<16xf32>,
      %swap3A_272 = arith.constant 5 : i32
      %swap3A_273 = arith.index_cast %swap3A_272 : i32 to index
      %swap3A_274 = arith.constant 16 : index
      %swap3A_275 = tpu.vector_load %arg7[%swap3A_273, %swap3A_274] {strides = array<i32>} : memref<128x128xf32, #tpu.memory_space<vmem>>, vector<16xf32>,
      tpu.vector_store %arg7[%swap3A_273, %swap3A_274], %get3A_271 {strides = array<i32>} : memref<128x128xf32, #tpu.memory_space<vmem>>, vector<16xf32>,
      %get3A_276 = arith.constant 2 : i32
      %get3A_277 = arith.index_cast %get3A_276 : i32 to index
      %get3A_278 = arith.constant 96 : index
      %get3A_279 = tpu.vector_load %arg9[%get3A_277, %get3A_278] {strides = array<i32>} : memref<32x128xf32, #tpu.memory_space<vmem>>, vector<16xf32>,
      %swap3A_280 = arith.constant 5 : i32
      %swap3A_281 = arith.index_cast %swap3A_280 : i32 to index
      %swap3A_282 = arith.constant 32 : index
      %swap3A_283 = tpu.vector_load %arg7[%swap3A_281, %swap3A_282] {strides = array<i32>} : memref<128x128xf32, #tpu.memory_space<vmem>>, vector<16xf32>,
      tpu.vector_store %arg7[%swap3A_281, %swap3A_282], %get3A_279 {strides = array<i32>} : memref<128x128xf32, #tpu.memory_space<vmem>>, vector<16xf32>,
      %get3A_284 = arith.constant 2 : i32
      %get3A_285 = arith.index_cast %get3A_284 : i32 to index
      %get3A_286 = arith.constant 112 : index
      %get3A_287 = tpu.vector_load %arg9[%get3A_285, %get3A_286] {strides = array<i32>} : memref<32x128xf32, #tpu.memory_space<vmem>>, vector<16xf32>,
      %swap3A_288 = arith.constant 5 : i32
      %swap3A_289 = arith.index_cast %swap3A_288 : i32 to index
      %swap3A_290 = arith.constant 48 : index
      %swap3A_291 = tpu.vector_load %arg7[%swap3A_289, %swap3A_290] {strides = array<i32>} : memref<128x128xf32, #tpu.memory_space<vmem>>, vector<16xf32>,
      tpu.vector_store %arg7[%swap3A_289, %swap3A_290], %get3A_287 {strides = array<i32>} : memref<128x128xf32, #tpu.memory_space<vmem>>, vector<16xf32>,
      %get3A_292 = arith.constant 3 : i32
      %get3A_293 = arith.index_cast %get3A_292 : i32 to index
      %get3A_294 = arith.constant 0 : index
      %get3A_295 = tpu.vector_load %arg9[%get3A_293, %get3A_294] {strides = array<i32>} : memref<32x128xf32, #tpu.memory_space<vmem>>, vector<16xf32>,
      %swap3A_296 = arith.constant 6 : i32
      %swap3A_297 = arith.index_cast %swap3A_296 : i32 to index
      %swap3A_298 = arith.constant 0 : index
      %swap3A_299 = tpu.vector_load %arg7[%swap3A_297, %swap3A_298] {strides = array<i32>} : memref<128x128xf32, #tpu.memory_space<vmem>>, vector<16xf32>,
      tpu.vector_store %arg7[%swap3A_297, %swap3A_298], %get3A_295 {strides = array<i32>} : memref<128x128xf32, #tpu.memory_space<vmem>>, vector<16xf32>,
      %get3A_300 = arith.constant 3 : i32
      %get3A_301 = arith.index_cast %get3A_300 : i32 to index
      %get3A_302 = arith.constant 16 : index
      %get3A_303 = tpu.vector_load %arg9[%get3A_301, %get3A_302] {strides = array<i32>} : memref<32x128xf32, #tpu.memory_space<vmem>>, vector<16xf32>,
      %swap3A_304 = arith.constant 6 : i32
      %swap3A_305 = arith.index_cast %swap3A_304 : i32 to index
      %swap3A_306 = arith.constant 16 : index
      %swap3A_307 = tpu.vector_load %arg7[%swap3A_305, %swap3A_306] {strides = array<i32>} : memref<128x128xf32, #tpu.memory_space<vmem>>, vector<16xf32>,
      tpu.vector_store %arg7[%swap3A_305, %swap3A_306], %get3A_303 {strides = array<i32>} : memref<128x128xf32, #tpu.memory_space<vmem>>, vector<16xf32>,
      %get3A_308 = arith.constant 3 : i32
      %get3A_309 = arith.index_cast %get3A_308 : i32 to index
      %get3A_310 = arith.constant 32 : index
      %get3A_311 = tpu.vector_load %arg9[%get3A_309, %get3A_310] {strides = array<i32>} : memref<32x128xf32, #tpu.memory_space<vmem>>, vector<16xf32>,
      %swap3A_312 = arith.constant 6 : i32
      %swap3A_313 = arith.index_cast %swap3A_312 : i32 to index
      %swap3A_314 = arith.constant 32 : index
      %swap3A_315 = tpu.vector_load %arg7[%swap3A_313, %swap3A_314] {strides = array<i32>} : memref<128x128xf32, #tpu.memory_space<vmem>>, vector<16xf32>,
      tpu.vector_store %arg7[%swap3A_313, %swap3A_314], %get3A_311 {strides = array<i32>} : memref<128x128xf32, #tpu.memory_space<vmem>>, vector<16xf32>,
      %get3A_316 = arith.constant 3 : i32
      %get3A_317 = arith.index_cast %get3A_316 : i32 to index
      %get3A_318 = arith.constant 48 : index
      %get3A_319 = tpu.vector_load %arg9[%get3A_317, %get3A_318] {strides = array<i32>} : memref<32x128xf32, #tpu.memory_space<vmem>>, vector<16xf32>,
      %swap3A_320 = arith.constant 6 : i32
      %swap3A_321 = arith.index_cast %swap3A_320 : i32 to index
      %swap3A_322 = arith.constant 48 : index
      %swap3A_323 = tpu.vector_load %arg7[%swap3A_321, %swap3A_322] {strides = array<i32>} : memref<128x128xf32, #tpu.memory_space<vmem>>, vector<16xf32>,
      tpu.vector_store %arg7[%swap3A_321, %swap3A_322], %get3A_319 {strides = array<i32>} : memref<128x128xf32, #tpu.memory_space<vmem>>, vector<16xf32>,
      %get3A_324 = arith.constant 3 : i32
      %get3A_325 = arith.index_cast %get3A_324 : i32 to index
      %get3A_326 = arith.constant 64 : index
      %get3A_327 = tpu.vector_load %arg9[%get3A_325, %get3A_326] {strides = array<i32>} : memref<32x128xf32, #tpu.memory_space<vmem>>, vector<16xf32>,
      %swap3A_328 = arith.constant 7 : i32
      %swap3A_329 = arith.index_cast %swap3A_328 : i32 to index
      %swap3A_330 = arith.constant 0 : index
      %swap3A_331 = tpu.vector_load %arg7[%swap3A_329, %swap3A_330] {strides = array<i32>} : memref<128x128xf32, #tpu.memory_space<vmem>>, vector<16xf32>,
      tpu.vector_store %arg7[%swap3A_329, %swap3A_330], %get3A_327 {strides = array<i32>} : memref<128x128xf32, #tpu.memory_space<vmem>>, vector<16xf32>,
      %get3A_332 = arith.constant 3 : i32
      %get3A_333 = arith.index_cast %get3A_332 : i32 to index
      %get3A_334 = arith.constant 80 : index
      %get3A_335 = tpu.vector_load %arg9[%get3A_333, %get3A_334] {strides = array<i32>} : memref<32x128xf32, #tpu.memory_space<vmem>>, vector<16xf32>,
      %swap3A_336 = arith.constant 7 : i32
      %swap3A_337 = arith.index_cast %swap3A_336 : i32 to index
      %swap3A_338 = arith.constant 16 : index
      %swap3A_339 = tpu.vector_load %arg7[%swap3A_337, %swap3A_338] {strides = array<i32>} : memref<128x128xf32, #tpu.memory_space<vmem>>, vector<16xf32>,
      tpu.vector_store %arg7[%swap3A_337, %swap3A_338], %get3A_335 {strides = array<i32>} : memref<128x128xf32, #tpu.memory_space<vmem>>, vector<16xf32>,
      %get3A_340 = arith.constant 3 : i32
      %get3A_341 = arith.index_cast %get3A_340 : i32 to index
      %get3A_342 = arith.constant 96 : index
      %get3A_343 = tpu.vector_load %arg9[%get3A_341, %get3A_342] {strides = array<i32>} : memref<32x128xf32, #tpu.memory_space<vmem>>, vector<16xf32>,
      %swap3A_344 = arith.constant 7 : i32
      %swap3A_345 = arith.index_cast %swap3A_344 : i32 to index
      %swap3A_346 = arith.constant 32 : index
      %swap3A_347 = tpu.vector_load %arg7[%swap3A_345, %swap3A_346] {strides = array<i32>} : memref<128x128xf32, #tpu.memory_space<vmem>>, vector<16xf32>,
      tpu.vector_store %arg7[%swap3A_345, %swap3A_346], %get3A_343 {strides = array<i32>} : memref<128x128xf32, #tpu.memory_space<vmem>>, vector<16xf32>,
      %get3A_348 = arith.constant 3 : i32
      %get3A_349 = arith.index_cast %get3A_348 : i32 to index
      %get3A_350 = arith.constant 112 : index
      %get3A_351 = tpu.vector_load %arg9[%get3A_349, %get3A_350] {strides = array<i32>} : memref<32x128xf32, #tpu.memory_space<vmem>>, vector<16xf32>,
      %swap3A_352 = arith.constant 7 : i32
      %swap3A_353 = arith.index_cast %swap3A_352 : i32 to index
      %swap3A_354 = arith.constant 48 : index
      %swap3A_355 = tpu.vector_load %arg7[%swap3A_353, %swap3A_354] {strides = array<i32>} : memref<128x128xf32, #tpu.memory_space<vmem>>, vector<16xf32>,
      tpu.vector_store %arg7[%swap3A_353, %swap3A_354], %get3A_351 {strides = array<i32>} : memref<128x128xf32, #tpu.memory_space<vmem>>, vector<16xf32>,
      %get3A_356 = arith.constant 4 : i32
      %get3A_357 = arith.index_cast %get3A_356 : i32 to index
      %get3A_358 = arith.constant 0 : index
      %get3A_359 = tpu.vector_load %arg9[%get3A_357, %get3A_358] {strides = array<i32>} : memref<32x128xf32, #tpu.memory_space<vmem>>, vector<16xf32>,
      %swap3A_360 = arith.constant 8 : i32
      %swap3A_361 = arith.index_cast %swap3A_360 : i32 to index
      %swap3A_362 = arith.constant 0 : index
      %swap3A_363 = tpu.vector_load %arg7[%swap3A_361, %swap3A_362] {strides = array<i32>} : memref<128x128xf32, #tpu.memory_space<vmem>>, vector<16xf32>,
      tpu.vector_store %arg7[%swap3A_361, %swap3A_362], %get3A_359 {strides = array<i32>} : memref<128x128xf32, #tpu.memory_space<vmem>>, vector<16xf32>,
      %get3A_364 = arith.constant 4 : i32
      %get3A_365 = arith.index_cast %get3A_364 : i32 to index
      %get3A_366 = arith.constant 16 : index
      %get3A_367 = tpu.vector_load %arg9[%get3A_365, %get3A_366] {strides = array<i32>} : memref<32x128xf32, #tpu.memory_space<vmem>>, vector<16xf32>,
      %swap3A_368 = arith.constant 8 : i32
      %swap3A_369 = arith.index_cast %swap3A_368 : i32 to index
      %swap3A_370 = arith.constant 16 : index
      %swap3A_371 = tpu.vector_load %arg7[%swap3A_369, %swap3A_370] {strides = array<i32>} : memref<128x128xf32, #tpu.memory_space<vmem>>, vector<16xf32>,
      tpu.vector_store %arg7[%swap3A_369, %swap3A_370], %get3A_367 {strides = array<i32>} : memref<128x128xf32, #tpu.memory_space<vmem>>, vector<16xf32>,
      %get3A_372 = arith.constant 4 : i32
      %get3A_373 = arith.index_cast %get3A_372 : i32 to index
      %get3A_374 = arith.constant 32 : index
      %get3A_375 = tpu.vector_load %arg9[%get3A_373, %get3A_374] {strides = array<i32>} : memref<32x128xf32, #tpu.memory_space<vmem>>, vector<16xf32>,
      %swap3A_376 = arith.constant 8 : i32
      %swap3A_377 = arith.index_cast %swap3A_376 : i32 to index
      %swap3A_378 = arith.constant 32 : index
      %swap3A_379 = tpu.vector_load %arg7[%swap3A_377, %swap3A_378] {strides = array<i32>} : memref<128x128xf32, #tpu.memory_space<vmem>>, vector<16xf32>,
      tpu.vector_store %arg7[%swap3A_377, %swap3A_378], %get3A_375 {strides = array<i32>} : memref<128x128xf32, #tpu.memory_space<vmem>>, vector<16xf32>,
      %get3A_380 = arith.constant 4 : i32
      %get3A_381 = arith.index_cast %get3A_380 : i32 to index
      %get3A_382 = arith.constant 48 : index
      %get3A_383 = tpu.vector_load %arg9[%get3A_381, %get3A_382] {strides = array<i32>} : memref<32x128xf32, #tpu.memory_space<vmem>>, vector<16xf32>,
      %swap3A_384 = arith.constant 8 : i32
      %swap3A_385 = arith.index_cast %swap3A_384 : i32 to index
      %swap3A_386 = arith.constant 48 : index
      %swap3A_387 = tpu.vector_load %arg7[%swap3A_385, %swap3A_386] {strides = array<i32>} : memref<128x128xf32, #tpu.memory_space<vmem>>, vector<16xf32>,
      tpu.vector_store %arg7[%swap3A_385, %swap3A_386], %get3A_383 {strides = array<i32>} : memref<128x128xf32, #tpu.memory_space<vmem>>, vector<16xf32>,
      %get3A_388 = arith.constant 4 : i32
      %get3A_389 = arith.index_cast %get3A_388 : i32 to index
      %get3A_390 = arith.constant 64 : index
      %get3A_391 = tpu.vector_load %arg9[%get3A_389, %get3A_390] {strides = array<i32>} : memref<32x128xf32, #tpu.memory_space<vmem>>, vector<16xf32>,
      %swap3A_392 = arith.constant 9 : i32
      %swap3A_393 = arith.index_cast %swap3A_392 : i32 to index
      %swap3A_394 = arith.constant 0 : index
      %swap3A_395 = tpu.vector_load %arg7[%swap3A_393, %swap3A_394] {strides = array<i32>} : memref<128x128xf32, #tpu.memory_space<vmem>>, vector<16xf32>,
      tpu.vector_store %arg7[%swap3A_393, %swap3A_394], %get3A_391 {strides = array<i32>} : memref<128x128xf32, #tpu.memory_space<vmem>>, vector<16xf32>,
      %get3A_396 = arith.constant 4 : i32
      %get3A_397 = arith.index_cast %get3A_396 : i32 to index
      %get3A_398 = arith.constant 80 : index
      %get3A_399 = tpu.vector_load %arg9[%get3A_397, %get3A_398] {strides = array<i32>} : memref<32x128xf32, #tpu.memory_space<vmem>>, vector<16xf32>,
      %swap3A_400 = arith.constant 9 : i32
      %swap3A_401 = arith.index_cast %swap3A_400 : i32 to index
      %swap3A_402 = arith.constant 16 : index
      %swap3A_403 = tpu.vector_load %arg7[%swap3A_401, %swap3A_402] {strides = array<i32>} : memref<128x128xf32, #tpu.memory_space<vmem>>, vector<16xf32>,
      tpu.vector_store %arg7[%swap3A_401, %swap3A_402], %get3A_399 {strides = array<i32>} : memref<128x128xf32, #tpu.memory_space<vmem>>, vector<16xf32>,
      %get3A_404 = arith.constant 4 : i32
      %get3A_405 = arith.index_cast %get3A_404 : i32 to index
      %get3A_406 = arith.constant 96 : index
      %get3A_407 = tpu.vector_load %arg9[%get3A_405, %get3A_406] {strides = array<i32>} : memref<32x128xf32, #tpu.memory_space<vmem>>, vector<16xf32>,
      %swap3A_408 = arith.constant 9 : i32
      %swap3A_409 = arith.index_cast %swap3A_408 : i32 to index
      %swap3A_410 = arith.constant 32 : index
      %swap3A_411 = tpu.vector_load %arg7[%swap3A_409, %swap3A_410] {strides = array<i32>} : memref<128x128xf32, #tpu.memory_space<vmem>>, vector<16xf32>,
      tpu.vector_store %arg7[%swap3A_409, %swap3A_410], %get3A_407 {strides = array<i32>} : memref<128x128xf32, #tpu.memory_space<vmem>>, vector<16xf32>,
      %get3A_412 = arith.constant 4 : i32
      %get3A_413 = arith.index_cast %get3A_412 : i32 to index
      %get3A_414 = arith.constant 112 : index
      %get3A_415 = tpu.vector_load %arg9[%get3A_413, %get3A_414] {strides = array<i32>} : memref<32x128xf32, #tpu.memory_space<vmem>>, vector<16xf32>,
      %swap3A_416 = arith.constant 9 : i32
      %swap3A_417 = arith.index_cast %swap3A_416 : i32 to index
      %swap3A_418 = arith.constant 48 : index
      %swap3A_419 = tpu.vector_load %arg7[%swap3A_417, %swap3A_418] {strides = array<i32>} : memref<128x128xf32, #tpu.memory_space<vmem>>, vector<16xf32>,
      tpu.vector_store %arg7[%swap3A_417, %swap3A_418], %get3A_415 {strides = array<i32>} : memref<128x128xf32, #tpu.memory_space<vmem>>, vector<16xf32>,
      %get3A_420 = arith.constant 5 : i32
      %get3A_421 = arith.index_cast %get3A_420 : i32 to index
      %get3A_422 = arith.constant 0 : index
      %get3A_423 = tpu.vector_load %arg9[%get3A_421, %get3A_422] {strides = array<i32>} : memref<32x128xf32, #tpu.memory_space<vmem>>, vector<16xf32>,
      %swap3A_424 = arith.constant 10 : i32
      %swap3A_425 = arith.index_cast %swap3A_424 : i32 to index
      %swap3A_426 = arith.constant 0 : index
      %swap3A_427 = tpu.vector_load %arg7[%swap3A_425, %swap3A_426] {strides = array<i32>} : memref<128x128xf32, #tpu.memory_space<vmem>>, vector<16xf32>,
      tpu.vector_store %arg7[%swap3A_425, %swap3A_426], %get3A_423 {strides = array<i32>} : memref<128x128xf32, #tpu.memory_space<vmem>>, vector<16xf32>,
      %get3A_428 = arith.constant 5 : i32
      %get3A_429 = arith.index_cast %get3A_428 : i32 to index
      %get3A_430 = arith.constant 16 : index
      %get3A_431 = tpu.vector_load %arg9[%get3A_429, %get3A_430] {strides = array<i32>} : memref<32x128xf32, #tpu.memory_space<vmem>>, vector<16xf32>,
      %swap3A_432 = arith.constant 10 : i32
      %swap3A_433 = arith.index_cast %swap3A_432 : i32 to index
      %swap3A_434 = arith.constant 16 : index
      %swap3A_435 = tpu.vector_load %arg7[%swap3A_433, %swap3A_434] {strides = array<i32>} : memref<128x128xf32, #tpu.memory_space<vmem>>, vector<16xf32>,
      tpu.vector_store %arg7[%swap3A_433, %swap3A_434], %get3A_431 {strides = array<i32>} : memref<128x128xf32, #tpu.memory_space<vmem>>, vector<16xf32>,
      %get3A_436 = arith.constant 5 : i32
      %get3A_437 = arith.index_cast %get3A_436 : i32 to index
      %get3A_438 = arith.constant 32 : index
      %get3A_439 = tpu.vector_load %arg9[%get3A_437, %get3A_438] {strides = array<i32>} : memref<32x128xf32, #tpu.memory_space<vmem>>, vector<16xf32>,
      %swap3A_440 = arith.constant 10 : i32
      %swap3A_441 = arith.index_cast %swap3A_440 : i32 to index
      %swap3A_442 = arith.constant 32 : index
      %swap3A_443 = tpu.vector_load %arg7[%swap3A_441, %swap3A_442] {strides = array<i32>} : memref<128x128xf32, #tpu.memory_space<vmem>>, vector<16xf32>,
      tpu.vector_store %arg7[%swap3A_441, %swap3A_442], %get3A_439 {strides = array<i32>} : memref<128x128xf32, #tpu.memory_space<vmem>>, vector<16xf32>,
      %get3A_444 = arith.constant 5 : i32
      %get3A_445 = arith.index_cast %get3A_444 : i32 to index
      %get3A_446 = arith.constant 48 : index
      %get3A_447 = tpu.vector_load %arg9[%get3A_445, %get3A_446] {strides = array<i32>} : memref<32x128xf32, #tpu.memory_space<vmem>>, vector<16xf32>,
      %swap3A_448 = arith.constant 10 : i32
      %swap3A_449 = arith.index_cast %swap3A_448 : i32 to index
      %swap3A_450 = arith.constant 48 : index
      %swap3A_451 = tpu.vector_load %arg7[%swap3A_449, %swap3A_450] {strides = array<i32>} : memref<128x128xf32, #tpu.memory_space<vmem>>, vector<16xf32>,
      tpu.vector_store %arg7[%swap3A_449, %swap3A_450], %get3A_447 {strides = array<i32>} : memref<128x128xf32, #tpu.memory_space<vmem>>, vector<16xf32>,
      %get3A_452 = arith.constant 5 : i32
      %get3A_453 = arith.index_cast %get3A_452 : i32 to index
      %get3A_454 = arith.constant 64 : index
      %get3A_455 = tpu.vector_load %arg9[%get3A_453, %get3A_454] {strides = array<i32>} : memref<32x128xf32, #tpu.memory_space<vmem>>, vector<16xf32>,
      %swap3A_456 = arith.constant 11 : i32
      %swap3A_457 = arith.index_cast %swap3A_456 : i32 to index
      %swap3A_458 = arith.constant 0 : index
      %swap3A_459 = tpu.vector_load %arg7[%swap3A_457, %swap3A_458] {strides = array<i32>} : memref<128x128xf32, #tpu.memory_space<vmem>>, vector<16xf32>,
      tpu.vector_store %arg7[%swap3A_457, %swap3A_458], %get3A_455 {strides = array<i32>} : memref<128x128xf32, #tpu.memory_space<vmem>>, vector<16xf32>,
      %get3A_460 = arith.constant 5 : i32
      %get3A_461 = arith.index_cast %get3A_460 : i32 to index
      %get3A_462 = arith.constant 80 : index
      %get3A_463 = tpu.vector_load %arg9[%get3A_461, %get3A_462] {strides = array<i32>} : memref<32x128xf32, #tpu.memory_space<vmem>>, vector<16xf32>,
      %swap3A_464 = arith.constant 11 : i32
      %swap3A_465 = arith.index_cast %swap3A_464 : i32 to index
      %swap3A_466 = arith.constant 16 : index
      %swap3A_467 = tpu.vector_load %arg7[%swap3A_465, %swap3A_466] {strides = array<i32>} : memref<128x128xf32, #tpu.memory_space<vmem>>, vector<16xf32>,
      tpu.vector_store %arg7[%swap3A_465, %swap3A_466], %get3A_463 {strides = array<i32>} : memref<128x128xf32, #tpu.memory_space<vmem>>, vector<16xf32>,
      %get3A_468 = arith.constant 5 : i32
      %get3A_469 = arith.index_cast %get3A_468 : i32 to index
      %get3A_470 = arith.constant 96 : index
      %get3A_471 = tpu.vector_load %arg9[%get3A_469, %get3A_470] {strides = array<i32>} : memref<32x128xf32, #tpu.memory_space<vmem>>, vector<16xf32>,
      %swap3A_472 = arith.constant 11 : i32
      %swap3A_473 = arith.index_cast %swap3A_472 : i32 to index
      %swap3A_474 = arith.constant 32 : index
      %swap3A_475 = tpu.vector_load %arg7[%swap3A_473, %swap3A_474] {strides = array<i32>} : memref<128x128xf32, #tpu.memory_space<vmem>>, vector<16xf32>,
      tpu.vector_store %arg7[%swap3A_473, %swap3A_474], %get3A_471 {strides = array<i32>} : memref<128x128xf32, #tpu.memory_space<vmem>>, vector<16xf32>,
      %get3A_476 = arith.constant 5 : i32
      %get3A_477 = arith.index_cast %get3A_476 : i32 to index
      %get3A_478 = arith.constant 112 : index
      %get3A_479 = tpu.vector_load %arg9[%get3A_477, %get3A_478] {strides = array<i32>} : memref<32x128xf32, #tpu.memory_space<vmem>>, vector<16xf32>,
      %swap3A_480 = arith.constant 11 : i32
      %swap3A_481 = arith.index_cast %swap3A_480 : i32 to index
      %swap3A_482 = arith.constant 48 : index
      %swap3A_483 = tpu.vector_load %arg7[%swap3A_481, %swap3A_482] {strides = array<i32>} : memref<128x128xf32, #tpu.memory_space<vmem>>, vector<16xf32>,
      tpu.vector_store %arg7[%swap3A_481, %swap3A_482], %get3A_479 {strides = array<i32>} : memref<128x128xf32, #tpu.memory_space<vmem>>, vector<16xf32>,
      %get3A_484 = arith.constant 6 : i32
      %get3A_485 = arith.index_cast %get3A_484 : i32 to index
      %get3A_486 = arith.constant 0 : index
      %get3A_487 = tpu.vector_load %arg9[%get3A_485, %get3A_486] {strides = array<i32>} : memref<32x128xf32, #tpu.memory_space<vmem>>, vector<16xf32>,
      %swap3A_488 = arith.constant 12 : i32
      %swap3A_489 = arith.index_cast %swap3A_488 : i32 to index
      %swap3A_490 = arith.constant 0 : index
      %swap3A_491 = tpu.vector_load %arg7[%swap3A_489, %swap3A_490] {strides = array<i32>} : memref<128x128xf32, #tpu.memory_space<vmem>>, vector<16xf32>,
      tpu.vector_store %arg7[%swap3A_489, %swap3A_490], %get3A_487 {strides = array<i32>} : memref<128x128xf32, #tpu.memory_space<vmem>>, vector<16xf32>,
      %get3A_492 = arith.constant 6 : i32
      %get3A_493 = arith.index_cast %get3A_492 : i32 to index
      %get3A_494 = arith.constant 16 : index
      %get3A_495 = tpu.vector_load %arg9[%get3A_493, %get3A_494] {strides = array<i32>} : memref<32x128xf32, #tpu.memory_space<vmem>>, vector<16xf32>,
      %swap3A_496 = arith.constant 12 : i32
      %swap3A_497 = arith.index_cast %swap3A_496 : i32 to index
      %swap3A_498 = arith.constant 16 : index
      %swap3A_499 = tpu.vector_load %arg7[%swap3A_497, %swap3A_498] {strides = array<i32>} : memref<128x128xf32, #tpu.memory_space<vmem>>, vector<16xf32>,
      tpu.vector_store %arg7[%swap3A_497, %swap3A_498], %get3A_495 {strides = array<i32>} : memref<128x128xf32, #tpu.memory_space<vmem>>, vector<16xf32>,
      %get3A_500 = arith.constant 6 : i32
      %get3A_501 = arith.index_cast %get3A_500 : i32 to index
      %get3A_502 = arith.constant 32 : index
      %get3A_503 = tpu.vector_load %arg9[%get3A_501, %get3A_502] {strides = array<i32>} : memref<32x128xf32, #tpu.memory_space<vmem>>, vector<16xf32>,
      %swap3A_504 = arith.constant 12 : i32
      %swap3A_505 = arith.index_cast %swap3A_504 : i32 to index
      %swap3A_506 = arith.constant 32 : index
      %swap3A_507 = tpu.vector_load %arg7[%swap3A_505, %swap3A_506] {strides = array<i32>} : memref<128x128xf32, #tpu.memory_space<vmem>>, vector<16xf32>,
      tpu.vector_store %arg7[%swap3A_505, %swap3A_506], %get3A_503 {strides = array<i32>} : memref<128x128xf32, #tpu.memory_space<vmem>>, vector<16xf32>,
      %get3A_508 = arith.constant 6 : i32
      %get3A_509 = arith.index_cast %get3A_508 : i32 to index
      %get3A_510 = arith.constant 48 : index
      %get3A_511 = tpu.vector_load %arg9[%get3A_509, %get3A_510] {strides = array<i32>} : memref<32x128xf32, #tpu.memory_space<vmem>>, vector<16xf32>,
      %swap3A_512 = arith.constant 12 : i32
      %swap3A_513 = arith.index_cast %swap3A_512 : i32 to index
      %swap3A_514 = arith.constant 48 : index
      %swap3A_515 = tpu.vector_load %arg7[%swap3A_513, %swap3A_514] {strides = array<i32>} : memref<128x128xf32, #tpu.memory_space<vmem>>, vector<16xf32>,
      tpu.vector_store %arg7[%swap3A_513, %swap3A_514], %get3A_511 {strides = array<i32>} : memref<128x128xf32, #tpu.memory_space<vmem>>, vector<16xf32>,
      %get3A_516 = arith.constant 6 : i32
      %get3A_517 = arith.index_cast %get3A_516 : i32 to index
      %get3A_518 = arith.constant 64 : index
      %get3A_519 = tpu.vector_load %arg9[%get3A_517, %get3A_518] {strides = array<i32>} : memref<32x128xf32, #tpu.memory_space<vmem>>, vector<16xf32>,
      %swap3A_520 = arith.constant 13 : i32
      %swap3A_521 = arith.index_cast %swap3A_520 : i32 to index
      %swap3A_522 = arith.constant 0 : index
      %swap3A_523 = tpu.vector_load %arg7[%swap3A_521, %swap3A_522] {strides = array<i32>} : memref<128x128xf32, #tpu.memory_space<vmem>>, vector<16xf32>,
      tpu.vector_store %arg7[%swap3A_521, %swap3A_522], %get3A_519 {strides = array<i32>} : memref<128x128xf32, #tpu.memory_space<vmem>>, vector<16xf32>,
      %get3A_524 = arith.constant 6 : i32
      %get3A_525 = arith.index_cast %get3A_524 : i32 to index
      %get3A_526 = arith.constant 80 : index
      %get3A_527 = tpu.vector_load %arg9[%get3A_525, %get3A_526] {strides = array<i32>} : memref<32x128xf32, #tpu.memory_space<vmem>>, vector<16xf32>,
      %swap3A_528 = arith.constant 13 : i32
      %swap3A_529 = arith.index_cast %swap3A_528 : i32 to index
      %swap3A_530 = arith.constant 16 : index
      %swap3A_531 = tpu.vector_load %arg7[%swap3A_529, %swap3A_530] {strides = array<i32>} : memref<128x128xf32, #tpu.memory_space<vmem>>, vector<16xf32>,
      tpu.vector_store %arg7[%swap3A_529, %swap3A_530], %get3A_527 {strides = array<i32>} : memref<128x128xf32, #tpu.memory_space<vmem>>, vector<16xf32>,
      %get3A_532 = arith.constant 6 : i32
      %get3A_533 = arith.index_cast %get3A_532 : i32 to index
      %get3A_534 = arith.constant 96 : index
      %get3A_535 = tpu.vector_load %arg9[%get3A_533, %get3A_534] {strides = array<i32>} : memref<32x128xf32, #tpu.memory_space<vmem>>, vector<16xf32>,
      %swap3A_536 = arith.constant 13 : i32
      %swap3A_537 = arith.index_cast %swap3A_536 : i32 to index
      %swap3A_538 = arith.constant 32 : index
      %swap3A_539 = tpu.vector_load %arg7[%swap3A_537, %swap3A_538] {strides = array<i32>} : memref<128x128xf32, #tpu.memory_space<vmem>>, vector<16xf32>,
      tpu.vector_store %arg7[%swap3A_537, %swap3A_538], %get3A_535 {strides = array<i32>} : memref<128x128xf32, #tpu.memory_space<vmem>>, vector<16xf32>,
      %get3A_540 = arith.constant 6 : i32
      %get3A_541 = arith.index_cast %get3A_540 : i32 to index
      %get3A_542 = arith.constant 112 : index
      %get3A_543 = tpu.vector_load %arg9[%get3A_541, %get3A_542] {strides = array<i32>} : memref<32x128xf32, #tpu.memory_space<vmem>>, vector<16xf32>,
      %swap3A_544 = arith.constant 13 : i32
      %swap3A_545 = arith.index_cast %swap3A_544 : i32 to index
      %swap3A_546 = arith.constant 48 : index
      %swap3A_547 = tpu.vector_load %arg7[%swap3A_545, %swap3A_546] {strides = array<i32>} : memref<128x128xf32, #tpu.memory_space<vmem>>, vector<16xf32>,
      tpu.vector_store %arg7[%swap3A_545, %swap3A_546], %get3A_543 {strides = array<i32>} : memref<128x128xf32, #tpu.memory_space<vmem>>, vector<16xf32>,
      %get3A_548 = arith.constant 7 : i32
      %get3A_549 = arith.index_cast %get3A_548 : i32 to index
      %get3A_550 = arith.constant 0 : index
      %get3A_551 = tpu.vector_load %arg9[%get3A_549, %get3A_550] {strides = array<i32>} : memref<32x128xf32, #tpu.memory_space<vmem>>, vector<16xf32>,
      %swap3A_552 = arith.constant 14 : i32
      %swap3A_553 = arith.index_cast %swap3A_552 : i32 to index
      %swap3A_554 = arith.constant 0 : index
      %swap3A_555 = tpu.vector_load %arg7[%swap3A_553, %swap3A_554] {strides = array<i32>} : memref<128x128xf32, #tpu.memory_space<vmem>>, vector<16xf32>,
      tpu.vector_store %arg7[%swap3A_553, %swap3A_554], %get3A_551 {strides = array<i32>} : memref<128x128xf32, #tpu.memory_space<vmem>>, vector<16xf32>,
      %get3A_556 = arith.constant 7 : i32
      %get3A_557 = arith.index_cast %get3A_556 : i32 to index
      %get3A_558 = arith.constant 16 : index
      %get3A_559 = tpu.vector_load %arg9[%get3A_557, %get3A_558] {strides = array<i32>} : memref<32x128xf32, #tpu.memory_space<vmem>>, vector<16xf32>,
      %swap3A_560 = arith.constant 14 : i32
      %swap3A_561 = arith.index_cast %swap3A_560 : i32 to index
      %swap3A_562 = arith.constant 16 : index
      %swap3A_563 = tpu.vector_load %arg7[%swap3A_561, %swap3A_562] {strides = array<i32>} : memref<128x128xf32, #tpu.memory_space<vmem>>, vector<16xf32>,
      tpu.vector_store %arg7[%swap3A_561, %swap3A_562], %get3A_559 {strides = array<i32>} : memref<128x128xf32, #tpu.memory_space<vmem>>, vector<16xf32>,
      %get3A_564 = arith.constant 7 : i32
      %get3A_565 = arith.index_cast %get3A_564 : i32 to index
      %get3A_566 = arith.constant 32 : index
      %get3A_567 = tpu.vector_load %arg9[%get3A_565, %get3A_566] {strides = array<i32>} : memref<32x128xf32, #tpu.memory_space<vmem>>, vector<16xf32>,
      %swap3A_568 = arith.constant 14 : i32
      %swap3A_569 = arith.index_cast %swap3A_568 : i32 to index
      %swap3A_570 = arith.constant 32 : index
      %swap3A_571 = tpu.vector_load %arg7[%swap3A_569, %swap3A_570] {strides = array<i32>} : memref<128x128xf32, #tpu.memory_space<vmem>>, vector<16xf32>,
      tpu.vector_store %arg7[%swap3A_569, %swap3A_570], %get3A_567 {strides = array<i32>} : memref<128x128xf32, #tpu.memory_space<vmem>>, vector<16xf32>,
      %get3A_572 = arith.constant 7 : i32
      %get3A_573 = arith.index_cast %get3A_572 : i32 to index
      %get3A_574 = arith.constant 48 : index
      %get3A_575 = tpu.vector_load %arg9[%get3A_573, %get3A_574] {strides = array<i32>} : memref<32x128xf32, #tpu.memory_space<vmem>>, vector<16xf32>,
      %swap3A_576 = arith.constant 14 : i32
      %swap3A_577 = arith.index_cast %swap3A_576 : i32 to index
      %swap3A_578 = arith.constant 48 : index
      %swap3A_579 = tpu.vector_load %arg7[%swap3A_577, %swap3A_578] {strides = array<i32>} : memref<128x128xf32, #tpu.memory_space<vmem>>, vector<16xf32>,
      tpu.vector_store %arg7[%swap3A_577, %swap3A_578], %get3A_575 {strides = array<i32>} : memref<128x128xf32, #tpu.memory_space<vmem>>, vector<16xf32>,
      %get3A_580 = arith.constant 7 : i32
      %get3A_581 = arith.index_cast %get3A_580 : i32 to index
      %get3A_582 = arith.constant 64 : index
      %get3A_583 = tpu.vector_load %arg9[%get3A_581, %get3A_582] {strides = array<i32>} : memref<32x128xf32, #tpu.memory_space<vmem>>, vector<16xf32>,
      %swap3A_584 = arith.constant 15 : i32
      %swap3A_585 = arith.index_cast %swap3A_584 : i32 to index
      %swap3A_586 = arith.constant 0 : index
      %swap3A_587 = tpu.vector_load %arg7[%swap3A_585, %swap3A_586] {strides = array<i32>} : memref<128x128xf32, #tpu.memory_space<vmem>>, vector<16xf32>,
      tpu.vector_store %arg7[%swap3A_585, %swap3A_586], %get3A_583 {strides = array<i32>} : memref<128x128xf32, #tpu.memory_space<vmem>>, vector<16xf32>,
      %get3A_588 = arith.constant 7 : i32
      %get3A_589 = arith.index_cast %get3A_588 : i32 to index
      %get3A_590 = arith.constant 80 : index
      %get3A_591 = tpu.vector_load %arg9[%get3A_589, %get3A_590] {strides = array<i32>} : memref<32x128xf32, #tpu.memory_space<vmem>>, vector<16xf32>,
      %swap3A_592 = arith.constant 15 : i32
      %swap3A_593 = arith.index_cast %swap3A_592 : i32 to index
      %swap3A_594 = arith.constant 16 : index
      %swap3A_595 = tpu.vector_load %arg7[%swap3A_593, %swap3A_594] {strides = array<i32>} : memref<128x128xf32, #tpu.memory_space<vmem>>, vector<16xf32>,
      tpu.vector_store %arg7[%swap3A_593, %swap3A_594], %get3A_591 {strides = array<i32>} : memref<128x128xf32, #tpu.memory_space<vmem>>, vector<16xf32>,
      %get3A_596 = arith.constant 7 : i32
      %get3A_597 = arith.index_cast %get3A_596 : i32 to index
      %get3A_598 = arith.constant 96 : index
      %get3A_599 = tpu.vector_load %arg9[%get3A_597, %get3A_598] {strides = array<i32>} : memref<32x128xf32, #tpu.memory_space<vmem>>, vector<16xf32>,
      %swap3A_600 = arith.constant 15 : i32
      %swap3A_601 = arith.index_cast %swap3A_600 : i32 to index
      %swap3A_602 = arith.constant 32 : index
      %swap3A_603 = tpu.vector_load %arg7[%swap3A_601, %swap3A_602] {strides = array<i32>} : memref<128x128xf32, #tpu.memory_space<vmem>>, vector<16xf32>,
      tpu.vector_store %arg7[%swap3A_601, %swap3A_602], %get3A_599 {strides = array<i32>} : memref<128x128xf32, #tpu.memory_space<vmem>>, vector<16xf32>,
      %get3A_604 = arith.constant 7 : i32
      %get3A_605 = arith.index_cast %get3A_604 : i32 to index
      %get3A_606 = arith.constant 112 : index
      %get3A_607 = tpu.vector_load %arg9[%get3A_605, %get3A_606] {strides = array<i32>} : memref<32x128xf32, #tpu.memory_space<vmem>>, vector<16xf32>,
      %swap3A_608 = arith.constant 15 : i32
      %swap3A_609 = arith.index_cast %swap3A_608 : i32 to index
      %swap3A_610 = arith.constant 48 : index
      %swap3A_611 = tpu.vector_load %arg7[%swap3A_609, %swap3A_610] {strides = array<i32>} : memref<128x128xf32, #tpu.memory_space<vmem>>, vector<16xf32>,
      tpu.vector_store %arg7[%swap3A_609, %swap3A_610], %get3A_607 {strides = array<i32>} : memref<128x128xf32, #tpu.memory_space<vmem>>, vector<16xf32>,
      %get3A_612 = arith.constant 8 : i32
      %get3A_613 = arith.index_cast %get3A_612 : i32 to index
      %get3A_614 = arith.constant 0 : index
      %get3A_615 = tpu.vector_load %arg9[%get3A_613, %get3A_614] {strides = array<i32>} : memref<32x128xf32, #tpu.memory_space<vmem>>, vector<16xf32>,
      %swap3A_616 = arith.constant 16 : i32
      %swap3A_617 = arith.index_cast %swap3A_616 : i32 to index
      %swap3A_618 = arith.constant 0 : index
      %swap3A_619 = tpu.vector_load %arg7[%swap3A_617, %swap3A_618] {strides = array<i32>} : memref<128x128xf32, #tpu.memory_space<vmem>>, vector<16xf32>,
      tpu.vector_store %arg7[%swap3A_617, %swap3A_618], %get3A_615 {strides = array<i32>} : memref<128x128xf32, #tpu.memory_space<vmem>>, vector<16xf32>,
      %get3A_620 = arith.constant 8 : i32
      %get3A_621 = arith.index_cast %get3A_620 : i32 to index
      %get3A_622 = arith.constant 16 : index
      %get3A_623 = tpu.vector_load %arg9[%get3A_621, %get3A_622] {strides = array<i32>} : memref<32x128xf32, #tpu.memory_space<vmem>>, vector<16xf32>,
      %swap3A_624 = arith.constant 16 : i32
      %swap3A_625 = arith.index_cast %swap3A_624 : i32 to index
      %swap3A_626 = arith.constant 16 : index
      %swap3A_627 = tpu.vector_load %arg7[%swap3A_625, %swap3A_626] {strides = array<i32>} : memref<128x128xf32, #tpu.memory_space<vmem>>, vector<16xf32>,
      tpu.vector_store %arg7[%swap3A_625, %swap3A_626], %get3A_623 {strides = array<i32>} : memref<128x128xf32, #tpu.memory_space<vmem>>, vector<16xf32>,
      %get3A_628 = arith.constant 8 : i32
      %get3A_629 = arith.index_cast %get3A_628 : i32 to index
      %get3A_630 = arith.constant 32 : index
      %get3A_631 = tpu.vector_load %arg9[%get3A_629, %get3A_630] {strides = array<i32>} : memref<32x128xf32, #tpu.memory_space<vmem>>, vector<16xf32>,
      %swap3A_632 = arith.constant 16 : i32
      %swap3A_633 = arith.index_cast %swap3A_632 : i32 to index
      %swap3A_634 = arith.constant 32 : index
      %swap3A_635 = tpu.vector_load %arg7[%swap3A_633, %swap3A_634] {strides = array<i32>} : memref<128x128xf32, #tpu.memory_space<vmem>>, vector<16xf32>,
      tpu.vector_store %arg7[%swap3A_633, %swap3A_634], %get3A_631 {strides = array<i32>} : memref<128x128xf32, #tpu.memory_space<vmem>>, vector<16xf32>,
      %get3A_636 = arith.constant 8 : i32
      %get3A_637 = arith.index_cast %get3A_636 : i32 to index
      %get3A_638 = arith.constant 48 : index
      %get3A_639 = tpu.vector_load %arg9[%get3A_637, %get3A_638] {strides = array<i32>} : memref<32x128xf32, #tpu.memory_space<vmem>>, vector<16xf32>,
      %swap3A_640 = arith.constant 16 : i32
      %swap3A_641 = arith.index_cast %swap3A_640 : i32 to index
      %swap3A_642 = arith.constant 48 : index
      %swap3A_643 = tpu.vector_load %arg7[%swap3A_641, %swap3A_642] {strides = array<i32>} : memref<128x128xf32, #tpu.memory_space<vmem>>, vector<16xf32>,
      tpu.vector_store %arg7[%swap3A_641, %swap3A_642], %get3A_639 {strides = array<i32>} : memref<128x128xf32, #tpu.memory_space<vmem>>, vector<16xf32>,
      %get3A_644 = arith.constant 8 : i32
      %get3A_645 = arith.index_cast %get3A_644 : i32 to index
      %get3A_646 = arith.constant 64 : index
      %get3A_647 = tpu.vector_load %arg9[%get3A_645, %get3A_646] {strides = array<i32>} : memref<32x128xf32, #tpu.memory_space<vmem>>, vector<16xf32>,
      %swap3A_648 = arith.constant 17 : i32
      %swap3A_649 = arith.index_cast %swap3A_648 : i32 to index
      %swap3A_650 = arith.constant 0 : index
      %swap3A_651 = tpu.vector_load %arg7[%swap3A_649, %swap3A_650] {strides = array<i32>} : memref<128x128xf32, #tpu.memory_space<vmem>>, vector<16xf32>,
      tpu.vector_store %arg7[%swap3A_649, %swap3A_650], %get3A_647 {strides = array<i32>} : memref<128x128xf32, #tpu.memory_space<vmem>>, vector<16xf32>,
      %get3A_652 = arith.constant 8 : i32
      %get3A_653 = arith.index_cast %get3A_652 : i32 to index
      %get3A_654 = arith.constant 80 : index
      %get3A_655 = tpu.vector_load %arg9[%get3A_653, %get3A_654] {strides = array<i32>} : memref<32x128xf32, #tpu.memory_space<vmem>>, vector<16xf32>,
      %swap3A_656 = arith.constant 17 : i32
      %swap3A_657 = arith.index_cast %swap3A_656 : i32 to index
      %swap3A_658 = arith.constant 16 : index
      %swap3A_659 = tpu.vector_load %arg7[%swap3A_657, %swap3A_658] {strides = array<i32>} : memref<128x128xf32, #tpu.memory_space<vmem>>, vector<16xf32>,
      tpu.vector_store %arg7[%swap3A_657, %swap3A_658], %get3A_655 {strides = array<i32>} : memref<128x128xf32, #tpu.memory_space<vmem>>, vector<16xf32>,
      %get3A_660 = arith.constant 8 : i32
      %get3A_661 = arith.index_cast %get3A_660 : i32 to index
      %get3A_662 = arith.constant 96 : index
      %get3A_663 = tpu.vector_load %arg9[%get3A_661, %get3A_662] {strides = array<i32>} : memref<32x128xf32, #tpu.memory_space<vmem>>, vector<16xf32>,
      %swap3A_664 = arith.constant 17 : i32
      %swap3A_665 = arith.index_cast %swap3A_664 : i32 to index
      %swap3A_666 = arith.constant 32 : index
      %swap3A_667 = tpu.vector_load %arg7[%swap3A_665, %swap3A_666] {strides = array<i32>} : memref<128x128xf32, #tpu.memory_space<vmem>>, vector<16xf32>,
      tpu.vector_store %arg7[%swap3A_665, %swap3A_666], %get3A_663 {strides = array<i32>} : memref<128x128xf32, #tpu.memory_space<vmem>>, vector<16xf32>,
      %get3A_668 = arith.constant 8 : i32
      %get3A_669 = arith.index_cast %get3A_668 : i32 to index
      %get3A_670 = arith.constant 112 : index
      %get3A_671 = tpu.vector_load %arg9[%get3A_669, %get3A_670] {strides = array<i32>} : memref<32x128xf32, #tpu.memory_space<vmem>>, vector<16xf32>,
      %swap3A_672 = arith.constant 17 : i32
      %swap3A_673 = arith.index_cast %swap3A_672 : i32 to index
      %swap3A_674 = arith.constant 48 : index
      %swap3A_675 = tpu.vector_load %arg7[%swap3A_673, %swap3A_674] {strides = array<i32>} : memref<128x128xf32, #tpu.memory_space<vmem>>, vector<16xf32>,
      tpu.vector_store %arg7[%swap3A_673, %swap3A_674], %get3A_671 {strides = array<i32>} : memref<128x128xf32, #tpu.memory_space<vmem>>, vector<16xf32>,
      %get3A_676 = arith.constant 9 : i32
      %get3A_677 = arith.index_cast %get3A_676 : i32 to index
      %get3A_678 = arith.constant 0 : index
      %get3A_679 = tpu.vector_load %arg9[%get3A_677, %get3A_678] {strides = array<i32>} : memref<32x128xf32, #tpu.memory_space<vmem>>, vector<16xf32>,
      %swap3A_680 = arith.constant 18 : i32
      %swap3A_681 = arith.index_cast %swap3A_680 : i32 to index
      %swap3A_682 = arith.constant 0 : index
      %swap3A_683 = tpu.vector_load %arg7[%swap3A_681, %swap3A_682] {strides = array<i32>} : memref<128x128xf32, #tpu.memory_space<vmem>>, vector<16xf32>,
      tpu.vector_store %arg7[%swap3A_681, %swap3A_682], %get3A_679 {strides = array<i32>} : memref<128x128xf32, #tpu.memory_space<vmem>>, vector<16xf32>,
      %get3A_684 = arith.constant 9 : i32
      %get3A_685 = arith.index_cast %get3A_684 : i32 to index
      %get3A_686 = arith.constant 16 : index
      %get3A_687 = tpu.vector_load %arg9[%get3A_685, %get3A_686] {strides = array<i32>} : memref<32x128xf32, #tpu.memory_space<vmem>>, vector<16xf32>,
      %swap3A_688 = arith.constant 18 : i32
      %swap3A_689 = arith.index_cast %swap3A_688 : i32 to index
      %swap3A_690 = arith.constant 16 : index
      %swap3A_691 = tpu.vector_load %arg7[%swap3A_689, %swap3A_690] {strides = array<i32>} : memref<128x128xf32, #tpu.memory_space<vmem>>, vector<16xf32>,
      tpu.vector_store %arg7[%swap3A_689, %swap3A_690], %get3A_687 {strides = array<i32>} : memref<128x128xf32, #tpu.memory_space<vmem>>, vector<16xf32>,
      %get3A_692 = arith.constant 9 : i32
      %get3A_693 = arith.index_cast %get3A_692 : i32 to index
      %get3A_694 = arith.constant 32 : index
      %get3A_695 = tpu.vector_load %arg9[%get3A_693, %get3A_694] {strides = array<i32>} : memref<32x128xf32, #tpu.memory_space<vmem>>, vector<16xf32>,
      %swap3A_696 = arith.constant 18 : i32
      %swap3A_697 = arith.index_cast %swap3A_696 : i32 to index
      %swap3A_698 = arith.constant 32 : index
      %swap3A_699 = tpu.vector_load %arg7[%swap3A_697, %swap3A_698] {strides = array<i32>} : memref<128x128xf32, #tpu.memory_space<vmem>>, vector<16xf32>,
      tpu.vector_store %arg7[%swap3A_697, %swap3A_698], %get3A_695 {strides = array<i32>} : memref<128x128xf32, #tpu.memory_space<vmem>>, vector<16xf32>,
      %get3A_700 = arith.constant 9 : i32
      %get3A_701 = arith.index_cast %get3A_700 : i32 to index
      %get3A_702 = arith.constant 48 : index
      %get3A_703 = tpu.vector_load %arg9[%get3A_701, %get3A_702] {strides = array<i32>} : memref<32x128xf32, #tpu.memory_space<vmem>>, vector<16xf32>,
      %swap3A_704 = arith.constant 18 : i32
      %swap3A_705 = arith.index_cast %swap3A_704 : i32 to index
      %swap3A_706 = arith.constant 48 : index
      %swap3A_707 = tpu.vector_load %arg7[%swap3A_705, %swap3A_706] {strides = array<i32>} : memref<128x128xf32, #tpu.memory_space<vmem>>, vector<16xf32>,
      tpu.vector_store %arg7[%swap3A_705, %swap3A_706], %get3A_703 {strides = array<i32>} : memref<128x128xf32, #tpu.memory_space<vmem>>, vector<16xf32>,
      %get3A_708 = arith.constant 9 : i32
      %get3A_709 = arith.index_cast %get3A_708 : i32 to index
      %get3A_710 = arith.constant 64 : index
      %get3A_711 = tpu.vector_load %arg9[%get3A_709, %get3A_710] {strides = array<i32>} : memref<32x128xf32, #tpu.memory_space<vmem>>, vector<16xf32>,
      %swap3A_712 = arith.constant 19 : i32
      %swap3A_713 = arith.index_cast %swap3A_712 : i32 to index
      %swap3A_714 = arith.constant 0 : index
      %swap3A_715 = tpu.vector_load %arg7[%swap3A_713, %swap3A_714] {strides = array<i32>} : memref<128x128xf32, #tpu.memory_space<vmem>>, vector<16xf32>,
      tpu.vector_store %arg7[%swap3A_713, %swap3A_714], %get3A_711 {strides = array<i32>} : memref<128x128xf32, #tpu.memory_space<vmem>>, vector<16xf32>,
      %get3A_716 = arith.constant 9 : i32
      %get3A_717 = arith.index_cast %get3A_716 : i32 to index
      %get3A_718 = arith.constant 80 : index
      %get3A_719 = tpu.vector_load %arg9[%get3A_717, %get3A_718] {strides = array<i32>} : memref<32x128xf32, #tpu.memory_space<vmem>>, vector<16xf32>,
      %swap3A_720 = arith.constant 19 : i32
      %swap3A_721 = arith.index_cast %swap3A_720 : i32 to index
      %swap3A_722 = arith.constant 16 : index
      %swap3A_723 = tpu.vector_load %arg7[%swap3A_721, %swap3A_722] {strides = array<i32>} : memref<128x128xf32, #tpu.memory_space<vmem>>, vector<16xf32>,
      tpu.vector_store %arg7[%swap3A_721, %swap3A_722], %get3A_719 {strides = array<i32>} : memref<128x128xf32, #tpu.memory_space<vmem>>, vector<16xf32>,
      %get3A_724 = arith.constant 9 : i32
      %get3A_725 = arith.index_cast %get3A_724 : i32 to index
      %get3A_726 = arith.constant 96 : index
      %get3A_727 = tpu.vector_load %arg9[%get3A_725, %get3A_726] {strides = array<i32>} : memref<32x128xf32, #tpu.memory_space<vmem>>, vector<16xf32>,
      %swap3A_728 = arith.constant 19 : i32
      %swap3A_729 = arith.index_cast %swap3A_728 : i32 to index
      %swap3A_730 = arith.constant 32 : index
      %swap3A_731 = tpu.vector_load %arg7[%swap3A_729, %swap3A_730] {strides = array<i32>} : memref<128x128xf32, #tpu.memory_space<vmem>>, vector<16xf32>,
      tpu.vector_store %arg7[%swap3A_729, %swap3A_730], %get3A_727 {strides = array<i32>} : memref<128x128xf32, #tpu.memory_space<vmem>>, vector<16xf32>,
      %get3A_732 = arith.constant 9 : i32
      %get3A_733 = arith.index_cast %get3A_732 : i32 to index
      %get3A_734 = arith.constant 112 : index
      %get3A_735 = tpu.vector_load %arg9[%get3A_733, %get3A_734] {strides = array<i32>} : memref<32x128xf32, #tpu.memory_space<vmem>>, vector<16xf32>,
      %swap3A_736 = arith.constant 19 : i32
      %swap3A_737 = arith.index_cast %swap3A_736 : i32 to index
      %swap3A_738 = arith.constant 48 : index
      %swap3A_739 = tpu.vector_load %arg7[%swap3A_737, %swap3A_738] {strides = array<i32>} : memref<128x128xf32, #tpu.memory_space<vmem>>, vector<16xf32>,
      tpu.vector_store %arg7[%swap3A_737, %swap3A_738], %get3A_735 {strides = array<i32>} : memref<128x128xf32, #tpu.memory_space<vmem>>, vector<16xf32>,
      %get3A_740 = arith.constant 10 : i32
      %get3A_741 = arith.index_cast %get3A_740 : i32 to index
      %get3A_742 = arith.constant 0 : index
      %get3A_743 = tpu.vector_load %arg9[%get3A_741, %get3A_742] {strides = array<i32>} : memref<32x128xf32, #tpu.memory_space<vmem>>, vector<16xf32>,
      %swap3A_744 = arith.constant 20 : i32
      %swap3A_745 = arith.index_cast %swap3A_744 : i32 to index
      %swap3A_746 = arith.constant 0 : index
      %swap3A_747 = tpu.vector_load %arg7[%swap3A_745, %swap3A_746] {strides = array<i32>} : memref<128x128xf32, #tpu.memory_space<vmem>>, vector<16xf32>,
      tpu.vector_store %arg7[%swap3A_745, %swap3A_746], %get3A_743 {strides = array<i32>} : memref<128x128xf32, #tpu.memory_space<vmem>>, vector<16xf32>,
      %get3A_748 = arith.constant 10 : i32
      %get3A_749 = arith.index_cast %get3A_748 : i32 to index
      %get3A_750 = arith.constant 16 : index
      %get3A_751 = tpu.vector_load %arg9[%get3A_749, %get3A_750] {strides = array<i32>} : memref<32x128xf32, #tpu.memory_space<vmem>>, vector<16xf32>,
      %swap3A_752 = arith.constant 20 : i32
      %swap3A_753 = arith.index_cast %swap3A_752 : i32 to index
      %swap3A_754 = arith.constant 16 : index
      %swap3A_755 = tpu.vector_load %arg7[%swap3A_753, %swap3A_754] {strides = array<i32>} : memref<128x128xf32, #tpu.memory_space<vmem>>, vector<16xf32>,
      tpu.vector_store %arg7[%swap3A_753, %swap3A_754], %get3A_751 {strides = array<i32>} : memref<128x128xf32, #tpu.memory_space<vmem>>, vector<16xf32>,
      %get3A_756 = arith.constant 10 : i32
      %get3A_757 = arith.index_cast %get3A_756 : i32 to index
      %get3A_758 = arith.constant 32 : index
      %get3A_759 = tpu.vector_load %arg9[%get3A_757, %get3A_758] {strides = array<i32>} : memref<32x128xf32, #tpu.memory_space<vmem>>, vector<16xf32>,
      %swap3A_760 = arith.constant 20 : i32
      %swap3A_761 = arith.index_cast %swap3A_760 : i32 to index
      %swap3A_762 = arith.constant 32 : index
      %swap3A_763 = tpu.vector_load %arg7[%swap3A_761, %swap3A_762] {strides = array<i32>} : memref<128x128xf32, #tpu.memory_space<vmem>>, vector<16xf32>,
      tpu.vector_store %arg7[%swap3A_761, %swap3A_762], %get3A_759 {strides = array<i32>} : memref<128x128xf32, #tpu.memory_space<vmem>>, vector<16xf32>,
      %get3A_764 = arith.constant 10 : i32
      %get3A_765 = arith.index_cast %get3A_764 : i32 to index
      %get3A_766 = arith.constant 48 : index
      %get3A_767 = tpu.vector_load %arg9[%get3A_765, %get3A_766] {strides = array<i32>} : memref<32x128xf32, #tpu.memory_space<vmem>>, vector<16xf32>,
      %swap3A_768 = arith.constant 20 : i32
      %swap3A_769 = arith.index_cast %swap3A_768 : i32 to index
      %swap3A_770 = arith.constant 48 : index
      %swap3A_771 = tpu.vector_load %arg7[%swap3A_769, %swap3A_770] {strides = array<i32>} : memref<128x128xf32, #tpu.memory_space<vmem>>, vector<16xf32>,
      tpu.vector_store %arg7[%swap3A_769, %swap3A_770], %get3A_767 {strides = array<i32>} : memref<128x128xf32, #tpu.memory_space<vmem>>, vector<16xf32>,
      %get3A_772 = arith.constant 10 : i32
      %get3A_773 = arith.index_cast %get3A_772 : i32 to index
      %get3A_774 = arith.constant 64 : index
      %get3A_775 = tpu.vector_load %arg9[%get3A_773, %get3A_774] {strides = array<i32>} : memref<32x128xf32, #tpu.memory_space<vmem>>, vector<16xf32>,
      %swap3A_776 = arith.constant 21 : i32
      %swap3A_777 = arith.index_cast %swap3A_776 : i32 to index
      %swap3A_778 = arith.constant 0 : index
      %swap3A_779 = tpu.vector_load %arg7[%swap3A_777, %swap3A_778] {strides = array<i32>} : memref<128x128xf32, #tpu.memory_space<vmem>>, vector<16xf32>,
      tpu.vector_store %arg7[%swap3A_777, %swap3A_778], %get3A_775 {strides = array<i32>} : memref<128x128xf32, #tpu.memory_space<vmem>>, vector<16xf32>,
      %get3A_780 = arith.constant 10 : i32
      %get3A_781 = arith.index_cast %get3A_780 : i32 to index
      %get3A_782 = arith.constant 80 : index
      %get3A_783 = tpu.vector_load %arg9[%get3A_781, %get3A_782] {strides = array<i32>} : memref<32x128xf32, #tpu.memory_space<vmem>>, vector<16xf32>,
      %swap3A_784 = arith.constant 21 : i32
      %swap3A_785 = arith.index_cast %swap3A_784 : i32 to index
      %swap3A_786 = arith.constant 16 : index
      %swap3A_787 = tpu.vector_load %arg7[%swap3A_785, %swap3A_786] {strides = array<i32>} : memref<128x128xf32, #tpu.memory_space<vmem>>, vector<16xf32>,
      tpu.vector_store %arg7[%swap3A_785, %swap3A_786], %get3A_783 {strides = array<i32>} : memref<128x128xf32, #tpu.memory_space<vmem>>, vector<16xf32>,
      %get3A_788 = arith.constant 10 : i32
      %get3A_789 = arith.index_cast %get3A_788 : i32 to index
      %get3A_790 = arith.constant 96 : index
      %get3A_791 = tpu.vector_load %arg9[%get3A_789, %get3A_790] {strides = array<i32>} : memref<32x128xf32, #tpu.memory_space<vmem>>, vector<16xf32>,
      %swap3A_792 = arith.constant 21 : i32
      %swap3A_793 = arith.index_cast %swap3A_792 : i32 to index
      %swap3A_794 = arith.constant 32 : index
      %swap3A_795 = tpu.vector_load %arg7[%swap3A_793, %swap3A_794] {strides = array<i32>} : memref<128x128xf32, #tpu.memory_space<vmem>>, vector<16xf32>,
      tpu.vector_store %arg7[%swap3A_793, %swap3A_794], %get3A_791 {strides = array<i32>} : memref<128x128xf32, #tpu.memory_space<vmem>>, vector<16xf32>,
      %get3A_796 = arith.constant 10 : i32
      %get3A_797 = arith.index_cast %get3A_796 : i32 to index
      %get3A_798 = arith.constant 112 : index
      %get3A_799 = tpu.vector_load %arg9[%get3A_797, %get3A_798] {strides = array<i32>} : memref<32x128xf32, #tpu.memory_space<vmem>>, vector<16xf32>,
      %swap3A_800 = arith.constant 21 : i32
      %swap3A_801 = arith.index_cast %swap3A_800 : i32 to index
      %swap3A_802 = arith.constant 48 : index
      %swap3A_803 = tpu.vector_load %arg7[%swap3A_801, %swap3A_802] {strides = array<i32>} : memref<128x128xf32, #tpu.memory_space<vmem>>, vector<16xf32>,
      tpu.vector_store %arg7[%swap3A_801, %swap3A_802], %get3A_799 {strides = array<i32>} : memref<128x128xf32, #tpu.memory_space<vmem>>, vector<16xf32>,
      %get3A_804 = arith.constant 11 : i32
      %get3A_805 = arith.index_cast %get3A_804 : i32 to index
      %get3A_806 = arith.constant 0 : index
      %get3A_807 = tpu.vector_load %arg9[%get3A_805, %get3A_806] {strides = array<i32>} : memref<32x128xf32, #tpu.memory_space<vmem>>, vector<16xf32>,
      %swap3A_808 = arith.constant 22 : i32
      %swap3A_809 = arith.index_cast %swap3A_808 : i32 to index
      %swap3A_810 = arith.constant 0 : index
      %swap3A_811 = tpu.vector_load %arg7[%swap3A_809, %swap3A_810] {strides = array<i32>} : memref<128x128xf32, #tpu.memory_space<vmem>>, vector<16xf32>,
      tpu.vector_store %arg7[%swap3A_809, %swap3A_810], %get3A_807 {strides = array<i32>} : memref<128x128xf32, #tpu.memory_space<vmem>>, vector<16xf32>,
      %get3A_812 = arith.constant 11 : i32
      %get3A_813 = arith.index_cast %get3A_812 : i32 to index
      %get3A_814 = arith.constant 16 : index
      %get3A_815 = tpu.vector_load %arg9[%get3A_813, %get3A_814] {strides = array<i32>} : memref<32x128xf32, #tpu.memory_space<vmem>>, vector<16xf32>,
      %swap3A_816 = arith.constant 22 : i32
      %swap3A_817 = arith.index_cast %swap3A_816 : i32 to index
      %swap3A_818 = arith.constant 16 : index
      %swap3A_819 = tpu.vector_load %arg7[%swap3A_817, %swap3A_818] {strides = array<i32>} : memref<128x128xf32, #tpu.memory_space<vmem>>, vector<16xf32>,
      tpu.vector_store %arg7[%swap3A_817, %swap3A_818], %get3A_815 {strides = array<i32>} : memref<128x128xf32, #tpu.memory_space<vmem>>, vector<16xf32>,
      %get3A_820 = arith.constant 11 : i32
      %get3A_821 = arith.index_cast %get3A_820 : i32 to index
      %get3A_822 = arith.constant 32 : index
      %get3A_823 = tpu.vector_load %arg9[%get3A_821, %get3A_822] {strides = array<i32>} : memref<32x128xf32, #tpu.memory_space<vmem>>, vector<16xf32>,
      %swap3A_824 = arith.constant 22 : i32
      %swap3A_825 = arith.index_cast %swap3A_824 : i32 to index
      %swap3A_826 = arith.constant 32 : index
      %swap3A_827 = tpu.vector_load %arg7[%swap3A_825, %swap3A_826] {strides = array<i32>} : memref<128x128xf32, #tpu.memory_space<vmem>>, vector<16xf32>,
      tpu.vector_store %arg7[%swap3A_825, %swap3A_826], %get3A_823 {strides = array<i32>} : memref<128x128xf32, #tpu.memory_space<vmem>>, vector<16xf32>,
      %get3A_828 = arith.constant 11 : i32
      %get3A_829 = arith.index_cast %get3A_828 : i32 to index
      %get3A_830 = arith.constant 48 : index
      %get3A_831 = tpu.vector_load %arg9[%get3A_829, %get3A_830] {strides = array<i32>} : memref<32x128xf32, #tpu.memory_space<vmem>>, vector<16xf32>,
      %swap3A_832 = arith.constant 22 : i32
      %swap3A_833 = arith.index_cast %swap3A_832 : i32 to index
      %swap3A_834 = arith.constant 48 : index
      %swap3A_835 = tpu.vector_load %arg7[%swap3A_833, %swap3A_834] {strides = array<i32>} : memref<128x128xf32, #tpu.memory_space<vmem>>, vector<16xf32>,
      tpu.vector_store %arg7[%swap3A_833, %swap3A_834], %get3A_831 {strides = array<i32>} : memref<128x128xf32, #tpu.memory_space<vmem>>, vector<16xf32>,
      %get3A_836 = arith.constant 11 : i32
      %get3A_837 = arith.index_cast %get3A_836 : i32 to index
      %get3A_838 = arith.constant 64 : index
      %get3A_839 = tpu.vector_load %arg9[%get3A_837, %get3A_838] {strides = array<i32>} : memref<32x128xf32, #tpu.memory_space<vmem>>, vector<16xf32>,
      %swap3A_840 = arith.constant 23 : i32
      %swap3A_841 = arith.index_cast %swap3A_840 : i32 to index
      %swap3A_842 = arith.constant 0 : index
      %swap3A_843 = tpu.vector_load %arg7[%swap3A_841, %swap3A_842] {strides = array<i32>} : memref<128x128xf32, #tpu.memory_space<vmem>>, vector<16xf32>,
      tpu.vector_store %arg7[%swap3A_841, %swap3A_842], %get3A_839 {strides = array<i32>} : memref<128x128xf32, #tpu.memory_space<vmem>>, vector<16xf32>,
      %get3A_844 = arith.constant 11 : i32
      %get3A_845 = arith.index_cast %get3A_844 : i32 to index
      %get3A_846 = arith.constant 80 : index
      %get3A_847 = tpu.vector_load %arg9[%get3A_845, %get3A_846] {strides = array<i32>} : memref<32x128xf32, #tpu.memory_space<vmem>>, vector<16xf32>,
      %swap3A_848 = arith.constant 23 : i32
      %swap3A_849 = arith.index_cast %swap3A_848 : i32 to index
      %swap3A_850 = arith.constant 16 : index
      %swap3A_851 = tpu.vector_load %arg7[%swap3A_849, %swap3A_850] {strides = array<i32>} : memref<128x128xf32, #tpu.memory_space<vmem>>, vector<16xf32>,
      tpu.vector_store %arg7[%swap3A_849, %swap3A_850], %get3A_847 {strides = array<i32>} : memref<128x128xf32, #tpu.memory_space<vmem>>, vector<16xf32>,
      %get3A_852 = arith.constant 11 : i32
      %get3A_853 = arith.index_cast %get3A_852 : i32 to index
      %get3A_854 = arith.constant 96 : index
      %get3A_855 = tpu.vector_load %arg9[%get3A_853, %get3A_854] {strides = array<i32>} : memref<32x128xf32, #tpu.memory_space<vmem>>, vector<16xf32>,
      %swap3A_856 = arith.constant 23 : i32
      %swap3A_857 = arith.index_cast %swap3A_856 : i32 to index
      %swap3A_858 = arith.constant 32 : index
      %swap3A_859 = tpu.vector_load %arg7[%swap3A_857, %swap3A_858] {strides = array<i32>} : memref<128x128xf32, #tpu.memory_space<vmem>>, vector<16xf32>,
      tpu.vector_store %arg7[%swap3A_857, %swap3A_858], %get3A_855 {strides = array<i32>} : memref<128x128xf32, #tpu.memory_space<vmem>>, vector<16xf32>,
      %get3A_860 = arith.constant 11 : i32
      %get3A_861 = arith.index_cast %get3A_860 : i32 to index
      %get3A_862 = arith.constant 112 : index
      %get3A_863 = tpu.vector_load %arg9[%get3A_861, %get3A_862] {strides = array<i32>} : memref<32x128xf32, #tpu.memory_space<vmem>>, vector<16xf32>,
      %swap3A_864 = arith.constant 23 : i32
      %swap3A_865 = arith.index_cast %swap3A_864 : i32 to index
      %swap3A_866 = arith.constant 48 : index
      %swap3A_867 = tpu.vector_load %arg7[%swap3A_865, %swap3A_866] {strides = array<i32>} : memref<128x128xf32, #tpu.memory_space<vmem>>, vector<16xf32>,
      tpu.vector_store %arg7[%swap3A_865, %swap3A_866], %get3A_863 {strides = array<i32>} : memref<128x128xf32, #tpu.memory_space<vmem>>, vector<16xf32>,
      %get3A_868 = arith.constant 12 : i32
      %get3A_869 = arith.index_cast %get3A_868 : i32 to index
      %get3A_870 = arith.constant 0 : index
      %get3A_871 = tpu.vector_load %arg9[%get3A_869, %get3A_870] {strides = array<i32>} : memref<32x128xf32, #tpu.memory_space<vmem>>, vector<16xf32>,
      %swap3A_872 = arith.constant 24 : i32
      %swap3A_873 = arith.index_cast %swap3A_872 : i32 to index
      %swap3A_874 = arith.constant 0 : index
      %swap3A_875 = tpu.vector_load %arg7[%swap3A_873, %swap3A_874] {strides = array<i32>} : memref<128x128xf32, #tpu.memory_space<vmem>>, vector<16xf32>,
      tpu.vector_store %arg7[%swap3A_873, %swap3A_874], %get3A_871 {strides = array<i32>} : memref<128x128xf32, #tpu.memory_space<vmem>>, vector<16xf32>,
      %get3A_876 = arith.constant 12 : i32
      %get3A_877 = arith.index_cast %get3A_876 : i32 to index
      %get3A_878 = arith.constant 16 : index
      %get3A_879 = tpu.vector_load %arg9[%get3A_877, %get3A_878] {strides = array<i32>} : memref<32x128xf32, #tpu.memory_space<vmem>>, vector<16xf32>,
      %swap3A_880 = arith.constant 24 : i32
      %swap3A_881 = arith.index_cast %swap3A_880 : i32 to index
      %swap3A_882 = arith.constant 16 : index
      %swap3A_883 = tpu.vector_load %arg7[%swap3A_881, %swap3A_882] {strides = array<i32>} : memref<128x128xf32, #tpu.memory_space<vmem>>, vector<16xf32>,
      tpu.vector_store %arg7[%swap3A_881, %swap3A_882], %get3A_879 {strides = array<i32>} : memref<128x128xf32, #tpu.memory_space<vmem>>, vector<16xf32>,
      %get3A_884 = arith.constant 12 : i32
      %get3A_885 = arith.index_cast %get3A_884 : i32 to index
      %get3A_886 = arith.constant 32 : index
      %get3A_887 = tpu.vector_load %arg9[%get3A_885, %get3A_886] {strides = array<i32>} : memref<32x128xf32, #tpu.memory_space<vmem>>, vector<16xf32>,
      %swap3A_888 = arith.constant 24 : i32
      %swap3A_889 = arith.index_cast %swap3A_888 : i32 to index
      %swap3A_890 = arith.constant 32 : index
      %swap3A_891 = tpu.vector_load %arg7[%swap3A_889, %swap3A_890] {strides = array<i32>} : memref<128x128xf32, #tpu.memory_space<vmem>>, vector<16xf32>,
      tpu.vector_store %arg7[%swap3A_889, %swap3A_890], %get3A_887 {strides = array<i32>} : memref<128x128xf32, #tpu.memory_space<vmem>>, vector<16xf32>,
      %get3A_892 = arith.constant 12 : i32
      %get3A_893 = arith.index_cast %get3A_892 : i32 to index
      %get3A_894 = arith.constant 48 : index
      %get3A_895 = tpu.vector_load %arg9[%get3A_893, %get3A_894] {strides = array<i32>} : memref<32x128xf32, #tpu.memory_space<vmem>>, vector<16xf32>,
      %swap3A_896 = arith.constant 24 : i32
      %swap3A_897 = arith.index_cast %swap3A_896 : i32 to index
      %swap3A_898 = arith.constant 48 : index
      %swap3A_899 = tpu.vector_load %arg7[%swap3A_897, %swap3A_898] {strides = array<i32>} : memref<128x128xf32, #tpu.memory_space<vmem>>, vector<16xf32>,
      tpu.vector_store %arg7[%swap3A_897, %swap3A_898], %get3A_895 {strides = array<i32>} : memref<128x128xf32, #tpu.memory_space<vmem>>, vector<16xf32>,
      %get3A_900 = arith.constant 12 : i32
      %get3A_901 = arith.index_cast %get3A_900 : i32 to index
      %get3A_902 = arith.constant 64 : index
      %get3A_903 = tpu.vector_load %arg9[%get3A_901, %get3A_902] {strides = array<i32>} : memref<32x128xf32, #tpu.memory_space<vmem>>, vector<16xf32>,
      %swap3A_904 = arith.constant 25 : i32
      %swap3A_905 = arith.index_cast %swap3A_904 : i32 to index
      %swap3A_906 = arith.constant 0 : index
      %swap3A_907 = tpu.vector_load %arg7[%swap3A_905, %swap3A_906] {strides = array<i32>} : memref<128x128xf32, #tpu.memory_space<vmem>>, vector<16xf32>,
      tpu.vector_store %arg7[%swap3A_905, %swap3A_906], %get3A_903 {strides = array<i32>} : memref<128x128xf32, #tpu.memory_space<vmem>>, vector<16xf32>,
      %get3A_908 = arith.constant 12 : i32
      %get3A_909 = arith.index_cast %get3A_908 : i32 to index
      %get3A_910 = arith.constant 80 : index
      %get3A_911 = tpu.vector_load %arg9[%get3A_909, %get3A_910] {strides = array<i32>} : memref<32x128xf32, #tpu.memory_space<vmem>>, vector<16xf32>,
      %swap3A_912 = arith.constant 25 : i32
      %swap3A_913 = arith.index_cast %swap3A_912 : i32 to index
      %swap3A_914 = arith.constant 16 : index
      %swap3A_915 = tpu.vector_load %arg7[%swap3A_913, %swap3A_914] {strides = array<i32>} : memref<128x128xf32, #tpu.memory_space<vmem>>, vector<16xf32>,
      tpu.vector_store %arg7[%swap3A_913, %swap3A_914], %get3A_911 {strides = array<i32>} : memref<128x128xf32, #tpu.memory_space<vmem>>, vector<16xf32>,
      %get3A_916 = arith.constant 12 : i32
      %get3A_917 = arith.index_cast %get3A_916 : i32 to index
      %get3A_918 = arith.constant 96 : index
      %get3A_919 = tpu.vector_load %arg9[%get3A_917, %get3A_918] {strides = array<i32>} : memref<32x128xf32, #tpu.memory_space<vmem>>, vector<16xf32>,
      %swap3A_920 = arith.constant 25 : i32
      %swap3A_921 = arith.index_cast %swap3A_920 : i32 to index
      %swap3A_922 = arith.constant 32 : index
      %swap3A_923 = tpu.vector_load %arg7[%swap3A_921, %swap3A_922] {strides = array<i32>} : memref<128x128xf32, #tpu.memory_space<vmem>>, vector<16xf32>,
      tpu.vector_store %arg7[%swap3A_921, %swap3A_922], %get3A_919 {strides = array<i32>} : memref<128x128xf32, #tpu.memory_space<vmem>>, vector<16xf32>,
      %get3A_924 = arith.constant 12 : i32
      %get3A_925 = arith.index_cast %get3A_924 : i32 to index
      %get3A_926 = arith.constant 112 : index
      %get3A_927 = tpu.vector_load %arg9[%get3A_925, %get3A_926] {strides = array<i32>} : memref<32x128xf32, #tpu.memory_space<vmem>>, vector<16xf32>,
      %swap3A_928 = arith.constant 25 : i32
      %swap3A_929 = arith.index_cast %swap3A_928 : i32 to index
      %swap3A_930 = arith.constant 48 : index
      %swap3A_931 = tpu.vector_load %arg7[%swap3A_929, %swap3A_930] {strides = array<i32>} : memref<128x128xf32, #tpu.memory_space<vmem>>, vector<16xf32>,
      tpu.vector_store %arg7[%swap3A_929, %swap3A_930], %get3A_927 {strides = array<i32>} : memref<128x128xf32, #tpu.memory_space<vmem>>, vector<16xf32>,
      %get3A_932 = arith.constant 13 : i32
      %get3A_933 = arith.index_cast %get3A_932 : i32 to index
      %get3A_934 = arith.constant 0 : index
      %get3A_935 = tpu.vector_load %arg9[%get3A_933, %get3A_934] {strides = array<i32>} : memref<32x128xf32, #tpu.memory_space<vmem>>, vector<16xf32>,
      %swap3A_936 = arith.constant 26 : i32
      %swap3A_937 = arith.index_cast %swap3A_936 : i32 to index
      %swap3A_938 = arith.constant 0 : index
      %swap3A_939 = tpu.vector_load %arg7[%swap3A_937, %swap3A_938] {strides = array<i32>} : memref<128x128xf32, #tpu.memory_space<vmem>>, vector<16xf32>,
      tpu.vector_store %arg7[%swap3A_937, %swap3A_938], %get3A_935 {strides = array<i32>} : memref<128x128xf32, #tpu.memory_space<vmem>>, vector<16xf32>,
      %get3A_940 = arith.constant 13 : i32
      %get3A_941 = arith.index_cast %get3A_940 : i32 to index
      %get3A_942 = arith.constant 16 : index
      %get3A_943 = tpu.vector_load %arg9[%get3A_941, %get3A_942] {strides = array<i32>} : memref<32x128xf32, #tpu.memory_space<vmem>>, vector<16xf32>,
      %swap3A_944 = arith.constant 26 : i32
      %swap3A_945 = arith.index_cast %swap3A_944 : i32 to index
      %swap3A_946 = arith.constant 16 : index
      %swap3A_947 = tpu.vector_load %arg7[%swap3A_945, %swap3A_946] {strides = array<i32>} : memref<128x128xf32, #tpu.memory_space<vmem>>, vector<16xf32>,
      tpu.vector_store %arg7[%swap3A_945, %swap3A_946], %get3A_943 {strides = array<i32>} : memref<128x128xf32, #tpu.memory_space<vmem>>, vector<16xf32>,
      %get3A_948 = arith.constant 13 : i32
      %get3A_949 = arith.index_cast %get3A_948 : i32 to index
      %get3A_950 = arith.constant 32 : index
      %get3A_951 = tpu.vector_load %arg9[%get3A_949, %get3A_950] {strides = array<i32>} : memref<32x128xf32, #tpu.memory_space<vmem>>, vector<16xf32>,
      %swap3A_952 = arith.constant 26 : i32
      %swap3A_953 = arith.index_cast %swap3A_952 : i32 to index
      %swap3A_954 = arith.constant 32 : index
      %swap3A_955 = tpu.vector_load %arg7[%swap3A_953, %swap3A_954] {strides = array<i32>} : memref<128x128xf32, #tpu.memory_space<vmem>>, vector<16xf32>,
      tpu.vector_store %arg7[%swap3A_953, %swap3A_954], %get3A_951 {strides = array<i32>} : memref<128x128xf32, #tpu.memory_space<vmem>>, vector<16xf32>,
      %get3A_956 = arith.constant 13 : i32
      %get3A_957 = arith.index_cast %get3A_956 : i32 to index
      %get3A_958 = arith.constant 48 : index
      %get3A_959 = tpu.vector_load %arg9[%get3A_957, %get3A_958] {strides = array<i32>} : memref<32x128xf32, #tpu.memory_space<vmem>>, vector<16xf32>,
      %swap3A_960 = arith.constant 26 : i32
      %swap3A_961 = arith.index_cast %swap3A_960 : i32 to index
      %swap3A_962 = arith.constant 48 : index
      %swap3A_963 = tpu.vector_load %arg7[%swap3A_961, %swap3A_962] {strides = array<i32>} : memref<128x128xf32, #tpu.memory_space<vmem>>, vector<16xf32>,
      tpu.vector_store %arg7[%swap3A_961, %swap3A_962], %get3A_959 {strides = array<i32>} : memref<128x128xf32, #tpu.memory_space<vmem>>, vector<16xf32>,
      %get3A_964 = arith.constant 13 : i32
      %get3A_965 = arith.index_cast %get3A_964 : i32 to index
      %get3A_966 = arith.constant 64 : index
      %get3A_967 = tpu.vector_load %arg9[%get3A_965, %get3A_966] {strides = array<i32>} : memref<32x128xf32, #tpu.memory_space<vmem>>, vector<16xf32>,
      %swap3A_968 = arith.constant 27 : i32
      %swap3A_969 = arith.index_cast %swap3A_968 : i32 to index
      %swap3A_970 = arith.constant 0 : index
      %swap3A_971 = tpu.vector_load %arg7[%swap3A_969, %swap3A_970] {strides = array<i32>} : memref<128x128xf32, #tpu.memory_space<vmem>>, vector<16xf32>,
      tpu.vector_store %arg7[%swap3A_969, %swap3A_970], %get3A_967 {strides = array<i32>} : memref<128x128xf32, #tpu.memory_space<vmem>>, vector<16xf32>,
      %get3A_972 = arith.constant 13 : i32
      %get3A_973 = arith.index_cast %get3A_972 : i32 to index
      %get3A_974 = arith.constant 80 : index
      %get3A_975 = tpu.vector_load %arg9[%get3A_973, %get3A_974] {strides = array<i32>} : memref<32x128xf32, #tpu.memory_space<vmem>>, vector<16xf32>,
      %swap3A_976 = arith.constant 27 : i32
      %swap3A_977 = arith.index_cast %swap3A_976 : i32 to index
      %swap3A_978 = arith.constant 16 : index
      %swap3A_979 = tpu.vector_load %arg7[%swap3A_977, %swap3A_978] {strides = array<i32>} : memref<128x128xf32, #tpu.memory_space<vmem>>, vector<16xf32>,
      tpu.vector_store %arg7[%swap3A_977, %swap3A_978], %get3A_975 {strides = array<i32>} : memref<128x128xf32, #tpu.memory_space<vmem>>, vector<16xf32>,
      %get3A_980 = arith.constant 13 : i32
      %get3A_981 = arith.index_cast %get3A_980 : i32 to index
      %get3A_982 = arith.constant 96 : index
      %get3A_983 = tpu.vector_load %arg9[%get3A_981, %get3A_982] {strides = array<i32>} : memref<32x128xf32, #tpu.memory_space<vmem>>, vector<16xf32>,
      %swap3A_984 = arith.constant 27 : i32
      %swap3A_985 = arith.index_cast %swap3A_984 : i32 to index
      %swap3A_986 = arith.constant 32 : index
      %swap3A_987 = tpu.vector_load %arg7[%swap3A_985, %swap3A_986] {strides = array<i32>} : memref<128x128xf32, #tpu.memory_space<vmem>>, vector<16xf32>,
      tpu.vector_store %arg7[%swap3A_985, %swap3A_986], %get3A_983 {strides = array<i32>} : memref<128x128xf32, #tpu.memory_space<vmem>>, vector<16xf32>,
      %get3A_988 = arith.constant 13 : i32
      %get3A_989 = arith.index_cast %get3A_988 : i32 to index
      %get3A_990 = arith.constant 112 : index
      %get3A_991 = tpu.vector_load %arg9[%get3A_989, %get3A_990] {strides = array<i32>} : memref<32x128xf32, #tpu.memory_space<vmem>>, vector<16xf32>,
      %swap3A_992 = arith.constant 27 : i32
      %swap3A_993 = arith.index_cast %swap3A_992 : i32 to index
      %swap3A_994 = arith.constant 48 : index
      %swap3A_995 = tpu.vector_load %arg7[%swap3A_993, %swap3A_994] {strides = array<i32>} : memref<128x128xf32, #tpu.memory_space<vmem>>, vector<16xf32>,
      tpu.vector_store %arg7[%swap3A_993, %swap3A_994], %get3A_991 {strides = array<i32>} : memref<128x128xf32, #tpu.memory_space<vmem>>, vector<16xf32>,
      %get3A_996 = arith.constant 14 : i32
      %get3A_997 = arith.index_cast %get3A_996 : i32 to index
      %get3A_998 = arith.constant 0 : index
      %get3A_999 = tpu.vector_load %arg9[%get3A_997, %get3A_998] {strides = array<i32>} : memref<32x128xf32, #tpu.memory_space<vmem>>, vector<16xf32>,
      %swap3A_1000 = arith.constant 28 : i32
      %swap3A_1001 = arith.index_cast %swap3A_1000 : i32 to index
      %swap3A_1002 = arith.constant 0 : index
      %swap3A_1003 = tpu.vector_load %arg7[%swap3A_1001, %swap3A_1002] {strides = array<i32>} : memref<128x128xf32, #tpu.memory_space<vmem>>, vector<16xf32>,
      tpu.vector_store %arg7[%swap3A_1001, %swap3A_1002], %get3A_999 {strides = array<i32>} : memref<128x128xf32, #tpu.memory_space<vmem>>, vector<16xf32>,
      %get3A_1004 = arith.constant 14 : i32
      %get3A_1005 = arith.index_cast %get3A_1004 : i32 to index
      %get3A_1006 = arith.constant 16 : index
      %get3A_1007 = tpu.vector_load %arg9[%get3A_1005, %get3A_1006] {strides = array<i32>} : memref<32x128xf32, #tpu.memory_space<vmem>>, vector<16xf32>,
      %swap3A_1008 = arith.constant 28 : i32
      %swap3A_1009 = arith.index_cast %swap3A_1008 : i32 to index
      %swap3A_1010 = arith.constant 16 : index
      %swap3A_1011 = tpu.vector_load %arg7[%swap3A_1009, %swap3A_1010] {strides = array<i32>} : memref<128x128xf32, #tpu.memory_space<vmem>>, vector<16xf32>,
      tpu.vector_store %arg7[%swap3A_1009, %swap3A_1010], %get3A_1007 {strides = array<i32>} : memref<128x128xf32, #tpu.memory_space<vmem>>, vector<16xf32>,
      %get3A_1012 = arith.constant 14 : i32
      %get3A_1013 = arith.index_cast %get3A_1012 : i32 to index
      %get3A_1014 = arith.constant 32 : index
      %get3A_1015 = tpu.vector_load %arg9[%get3A_1013, %get3A_1014] {strides = array<i32>} : memref<32x128xf32, #tpu.memory_space<vmem>>, vector<16xf32>,
      %swap3A_1016 = arith.constant 28 : i32
      %swap3A_1017 = arith.index_cast %swap3A_1016 : i32 to index
      %swap3A_1018 = arith.constant 32 : index
      %swap3A_1019 = tpu.vector_load %arg7[%swap3A_1017, %swap3A_1018] {strides = array<i32>} : memref<128x128xf32, #tpu.memory_space<vmem>>, vector<16xf32>,
      tpu.vector_store %arg7[%swap3A_1017, %swap3A_1018], %get3A_1015 {strides = array<i32>} : memref<128x128xf32, #tpu.memory_space<vmem>>, vector<16xf32>,
      %get3A_1020 = arith.constant 14 : i32
      %get3A_1021 = arith.index_cast %get3A_1020 : i32 to index
      %get3A_1022 = arith.constant 48 : index
      %get3A_1023 = tpu.vector_load %arg9[%get3A_1021, %get3A_1022] {strides = array<i32>} : memref<32x128xf32, #tpu.memory_space<vmem>>, vector<16xf32>,
      %swap3A_1024 = arith.constant 28 : i32
      %swap3A_1025 = arith.index_cast %swap3A_1024 : i32 to index
      %swap3A_1026 = arith.constant 48 : index
      %swap3A_1027 = tpu.vector_load %arg7[%swap3A_1025, %swap3A_1026] {strides = array<i32>} : memref<128x128xf32, #tpu.memory_space<vmem>>, vector<16xf32>,
      tpu.vector_store %arg7[%swap3A_1025, %swap3A_1026], %get3A_1023 {strides = array<i32>} : memref<128x128xf32, #tpu.memory_space<vmem>>, vector<16xf32>,
      %get3A_1028 = arith.constant 14 : i32
      %get3A_1029 = arith.index_cast %get3A_1028 : i32 to index
      %get3A_1030 = arith.constant 64 : index
      %get3A_1031 = tpu.vector_load %arg9[%get3A_1029, %get3A_1030] {strides = array<i32>} : memref<32x128xf32, #tpu.memory_space<vmem>>, vector<16xf32>,
      %swap3A_1032 = arith.constant 29 : i32
      %swap3A_1033 = arith.index_cast %swap3A_1032 : i32 to index
      %swap3A_1034 = arith.constant 0 : index
      %swap3A_1035 = tpu.vector_load %arg7[%swap3A_1033, %swap3A_1034] {strides = array<i32>} : memref<128x128xf32, #tpu.memory_space<vmem>>, vector<16xf32>,
      tpu.vector_store %arg7[%swap3A_1033, %swap3A_1034], %get3A_1031 {strides = array<i32>} : memref<128x128xf32, #tpu.memory_space<vmem>>, vector<16xf32>,
      %get3A_1036 = arith.constant 14 : i32
      %get3A_1037 = arith.index_cast %get3A_1036 : i32 to index
      %get3A_1038 = arith.constant 80 : index
      %get3A_1039 = tpu.vector_load %arg9[%get3A_1037, %get3A_1038] {strides = array<i32>} : memref<32x128xf32, #tpu.memory_space<vmem>>, vector<16xf32>,
      %swap3A_1040 = arith.constant 29 : i32
      %swap3A_1041 = arith.index_cast %swap3A_1040 : i32 to index
      %swap3A_1042 = arith.constant 16 : index
      %swap3A_1043 = tpu.vector_load %arg7[%swap3A_1041, %swap3A_1042] {strides = array<i32>} : memref<128x128xf32, #tpu.memory_space<vmem>>, vector<16xf32>,
      tpu.vector_store %arg7[%swap3A_1041, %swap3A_1042], %get3A_1039 {strides = array<i32>} : memref<128x128xf32, #tpu.memory_space<vmem>>, vector<16xf32>,
      %get3A_1044 = arith.constant 14 : i32
      %get3A_1045 = arith.index_cast %get3A_1044 : i32 to index
      %get3A_1046 = arith.constant 96 : index
      %get3A_1047 = tpu.vector_load %arg9[%get3A_1045, %get3A_1046] {strides = array<i32>} : memref<32x128xf32, #tpu.memory_space<vmem>>, vector<16xf32>,
      %swap3A_1048 = arith.constant 29 : i32
      %swap3A_1049 = arith.index_cast %swap3A_1048 : i32 to index
      %swap3A_1050 = arith.constant 32 : index
      %swap3A_1051 = tpu.vector_load %arg7[%swap3A_1049, %swap3A_1050] {strides = array<i32>} : memref<128x128xf32, #tpu.memory_space<vmem>>, vector<16xf32>,
      tpu.vector_store %arg7[%swap3A_1049, %swap3A_1050], %get3A_1047 {strides = array<i32>} : memref<128x128xf32, #tpu.memory_space<vmem>>, vector<16xf32>,
      %get3A_1052 = arith.constant 14 : i32
      %get3A_1053 = arith.index_cast %get3A_1052 : i32 to index
      %get3A_1054 = arith.constant 112 : index
      %get3A_1055 = tpu.vector_load %arg9[%get3A_1053, %get3A_1054] {strides = array<i32>} : memref<32x128xf32, #tpu.memory_space<vmem>>, vector<16xf32>,
      %swap3A_1056 = arith.constant 29 : i32
      %swap3A_1057 = arith.index_cast %swap3A_1056 : i32 to index
      %swap3A_1058 = arith.constant 48 : index
      %swap3A_1059 = tpu.vector_load %arg7[%swap3A_1057, %swap3A_1058] {strides = array<i32>} : memref<128x128xf32, #tpu.memory_space<vmem>>, vector<16xf32>,
      tpu.vector_store %arg7[%swap3A_1057, %swap3A_1058], %get3A_1055 {strides = array<i32>} : memref<128x128xf32, #tpu.memory_space<vmem>>, vector<16xf32>,
      %get3A_1060 = arith.constant 15 : i32
      %get3A_1061 = arith.index_cast %get3A_1060 : i32 to index
      %get3A_1062 = arith.constant 0 : index
      %get3A_1063 = tpu.vector_load %arg9[%get3A_1061, %get3A_1062] {strides = array<i32>} : memref<32x128xf32, #tpu.memory_space<vmem>>, vector<16xf32>,
      %swap3A_1064 = arith.constant 30 : i32
      %swap3A_1065 = arith.index_cast %swap3A_1064 : i32 to index
      %swap3A_1066 = arith.constant 0 : index
      %swap3A_1067 = tpu.vector_load %arg7[%swap3A_1065, %swap3A_1066] {strides = array<i32>} : memref<128x128xf32, #tpu.memory_space<vmem>>, vector<16xf32>,
      tpu.vector_store %arg7[%swap3A_1065, %swap3A_1066], %get3A_1063 {strides = array<i32>} : memref<128x128xf32, #tpu.memory_space<vmem>>, vector<16xf32>,
      %get3A_1068 = arith.constant 15 : i32
      %get3A_1069 = arith.index_cast %get3A_1068 : i32 to index
      %get3A_1070 = arith.constant 16 : index
      %get3A_1071 = tpu.vector_load %arg9[%get3A_1069, %get3A_1070] {strides = array<i32>} : memref<32x128xf32, #tpu.memory_space<vmem>>, vector<16xf32>,
      %swap3A_1072 = arith.constant 30 : i32
      %swap3A_1073 = arith.index_cast %swap3A_1072 : i32 to index
      %swap3A_1074 = arith.constant 16 : index
      %swap3A_1075 = tpu.vector_load %arg7[%swap3A_1073, %swap3A_1074] {strides = array<i32>} : memref<128x128xf32, #tpu.memory_space<vmem>>, vector<16xf32>,
      tpu.vector_store %arg7[%swap3A_1073, %swap3A_1074], %get3A_1071 {strides = array<i32>} : memref<128x128xf32, #tpu.memory_space<vmem>>, vector<16xf32>,
      %get3A_1076 = arith.constant 15 : i32
      %get3A_1077 = arith.index_cast %get3A_1076 : i32 to index
      %get3A_1078 = arith.constant 32 : index
      %get3A_1079 = tpu.vector_load %arg9[%get3A_1077, %get3A_1078] {strides = array<i32>} : memref<32x128xf32, #tpu.memory_space<vmem>>, vector<16xf32>,
      %swap3A_1080 = arith.constant 30 : i32
      %swap3A_1081 = arith.index_cast %swap3A_1080 : i32 to index
      %swap3A_1082 = arith.constant 32 : index
      %swap3A_1083 = tpu.vector_load %arg7[%swap3A_1081, %swap3A_1082] {strides = array<i32>} : memref<128x128xf32, #tpu.memory_space<vmem>>, vector<16xf32>,
      tpu.vector_store %arg7[%swap3A_1081, %swap3A_1082], %get3A_1079 {strides = array<i32>} : memref<128x128xf32, #tpu.memory_space<vmem>>, vector<16xf32>,
      %get3A_1084 = arith.constant 15 : i32
      %get3A_1085 = arith.index_cast %get3A_1084 : i32 to index
      %get3A_1086 = arith.constant 48 : index
      %get3A_1087 = tpu.vector_load %arg9[%get3A_1085, %get3A_1086] {strides = array<i32>} : memref<32x128xf32, #tpu.memory_space<vmem>>, vector<16xf32>,
      %swap3A_1088 = arith.constant 30 : i32
      %swap3A_1089 = arith.index_cast %swap3A_1088 : i32 to index
      %swap3A_1090 = arith.constant 48 : index
      %swap3A_1091 = tpu.vector_load %arg7[%swap3A_1089, %swap3A_1090] {strides = array<i32>} : memref<128x128xf32, #tpu.memory_space<vmem>>, vector<16xf32>,
      tpu.vector_store %arg7[%swap3A_1089, %swap3A_1090], %get3A_1087 {strides = array<i32>} : memref<128x128xf32, #tpu.memory_space<vmem>>, vector<16xf32>,
      %get3A_1092 = arith.constant 15 : i32
      %get3A_1093 = arith.index_cast %get3A_1092 : i32 to index
      %get3A_1094 = arith.constant 64 : index
      %get3A_1095 = tpu.vector_load %arg9[%get3A_1093, %get3A_1094] {strides = array<i32>} : memref<32x128xf32, #tpu.memory_space<vmem>>, vector<16xf32>,
      %swap3A_1096 = arith.constant 31 : i32
      %swap3A_1097 = arith.index_cast %swap3A_1096 : i32 to index
      %swap3A_1098 = arith.constant 0 : index
      %swap3A_1099 = tpu.vector_load %arg7[%swap3A_1097, %swap3A_1098] {strides = array<i32>} : memref<128x128xf32, #tpu.memory_space<vmem>>, vector<16xf32>,
      tpu.vector_store %arg7[%swap3A_1097, %swap3A_1098], %get3A_1095 {strides = array<i32>} : memref<128x128xf32, #tpu.memory_space<vmem>>, vector<16xf32>,
      %get3A_1100 = arith.constant 15 : i32
      %get3A_1101 = arith.index_cast %get3A_1100 : i32 to index
      %get3A_1102 = arith.constant 80 : index
      %get3A_1103 = tpu.vector_load %arg9[%get3A_1101, %get3A_1102] {strides = array<i32>} : memref<32x128xf32, #tpu.memory_space<vmem>>, vector<16xf32>,
      %swap3A_1104 = arith.constant 31 : i32
      %swap3A_1105 = arith.index_cast %swap3A_1104 : i32 to index
      %swap3A_1106 = arith.constant 16 : index
      %swap3A_1107 = tpu.vector_load %arg7[%swap3A_1105, %swap3A_1106] {strides = array<i32>} : memref<128x128xf32, #tpu.memory_space<vmem>>, vector<16xf32>,
      tpu.vector_store %arg7[%swap3A_1105, %swap3A_1106], %get3A_1103 {strides = array<i32>} : memref<128x128xf32, #tpu.memory_space<vmem>>, vector<16xf32>,
      %get3A_1108 = arith.constant 15 : i32
      %get3A_1109 = arith.index_cast %get3A_1108 : i32 to index
      %get3A_1110 = arith.constant 96 : index
      %get3A_1111 = tpu.vector_load %arg9[%get3A_1109, %get3A_1110] {strides = array<i32>} : memref<32x128xf32, #tpu.memory_space<vmem>>, vector<16xf32>,
      %swap3A_1112 = arith.constant 31 : i32
      %swap3A_1113 = arith.index_cast %swap3A_1112 : i32 to index
      %swap3A_1114 = arith.constant 32 : index
      %swap3A_1115 = tpu.vector_load %arg7[%swap3A_1113, %swap3A_1114] {strides = array<i32>} : memref<128x128xf32, #tpu.memory_space<vmem>>, vector<16xf32>,
      tpu.vector_store %arg7[%swap3A_1113, %swap3A_1114], %get3A_1111 {strides = array<i32>} : memref<128x128xf32, #tpu.memory_space<vmem>>, vector<16xf32>,
      %get3A_1116 = arith.constant 15 : i32
      %get3A_1117 = arith.index_cast %get3A_1116 : i32 to index
      %get3A_1118 = arith.constant 112 : index
      %get3A_1119 = tpu.vector_load %arg9[%get3A_1117, %get3A_1118] {strides = array<i32>} : memref<32x128xf32, #tpu.memory_space<vmem>>, vector<16xf32>,
      %swap3A_1120 = arith.constant 31 : i32
      %swap3A_1121 = arith.index_cast %swap3A_1120 : i32 to index
      %swap3A_1122 = arith.constant 48 : index
      %swap3A_1123 = tpu.vector_load %arg7[%swap3A_1121, %swap3A_1122] {strides = array<i32>} : memref<128x128xf32, #tpu.memory_space<vmem>>, vector<16xf32>,
      tpu.vector_store %arg7[%swap3A_1121, %swap3A_1122], %get3A_1119 {strides = array<i32>} : memref<128x128xf32, #tpu.memory_space<vmem>>, vector<16xf32>,
      %get3A_1124 = arith.constant 16 : i32
      %get3A_1125 = arith.index_cast %get3A_1124 : i32 to index
      %get3A_1126 = arith.constant 0 : index
      %get3A_1127 = tpu.vector_load %arg9[%get3A_1125, %get3A_1126] {strides = array<i32>} : memref<32x128xf32, #tpu.memory_space<vmem>>, vector<16xf32>,
      %swap3A_1128 = arith.constant 32 : i32
      %swap3A_1129 = arith.index_cast %swap3A_1128 : i32 to index
      %swap3A_1130 = arith.constant 0 : index
      %swap3A_1131 = tpu.vector_load %arg7[%swap3A_1129, %swap3A_1130] {strides = array<i32>} : memref<128x128xf32, #tpu.memory_space<vmem>>, vector<16xf32>,
      tpu.vector_store %arg7[%swap3A_1129, %swap3A_1130], %get3A_1127 {strides = array<i32>} : memref<128x128xf32, #tpu.memory_space<vmem>>, vector<16xf32>,
      %get3A_1132 = arith.constant 16 : i32
      %get3A_1133 = arith.index_cast %get3A_1132 : i32 to index
      %get3A_1134 = arith.constant 16 : index
      %get3A_1135 = tpu.vector_load %arg9[%get3A_1133, %get3A_1134] {strides = array<i32>} : memref<32x128xf32, #tpu.memory_space<vmem>>, vector<16xf32>,
      %swap3A_1136 = arith.constant 32 : i32
      %swap3A_1137 = arith.index_cast %swap3A_1136 : i32 to index
      %swap3A_1138 = arith.constant 16 : index
      %swap3A_1139 = tpu.vector_load %arg7[%swap3A_1137, %swap3A_1138] {strides = array<i32>} : memref<128x128xf32, #tpu.memory_space<vmem>>, vector<16xf32>,
      tpu.vector_store %arg7[%swap3A_1137, %swap3A_1138], %get3A_1135 {strides = array<i32>} : memref<128x128xf32, #tpu.memory_space<vmem>>, vector<16xf32>,
      %get3A_1140 = arith.constant 16 : i32
      %get3A_1141 = arith.index_cast %get3A_1140 : i32 to index
      %get3A_1142 = arith.constant 32 : index
      %get3A_1143 = tpu.vector_load %arg9[%get3A_1141, %get3A_1142] {strides = array<i32>} : memref<32x128xf32, #tpu.memory_space<vmem>>, vector<16xf32>,
      %swap3A_1144 = arith.constant 32 : i32
      %swap3A_1145 = arith.index_cast %swap3A_1144 : i32 to index
      %swap3A_1146 = arith.constant 32 : index
      %swap3A_1147 = tpu.vector_load %arg7[%swap3A_1145, %swap3A_1146] {strides = array<i32>} : memref<128x128xf32, #tpu.memory_space<vmem>>, vector<16xf32>,
      tpu.vector_store %arg7[%swap3A_1145, %swap3A_1146], %get3A_1143 {strides = array<i32>} : memref<128x128xf32, #tpu.memory_space<vmem>>, vector<16xf32>,
      %get3A_1148 = arith.constant 16 : i32
      %get3A_1149 = arith.index_cast %get3A_1148 : i32 to index
      %get3A_1150 = arith.constant 48 : index
      %get3A_1151 = tpu.vector_load %arg9[%get3A_1149, %get3A_1150] {strides = array<i32>} : memref<32x128xf32, #tpu.memory_space<vmem>>, vector<16xf32>,
      %swap3A_1152 = arith.constant 32 : i32
      %swap3A_1153 = arith.index_cast %swap3A_1152 : i32 to index
      %swap3A_1154 = arith.constant 48 : index
      %swap3A_1155 = tpu.vector_load %arg7[%swap3A_1153, %swap3A_1154] {strides = array<i32>} : memref<128x128xf32, #tpu.memory_space<vmem>>, vector<16xf32>,
      tpu.vector_store %arg7[%swap3A_1153, %swap3A_1154], %get3A_1151 {strides = array<i32>} : memref<128x128xf32, #tpu.memory_space<vmem>>, vector<16xf32>,
      %get3A_1156 = arith.constant 16 : i32
      %get3A_1157 = arith.index_cast %get3A_1156 : i32 to index
      %get3A_1158 = arith.constant 64 : index
      %get3A_1159 = tpu.vector_load %arg9[%get3A_1157, %get3A_1158] {strides = array<i32>} : memref<32x128xf32, #tpu.memory_space<vmem>>, vector<16xf32>,
      %swap3A_1160 = arith.constant 33 : i32
      %swap3A_1161 = arith.index_cast %swap3A_1160 : i32 to index
      %swap3A_1162 = arith.constant 0 : index
      %swap3A_1163 = tpu.vector_load %arg7[%swap3A_1161, %swap3A_1162] {strides = array<i32>} : memref<128x128xf32, #tpu.memory_space<vmem>>, vector<16xf32>,
      tpu.vector_store %arg7[%swap3A_1161, %swap3A_1162], %get3A_1159 {strides = array<i32>} : memref<128x128xf32, #tpu.memory_space<vmem>>, vector<16xf32>,
      %get3A_1164 = arith.constant 16 : i32
      %get3A_1165 = arith.index_cast %get3A_1164 : i32 to index
      %get3A_1166 = arith.constant 80 : index
      %get3A_1167 = tpu.vector_load %arg9[%get3A_1165, %get3A_1166] {strides = array<i32>} : memref<32x128xf32, #tpu.memory_space<vmem>>, vector<16xf32>,
      %swap3A_1168 = arith.constant 33 : i32
      %swap3A_1169 = arith.index_cast %swap3A_1168 : i32 to index
      %swap3A_1170 = arith.constant 16 : index
      %swap3A_1171 = tpu.vector_load %arg7[%swap3A_1169, %swap3A_1170] {strides = array<i32>} : memref<128x128xf32, #tpu.memory_space<vmem>>, vector<16xf32>,
      tpu.vector_store %arg7[%swap3A_1169, %swap3A_1170], %get3A_1167 {strides = array<i32>} : memref<128x128xf32, #tpu.memory_space<vmem>>, vector<16xf32>,
      %get3A_1172 = arith.constant 16 : i32
      %get3A_1173 = arith.index_cast %get3A_1172 : i32 to index
      %get3A_1174 = arith.constant 96 : index
      %get3A_1175 = tpu.vector_load %arg9[%get3A_1173, %get3A_1174] {strides = array<i32>} : memref<32x128xf32, #tpu.memory_space<vmem>>, vector<16xf32>,
      %swap3A_1176 = arith.constant 33 : i32
      %swap3A_1177 = arith.index_cast %swap3A_1176 : i32 to index
      %swap3A_1178 = arith.constant 32 : index
      %swap3A_1179 = tpu.vector_load %arg7[%swap3A_1177, %swap3A_1178] {strides = array<i32>} : memref<128x128xf32, #tpu.memory_space<vmem>>, vector<16xf32>,
      tpu.vector_store %arg7[%swap3A_1177, %swap3A_1178], %get3A_1175 {strides = array<i32>} : memref<128x128xf32, #tpu.memory_space<vmem>>, vector<16xf32>,
      %get3A_1180 = arith.constant 16 : i32
      %get3A_1181 = arith.index_cast %get3A_1180 : i32 to index
      %get3A_1182 = arith.constant 112 : index
      %get3A_1183 = tpu.vector_load %arg9[%get3A_1181, %get3A_1182] {strides = array<i32>} : memref<32x128xf32, #tpu.memory_space<vmem>>, vector<16xf32>,
      %swap3A_1184 = arith.constant 33 : i32
      %swap3A_1185 = arith.index_cast %swap3A_1184 : i32 to index
      %swap3A_1186 = arith.constant 48 : index
      %swap3A_1187 = tpu.vector_load %arg7[%swap3A_1185, %swap3A_1186] {strides = array<i32>} : memref<128x128xf32, #tpu.memory_space<vmem>>, vector<16xf32>,
      tpu.vector_store %arg7[%swap3A_1185, %swap3A_1186], %get3A_1183 {strides = array<i32>} : memref<128x128xf32, #tpu.memory_space<vmem>>, vector<16xf32>,
      %get3A_1188 = arith.constant 17 : i32
      %get3A_1189 = arith.index_cast %get3A_1188 : i32 to index
      %get3A_1190 = arith.constant 0 : index
      %get3A_1191 = tpu.vector_load %arg9[%get3A_1189, %get3A_1190] {strides = array<i32>} : memref<32x128xf32, #tpu.memory_space<vmem>>, vector<16xf32>,
      %swap3A_1192 = arith.constant 34 : i32
      %swap3A_1193 = arith.index_cast %swap3A_1192 : i32 to index
      %swap3A_1194 = arith.constant 0 : index
      %swap3A_1195 = tpu.vector_load %arg7[%swap3A_1193, %swap3A_1194] {strides = array<i32>} : memref<128x128xf32, #tpu.memory_space<vmem>>, vector<16xf32>,
      tpu.vector_store %arg7[%swap3A_1193, %swap3A_1194], %get3A_1191 {strides = array<i32>} : memref<128x128xf32, #tpu.memory_space<vmem>>, vector<16xf32>,
      %get3A_1196 = arith.constant 17 : i32
      %get3A_1197 = arith.index_cast %get3A_1196 : i32 to index
      %get3A_1198 = arith.constant 16 : index
      %get3A_1199 = tpu.vector_load %arg9[%get3A_1197, %get3A_1198] {strides = array<i32>} : memref<32x128xf32, #tpu.memory_space<vmem>>, vector<16xf32>,
      %swap3A_1200 = arith.constant 34 : i32
      %swap3A_1201 = arith.index_cast %swap3A_1200 : i32 to index
      %swap3A_1202 = arith.constant 16 : index
      %swap3A_1203 = tpu.vector_load %arg7[%swap3A_1201, %swap3A_1202] {strides = array<i32>} : memref<128x128xf32, #tpu.memory_space<vmem>>, vector<16xf32>,
      tpu.vector_store %arg7[%swap3A_1201, %swap3A_1202], %get3A_1199 {strides = array<i32>} : memref<128x128xf32, #tpu.memory_space<vmem>>, vector<16xf32>,
      %get3A_1204 = arith.constant 17 : i32
      %get3A_1205 = arith.index_cast %get3A_1204 : i32 to index
      %get3A_1206 = arith.constant 32 : index
      %get3A_1207 = tpu.vector_load %arg9[%get3A_1205, %get3A_1206] {strides = array<i32>} : memref<32x128xf32, #tpu.memory_space<vmem>>, vector<16xf32>,
      %swap3A_1208 = arith.constant 34 : i32
      %swap3A_1209 = arith.index_cast %swap3A_1208 : i32 to index
      %swap3A_1210 = arith.constant 32 : index
      %swap3A_1211 = tpu.vector_load %arg7[%swap3A_1209, %swap3A_1210] {strides = array<i32>} : memref<128x128xf32, #tpu.memory_space<vmem>>, vector<16xf32>,
      tpu.vector_store %arg7[%swap3A_1209, %swap3A_1210], %get3A_1207 {strides = array<i32>} : memref<128x128xf32, #tpu.memory_space<vmem>>, vector<16xf32>,
      %get3A_1212 = arith.constant 17 : i32
      %get3A_1213 = arith.index_cast %get3A_1212 : i32 to index
      %get3A_1214 = arith.constant 48 : index
      %get3A_1215 = tpu.vector_load %arg9[%get3A_1213, %get3A_1214] {strides = array<i32>} : memref<32x128xf32, #tpu.memory_space<vmem>>, vector<16xf32>,
      %swap3A_1216 = arith.constant 34 : i32
      %swap3A_1217 = arith.index_cast %swap3A_1216 : i32 to index
      %swap3A_1218 = arith.constant 48 : index
      %swap3A_1219 = tpu.vector_load %arg7[%swap3A_1217, %swap3A_1218] {strides = array<i32>} : memref<128x128xf32, #tpu.memory_space<vmem>>, vector<16xf32>,
      tpu.vector_store %arg7[%swap3A_1217, %swap3A_1218], %get3A_1215 {strides = array<i32>} : memref<128x128xf32, #tpu.memory_space<vmem>>, vector<16xf32>,
      %get3A_1220 = arith.constant 17 : i32
      %get3A_1221 = arith.index_cast %get3A_1220 : i32 to index
      %get3A_1222 = arith.constant 64 : index
      %get3A_1223 = tpu.vector_load %arg9[%get3A_1221, %get3A_1222] {strides = array<i32>} : memref<32x128xf32, #tpu.memory_space<vmem>>, vector<16xf32>,
      %swap3A_1224 = arith.constant 35 : i32
      %swap3A_1225 = arith.index_cast %swap3A_1224 : i32 to index
      %swap3A_1226 = arith.constant 0 : index
      %swap3A_1227 = tpu.vector_load %arg7[%swap3A_1225, %swap3A_1226] {strides = array<i32>} : memref<128x128xf32, #tpu.memory_space<vmem>>, vector<16xf32>,
      tpu.vector_store %arg7[%swap3A_1225, %swap3A_1226], %get3A_1223 {strides = array<i32>} : memref<128x128xf32, #tpu.memory_space<vmem>>, vector<16xf32>,
      %get3A_1228 = arith.constant 17 : i32
      %get3A_1229 = arith.index_cast %get3A_1228 : i32 to index
      %get3A_1230 = arith.constant 80 : index
      %get3A_1231 = tpu.vector_load %arg9[%get3A_1229, %get3A_1230] {strides = array<i32>} : memref<32x128xf32, #tpu.memory_space<vmem>>, vector<16xf32>,
      %swap3A_1232 = arith.constant 35 : i32
      %swap3A_1233 = arith.index_cast %swap3A_1232 : i32 to index
      %swap3A_1234 = arith.constant 16 : index
      %swap3A_1235 = tpu.vector_load %arg7[%swap3A_1233, %swap3A_1234] {strides = array<i32>} : memref<128x128xf32, #tpu.memory_space<vmem>>, vector<16xf32>,
      tpu.vector_store %arg7[%swap3A_1233, %swap3A_1234], %get3A_1231 {strides = array<i32>} : memref<128x128xf32, #tpu.memory_space<vmem>>, vector<16xf32>,
      %get3A_1236 = arith.constant 17 : i32
      %get3A_1237 = arith.index_cast %get3A_1236 : i32 to index
      %get3A_1238 = arith.constant 96 : index
      %get3A_1239 = tpu.vector_load %arg9[%get3A_1237, %get3A_1238] {strides = array<i32>} : memref<32x128xf32, #tpu.memory_space<vmem>>, vector<16xf32>,
      %swap3A_1240 = arith.constant 35 : i32
      %swap3A_1241 = arith.index_cast %swap3A_1240 : i32 to index
      %swap3A_1242 = arith.constant 32 : index
      %swap3A_1243 = tpu.vector_load %arg7[%swap3A_1241, %swap3A_1242] {strides = array<i32>} : memref<128x128xf32, #tpu.memory_space<vmem>>, vector<16xf32>,
      tpu.vector_store %arg7[%swap3A_1241, %swap3A_1242], %get3A_1239 {strides = array<i32>} : memref<128x128xf32, #tpu.memory_space<vmem>>, vector<16xf32>,
      %get3A_1244 = arith.constant 17 : i32
      %get3A_1245 = arith.index_cast %get3A_1244 : i32 to index
      %get3A_1246 = arith.constant 112 : index
      %get3A_1247 = tpu.vector_load %arg9[%get3A_1245, %get3A_1246] {strides = array<i32>} : memref<32x128xf32, #tpu.memory_space<vmem>>, vector<16xf32>,
      %swap3A_1248 = arith.constant 35 : i32
      %swap3A_1249 = arith.index_cast %swap3A_1248 : i32 to index
      %swap3A_1250 = arith.constant 48 : index
      %swap3A_1251 = tpu.vector_load %arg7[%swap3A_1249, %swap3A_1250] {strides = array<i32>} : memref<128x128xf32, #tpu.memory_space<vmem>>, vector<16xf32>,
      tpu.vector_store %arg7[%swap3A_1249, %swap3A_1250], %get3A_1247 {strides = array<i32>} : memref<128x128xf32, #tpu.memory_space<vmem>>, vector<16xf32>,
      %get3A_1252 = arith.constant 18 : i32
      %get3A_1253 = arith.index_cast %get3A_1252 : i32 to index
      %get3A_1254 = arith.constant 0 : index
      %get3A_1255 = tpu.vector_load %arg9[%get3A_1253, %get3A_1254] {strides = array<i32>} : memref<32x128xf32, #tpu.memory_space<vmem>>, vector<16xf32>,
      %swap3A_1256 = arith.constant 36 : i32
      %swap3A_1257 = arith.index_cast %swap3A_1256 : i32 to index
      %swap3A_1258 = arith.constant 0 : index
      %swap3A_1259 = tpu.vector_load %arg7[%swap3A_1257, %swap3A_1258] {strides = array<i32>} : memref<128x128xf32, #tpu.memory_space<vmem>>, vector<16xf32>,
      tpu.vector_store %arg7[%swap3A_1257, %swap3A_1258], %get3A_1255 {strides = array<i32>} : memref<128x128xf32, #tpu.memory_space<vmem>>, vector<16xf32>,
      %get3A_1260 = arith.constant 18 : i32
      %get3A_1261 = arith.index_cast %get3A_1260 : i32 to index
      %get3A_1262 = arith.constant 16 : index
      %get3A_1263 = tpu.vector_load %arg9[%get3A_1261, %get3A_1262] {strides = array<i32>} : memref<32x128xf32, #tpu.memory_space<vmem>>, vector<16xf32>,
      %swap3A_1264 = arith.constant 36 : i32
      %swap3A_1265 = arith.index_cast %swap3A_1264 : i32 to index
      %swap3A_1266 = arith.constant 16 : index
      %swap3A_1267 = tpu.vector_load %arg7[%swap3A_1265, %swap3A_1266] {strides = array<i32>} : memref<128x128xf32, #tpu.memory_space<vmem>>, vector<16xf32>,
      tpu.vector_store %arg7[%swap3A_1265, %swap3A_1266], %get3A_1263 {strides = array<i32>} : memref<128x128xf32, #tpu.memory_space<vmem>>, vector<16xf32>,
      %get3A_1268 = arith.constant 18 : i32
      %get3A_1269 = arith.index_cast %get3A_1268 : i32 to index
      %get3A_1270 = arith.constant 32 : index
      %get3A_1271 = tpu.vector_load %arg9[%get3A_1269, %get3A_1270] {strides = array<i32>} : memref<32x128xf32, #tpu.memory_space<vmem>>, vector<16xf32>,
      %swap3A_1272 = arith.constant 36 : i32
      %swap3A_1273 = arith.index_cast %swap3A_1272 : i32 to index
      %swap3A_1274 = arith.constant 32 : index
      %swap3A_1275 = tpu.vector_load %arg7[%swap3A_1273, %swap3A_1274] {strides = array<i32>} : memref<128x128xf32, #tpu.memory_space<vmem>>, vector<16xf32>,
      tpu.vector_store %arg7[%swap3A_1273, %swap3A_1274], %get3A_1271 {strides = array<i32>} : memref<128x128xf32, #tpu.memory_space<vmem>>, vector<16xf32>,
      %get3A_1276 = arith.constant 18 : i32
      %get3A_1277 = arith.index_cast %get3A_1276 : i32 to index
      %get3A_1278 = arith.constant 48 : index
      %get3A_1279 = tpu.vector_load %arg9[%get3A_1277, %get3A_1278] {strides = array<i32>} : memref<32x128xf32, #tpu.memory_space<vmem>>, vector<16xf32>,
      %swap3A_1280 = arith.constant 36 : i32
      %swap3A_1281 = arith.index_cast %swap3A_1280 : i32 to index
      %swap3A_1282 = arith.constant 48 : index
      %swap3A_1283 = tpu.vector_load %arg7[%swap3A_1281, %swap3A_1282] {strides = array<i32>} : memref<128x128xf32, #tpu.memory_space<vmem>>, vector<16xf32>,
      tpu.vector_store %arg7[%swap3A_1281, %swap3A_1282], %get3A_1279 {strides = array<i32>} : memref<128x128xf32, #tpu.memory_space<vmem>>, vector<16xf32>,
      %get3A_1284 = arith.constant 18 : i32
      %get3A_1285 = arith.index_cast %get3A_1284 : i32 to index
      %get3A_1286 = arith.constant 64 : index
      %get3A_1287 = tpu.vector_load %arg9[%get3A_1285, %get3A_1286] {strides = array<i32>} : memref<32x128xf32, #tpu.memory_space<vmem>>, vector<16xf32>,
      %swap3A_1288 = arith.constant 37 : i32
      %swap3A_1289 = arith.index_cast %swap3A_1288 : i32 to index
      %swap3A_1290 = arith.constant 0 : index
      %swap3A_1291 = tpu.vector_load %arg7[%swap3A_1289, %swap3A_1290] {strides = array<i32>} : memref<128x128xf32, #tpu.memory_space<vmem>>, vector<16xf32>,
      tpu.vector_store %arg7[%swap3A_1289, %swap3A_1290], %get3A_1287 {strides = array<i32>} : memref<128x128xf32, #tpu.memory_space<vmem>>, vector<16xf32>,
      %get3A_1292 = arith.constant 18 : i32
      %get3A_1293 = arith.index_cast %get3A_1292 : i32 to index
      %get3A_1294 = arith.constant 80 : index
      %get3A_1295 = tpu.vector_load %arg9[%get3A_1293, %get3A_1294] {strides = array<i32>} : memref<32x128xf32, #tpu.memory_space<vmem>>, vector<16xf32>,
      %swap3A_1296 = arith.constant 37 : i32
      %swap3A_1297 = arith.index_cast %swap3A_1296 : i32 to index
      %swap3A_1298 = arith.constant 16 : index
      %swap3A_1299 = tpu.vector_load %arg7[%swap3A_1297, %swap3A_1298] {strides = array<i32>} : memref<128x128xf32, #tpu.memory_space<vmem>>, vector<16xf32>,
      tpu.vector_store %arg7[%swap3A_1297, %swap3A_1298], %get3A_1295 {strides = array<i32>} : memref<128x128xf32, #tpu.memory_space<vmem>>, vector<16xf32>,
      %get3A_1300 = arith.constant 18 : i32
      %get3A_1301 = arith.index_cast %get3A_1300 : i32 to index
      %get3A_1302 = arith.constant 96 : index
      %get3A_1303 = tpu.vector_load %arg9[%get3A_1301, %get3A_1302] {strides = array<i32>} : memref<32x128xf32, #tpu.memory_space<vmem>>, vector<16xf32>,
      %swap3A_1304 = arith.constant 37 : i32
      %swap3A_1305 = arith.index_cast %swap3A_1304 : i32 to index
      %swap3A_1306 = arith.constant 32 : index
      %swap3A_1307 = tpu.vector_load %arg7[%swap3A_1305, %swap3A_1306] {strides = array<i32>} : memref<128x128xf32, #tpu.memory_space<vmem>>, vector<16xf32>,
      tpu.vector_store %arg7[%swap3A_1305, %swap3A_1306], %get3A_1303 {strides = array<i32>} : memref<128x128xf32, #tpu.memory_space<vmem>>, vector<16xf32>,
      %get3A_1308 = arith.constant 18 : i32
      %get3A_1309 = arith.index_cast %get3A_1308 : i32 to index
      %get3A_1310 = arith.constant 112 : index
      %get3A_1311 = tpu.vector_load %arg9[%get3A_1309, %get3A_1310] {strides = array<i32>} : memref<32x128xf32, #tpu.memory_space<vmem>>, vector<16xf32>,
      %swap3A_1312 = arith.constant 37 : i32
      %swap3A_1313 = arith.index_cast %swap3A_1312 : i32 to index
      %swap3A_1314 = arith.constant 48 : index
      %swap3A_1315 = tpu.vector_load %arg7[%swap3A_1313, %swap3A_1314] {strides = array<i32>} : memref<128x128xf32, #tpu.memory_space<vmem>>, vector<16xf32>,
      tpu.vector_store %arg7[%swap3A_1313, %swap3A_1314], %get3A_1311 {strides = array<i32>} : memref<128x128xf32, #tpu.memory_space<vmem>>, vector<16xf32>,
      %get3A_1316 = arith.constant 19 : i32
      %get3A_1317 = arith.index_cast %get3A_1316 : i32 to index
      %get3A_1318 = arith.constant 0 : index
      %get3A_1319 = tpu.vector_load %arg9[%get3A_1317, %get3A_1318] {strides = array<i32>} : memref<32x128xf32, #tpu.memory_space<vmem>>, vector<16xf32>,
      %swap3A_1320 = arith.constant 38 : i32
      %swap3A_1321 = arith.index_cast %swap3A_1320 : i32 to index
      %swap3A_1322 = arith.constant 0 : index
      %swap3A_1323 = tpu.vector_load %arg7[%swap3A_1321, %swap3A_1322] {strides = array<i32>} : memref<128x128xf32, #tpu.memory_space<vmem>>, vector<16xf32>,
      tpu.vector_store %arg7[%swap3A_1321, %swap3A_1322], %get3A_1319 {strides = array<i32>} : memref<128x128xf32, #tpu.memory_space<vmem>>, vector<16xf32>,
      %get3A_1324 = arith.constant 19 : i32
      %get3A_1325 = arith.index_cast %get3A_1324 : i32 to index
      %get3A_1326 = arith.constant 16 : index
      %get3A_1327 = tpu.vector_load %arg9[%get3A_1325, %get3A_1326] {strides = array<i32>} : memref<32x128xf32, #tpu.memory_space<vmem>>, vector<16xf32>,
      %swap3A_1328 = arith.constant 38 : i32
      %swap3A_1329 = arith.index_cast %swap3A_1328 : i32 to index
      %swap3A_1330 = arith.constant 16 : index
      %swap3A_1331 = tpu.vector_load %arg7[%swap3A_1329, %swap3A_1330] {strides = array<i32>} : memref<128x128xf32, #tpu.memory_space<vmem>>, vector<16xf32>,
      tpu.vector_store %arg7[%swap3A_1329, %swap3A_1330], %get3A_1327 {strides = array<i32>} : memref<128x128xf32, #tpu.memory_space<vmem>>, vector<16xf32>,
      %get3A_1332 = arith.constant 19 : i32
      %get3A_1333 = arith.index_cast %get3A_1332 : i32 to index
      %get3A_1334 = arith.constant 32 : index
      %get3A_1335 = tpu.vector_load %arg9[%get3A_1333, %get3A_1334] {strides = array<i32>} : memref<32x128xf32, #tpu.memory_space<vmem>>, vector<16xf32>,
      %swap3A_1336 = arith.constant 38 : i32
      %swap3A_1337 = arith.index_cast %swap3A_1336 : i32 to index
      %swap3A_1338 = arith.constant 32 : index
      %swap3A_1339 = tpu.vector_load %arg7[%swap3A_1337, %swap3A_1338] {strides = array<i32>} : memref<128x128xf32, #tpu.memory_space<vmem>>, vector<16xf32>,
      tpu.vector_store %arg7[%swap3A_1337, %swap3A_1338], %get3A_1335 {strides = array<i32>} : memref<128x128xf32, #tpu.memory_space<vmem>>, vector<16xf32>,
      %get3A_1340 = arith.constant 19 : i32
      %get3A_1341 = arith.index_cast %get3A_1340 : i32 to index
      %get3A_1342 = arith.constant 48 : index
      %get3A_1343 = tpu.vector_load %arg9[%get3A_1341, %get3A_1342] {strides = array<i32>} : memref<32x128xf32, #tpu.memory_space<vmem>>, vector<16xf32>,
      %swap3A_1344 = arith.constant 38 : i32
      %swap3A_1345 = arith.index_cast %swap3A_1344 : i32 to index
      %swap3A_1346 = arith.constant 48 : index
      %swap3A_1347 = tpu.vector_load %arg7[%swap3A_1345, %swap3A_1346] {strides = array<i32>} : memref<128x128xf32, #tpu.memory_space<vmem>>, vector<16xf32>,
      tpu.vector_store %arg7[%swap3A_1345, %swap3A_1346], %get3A_1343 {strides = array<i32>} : memref<128x128xf32, #tpu.memory_space<vmem>>, vector<16xf32>,
      %get3A_1348 = arith.constant 19 : i32
      %get3A_1349 = arith.index_cast %get3A_1348 : i32 to index
      %get3A_1350 = arith.constant 64 : index
      %get3A_1351 = tpu.vector_load %arg9[%get3A_1349, %get3A_1350] {strides = array<i32>} : memref<32x128xf32, #tpu.memory_space<vmem>>, vector<16xf32>,
      %swap3A_1352 = arith.constant 39 : i32
      %swap3A_1353 = arith.index_cast %swap3A_1352 : i32 to index
      %swap3A_1354 = arith.constant 0 : index
      %swap3A_1355 = tpu.vector_load %arg7[%swap3A_1353, %swap3A_1354] {strides = array<i32>} : memref<128x128xf32, #tpu.memory_space<vmem>>, vector<16xf32>,
      tpu.vector_store %arg7[%swap3A_1353, %swap3A_1354], %get3A_1351 {strides = array<i32>} : memref<128x128xf32, #tpu.memory_space<vmem>>, vector<16xf32>,
      %get3A_1356 = arith.constant 19 : i32
      %get3A_1357 = arith.index_cast %get3A_1356 : i32 to index
      %get3A_1358 = arith.constant 80 : index
      %get3A_1359 = tpu.vector_load %arg9[%get3A_1357, %get3A_1358] {strides = array<i32>} : memref<32x128xf32, #tpu.memory_space<vmem>>, vector<16xf32>,
      %swap3A_1360 = arith.constant 39 : i32
      %swap3A_1361 = arith.index_cast %swap3A_1360 : i32 to index
      %swap3A_1362 = arith.constant 16 : index
      %swap3A_1363 = tpu.vector_load %arg7[%swap3A_1361, %swap3A_1362] {strides = array<i32>} : memref<128x128xf32, #tpu.memory_space<vmem>>, vector<16xf32>,
      tpu.vector_store %arg7[%swap3A_1361, %swap3A_1362], %get3A_1359 {strides = array<i32>} : memref<128x128xf32, #tpu.memory_space<vmem>>, vector<16xf32>,
      %get3A_1364 = arith.constant 19 : i32
      %get3A_1365 = arith.index_cast %get3A_1364 : i32 to index
      %get3A_1366 = arith.constant 96 : index
      %get3A_1367 = tpu.vector_load %arg9[%get3A_1365, %get3A_1366] {strides = array<i32>} : memref<32x128xf32, #tpu.memory_space<vmem>>, vector<16xf32>,
      %swap3A_1368 = arith.constant 39 : i32
      %swap3A_1369 = arith.index_cast %swap3A_1368 : i32 to index
      %swap3A_1370 = arith.constant 32 : index
      %swap3A_1371 = tpu.vector_load %arg7[%swap3A_1369, %swap3A_1370] {strides = array<i32>} : memref<128x128xf32, #tpu.memory_space<vmem>>, vector<16xf32>,
      tpu.vector_store %arg7[%swap3A_1369, %swap3A_1370], %get3A_1367 {strides = array<i32>} : memref<128x128xf32, #tpu.memory_space<vmem>>, vector<16xf32>,
      %get3A_1372 = arith.constant 19 : i32
      %get3A_1373 = arith.index_cast %get3A_1372 : i32 to index
      %get3A_1374 = arith.constant 112 : index
      %get3A_1375 = tpu.vector_load %arg9[%get3A_1373, %get3A_1374] {strides = array<i32>} : memref<32x128xf32, #tpu.memory_space<vmem>>, vector<16xf32>,
      %swap3A_1376 = arith.constant 39 : i32
      %swap3A_1377 = arith.index_cast %swap3A_1376 : i32 to index
      %swap3A_1378 = arith.constant 48 : index
      %swap3A_1379 = tpu.vector_load %arg7[%swap3A_1377, %swap3A_1378] {strides = array<i32>} : memref<128x128xf32, #tpu.memory_space<vmem>>, vector<16xf32>,
      tpu.vector_store %arg7[%swap3A_1377, %swap3A_1378], %get3A_1375 {strides = array<i32>} : memref<128x128xf32, #tpu.memory_space<vmem>>, vector<16xf32>,
      %get3A_1380 = arith.constant 20 : i32
      %get3A_1381 = arith.index_cast %get3A_1380 : i32 to index
      %get3A_1382 = arith.constant 0 : index
      %get3A_1383 = tpu.vector_load %arg9[%get3A_1381, %get3A_1382] {strides = array<i32>} : memref<32x128xf32, #tpu.memory_space<vmem>>, vector<16xf32>,
      %swap3A_1384 = arith.constant 40 : i32
      %swap3A_1385 = arith.index_cast %swap3A_1384 : i32 to index
      %swap3A_1386 = arith.constant 0 : index
      %swap3A_1387 = tpu.vector_load %arg7[%swap3A_1385, %swap3A_1386] {strides = array<i32>} : memref<128x128xf32, #tpu.memory_space<vmem>>, vector<16xf32>,
      tpu.vector_store %arg7[%swap3A_1385, %swap3A_1386], %get3A_1383 {strides = array<i32>} : memref<128x128xf32, #tpu.memory_space<vmem>>, vector<16xf32>,
      %get3A_1388 = arith.constant 20 : i32
      %get3A_1389 = arith.index_cast %get3A_1388 : i32 to index
      %get3A_1390 = arith.constant 16 : index
      %get3A_1391 = tpu.vector_load %arg9[%get3A_1389, %get3A_1390] {strides = array<i32>} : memref<32x128xf32, #tpu.memory_space<vmem>>, vector<16xf32>,
      %swap3A_1392 = arith.constant 40 : i32
      %swap3A_1393 = arith.index_cast %swap3A_1392 : i32 to index
      %swap3A_1394 = arith.constant 16 : index
      %swap3A_1395 = tpu.vector_load %arg7[%swap3A_1393, %swap3A_1394] {strides = array<i32>} : memref<128x128xf32, #tpu.memory_space<vmem>>, vector<16xf32>,
      tpu.vector_store %arg7[%swap3A_1393, %swap3A_1394], %get3A_1391 {strides = array<i32>} : memref<128x128xf32, #tpu.memory_space<vmem>>, vector<16xf32>,
      %get3A_1396 = arith.constant 20 : i32
      %get3A_1397 = arith.index_cast %get3A_1396 : i32 to index
      %get3A_1398 = arith.constant 32 : index
      %get3A_1399 = tpu.vector_load %arg9[%get3A_1397, %get3A_1398] {strides = array<i32>} : memref<32x128xf32, #tpu.memory_space<vmem>>, vector<16xf32>,
      %swap3A_1400 = arith.constant 40 : i32
      %swap3A_1401 = arith.index_cast %swap3A_1400 : i32 to index
      %swap3A_1402 = arith.constant 32 : index
      %swap3A_1403 = tpu.vector_load %arg7[%swap3A_1401, %swap3A_1402] {strides = array<i32>} : memref<128x128xf32, #tpu.memory_space<vmem>>, vector<16xf32>,
      tpu.vector_store %arg7[%swap3A_1401, %swap3A_1402], %get3A_1399 {strides = array<i32>} : memref<128x128xf32, #tpu.memory_space<vmem>>, vector<16xf32>,
      %get3A_1404 = arith.constant 20 : i32
      %get3A_1405 = arith.index_cast %get3A_1404 : i32 to index
      %get3A_1406 = arith.constant 48 : index
      %get3A_1407 = tpu.vector_load %arg9[%get3A_1405, %get3A_1406] {strides = array<i32>} : memref<32x128xf32, #tpu.memory_space<vmem>>, vector<16xf32>,
      %swap3A_1408 = arith.constant 40 : i32
      %swap3A_1409 = arith.index_cast %swap3A_1408 : i32 to index
      %swap3A_1410 = arith.constant 48 : index
      %swap3A_1411 = tpu.vector_load %arg7[%swap3A_1409, %swap3A_1410] {strides = array<i32>} : memref<128x128xf32, #tpu.memory_space<vmem>>, vector<16xf32>,
      tpu.vector_store %arg7[%swap3A_1409, %swap3A_1410], %get3A_1407 {strides = array<i32>} : memref<128x128xf32, #tpu.memory_space<vmem>>, vector<16xf32>,
      %get3A_1412 = arith.constant 20 : i32
      %get3A_1413 = arith.index_cast %get3A_1412 : i32 to index
      %get3A_1414 = arith.constant 64 : index
      %get3A_1415 = tpu.vector_load %arg9[%get3A_1413, %get3A_1414] {strides = array<i32>} : memref<32x128xf32, #tpu.memory_space<vmem>>, vector<16xf32>,
      %swap3A_1416 = arith.constant 41 : i32
      %swap3A_1417 = arith.index_cast %swap3A_1416 : i32 to index
      %swap3A_1418 = arith.constant 0 : index
      %swap3A_1419 = tpu.vector_load %arg7[%swap3A_1417, %swap3A_1418] {strides = array<i32>} : memref<128x128xf32, #tpu.memory_space<vmem>>, vector<16xf32>,
      tpu.vector_store %arg7[%swap3A_1417, %swap3A_1418], %get3A_1415 {strides = array<i32>} : memref<128x128xf32, #tpu.memory_space<vmem>>, vector<16xf32>,
      %get3A_1420 = arith.constant 20 : i32
      %get3A_1421 = arith.index_cast %get3A_1420 : i32 to index
      %get3A_1422 = arith.constant 80 : index
      %get3A_1423 = tpu.vector_load %arg9[%get3A_1421, %get3A_1422] {strides = array<i32>} : memref<32x128xf32, #tpu.memory_space<vmem>>, vector<16xf32>,
      %swap3A_1424 = arith.constant 41 : i32
      %swap3A_1425 = arith.index_cast %swap3A_1424 : i32 to index
      %swap3A_1426 = arith.constant 16 : index
      %swap3A_1427 = tpu.vector_load %arg7[%swap3A_1425, %swap3A_1426] {strides = array<i32>} : memref<128x128xf32, #tpu.memory_space<vmem>>, vector<16xf32>,
      tpu.vector_store %arg7[%swap3A_1425, %swap3A_1426], %get3A_1423 {strides = array<i32>} : memref<128x128xf32, #tpu.memory_space<vmem>>, vector<16xf32>,
      %get3A_1428 = arith.constant 20 : i32
      %get3A_1429 = arith.index_cast %get3A_1428 : i32 to index
      %get3A_1430 = arith.constant 96 : index
      %get3A_1431 = tpu.vector_load %arg9[%get3A_1429, %get3A_1430] {strides = array<i32>} : memref<32x128xf32, #tpu.memory_space<vmem>>, vector<16xf32>,
      %swap3A_1432 = arith.constant 41 : i32
      %swap3A_1433 = arith.index_cast %swap3A_1432 : i32 to index
      %swap3A_1434 = arith.constant 32 : index
      %swap3A_1435 = tpu.vector_load %arg7[%swap3A_1433, %swap3A_1434] {strides = array<i32>} : memref<128x128xf32, #tpu.memory_space<vmem>>, vector<16xf32>,
      tpu.vector_store %arg7[%swap3A_1433, %swap3A_1434], %get3A_1431 {strides = array<i32>} : memref<128x128xf32, #tpu.memory_space<vmem>>, vector<16xf32>,
      %get3A_1436 = arith.constant 20 : i32
      %get3A_1437 = arith.index_cast %get3A_1436 : i32 to index
      %get3A_1438 = arith.constant 112 : index
      %get3A_1439 = tpu.vector_load %arg9[%get3A_1437, %get3A_1438] {strides = array<i32>} : memref<32x128xf32, #tpu.memory_space<vmem>>, vector<16xf32>,
      %swap3A_1440 = arith.constant 41 : i32
      %swap3A_1441 = arith.index_cast %swap3A_1440 : i32 to index
      %swap3A_1442 = arith.constant 48 : index
      %swap3A_1443 = tpu.vector_load %arg7[%swap3A_1441, %swap3A_1442] {strides = array<i32>} : memref<128x128xf32, #tpu.memory_space<vmem>>, vector<16xf32>,
      tpu.vector_store %arg7[%swap3A_1441, %swap3A_1442], %get3A_1439 {strides = array<i32>} : memref<128x128xf32, #tpu.memory_space<vmem>>, vector<16xf32>,
      %get3A_1444 = arith.constant 21 : i32
      %get3A_1445 = arith.index_cast %get3A_1444 : i32 to index
      %get3A_1446 = arith.constant 0 : index
      %get3A_1447 = tpu.vector_load %arg9[%get3A_1445, %get3A_1446] {strides = array<i32>} : memref<32x128xf32, #tpu.memory_space<vmem>>, vector<16xf32>,
      %swap3A_1448 = arith.constant 42 : i32
      %swap3A_1449 = arith.index_cast %swap3A_1448 : i32 to index
      %swap3A_1450 = arith.constant 0 : index
      %swap3A_1451 = tpu.vector_load %arg7[%swap3A_1449, %swap3A_1450] {strides = array<i32>} : memref<128x128xf32, #tpu.memory_space<vmem>>, vector<16xf32>,
      tpu.vector_store %arg7[%swap3A_1449, %swap3A_1450], %get3A_1447 {strides = array<i32>} : memref<128x128xf32, #tpu.memory_space<vmem>>, vector<16xf32>,
      %get3A_1452 = arith.constant 21 : i32
      %get3A_1453 = arith.index_cast %get3A_1452 : i32 to index
      %get3A_1454 = arith.constant 16 : index
      %get3A_1455 = tpu.vector_load %arg9[%get3A_1453, %get3A_1454] {strides = array<i32>} : memref<32x128xf32, #tpu.memory_space<vmem>>, vector<16xf32>,
      %swap3A_1456 = arith.constant 42 : i32
      %swap3A_1457 = arith.index_cast %swap3A_1456 : i32 to index
      %swap3A_1458 = arith.constant 16 : index
      %swap3A_1459 = tpu.vector_load %arg7[%swap3A_1457, %swap3A_1458] {strides = array<i32>} : memref<128x128xf32, #tpu.memory_space<vmem>>, vector<16xf32>,
      tpu.vector_store %arg7[%swap3A_1457, %swap3A_1458], %get3A_1455 {strides = array<i32>} : memref<128x128xf32, #tpu.memory_space<vmem>>, vector<16xf32>,
      %get3A_1460 = arith.constant 21 : i32
      %get3A_1461 = arith.index_cast %get3A_1460 : i32 to index
      %get3A_1462 = arith.constant 32 : index
      %get3A_1463 = tpu.vector_load %arg9[%get3A_1461, %get3A_1462] {strides = array<i32>} : memref<32x128xf32, #tpu.memory_space<vmem>>, vector<16xf32>,
      %swap3A_1464 = arith.constant 42 : i32
      %swap3A_1465 = arith.index_cast %swap3A_1464 : i32 to index
      %swap3A_1466 = arith.constant 32 : index
      %swap3A_1467 = tpu.vector_load %arg7[%swap3A_1465, %swap3A_1466] {strides = array<i32>} : memref<128x128xf32, #tpu.memory_space<vmem>>, vector<16xf32>,
      tpu.vector_store %arg7[%swap3A_1465, %swap3A_1466], %get3A_1463 {strides = array<i32>} : memref<128x128xf32, #tpu.memory_space<vmem>>, vector<16xf32>,
      %get3A_1468 = arith.constant 21 : i32
      %get3A_1469 = arith.index_cast %get3A_1468 : i32 to index
      %get3A_1470 = arith.constant 48 : index
      %get3A_1471 = tpu.vector_load %arg9[%get3A_1469, %get3A_1470] {strides = array<i32>} : memref<32x128xf32, #tpu.memory_space<vmem>>, vector<16xf32>,
      %swap3A_1472 = arith.constant 42 : i32
      %swap3A_1473 = arith.index_cast %swap3A_1472 : i32 to index
      %swap3A_1474 = arith.constant 48 : index
      %swap3A_1475 = tpu.vector_load %arg7[%swap3A_1473, %swap3A_1474] {strides = array<i32>} : memref<128x128xf32, #tpu.memory_space<vmem>>, vector<16xf32>,
      tpu.vector_store %arg7[%swap3A_1473, %swap3A_1474], %get3A_1471 {strides = array<i32>} : memref<128x128xf32, #tpu.memory_space<vmem>>, vector<16xf32>,
      %get3A_1476 = arith.constant 21 : i32
      %get3A_1477 = arith.index_cast %get3A_1476 : i32 to index
      %get3A_1478 = arith.constant 64 : index
      %get3A_1479 = tpu.vector_load %arg9[%get3A_1477, %get3A_1478] {strides = array<i32>} : memref<32x128xf32, #tpu.memory_space<vmem>>, vector<16xf32>,
      %swap3A_1480 = arith.constant 43 : i32
      %swap3A_1481 = arith.index_cast %swap3A_1480 : i32 to index
      %swap3A_1482 = arith.constant 0 : index
      %swap3A_1483 = tpu.vector_load %arg7[%swap3A_1481, %swap3A_1482] {strides = array<i32>} : memref<128x128xf32, #tpu.memory_space<vmem>>, vector<16xf32>,
      tpu.vector_store %arg7[%swap3A_1481, %swap3A_1482], %get3A_1479 {strides = array<i32>} : memref<128x128xf32, #tpu.memory_space<vmem>>, vector<16xf32>,
      %get3A_1484 = arith.constant 21 : i32
      %get3A_1485 = arith.index_cast %get3A_1484 : i32 to index
      %get3A_1486 = arith.constant 80 : index
      %get3A_1487 = tpu.vector_load %arg9[%get3A_1485, %get3A_1486] {strides = array<i32>} : memref<32x128xf32, #tpu.memory_space<vmem>>, vector<16xf32>,
      %swap3A_1488 = arith.constant 43 : i32
      %swap3A_1489 = arith.index_cast %swap3A_1488 : i32 to index
      %swap3A_1490 = arith.constant 16 : index
      %swap3A_1491 = tpu.vector_load %arg7[%swap3A_1489, %swap3A_1490] {strides = array<i32>} : memref<128x128xf32, #tpu.memory_space<vmem>>, vector<16xf32>,
      tpu.vector_store %arg7[%swap3A_1489, %swap3A_1490], %get3A_1487 {strides = array<i32>} : memref<128x128xf32, #tpu.memory_space<vmem>>, vector<16xf32>,
      %get3A_1492 = arith.constant 21 : i32
      %get3A_1493 = arith.index_cast %get3A_1492 : i32 to index
      %get3A_1494 = arith.constant 96 : index
      %get3A_1495 = tpu.vector_load %arg9[%get3A_1493, %get3A_1494] {strides = array<i32>} : memref<32x128xf32, #tpu.memory_space<vmem>>, vector<16xf32>,
      %swap3A_1496 = arith.constant 43 : i32
      %swap3A_1497 = arith.index_cast %swap3A_1496 : i32 to index
      %swap3A_1498 = arith.constant 32 : index
      %swap3A_1499 = tpu.vector_load %arg7[%swap3A_1497, %swap3A_1498] {strides = array<i32>} : memref<128x128xf32, #tpu.memory_space<vmem>>, vector<16xf32>,
      tpu.vector_store %arg7[%swap3A_1497, %swap3A_1498], %get3A_1495 {strides = array<i32>} : memref<128x128xf32, #tpu.memory_space<vmem>>, vector<16xf32>,
      %get3A_1500 = arith.constant 21 : i32
      %get3A_1501 = arith.index_cast %get3A_1500 : i32 to index
      %get3A_1502 = arith.constant 112 : index
      %get3A_1503 = tpu.vector_load %arg9[%get3A_1501, %get3A_1502] {strides = array<i32>} : memref<32x128xf32, #tpu.memory_space<vmem>>, vector<16xf32>,
      %swap3A_1504 = arith.constant 43 : i32
      %swap3A_1505 = arith.index_cast %swap3A_1504 : i32 to index
      %swap3A_1506 = arith.constant 48 : index
      %swap3A_1507 = tpu.vector_load %arg7[%swap3A_1505, %swap3A_1506] {strides = array<i32>} : memref<128x128xf32, #tpu.memory_space<vmem>>, vector<16xf32>,
      tpu.vector_store %arg7[%swap3A_1505, %swap3A_1506], %get3A_1503 {strides = array<i32>} : memref<128x128xf32, #tpu.memory_space<vmem>>, vector<16xf32>,
      %get3A_1508 = arith.constant 22 : i32
      %get3A_1509 = arith.index_cast %get3A_1508 : i32 to index
      %get3A_1510 = arith.constant 0 : index
      %get3A_1511 = tpu.vector_load %arg9[%get3A_1509, %get3A_1510] {strides = array<i32>} : memref<32x128xf32, #tpu.memory_space<vmem>>, vector<16xf32>,
      %swap3A_1512 = arith.constant 44 : i32
      %swap3A_1513 = arith.index_cast %swap3A_1512 : i32 to index
      %swap3A_1514 = arith.constant 0 : index
      %swap3A_1515 = tpu.vector_load %arg7[%swap3A_1513, %swap3A_1514] {strides = array<i32>} : memref<128x128xf32, #tpu.memory_space<vmem>>, vector<16xf32>,
      tpu.vector_store %arg7[%swap3A_1513, %swap3A_1514], %get3A_1511 {strides = array<i32>} : memref<128x128xf32, #tpu.memory_space<vmem>>, vector<16xf32>,
      %get3A_1516 = arith.constant 22 : i32
      %get3A_1517 = arith.index_cast %get3A_1516 : i32 to index
      %get3A_1518 = arith.constant 16 : index
      %get3A_1519 = tpu.vector_load %arg9[%get3A_1517, %get3A_1518] {strides = array<i32>} : memref<32x128xf32, #tpu.memory_space<vmem>>, vector<16xf32>,
      %swap3A_1520 = arith.constant 44 : i32
      %swap3A_1521 = arith.index_cast %swap3A_1520 : i32 to index
      %swap3A_1522 = arith.constant 16 : index
      %swap3A_1523 = tpu.vector_load %arg7[%swap3A_1521, %swap3A_1522] {strides = array<i32>} : memref<128x128xf32, #tpu.memory_space<vmem>>, vector<16xf32>,
      tpu.vector_store %arg7[%swap3A_1521, %swap3A_1522], %get3A_1519 {strides = array<i32>} : memref<128x128xf32, #tpu.memory_space<vmem>>, vector<16xf32>,
      %get3A_1524 = arith.constant 22 : i32
      %get3A_1525 = arith.index_cast %get3A_1524 : i32 to index
      %get3A_1526 = arith.constant 32 : index
      %get3A_1527 = tpu.vector_load %arg9[%get3A_1525, %get3A_1526] {strides = array<i32>} : memref<32x128xf32, #tpu.memory_space<vmem>>, vector<16xf32>,
      %swap3A_1528 = arith.constant 44 : i32
      %swap3A_1529 = arith.index_cast %swap3A_1528 : i32 to index
      %swap3A_1530 = arith.constant 32 : index
      %swap3A_1531 = tpu.vector_load %arg7[%swap3A_1529, %swap3A_1530] {strides = array<i32>} : memref<128x128xf32, #tpu.memory_space<vmem>>, vector<16xf32>,
      tpu.vector_store %arg7[%swap3A_1529, %swap3A_1530], %get3A_1527 {strides = array<i32>} : memref<128x128xf32, #tpu.memory_space<vmem>>, vector<16xf32>,
      %get3A_1532 = arith.constant 22 : i32
      %get3A_1533 = arith.index_cast %get3A_1532 : i32 to index
      %get3A_1534 = arith.constant 48 : index
      %get3A_1535 = tpu.vector_load %arg9[%get3A_1533, %get3A_1534] {strides = array<i32>} : memref<32x128xf32, #tpu.memory_space<vmem>>, vector<16xf32>,
      %swap3A_1536 = arith.constant 44 : i32
      %swap3A_1537 = arith.index_cast %swap3A_1536 : i32 to index
      %swap3A_1538 = arith.constant 48 : index
      %swap3A_1539 = tpu.vector_load %arg7[%swap3A_1537, %swap3A_1538] {strides = array<i32>} : memref<128x128xf32, #tpu.memory_space<vmem>>, vector<16xf32>,
      tpu.vector_store %arg7[%swap3A_1537, %swap3A_1538], %get3A_1535 {strides = array<i32>} : memref<128x128xf32, #tpu.memory_space<vmem>>, vector<16xf32>,
      %get3A_1540 = arith.constant 22 : i32
      %get3A_1541 = arith.index_cast %get3A_1540 : i32 to index
      %get3A_1542 = arith.constant 64 : index
      %get3A_1543 = tpu.vector_load %arg9[%get3A_1541, %get3A_1542] {strides = array<i32>} : memref<32x128xf32, #tpu.memory_space<vmem>>, vector<16xf32>,
      %swap3A_1544 = arith.constant 45 : i32
      %swap3A_1545 = arith.index_cast %swap3A_1544 : i32 to index
      %swap3A_1546 = arith.constant 0 : index
      %swap3A_1547 = tpu.vector_load %arg7[%swap3A_1545, %swap3A_1546] {strides = array<i32>} : memref<128x128xf32, #tpu.memory_space<vmem>>, vector<16xf32>,
      tpu.vector_store %arg7[%swap3A_1545, %swap3A_1546], %get3A_1543 {strides = array<i32>} : memref<128x128xf32, #tpu.memory_space<vmem>>, vector<16xf32>,
      %get3A_1548 = arith.constant 22 : i32
      %get3A_1549 = arith.index_cast %get3A_1548 : i32 to index
      %get3A_1550 = arith.constant 80 : index
      %get3A_1551 = tpu.vector_load %arg9[%get3A_1549, %get3A_1550] {strides = array<i32>} : memref<32x128xf32, #tpu.memory_space<vmem>>, vector<16xf32>,
      %swap3A_1552 = arith.constant 45 : i32
      %swap3A_1553 = arith.index_cast %swap3A_1552 : i32 to index
      %swap3A_1554 = arith.constant 16 : index
      %swap3A_1555 = tpu.vector_load %arg7[%swap3A_1553, %swap3A_1554] {strides = array<i32>} : memref<128x128xf32, #tpu.memory_space<vmem>>, vector<16xf32>,
      tpu.vector_store %arg7[%swap3A_1553, %swap3A_1554], %get3A_1551 {strides = array<i32>} : memref<128x128xf32, #tpu.memory_space<vmem>>, vector<16xf32>,
      %get3A_1556 = arith.constant 22 : i32
      %get3A_1557 = arith.index_cast %get3A_1556 : i32 to index
      %get3A_1558 = arith.constant 96 : index
      %get3A_1559 = tpu.vector_load %arg9[%get3A_1557, %get3A_1558] {strides = array<i32>} : memref<32x128xf32, #tpu.memory_space<vmem>>, vector<16xf32>,
      %swap3A_1560 = arith.constant 45 : i32
      %swap3A_1561 = arith.index_cast %swap3A_1560 : i32 to index
      %swap3A_1562 = arith.constant 32 : index
      %swap3A_1563 = tpu.vector_load %arg7[%swap3A_1561, %swap3A_1562] {strides = array<i32>} : memref<128x128xf32, #tpu.memory_space<vmem>>, vector<16xf32>,
      tpu.vector_store %arg7[%swap3A_1561, %swap3A_1562], %get3A_1559 {strides = array<i32>} : memref<128x128xf32, #tpu.memory_space<vmem>>, vector<16xf32>,
      %get3A_1564 = arith.constant 22 : i32
      %get3A_1565 = arith.index_cast %get3A_1564 : i32 to index
      %get3A_1566 = arith.constant 112 : index
      %get3A_1567 = tpu.vector_load %arg9[%get3A_1565, %get3A_1566] {strides = array<i32>} : memref<32x128xf32, #tpu.memory_space<vmem>>, vector<16xf32>,
      %swap3A_1568 = arith.constant 45 : i32
      %swap3A_1569 = arith.index_cast %swap3A_1568 : i32 to index
      %swap3A_1570 = arith.constant 48 : index
      %swap3A_1571 = tpu.vector_load %arg7[%swap3A_1569, %swap3A_1570] {strides = array<i32>} : memref<128x128xf32, #tpu.memory_space<vmem>>, vector<16xf32>,
      tpu.vector_store %arg7[%swap3A_1569, %swap3A_1570], %get3A_1567 {strides = array<i32>} : memref<128x128xf32, #tpu.memory_space<vmem>>, vector<16xf32>,
      %get3A_1572 = arith.constant 23 : i32
      %get3A_1573 = arith.index_cast %get3A_1572 : i32 to index
      %get3A_1574 = arith.constant 0 : index
      %get3A_1575 = tpu.vector_load %arg9[%get3A_1573, %get3A_1574] {strides = array<i32>} : memref<32x128xf32, #tpu.memory_space<vmem>>, vector<16xf32>,
      %swap3A_1576 = arith.constant 46 : i32
      %swap3A_1577 = arith.index_cast %swap3A_1576 : i32 to index
      %swap3A_1578 = arith.constant 0 : index
      %swap3A_1579 = tpu.vector_load %arg7[%swap3A_1577, %swap3A_1578] {strides = array<i32>} : memref<128x128xf32, #tpu.memory_space<vmem>>, vector<16xf32>,
      tpu.vector_store %arg7[%swap3A_1577, %swap3A_1578], %get3A_1575 {strides = array<i32>} : memref<128x128xf32, #tpu.memory_space<vmem>>, vector<16xf32>,
      %get3A_1580 = arith.constant 23 : i32
      %get3A_1581 = arith.index_cast %get3A_1580 : i32 to index
      %get3A_1582 = arith.constant 16 : index
      %get3A_1583 = tpu.vector_load %arg9[%get3A_1581, %get3A_1582] {strides = array<i32>} : memref<32x128xf32, #tpu.memory_space<vmem>>, vector<16xf32>,
      %swap3A_1584 = arith.constant 46 : i32
      %swap3A_1585 = arith.index_cast %swap3A_1584 : i32 to index
      %swap3A_1586 = arith.constant 16 : index
      %swap3A_1587 = tpu.vector_load %arg7[%swap3A_1585, %swap3A_1586] {strides = array<i32>} : memref<128x128xf32, #tpu.memory_space<vmem>>, vector<16xf32>,
      tpu.vector_store %arg7[%swap3A_1585, %swap3A_1586], %get3A_1583 {strides = array<i32>} : memref<128x128xf32, #tpu.memory_space<vmem>>, vector<16xf32>,
      %get3A_1588 = arith.constant 23 : i32
      %get3A_1589 = arith.index_cast %get3A_1588 : i32 to index
      %get3A_1590 = arith.constant 32 : index
      %get3A_1591 = tpu.vector_load %arg9[%get3A_1589, %get3A_1590] {strides = array<i32>} : memref<32x128xf32, #tpu.memory_space<vmem>>, vector<16xf32>,
      %swap3A_1592 = arith.constant 46 : i32
      %swap3A_1593 = arith.index_cast %swap3A_1592 : i32 to index
      %swap3A_1594 = arith.constant 32 : index
      %swap3A_1595 = tpu.vector_load %arg7[%swap3A_1593, %swap3A_1594] {strides = array<i32>} : memref<128x128xf32, #tpu.memory_space<vmem>>, vector<16xf32>,
      tpu.vector_store %arg7[%swap3A_1593, %swap3A_1594], %get3A_1591 {strides = array<i32>} : memref<128x128xf32, #tpu.memory_space<vmem>>, vector<16xf32>,
      %get3A_1596 = arith.constant 23 : i32
      %get3A_1597 = arith.index_cast %get3A_1596 : i32 to index
      %get3A_1598 = arith.constant 48 : index
      %get3A_1599 = tpu.vector_load %arg9[%get3A_1597, %get3A_1598] {strides = array<i32>} : memref<32x128xf32, #tpu.memory_space<vmem>>, vector<16xf32>,
      %swap3A_1600 = arith.constant 46 : i32
      %swap3A_1601 = arith.index_cast %swap3A_1600 : i32 to index
      %swap3A_1602 = arith.constant 48 : index
      %swap3A_1603 = tpu.vector_load %arg7[%swap3A_1601, %swap3A_1602] {strides = array<i32>} : memref<128x128xf32, #tpu.memory_space<vmem>>, vector<16xf32>,
      tpu.vector_store %arg7[%swap3A_1601, %swap3A_1602], %get3A_1599 {strides = array<i32>} : memref<128x128xf32, #tpu.memory_space<vmem>>, vector<16xf32>,
      %get3A_1604 = arith.constant 23 : i32
      %get3A_1605 = arith.index_cast %get3A_1604 : i32 to index
      %get3A_1606 = arith.constant 64 : index
      %get3A_1607 = tpu.vector_load %arg9[%get3A_1605, %get3A_1606] {strides = array<i32>} : memref<32x128xf32, #tpu.memory_space<vmem>>, vector<16xf32>,
      %swap3A_1608 = arith.constant 47 : i32
      %swap3A_1609 = arith.index_cast %swap3A_1608 : i32 to index
      %swap3A_1610 = arith.constant 0 : index
      %swap3A_1611 = tpu.vector_load %arg7[%swap3A_1609, %swap3A_1610] {strides = array<i32>} : memref<128x128xf32, #tpu.memory_space<vmem>>, vector<16xf32>,
      tpu.vector_store %arg7[%swap3A_1609, %swap3A_1610], %get3A_1607 {strides = array<i32>} : memref<128x128xf32, #tpu.memory_space<vmem>>, vector<16xf32>,
      %get3A_1612 = arith.constant 23 : i32
      %get3A_1613 = arith.index_cast %get3A_1612 : i32 to index
      %get3A_1614 = arith.constant 80 : index
      %get3A_1615 = tpu.vector_load %arg9[%get3A_1613, %get3A_1614] {strides = array<i32>} : memref<32x128xf32, #tpu.memory_space<vmem>>, vector<16xf32>,
      %swap3A_1616 = arith.constant 47 : i32
      %swap3A_1617 = arith.index_cast %swap3A_1616 : i32 to index
      %swap3A_1618 = arith.constant 16 : index
      %swap3A_1619 = tpu.vector_load %arg7[%swap3A_1617, %swap3A_1618] {strides = array<i32>} : memref<128x128xf32, #tpu.memory_space<vmem>>, vector<16xf32>,
      tpu.vector_store %arg7[%swap3A_1617, %swap3A_1618], %get3A_1615 {strides = array<i32>} : memref<128x128xf32, #tpu.memory_space<vmem>>, vector<16xf32>,
      %get3A_1620 = arith.constant 23 : i32
      %get3A_1621 = arith.index_cast %get3A_1620 : i32 to index
      %get3A_1622 = arith.constant 96 : index
      %get3A_1623 = tpu.vector_load %arg9[%get3A_1621, %get3A_1622] {strides = array<i32>} : memref<32x128xf32, #tpu.memory_space<vmem>>, vector<16xf32>,
      %swap3A_1624 = arith.constant 47 : i32
      %swap3A_1625 = arith.index_cast %swap3A_1624 : i32 to index
      %swap3A_1626 = arith.constant 32 : index
      %swap3A_1627 = tpu.vector_load %arg7[%swap3A_1625, %swap3A_1626] {strides = array<i32>} : memref<128x128xf32, #tpu.memory_space<vmem>>, vector<16xf32>,
      tpu.vector_store %arg7[%swap3A_1625, %swap3A_1626], %get3A_1623 {strides = array<i32>} : memref<128x128xf32, #tpu.memory_space<vmem>>, vector<16xf32>,
      %get3A_1628 = arith.constant 23 : i32
      %get3A_1629 = arith.index_cast %get3A_1628 : i32 to index
      %get3A_1630 = arith.constant 112 : index
      %get3A_1631 = tpu.vector_load %arg9[%get3A_1629, %get3A_1630] {strides = array<i32>} : memref<32x128xf32, #tpu.memory_space<vmem>>, vector<16xf32>,
      %swap3A_1632 = arith.constant 47 : i32
      %swap3A_1633 = arith.index_cast %swap3A_1632 : i32 to index
      %swap3A_1634 = arith.constant 48 : index
      %swap3A_1635 = tpu.vector_load %arg7[%swap3A_1633, %swap3A_1634] {strides = array<i32>} : memref<128x128xf32, #tpu.memory_space<vmem>>, vector<16xf32>,
      tpu.vector_store %arg7[%swap3A_1633, %swap3A_1634], %get3A_1631 {strides = array<i32>} : memref<128x128xf32, #tpu.memory_space<vmem>>, vector<16xf32>,
      %get3A_1636 = arith.constant 24 : i32
      %get3A_1637 = arith.index_cast %get3A_1636 : i32 to index
      %get3A_1638 = arith.constant 0 : index
      %get3A_1639 = tpu.vector_load %arg9[%get3A_1637, %get3A_1638] {strides = array<i32>} : memref<32x128xf32, #tpu.memory_space<vmem>>, vector<16xf32>,
      %swap3A_1640 = arith.constant 48 : i32
      %swap3A_1641 = arith.index_cast %swap3A_1640 : i32 to index
      %swap3A_1642 = arith.constant 0 : index
      %swap3A_1643 = tpu.vector_load %arg7[%swap3A_1641, %swap3A_1642] {strides = array<i32>} : memref<128x128xf32, #tpu.memory_space<vmem>>, vector<16xf32>,
      tpu.vector_store %arg7[%swap3A_1641, %swap3A_1642], %get3A_1639 {strides = array<i32>} : memref<128x128xf32, #tpu.memory_space<vmem>>, vector<16xf32>,
      %get3A_1644 = arith.constant 24 : i32
      %get3A_1645 = arith.index_cast %get3A_1644 : i32 to index
      %get3A_1646 = arith.constant 16 : index
      %get3A_1647 = tpu.vector_load %arg9[%get3A_1645, %get3A_1646] {strides = array<i32>} : memref<32x128xf32, #tpu.memory_space<vmem>>, vector<16xf32>,
      %swap3A_1648 = arith.constant 48 : i32
      %swap3A_1649 = arith.index_cast %swap3A_1648 : i32 to index
      %swap3A_1650 = arith.constant 16 : index
      %swap3A_1651 = tpu.vector_load %arg7[%swap3A_1649, %swap3A_1650] {strides = array<i32>} : memref<128x128xf32, #tpu.memory_space<vmem>>, vector<16xf32>,
      tpu.vector_store %arg7[%swap3A_1649, %swap3A_1650], %get3A_1647 {strides = array<i32>} : memref<128x128xf32, #tpu.memory_space<vmem>>, vector<16xf32>,
      %get3A_1652 = arith.constant 24 : i32
      %get3A_1653 = arith.index_cast %get3A_1652 : i32 to index
      %get3A_1654 = arith.constant 32 : index
      %get3A_1655 = tpu.vector_load %arg9[%get3A_1653, %get3A_1654] {strides = array<i32>} : memref<32x128xf32, #tpu.memory_space<vmem>>, vector<16xf32>,
      %swap3A_1656 = arith.constant 48 : i32
      %swap3A_1657 = arith.index_cast %swap3A_1656 : i32 to index
      %swap3A_1658 = arith.constant 32 : index
      %swap3A_1659 = tpu.vector_load %arg7[%swap3A_1657, %swap3A_1658] {strides = array<i32>} : memref<128x128xf32, #tpu.memory_space<vmem>>, vector<16xf32>,
      tpu.vector_store %arg7[%swap3A_1657, %swap3A_1658], %get3A_1655 {strides = array<i32>} : memref<128x128xf32, #tpu.memory_space<vmem>>, vector<16xf32>,
      %get3A_1660 = arith.constant 24 : i32
      %get3A_1661 = arith.index_cast %get3A_1660 : i32 to index
      %get3A_1662 = arith.constant 48 : index
      %get3A_1663 = tpu.vector_load %arg9[%get3A_1661, %get3A_1662] {strides = array<i32>} : memref<32x128xf32, #tpu.memory_space<vmem>>, vector<16xf32>,
      %swap3A_1664 = arith.constant 48 : i32
      %swap3A_1665 = arith.index_cast %swap3A_1664 : i32 to index
      %swap3A_1666 = arith.constant 48 : index
      %swap3A_1667 = tpu.vector_load %arg7[%swap3A_1665, %swap3A_1666] {strides = array<i32>} : memref<128x128xf32, #tpu.memory_space<vmem>>, vector<16xf32>,
      tpu.vector_store %arg7[%swap3A_1665, %swap3A_1666], %get3A_1663 {strides = array<i32>} : memref<128x128xf32, #tpu.memory_space<vmem>>, vector<16xf32>,
      %get3A_1668 = arith.constant 24 : i32
      %get3A_1669 = arith.index_cast %get3A_1668 : i32 to index
      %get3A_1670 = arith.constant 64 : index
      %get3A_1671 = tpu.vector_load %arg9[%get3A_1669, %get3A_1670] {strides = array<i32>} : memref<32x128xf32, #tpu.memory_space<vmem>>, vector<16xf32>,
      %swap3A_1672 = arith.constant 49 : i32
      %swap3A_1673 = arith.index_cast %swap3A_1672 : i32 to index
      %swap3A_1674 = arith.constant 0 : index
      %swap3A_1675 = tpu.vector_load %arg7[%swap3A_1673, %swap3A_1674] {strides = array<i32>} : memref<128x128xf32, #tpu.memory_space<vmem>>, vector<16xf32>,
      tpu.vector_store %arg7[%swap3A_1673, %swap3A_1674], %get3A_1671 {strides = array<i32>} : memref<128x128xf32, #tpu.memory_space<vmem>>, vector<16xf32>,
      %get3A_1676 = arith.constant 24 : i32
      %get3A_1677 = arith.index_cast %get3A_1676 : i32 to index
      %get3A_1678 = arith.constant 80 : index
      %get3A_1679 = tpu.vector_load %arg9[%get3A_1677, %get3A_1678] {strides = array<i32>} : memref<32x128xf32, #tpu.memory_space<vmem>>, vector<16xf32>,
      %swap3A_1680 = arith.constant 49 : i32
      %swap3A_1681 = arith.index_cast %swap3A_1680 : i32 to index
      %swap3A_1682 = arith.constant 16 : index
      %swap3A_1683 = tpu.vector_load %arg7[%swap3A_1681, %swap3A_1682] {strides = array<i32>} : memref<128x128xf32, #tpu.memory_space<vmem>>, vector<16xf32>,
      tpu.vector_store %arg7[%swap3A_1681, %swap3A_1682], %get3A_1679 {strides = array<i32>} : memref<128x128xf32, #tpu.memory_space<vmem>>, vector<16xf32>,
      %get3A_1684 = arith.constant 24 : i32
      %get3A_1685 = arith.index_cast %get3A_1684 : i32 to index
      %get3A_1686 = arith.constant 96 : index
      %get3A_1687 = tpu.vector_load %arg9[%get3A_1685, %get3A_1686] {strides = array<i32>} : memref<32x128xf32, #tpu.memory_space<vmem>>, vector<16xf32>,
      %swap3A_1688 = arith.constant 49 : i32
      %swap3A_1689 = arith.index_cast %swap3A_1688 : i32 to index
      %swap3A_1690 = arith.constant 32 : index
      %swap3A_1691 = tpu.vector_load %arg7[%swap3A_1689, %swap3A_1690] {strides = array<i32>} : memref<128x128xf32, #tpu.memory_space<vmem>>, vector<16xf32>,
      tpu.vector_store %arg7[%swap3A_1689, %swap3A_1690], %get3A_1687 {strides = array<i32>} : memref<128x128xf32, #tpu.memory_space<vmem>>, vector<16xf32>,
      %get3A_1692 = arith.constant 24 : i32
      %get3A_1693 = arith.index_cast %get3A_1692 : i32 to index
      %get3A_1694 = arith.constant 112 : index
      %get3A_1695 = tpu.vector_load %arg9[%get3A_1693, %get3A_1694] {strides = array<i32>} : memref<32x128xf32, #tpu.memory_space<vmem>>, vector<16xf32>,
      %swap3A_1696 = arith.constant 49 : i32
      %swap3A_1697 = arith.index_cast %swap3A_1696 : i32 to index
      %swap3A_1698 = arith.constant 48 : index
      %swap3A_1699 = tpu.vector_load %arg7[%swap3A_1697, %swap3A_1698] {strides = array<i32>} : memref<128x128xf32, #tpu.memory_space<vmem>>, vector<16xf32>,
      tpu.vector_store %arg7[%swap3A_1697, %swap3A_1698], %get3A_1695 {strides = array<i32>} : memref<128x128xf32, #tpu.memory_space<vmem>>, vector<16xf32>,
      %get3A_1700 = arith.constant 25 : i32
      %get3A_1701 = arith.index_cast %get3A_1700 : i32 to index
      %get3A_1702 = arith.constant 0 : index
      %get3A_1703 = tpu.vector_load %arg9[%get3A_1701, %get3A_1702] {strides = array<i32>} : memref<32x128xf32, #tpu.memory_space<vmem>>, vector<16xf32>,
      %swap3A_1704 = arith.constant 50 : i32
      %swap3A_1705 = arith.index_cast %swap3A_1704 : i32 to index
      %swap3A_1706 = arith.constant 0 : index
      %swap3A_1707 = tpu.vector_load %arg7[%swap3A_1705, %swap3A_1706] {strides = array<i32>} : memref<128x128xf32, #tpu.memory_space<vmem>>, vector<16xf32>,
      tpu.vector_store %arg7[%swap3A_1705, %swap3A_1706], %get3A_1703 {strides = array<i32>} : memref<128x128xf32, #tpu.memory_space<vmem>>, vector<16xf32>,
      %get3A_1708 = arith.constant 25 : i32
      %get3A_1709 = arith.index_cast %get3A_1708 : i32 to index
      %get3A_1710 = arith.constant 16 : index
      %get3A_1711 = tpu.vector_load %arg9[%get3A_1709, %get3A_1710] {strides = array<i32>} : memref<32x128xf32, #tpu.memory_space<vmem>>, vector<16xf32>,
      %swap3A_1712 = arith.constant 50 : i32
      %swap3A_1713 = arith.index_cast %swap3A_1712 : i32 to index
      %swap3A_1714 = arith.constant 16 : index
      %swap3A_1715 = tpu.vector_load %arg7[%swap3A_1713, %swap3A_1714] {strides = array<i32>} : memref<128x128xf32, #tpu.memory_space<vmem>>, vector<16xf32>,
      tpu.vector_store %arg7[%swap3A_1713, %swap3A_1714], %get3A_1711 {strides = array<i32>} : memref<128x128xf32, #tpu.memory_space<vmem>>, vector<16xf32>,
      %get3A_1716 = arith.constant 25 : i32
      %get3A_1717 = arith.index_cast %get3A_1716 : i32 to index
      %get3A_1718 = arith.constant 32 : index
      %get3A_1719 = tpu.vector_load %arg9[%get3A_1717, %get3A_1718] {strides = array<i32>} : memref<32x128xf32, #tpu.memory_space<vmem>>, vector<16xf32>,
      %swap3A_1720 = arith.constant 50 : i32
      %swap3A_1721 = arith.index_cast %swap3A_1720 : i32 to index
      %swap3A_1722 = arith.constant 32 : index
      %swap3A_1723 = tpu.vector_load %arg7[%swap3A_1721, %swap3A_1722] {strides = array<i32>} : memref<128x128xf32, #tpu.memory_space<vmem>>, vector<16xf32>,
      tpu.vector_store %arg7[%swap3A_1721, %swap3A_1722], %get3A_1719 {strides = array<i32>} : memref<128x128xf32, #tpu.memory_space<vmem>>, vector<16xf32>,
      %get3A_1724 = arith.constant 25 : i32
      %get3A_1725 = arith.index_cast %get3A_1724 : i32 to index
      %get3A_1726 = arith.constant 48 : index
      %get3A_1727 = tpu.vector_load %arg9[%get3A_1725, %get3A_1726] {strides = array<i32>} : memref<32x128xf32, #tpu.memory_space<vmem>>, vector<16xf32>,
      %swap3A_1728 = arith.constant 50 : i32
      %swap3A_1729 = arith.index_cast %swap3A_1728 : i32 to index
      %swap3A_1730 = arith.constant 48 : index
      %swap3A_1731 = tpu.vector_load %arg7[%swap3A_1729, %swap3A_1730] {strides = array<i32>} : memref<128x128xf32, #tpu.memory_space<vmem>>, vector<16xf32>,
      tpu.vector_store %arg7[%swap3A_1729, %swap3A_1730], %get3A_1727 {strides = array<i32>} : memref<128x128xf32, #tpu.memory_space<vmem>>, vector<16xf32>,
      %get3A_1732 = arith.constant 25 : i32
      %get3A_1733 = arith.index_cast %get3A_1732 : i32 to index
      %get3A_1734 = arith.constant 64 : index
      %get3A_1735 = tpu.vector_load %arg9[%get3A_1733, %get3A_1734] {strides = array<i32>} : memref<32x128xf32, #tpu.memory_space<vmem>>, vector<16xf32>,
      %swap3A_1736 = arith.constant 51 : i32
      %swap3A_1737 = arith.index_cast %swap3A_1736 : i32 to index
      %swap3A_1738 = arith.constant 0 : index
      %swap3A_1739 = tpu.vector_load %arg7[%swap3A_1737, %swap3A_1738] {strides = array<i32>} : memref<128x128xf32, #tpu.memory_space<vmem>>, vector<16xf32>,
      tpu.vector_store %arg7[%swap3A_1737, %swap3A_1738], %get3A_1735 {strides = array<i32>} : memref<128x128xf32, #tpu.memory_space<vmem>>, vector<16xf32>,
      %get3A_1740 = arith.constant 25 : i32
      %get3A_1741 = arith.index_cast %get3A_1740 : i32 to index
      %get3A_1742 = arith.constant 80 : index
      %get3A_1743 = tpu.vector_load %arg9[%get3A_1741, %get3A_1742] {strides = array<i32>} : memref<32x128xf32, #tpu.memory_space<vmem>>, vector<16xf32>,
      %swap3A_1744 = arith.constant 51 : i32
      %swap3A_1745 = arith.index_cast %swap3A_1744 : i32 to index
      %swap3A_1746 = arith.constant 16 : index
      %swap3A_1747 = tpu.vector_load %arg7[%swap3A_1745, %swap3A_1746] {strides = array<i32>} : memref<128x128xf32, #tpu.memory_space<vmem>>, vector<16xf32>,
      tpu.vector_store %arg7[%swap3A_1745, %swap3A_1746], %get3A_1743 {strides = array<i32>} : memref<128x128xf32, #tpu.memory_space<vmem>>, vector<16xf32>,
      %get3A_1748 = arith.constant 25 : i32
      %get3A_1749 = arith.index_cast %get3A_1748 : i32 to index
      %get3A_1750 = arith.constant 96 : index
      %get3A_1751 = tpu.vector_load %arg9[%get3A_1749, %get3A_1750] {strides = array<i32>} : memref<32x128xf32, #tpu.memory_space<vmem>>, vector<16xf32>,
      %swap3A_1752 = arith.constant 51 : i32
      %swap3A_1753 = arith.index_cast %swap3A_1752 : i32 to index
      %swap3A_1754 = arith.constant 32 : index
      %swap3A_1755 = tpu.vector_load %arg7[%swap3A_1753, %swap3A_1754] {strides = array<i32>} : memref<128x128xf32, #tpu.memory_space<vmem>>, vector<16xf32>,
      tpu.vector_store %arg7[%swap3A_1753, %swap3A_1754], %get3A_1751 {strides = array<i32>} : memref<128x128xf32, #tpu.memory_space<vmem>>, vector<16xf32>,
      %get3A_1756 = arith.constant 25 : i32
      %get3A_1757 = arith.index_cast %get3A_1756 : i32 to index
      %get3A_1758 = arith.constant 112 : index
      %get3A_1759 = tpu.vector_load %arg9[%get3A_1757, %get3A_1758] {strides = array<i32>} : memref<32x128xf32, #tpu.memory_space<vmem>>, vector<16xf32>,
      %swap3A_1760 = arith.constant 51 : i32
      %swap3A_1761 = arith.index_cast %swap3A_1760 : i32 to index
      %swap3A_1762 = arith.constant 48 : index
      %swap3A_1763 = tpu.vector_load %arg7[%swap3A_1761, %swap3A_1762] {strides = array<i32>} : memref<128x128xf32, #tpu.memory_space<vmem>>, vector<16xf32>,
      tpu.vector_store %arg7[%swap3A_1761, %swap3A_1762], %get3A_1759 {strides = array<i32>} : memref<128x128xf32, #tpu.memory_space<vmem>>, vector<16xf32>,
      %get3A_1764 = arith.constant 26 : i32
      %get3A_1765 = arith.index_cast %get3A_1764 : i32 to index
      %get3A_1766 = arith.constant 0 : index
      %get3A_1767 = tpu.vector_load %arg9[%get3A_1765, %get3A_1766] {strides = array<i32>} : memref<32x128xf32, #tpu.memory_space<vmem>>, vector<16xf32>,
      %swap3A_1768 = arith.constant 52 : i32
      %swap3A_1769 = arith.index_cast %swap3A_1768 : i32 to index
      %swap3A_1770 = arith.constant 0 : index
      %swap3A_1771 = tpu.vector_load %arg7[%swap3A_1769, %swap3A_1770] {strides = array<i32>} : memref<128x128xf32, #tpu.memory_space<vmem>>, vector<16xf32>,
      tpu.vector_store %arg7[%swap3A_1769, %swap3A_1770], %get3A_1767 {strides = array<i32>} : memref<128x128xf32, #tpu.memory_space<vmem>>, vector<16xf32>,
      %get3A_1772 = arith.constant 26 : i32
      %get3A_1773 = arith.index_cast %get3A_1772 : i32 to index
      %get3A_1774 = arith.constant 16 : index
      %get3A_1775 = tpu.vector_load %arg9[%get3A_1773, %get3A_1774] {strides = array<i32>} : memref<32x128xf32, #tpu.memory_space<vmem>>, vector<16xf32>,
      %swap3A_1776 = arith.constant 52 : i32
      %swap3A_1777 = arith.index_cast %swap3A_1776 : i32 to index
      %swap3A_1778 = arith.constant 16 : index
      %swap3A_1779 = tpu.vector_load %arg7[%swap3A_1777, %swap3A_1778] {strides = array<i32>} : memref<128x128xf32, #tpu.memory_space<vmem>>, vector<16xf32>,
      tpu.vector_store %arg7[%swap3A_1777, %swap3A_1778], %get3A_1775 {strides = array<i32>} : memref<128x128xf32, #tpu.memory_space<vmem>>, vector<16xf32>,
      %get3A_1780 = arith.constant 26 : i32
      %get3A_1781 = arith.index_cast %get3A_1780 : i32 to index
      %get3A_1782 = arith.constant 32 : index
      %get3A_1783 = tpu.vector_load %arg9[%get3A_1781, %get3A_1782] {strides = array<i32>} : memref<32x128xf32, #tpu.memory_space<vmem>>, vector<16xf32>,
      %swap3A_1784 = arith.constant 52 : i32
      %swap3A_1785 = arith.index_cast %swap3A_1784 : i32 to index
      %swap3A_1786 = arith.constant 32 : index
      %swap3A_1787 = tpu.vector_load %arg7[%swap3A_1785, %swap3A_1786] {strides = array<i32>} : memref<128x128xf32, #tpu.memory_space<vmem>>, vector<16xf32>,
      tpu.vector_store %arg7[%swap3A_1785, %swap3A_1786], %get3A_1783 {strides = array<i32>} : memref<128x128xf32, #tpu.memory_space<vmem>>, vector<16xf32>,
      %get3A_1788 = arith.constant 26 : i32
      %get3A_1789 = arith.index_cast %get3A_1788 : i32 to index
      %get3A_1790 = arith.constant 48 : index
      %get3A_1791 = tpu.vector_load %arg9[%get3A_1789, %get3A_1790] {strides = array<i32>} : memref<32x128xf32, #tpu.memory_space<vmem>>, vector<16xf32>,
      %swap3A_1792 = arith.constant 52 : i32
      %swap3A_1793 = arith.index_cast %swap3A_1792 : i32 to index
      %swap3A_1794 = arith.constant 48 : index
      %swap3A_1795 = tpu.vector_load %arg7[%swap3A_1793, %swap3A_1794] {strides = array<i32>} : memref<128x128xf32, #tpu.memory_space<vmem>>, vector<16xf32>,
      tpu.vector_store %arg7[%swap3A_1793, %swap3A_1794], %get3A_1791 {strides = array<i32>} : memref<128x128xf32, #tpu.memory_space<vmem>>, vector<16xf32>,
      %get3A_1796 = arith.constant 26 : i32
      %get3A_1797 = arith.index_cast %get3A_1796 : i32 to index
      %get3A_1798 = arith.constant 64 : index
      %get3A_1799 = tpu.vector_load %arg9[%get3A_1797, %get3A_1798] {strides = array<i32>} : memref<32x128xf32, #tpu.memory_space<vmem>>, vector<16xf32>,
      %swap3A_1800 = arith.constant 53 : i32
      %swap3A_1801 = arith.index_cast %swap3A_1800 : i32 to index
      %swap3A_1802 = arith.constant 0 : index
      %swap3A_1803 = tpu.vector_load %arg7[%swap3A_1801, %swap3A_1802] {strides = array<i32>} : memref<128x128xf32, #tpu.memory_space<vmem>>, vector<16xf32>,
      tpu.vector_store %arg7[%swap3A_1801, %swap3A_1802], %get3A_1799 {strides = array<i32>} : memref<128x128xf32, #tpu.memory_space<vmem>>, vector<16xf32>,
      %get3A_1804 = arith.constant 26 : i32
      %get3A_1805 = arith.index_cast %get3A_1804 : i32 to index
      %get3A_1806 = arith.constant 80 : index
      %get3A_1807 = tpu.vector_load %arg9[%get3A_1805, %get3A_1806] {strides = array<i32>} : memref<32x128xf32, #tpu.memory_space<vmem>>, vector<16xf32>,
      %swap3A_1808 = arith.constant 53 : i32
      %swap3A_1809 = arith.index_cast %swap3A_1808 : i32 to index
      %swap3A_1810 = arith.constant 16 : index
      %swap3A_1811 = tpu.vector_load %arg7[%swap3A_1809, %swap3A_1810] {strides = array<i32>} : memref<128x128xf32, #tpu.memory_space<vmem>>, vector<16xf32>,
      tpu.vector_store %arg7[%swap3A_1809, %swap3A_1810], %get3A_1807 {strides = array<i32>} : memref<128x128xf32, #tpu.memory_space<vmem>>, vector<16xf32>,
      %get3A_1812 = arith.constant 26 : i32
      %get3A_1813 = arith.index_cast %get3A_1812 : i32 to index
      %get3A_1814 = arith.constant 96 : index
      %get3A_1815 = tpu.vector_load %arg9[%get3A_1813, %get3A_1814] {strides = array<i32>} : memref<32x128xf32, #tpu.memory_space<vmem>>, vector<16xf32>,
      %swap3A_1816 = arith.constant 53 : i32
      %swap3A_1817 = arith.index_cast %swap3A_1816 : i32 to index
      %swap3A_1818 = arith.constant 32 : index
      %swap3A_1819 = tpu.vector_load %arg7[%swap3A_1817, %swap3A_1818] {strides = array<i32>} : memref<128x128xf32, #tpu.memory_space<vmem>>, vector<16xf32>,
      tpu.vector_store %arg7[%swap3A_1817, %swap3A_1818], %get3A_1815 {strides = array<i32>} : memref<128x128xf32, #tpu.memory_space<vmem>>, vector<16xf32>,
      %get3A_1820 = arith.constant 26 : i32
      %get3A_1821 = arith.index_cast %get3A_1820 : i32 to index
      %get3A_1822 = arith.constant 112 : index
      %get3A_1823 = tpu.vector_load %arg9[%get3A_1821, %get3A_1822] {strides = array<i32>} : memref<32x128xf32, #tpu.memory_space<vmem>>, vector<16xf32>,
      %swap3A_1824 = arith.constant 53 : i32
      %swap3A_1825 = arith.index_cast %swap3A_1824 : i32 to index
      %swap3A_1826 = arith.constant 48 : index
      %swap3A_1827 = tpu.vector_load %arg7[%swap3A_1825, %swap3A_1826] {strides = array<i32>} : memref<128x128xf32, #tpu.memory_space<vmem>>, vector<16xf32>,
      tpu.vector_store %arg7[%swap3A_1825, %swap3A_1826], %get3A_1823 {strides = array<i32>} : memref<128x128xf32, #tpu.memory_space<vmem>>, vector<16xf32>,
      %get3A_1828 = arith.constant 27 : i32
      %get3A_1829 = arith.index_cast %get3A_1828 : i32 to index
      %get3A_1830 = arith.constant 0 : index
      %get3A_1831 = tpu.vector_load %arg9[%get3A_1829, %get3A_1830] {strides = array<i32>} : memref<32x128xf32, #tpu.memory_space<vmem>>, vector<16xf32>,
      %swap3A_1832 = arith.constant 54 : i32
      %swap3A_1833 = arith.index_cast %swap3A_1832 : i32 to index
      %swap3A_1834 = arith.constant 0 : index
      %swap3A_1835 = tpu.vector_load %arg7[%swap3A_1833, %swap3A_1834] {strides = array<i32>} : memref<128x128xf32, #tpu.memory_space<vmem>>, vector<16xf32>,
      tpu.vector_store %arg7[%swap3A_1833, %swap3A_1834], %get3A_1831 {strides = array<i32>} : memref<128x128xf32, #tpu.memory_space<vmem>>, vector<16xf32>,
      %get3A_1836 = arith.constant 27 : i32
      %get3A_1837 = arith.index_cast %get3A_1836 : i32 to index
      %get3A_1838 = arith.constant 16 : index
      %get3A_1839 = tpu.vector_load %arg9[%get3A_1837, %get3A_1838] {strides = array<i32>} : memref<32x128xf32, #tpu.memory_space<vmem>>, vector<16xf32>,
      %swap3A_1840 = arith.constant 54 : i32
      %swap3A_1841 = arith.index_cast %swap3A_1840 : i32 to index
      %swap3A_1842 = arith.constant 16 : index
      %swap3A_1843 = tpu.vector_load %arg7[%swap3A_1841, %swap3A_1842] {strides = array<i32>} : memref<128x128xf32, #tpu.memory_space<vmem>>, vector<16xf32>,
      tpu.vector_store %arg7[%swap3A_1841, %swap3A_1842], %get3A_1839 {strides = array<i32>} : memref<128x128xf32, #tpu.memory_space<vmem>>, vector<16xf32>,
      %get3A_1844 = arith.constant 27 : i32
      %get3A_1845 = arith.index_cast %get3A_1844 : i32 to index
      %get3A_1846 = arith.constant 32 : index
      %get3A_1847 = tpu.vector_load %arg9[%get3A_1845, %get3A_1846] {strides = array<i32>} : memref<32x128xf32, #tpu.memory_space<vmem>>, vector<16xf32>,
      %swap3A_1848 = arith.constant 54 : i32
      %swap3A_1849 = arith.index_cast %swap3A_1848 : i32 to index
      %swap3A_1850 = arith.constant 32 : index
      %swap3A_1851 = tpu.vector_load %arg7[%swap3A_1849, %swap3A_1850] {strides = array<i32>} : memref<128x128xf32, #tpu.memory_space<vmem>>, vector<16xf32>,
      tpu.vector_store %arg7[%swap3A_1849, %swap3A_1850], %get3A_1847 {strides = array<i32>} : memref<128x128xf32, #tpu.memory_space<vmem>>, vector<16xf32>,
      %get3A_1852 = arith.constant 27 : i32
      %get3A_1853 = arith.index_cast %get3A_1852 : i32 to index
      %get3A_1854 = arith.constant 48 : index
      %get3A_1855 = tpu.vector_load %arg9[%get3A_1853, %get3A_1854] {strides = array<i32>} : memref<32x128xf32, #tpu.memory_space<vmem>>, vector<16xf32>,
      %swap3A_1856 = arith.constant 54 : i32
      %swap3A_1857 = arith.index_cast %swap3A_1856 : i32 to index
      %swap3A_1858 = arith.constant 48 : index
      %swap3A_1859 = tpu.vector_load %arg7[%swap3A_1857, %swap3A_1858] {strides = array<i32>} : memref<128x128xf32, #tpu.memory_space<vmem>>, vector<16xf32>,
      tpu.vector_store %arg7[%swap3A_1857, %swap3A_1858], %get3A_1855 {strides = array<i32>} : memref<128x128xf32, #tpu.memory_space<vmem>>, vector<16xf32>,
      %get3A_1860 = arith.constant 27 : i32
      %get3A_1861 = arith.index_cast %get3A_1860 : i32 to index
      %get3A_1862 = arith.constant 64 : index
      %get3A_1863 = tpu.vector_load %arg9[%get3A_1861, %get3A_1862] {strides = array<i32>} : memref<32x128xf32, #tpu.memory_space<vmem>>, vector<16xf32>,
      %swap3A_1864 = arith.constant 55 : i32
      %swap3A_1865 = arith.index_cast %swap3A_1864 : i32 to index
      %swap3A_1866 = arith.constant 0 : index
      %swap3A_1867 = tpu.vector_load %arg7[%swap3A_1865, %swap3A_1866] {strides = array<i32>} : memref<128x128xf32, #tpu.memory_space<vmem>>, vector<16xf32>,
      tpu.vector_store %arg7[%swap3A_1865, %swap3A_1866], %get3A_1863 {strides = array<i32>} : memref<128x128xf32, #tpu.memory_space<vmem>>, vector<16xf32>,
      %get3A_1868 = arith.constant 27 : i32
      %get3A_1869 = arith.index_cast %get3A_1868 : i32 to index
      %get3A_1870 = arith.constant 80 : index
      %get3A_1871 = tpu.vector_load %arg9[%get3A_1869, %get3A_1870] {strides = array<i32>} : memref<32x128xf32, #tpu.memory_space<vmem>>, vector<16xf32>,
      %swap3A_1872 = arith.constant 55 : i32
      %swap3A_1873 = arith.index_cast %swap3A_1872 : i32 to index
      %swap3A_1874 = arith.constant 16 : index
      %swap3A_1875 = tpu.vector_load %arg7[%swap3A_1873, %swap3A_1874] {strides = array<i32>} : memref<128x128xf32, #tpu.memory_space<vmem>>, vector<16xf32>,
      tpu.vector_store %arg7[%swap3A_1873, %swap3A_1874], %get3A_1871 {strides = array<i32>} : memref<128x128xf32, #tpu.memory_space<vmem>>, vector<16xf32>,
      %get3A_1876 = arith.constant 27 : i32
      %get3A_1877 = arith.index_cast %get3A_1876 : i32 to index
      %get3A_1878 = arith.constant 96 : index
      %get3A_1879 = tpu.vector_load %arg9[%get3A_1877, %get3A_1878] {strides = array<i32>} : memref<32x128xf32, #tpu.memory_space<vmem>>, vector<16xf32>,
      %swap3A_1880 = arith.constant 55 : i32
      %swap3A_1881 = arith.index_cast %swap3A_1880 : i32 to index
      %swap3A_1882 = arith.constant 32 : index
      %swap3A_1883 = tpu.vector_load %arg7[%swap3A_1881, %swap3A_1882] {strides = array<i32>} : memref<128x128xf32, #tpu.memory_space<vmem>>, vector<16xf32>,
      tpu.vector_store %arg7[%swap3A_1881, %swap3A_1882], %get3A_1879 {strides = array<i32>} : memref<128x128xf32, #tpu.memory_space<vmem>>, vector<16xf32>,
      %get3A_1884 = arith.constant 27 : i32
      %get3A_1885 = arith.index_cast %get3A_1884 : i32 to index
      %get3A_1886 = arith.constant 112 : index
      %get3A_1887 = tpu.vector_load %arg9[%get3A_1885, %get3A_1886] {strides = array<i32>} : memref<32x128xf32, #tpu.memory_space<vmem>>, vector<16xf32>,
      %swap3A_1888 = arith.constant 55 : i32
      %swap3A_1889 = arith.index_cast %swap3A_1888 : i32 to index
      %swap3A_1890 = arith.constant 48 : index
      %swap3A_1891 = tpu.vector_load %arg7[%swap3A_1889, %swap3A_1890] {strides = array<i32>} : memref<128x128xf32, #tpu.memory_space<vmem>>, vector<16xf32>,
      tpu.vector_store %arg7[%swap3A_1889, %swap3A_1890], %get3A_1887 {strides = array<i32>} : memref<128x128xf32, #tpu.memory_space<vmem>>, vector<16xf32>,
      %get3A_1892 = arith.constant 28 : i32
      %get3A_1893 = arith.index_cast %get3A_1892 : i32 to index
      %get3A_1894 = arith.constant 0 : index
      %get3A_1895 = tpu.vector_load %arg9[%get3A_1893, %get3A_1894] {strides = array<i32>} : memref<32x128xf32, #tpu.memory_space<vmem>>, vector<16xf32>,
      %swap3A_1896 = arith.constant 56 : i32
      %swap3A_1897 = arith.index_cast %swap3A_1896 : i32 to index
      %swap3A_1898 = arith.constant 0 : index
      %swap3A_1899 = tpu.vector_load %arg7[%swap3A_1897, %swap3A_1898] {strides = array<i32>} : memref<128x128xf32, #tpu.memory_space<vmem>>, vector<16xf32>,
      tpu.vector_store %arg7[%swap3A_1897, %swap3A_1898], %get3A_1895 {strides = array<i32>} : memref<128x128xf32, #tpu.memory_space<vmem>>, vector<16xf32>,
      %get3A_1900 = arith.constant 28 : i32
      %get3A_1901 = arith.index_cast %get3A_1900 : i32 to index
      %get3A_1902 = arith.constant 16 : index
      %get3A_1903 = tpu.vector_load %arg9[%get3A_1901, %get3A_1902] {strides = array<i32>} : memref<32x128xf32, #tpu.memory_space<vmem>>, vector<16xf32>,
      %swap3A_1904 = arith.constant 56 : i32
      %swap3A_1905 = arith.index_cast %swap3A_1904 : i32 to index
      %swap3A_1906 = arith.constant 16 : index
      %swap3A_1907 = tpu.vector_load %arg7[%swap3A_1905, %swap3A_1906] {strides = array<i32>} : memref<128x128xf32, #tpu.memory_space<vmem>>, vector<16xf32>,
      tpu.vector_store %arg7[%swap3A_1905, %swap3A_1906], %get3A_1903 {strides = array<i32>} : memref<128x128xf32, #tpu.memory_space<vmem>>, vector<16xf32>,
      %get3A_1908 = arith.constant 28 : i32
      %get3A_1909 = arith.index_cast %get3A_1908 : i32 to index
      %get3A_1910 = arith.constant 32 : index
      %get3A_1911 = tpu.vector_load %arg9[%get3A_1909, %get3A_1910] {strides = array<i32>} : memref<32x128xf32, #tpu.memory_space<vmem>>, vector<16xf32>,
      %swap3A_1912 = arith.constant 56 : i32
      %swap3A_1913 = arith.index_cast %swap3A_1912 : i32 to index
      %swap3A_1914 = arith.constant 32 : index
      %swap3A_1915 = tpu.vector_load %arg7[%swap3A_1913, %swap3A_1914] {strides = array<i32>} : memref<128x128xf32, #tpu.memory_space<vmem>>, vector<16xf32>,
      tpu.vector_store %arg7[%swap3A_1913, %swap3A_1914], %get3A_1911 {strides = array<i32>} : memref<128x128xf32, #tpu.memory_space<vmem>>, vector<16xf32>,
      %get3A_1916 = arith.constant 28 : i32
      %get3A_1917 = arith.index_cast %get3A_1916 : i32 to index
      %get3A_1918 = arith.constant 48 : index
      %get3A_1919 = tpu.vector_load %arg9[%get3A_1917, %get3A_1918] {strides = array<i32>} : memref<32x128xf32, #tpu.memory_space<vmem>>, vector<16xf32>,
      %swap3A_1920 = arith.constant 56 : i32
      %swap3A_1921 = arith.index_cast %swap3A_1920 : i32 to index
      %swap3A_1922 = arith.constant 48 : index
      %swap3A_1923 = tpu.vector_load %arg7[%swap3A_1921, %swap3A_1922] {strides = array<i32>} : memref<128x128xf32, #tpu.memory_space<vmem>>, vector<16xf32>,
      tpu.vector_store %arg7[%swap3A_1921, %swap3A_1922], %get3A_1919 {strides = array<i32>} : memref<128x128xf32, #tpu.memory_space<vmem>>, vector<16xf32>,
      %get3A_1924 = arith.constant 28 : i32
      %get3A_1925 = arith.index_cast %get3A_1924 : i32 to index
      %get3A_1926 = arith.constant 64 : index
      %get3A_1927 = tpu.vector_load %arg9[%get3A_1925, %get3A_1926] {strides = array<i32>} : memref<32x128xf32, #tpu.memory_space<vmem>>, vector<16xf32>,
      %swap3A_1928 = arith.constant 57 : i32
      %swap3A_1929 = arith.index_cast %swap3A_1928 : i32 to index
      %swap3A_1930 = arith.constant 0 : index
      %swap3A_1931 = tpu.vector_load %arg7[%swap3A_1929, %swap3A_1930] {strides = array<i32>} : memref<128x128xf32, #tpu.memory_space<vmem>>, vector<16xf32>,
      tpu.vector_store %arg7[%swap3A_1929, %swap3A_1930], %get3A_1927 {strides = array<i32>} : memref<128x128xf32, #tpu.memory_space<vmem>>, vector<16xf32>,
      %get3A_1932 = arith.constant 28 : i32
      %get3A_1933 = arith.index_cast %get3A_1932 : i32 to index
      %get3A_1934 = arith.constant 80 : index
      %get3A_1935 = tpu.vector_load %arg9[%get3A_1933, %get3A_1934] {strides = array<i32>} : memref<32x128xf32, #tpu.memory_space<vmem>>, vector<16xf32>,
      %swap3A_1936 = arith.constant 57 : i32
      %swap3A_1937 = arith.index_cast %swap3A_1936 : i32 to index
      %swap3A_1938 = arith.constant 16 : index
      %swap3A_1939 = tpu.vector_load %arg7[%swap3A_1937, %swap3A_1938] {strides = array<i32>} : memref<128x128xf32, #tpu.memory_space<vmem>>, vector<16xf32>,
      tpu.vector_store %arg7[%swap3A_1937, %swap3A_1938], %get3A_1935 {strides = array<i32>} : memref<128x128xf32, #tpu.memory_space<vmem>>, vector<16xf32>,
      %get3A_1940 = arith.constant 28 : i32
      %get3A_1941 = arith.index_cast %get3A_1940 : i32 to index
      %get3A_1942 = arith.constant 96 : index
      %get3A_1943 = tpu.vector_load %arg9[%get3A_1941, %get3A_1942] {strides = array<i32>} : memref<32x128xf32, #tpu.memory_space<vmem>>, vector<16xf32>,
      %swap3A_1944 = arith.constant 57 : i32
      %swap3A_1945 = arith.index_cast %swap3A_1944 : i32 to index
      %swap3A_1946 = arith.constant 32 : index
      %swap3A_1947 = tpu.vector_load %arg7[%swap3A_1945, %swap3A_1946] {strides = array<i32>} : memref<128x128xf32, #tpu.memory_space<vmem>>, vector<16xf32>,
      tpu.vector_store %arg7[%swap3A_1945, %swap3A_1946], %get3A_1943 {strides = array<i32>} : memref<128x128xf32, #tpu.memory_space<vmem>>, vector<16xf32>,
      %get3A_1948 = arith.constant 28 : i32
      %get3A_1949 = arith.index_cast %get3A_1948 : i32 to index
      %get3A_1950 = arith.constant 112 : index
      %get3A_1951 = tpu.vector_load %arg9[%get3A_1949, %get3A_1950] {strides = array<i32>} : memref<32x128xf32, #tpu.memory_space<vmem>>, vector<16xf32>,
      %swap3A_1952 = arith.constant 57 : i32
      %swap3A_1953 = arith.index_cast %swap3A_1952 : i32 to index
      %swap3A_1954 = arith.constant 48 : index
      %swap3A_1955 = tpu.vector_load %arg7[%swap3A_1953, %swap3A_1954] {strides = array<i32>} : memref<128x128xf32, #tpu.memory_space<vmem>>, vector<16xf32>,
      tpu.vector_store %arg7[%swap3A_1953, %swap3A_1954], %get3A_1951 {strides = array<i32>} : memref<128x128xf32, #tpu.memory_space<vmem>>, vector<16xf32>,
      %get3A_1956 = arith.constant 29 : i32
      %get3A_1957 = arith.index_cast %get3A_1956 : i32 to index
      %get3A_1958 = arith.constant 0 : index
      %get3A_1959 = tpu.vector_load %arg9[%get3A_1957, %get3A_1958] {strides = array<i32>} : memref<32x128xf32, #tpu.memory_space<vmem>>, vector<16xf32>,
      %swap3A_1960 = arith.constant 58 : i32
      %swap3A_1961 = arith.index_cast %swap3A_1960 : i32 to index
      %swap3A_1962 = arith.constant 0 : index
      %swap3A_1963 = tpu.vector_load %arg7[%swap3A_1961, %swap3A_1962] {strides = array<i32>} : memref<128x128xf32, #tpu.memory_space<vmem>>, vector<16xf32>,
      tpu.vector_store %arg7[%swap3A_1961, %swap3A_1962], %get3A_1959 {strides = array<i32>} : memref<128x128xf32, #tpu.memory_space<vmem>>, vector<16xf32>,
      %get3A_1964 = arith.constant 29 : i32
      %get3A_1965 = arith.index_cast %get3A_1964 : i32 to index
      %get3A_1966 = arith.constant 16 : index
      %get3A_1967 = tpu.vector_load %arg9[%get3A_1965, %get3A_1966] {strides = array<i32>} : memref<32x128xf32, #tpu.memory_space<vmem>>, vector<16xf32>,
      %swap3A_1968 = arith.constant 58 : i32
      %swap3A_1969 = arith.index_cast %swap3A_1968 : i32 to index
      %swap3A_1970 = arith.constant 16 : index
      %swap3A_1971 = tpu.vector_load %arg7[%swap3A_1969, %swap3A_1970] {strides = array<i32>} : memref<128x128xf32, #tpu.memory_space<vmem>>, vector<16xf32>,
      tpu.vector_store %arg7[%swap3A_1969, %swap3A_1970], %get3A_1967 {strides = array<i32>} : memref<128x128xf32, #tpu.memory_space<vmem>>, vector<16xf32>,
      %get3A_1972 = arith.constant 29 : i32
      %get3A_1973 = arith.index_cast %get3A_1972 : i32 to index
      %get3A_1974 = arith.constant 32 : index
      %get3A_1975 = tpu.vector_load %arg9[%get3A_1973, %get3A_1974] {strides = array<i32>} : memref<32x128xf32, #tpu.memory_space<vmem>>, vector<16xf32>,
      %swap3A_1976 = arith.constant 58 : i32
      %swap3A_1977 = arith.index_cast %swap3A_1976 : i32 to index
      %swap3A_1978 = arith.constant 32 : index
      %swap3A_1979 = tpu.vector_load %arg7[%swap3A_1977, %swap3A_1978] {strides = array<i32>} : memref<128x128xf32, #tpu.memory_space<vmem>>, vector<16xf32>,
      tpu.vector_store %arg7[%swap3A_1977, %swap3A_1978], %get3A_1975 {strides = array<i32>} : memref<128x128xf32, #tpu.memory_space<vmem>>, vector<16xf32>,
      %get3A_1980 = arith.constant 29 : i32
      %get3A_1981 = arith.index_cast %get3A_1980 : i32 to index
      %get3A_1982 = arith.constant 48 : index
      %get3A_1983 = tpu.vector_load %arg9[%get3A_1981, %get3A_1982] {strides = array<i32>} : memref<32x128xf32, #tpu.memory_space<vmem>>, vector<16xf32>,
      %swap3A_1984 = arith.constant 58 : i32
      %swap3A_1985 = arith.index_cast %swap3A_1984 : i32 to index
      %swap3A_1986 = arith.constant 48 : index
      %swap3A_1987 = tpu.vector_load %arg7[%swap3A_1985, %swap3A_1986] {strides = array<i32>} : memref<128x128xf32, #tpu.memory_space<vmem>>, vector<16xf32>,
      tpu.vector_store %arg7[%swap3A_1985, %swap3A_1986], %get3A_1983 {strides = array<i32>} : memref<128x128xf32, #tpu.memory_space<vmem>>, vector<16xf32>,
      %get3A_1988 = arith.constant 29 : i32
      %get3A_1989 = arith.index_cast %get3A_1988 : i32 to index
      %get3A_1990 = arith.constant 64 : index
      %get3A_1991 = tpu.vector_load %arg9[%get3A_1989, %get3A_1990] {strides = array<i32>} : memref<32x128xf32, #tpu.memory_space<vmem>>, vector<16xf32>,
      %swap3A_1992 = arith.constant 59 : i32
      %swap3A_1993 = arith.index_cast %swap3A_1992 : i32 to index
      %swap3A_1994 = arith.constant 0 : index
      %swap3A_1995 = tpu.vector_load %arg7[%swap3A_1993, %swap3A_1994] {strides = array<i32>} : memref<128x128xf32, #tpu.memory_space<vmem>>, vector<16xf32>,
      tpu.vector_store %arg7[%swap3A_1993, %swap3A_1994], %get3A_1991 {strides = array<i32>} : memref<128x128xf32, #tpu.memory_space<vmem>>, vector<16xf32>,
      %get3A_1996 = arith.constant 29 : i32
      %get3A_1997 = arith.index_cast %get3A_1996 : i32 to index
      %get3A_1998 = arith.constant 80 : index
      %get3A_1999 = tpu.vector_load %arg9[%get3A_1997, %get3A_1998] {strides = array<i32>} : memref<32x128xf32, #tpu.memory_space<vmem>>, vector<16xf32>,
      %swap3A_2000 = arith.constant 59 : i32
      %swap3A_2001 = arith.index_cast %swap3A_2000 : i32 to index
      %swap3A_2002 = arith.constant 16 : index
      %swap3A_2003 = tpu.vector_load %arg7[%swap3A_2001, %swap3A_2002] {strides = array<i32>} : memref<128x128xf32, #tpu.memory_space<vmem>>, vector<16xf32>,
      tpu.vector_store %arg7[%swap3A_2001, %swap3A_2002], %get3A_1999 {strides = array<i32>} : memref<128x128xf32, #tpu.memory_space<vmem>>, vector<16xf32>,
      %get3A_2004 = arith.constant 29 : i32
      %get3A_2005 = arith.index_cast %get3A_2004 : i32 to index
      %get3A_2006 = arith.constant 96 : index
      %get3A_2007 = tpu.vector_load %arg9[%get3A_2005, %get3A_2006] {strides = array<i32>} : memref<32x128xf32, #tpu.memory_space<vmem>>, vector<16xf32>,
      %swap3A_2008 = arith.constant 59 : i32
      %swap3A_2009 = arith.index_cast %swap3A_2008 : i32 to index
      %swap3A_2010 = arith.constant 32 : index
      %swap3A_2011 = tpu.vector_load %arg7[%swap3A_2009, %swap3A_2010] {strides = array<i32>} : memref<128x128xf32, #tpu.memory_space<vmem>>, vector<16xf32>,
      tpu.vector_store %arg7[%swap3A_2009, %swap3A_2010], %get3A_2007 {strides = array<i32>} : memref<128x128xf32, #tpu.memory_space<vmem>>, vector<16xf32>,
      %get3A_2012 = arith.constant 29 : i32
      %get3A_2013 = arith.index_cast %get3A_2012 : i32 to index
      %get3A_2014 = arith.constant 112 : index
      %get3A_2015 = tpu.vector_load %arg9[%get3A_2013, %get3A_2014] {strides = array<i32>} : memref<32x128xf32, #tpu.memory_space<vmem>>, vector<16xf32>,
      %swap3A_2016 = arith.constant 59 : i32
      %swap3A_2017 = arith.index_cast %swap3A_2016 : i32 to index
      %swap3A_2018 = arith.constant 48 : index
      %swap3A_2019 = tpu.vector_load %arg7[%swap3A_2017, %swap3A_2018] {strides = array<i32>} : memref<128x128xf32, #tpu.memory_space<vmem>>, vector<16xf32>,
      tpu.vector_store %arg7[%swap3A_2017, %swap3A_2018], %get3A_2015 {strides = array<i32>} : memref<128x128xf32, #tpu.memory_space<vmem>>, vector<16xf32>,
      %get3A_2020 = arith.constant 30 : i32
      %get3A_2021 = arith.index_cast %get3A_2020 : i32 to index
      %get3A_2022 = arith.constant 0 : index
      %get3A_2023 = tpu.vector_load %arg9[%get3A_2021, %get3A_2022] {strides = array<i32>} : memref<32x128xf32, #tpu.memory_space<vmem>>, vector<16xf32>,
      %swap3A_2024 = arith.constant 60 : i32
      %swap3A_2025 = arith.index_cast %swap3A_2024 : i32 to index
      %swap3A_2026 = arith.constant 0 : index
      %swap3A_2027 = tpu.vector_load %arg7[%swap3A_2025, %swap3A_2026] {strides = array<i32>} : memref<128x128xf32, #tpu.memory_space<vmem>>, vector<16xf32>,
      tpu.vector_store %arg7[%swap3A_2025, %swap3A_2026], %get3A_2023 {strides = array<i32>} : memref<128x128xf32, #tpu.memory_space<vmem>>, vector<16xf32>,
      %get3A_2028 = arith.constant 30 : i32
      %get3A_2029 = arith.index_cast %get3A_2028 : i32 to index
      %get3A_2030 = arith.constant 16 : index
      %get3A_2031 = tpu.vector_load %arg9[%get3A_2029, %get3A_2030] {strides = array<i32>} : memref<32x128xf32, #tpu.memory_space<vmem>>, vector<16xf32>,
      %swap3A_2032 = arith.constant 60 : i32
      %swap3A_2033 = arith.index_cast %swap3A_2032 : i32 to index
      %swap3A_2034 = arith.constant 16 : index
      %swap3A_2035 = tpu.vector_load %arg7[%swap3A_2033, %swap3A_2034] {strides = array<i32>} : memref<128x128xf32, #tpu.memory_space<vmem>>, vector<16xf32>,
      tpu.vector_store %arg7[%swap3A_2033, %swap3A_2034], %get3A_2031 {strides = array<i32>} : memref<128x128xf32, #tpu.memory_space<vmem>>, vector<16xf32>,
      %get3A_2036 = arith.constant 30 : i32
      %get3A_2037 = arith.index_cast %get3A_2036 : i32 to index
      %get3A_2038 = arith.constant 32 : index
      %get3A_2039 = tpu.vector_load %arg9[%get3A_2037, %get3A_2038] {strides = array<i32>} : memref<32x128xf32, #tpu.memory_space<vmem>>, vector<16xf32>,
      %swap3A_2040 = arith.constant 60 : i32
      %swap3A_2041 = arith.index_cast %swap3A_2040 : i32 to index
      %swap3A_2042 = arith.constant 32 : index
      %swap3A_2043 = tpu.vector_load %arg7[%swap3A_2041, %swap3A_2042] {strides = array<i32>} : memref<128x128xf32, #tpu.memory_space<vmem>>, vector<16xf32>,
      tpu.vector_store %arg7[%swap3A_2041, %swap3A_2042], %get3A_2039 {strides = array<i32>} : memref<128x128xf32, #tpu.memory_space<vmem>>, vector<16xf32>,
      %get3A_2044 = arith.constant 30 : i32
      %get3A_2045 = arith.index_cast %get3A_2044 : i32 to index
      %get3A_2046 = arith.constant 48 : index
      %get3A_2047 = tpu.vector_load %arg9[%get3A_2045, %get3A_2046] {strides = array<i32>} : memref<32x128xf32, #tpu.memory_space<vmem>>, vector<16xf32>,
      %swap3A_2048 = arith.constant 60 : i32
      %swap3A_2049 = arith.index_cast %swap3A_2048 : i32 to index
      %swap3A_2050 = arith.constant 48 : index
      %swap3A_2051 = tpu.vector_load %arg7[%swap3A_2049, %swap3A_2050] {strides = array<i32>} : memref<128x128xf32, #tpu.memory_space<vmem>>, vector<16xf32>,
      tpu.vector_store %arg7[%swap3A_2049, %swap3A_2050], %get3A_2047 {strides = array<i32>} : memref<128x128xf32, #tpu.memory_space<vmem>>, vector<16xf32>,
      %get3A_2052 = arith.constant 30 : i32
      %get3A_2053 = arith.index_cast %get3A_2052 : i32 to index
      %get3A_2054 = arith.constant 64 : index
      %get3A_2055 = tpu.vector_load %arg9[%get3A_2053, %get3A_2054] {strides = array<i32>} : memref<32x128xf32, #tpu.memory_space<vmem>>, vector<16xf32>,
      %swap3A_2056 = arith.constant 61 : i32
      %swap3A_2057 = arith.index_cast %swap3A_2056 : i32 to index
      %swap3A_2058 = arith.constant 0 : index
      %swap3A_2059 = tpu.vector_load %arg7[%swap3A_2057, %swap3A_2058] {strides = array<i32>} : memref<128x128xf32, #tpu.memory_space<vmem>>, vector<16xf32>,
      tpu.vector_store %arg7[%swap3A_2057, %swap3A_2058], %get3A_2055 {strides = array<i32>} : memref<128x128xf32, #tpu.memory_space<vmem>>, vector<16xf32>,
      %get3A_2060 = arith.constant 30 : i32
      %get3A_2061 = arith.index_cast %get3A_2060 : i32 to index
      %get3A_2062 = arith.constant 80 : index
      %get3A_2063 = tpu.vector_load %arg9[%get3A_2061, %get3A_2062] {strides = array<i32>} : memref<32x128xf32, #tpu.memory_space<vmem>>, vector<16xf32>,
      %swap3A_2064 = arith.constant 61 : i32
      %swap3A_2065 = arith.index_cast %swap3A_2064 : i32 to index
      %swap3A_2066 = arith.constant 16 : index
      %swap3A_2067 = tpu.vector_load %arg7[%swap3A_2065, %swap3A_2066] {strides = array<i32>} : memref<128x128xf32, #tpu.memory_space<vmem>>, vector<16xf32>,
      tpu.vector_store %arg7[%swap3A_2065, %swap3A_2066], %get3A_2063 {strides = array<i32>} : memref<128x128xf32, #tpu.memory_space<vmem>>, vector<16xf32>,
      %get3A_2068 = arith.constant 30 : i32
      %get3A_2069 = arith.index_cast %get3A_2068 : i32 to index
      %get3A_2070 = arith.constant 96 : index
      %get3A_2071 = tpu.vector_load %arg9[%get3A_2069, %get3A_2070] {strides = array<i32>} : memref<32x128xf32, #tpu.memory_space<vmem>>, vector<16xf32>,
      %swap3A_2072 = arith.constant 61 : i32
      %swap3A_2073 = arith.index_cast %swap3A_2072 : i32 to index
      %swap3A_2074 = arith.constant 32 : index
      %swap3A_2075 = tpu.vector_load %arg7[%swap3A_2073, %swap3A_2074] {strides = array<i32>} : memref<128x128xf32, #tpu.memory_space<vmem>>, vector<16xf32>,
      tpu.vector_store %arg7[%swap3A_2073, %swap3A_2074], %get3A_2071 {strides = array<i32>} : memref<128x128xf32, #tpu.memory_space<vmem>>, vector<16xf32>,
      %get3A_2076 = arith.constant 30 : i32
      %get3A_2077 = arith.index_cast %get3A_2076 : i32 to index
      %get3A_2078 = arith.constant 112 : index
      %get3A_2079 = tpu.vector_load %arg9[%get3A_2077, %get3A_2078] {strides = array<i32>} : memref<32x128xf32, #tpu.memory_space<vmem>>, vector<16xf32>,
      %swap3A_2080 = arith.constant 61 : i32
      %swap3A_2081 = arith.index_cast %swap3A_2080 : i32 to index
      %swap3A_2082 = arith.constant 48 : index
      %swap3A_2083 = tpu.vector_load %arg7[%swap3A_2081, %swap3A_2082] {strides = array<i32>} : memref<128x128xf32, #tpu.memory_space<vmem>>, vector<16xf32>,
      tpu.vector_store %arg7[%swap3A_2081, %swap3A_2082], %get3A_2079 {strides = array<i32>} : memref<128x128xf32, #tpu.memory_space<vmem>>, vector<16xf32>,
      %get3A_2084 = arith.constant 31 : i32
      %get3A_2085 = arith.index_cast %get3A_2084 : i32 to index
      %get3A_2086 = arith.constant 0 : index
      %get3A_2087 = tpu.vector_load %arg9[%get3A_2085, %get3A_2086] {strides = array<i32>} : memref<32x128xf32, #tpu.memory_space<vmem>>, vector<16xf32>,
      %swap3A_2088 = arith.constant 62 : i32
      %swap3A_2089 = arith.index_cast %swap3A_2088 : i32 to index
      %swap3A_2090 = arith.constant 0 : index
      %swap3A_2091 = tpu.vector_load %arg7[%swap3A_2089, %swap3A_2090] {strides = array<i32>} : memref<128x128xf32, #tpu.memory_space<vmem>>, vector<16xf32>,
      tpu.vector_store %arg7[%swap3A_2089, %swap3A_2090], %get3A_2087 {strides = array<i32>} : memref<128x128xf32, #tpu.memory_space<vmem>>, vector<16xf32>,
      %get3A_2092 = arith.constant 31 : i32
      %get3A_2093 = arith.index_cast %get3A_2092 : i32 to index
      %get3A_2094 = arith.constant 16 : index
      %get3A_2095 = tpu.vector_load %arg9[%get3A_2093, %get3A_2094] {strides = array<i32>} : memref<32x128xf32, #tpu.memory_space<vmem>>, vector<16xf32>,
      %swap3A_2096 = arith.constant 62 : i32
      %swap3A_2097 = arith.index_cast %swap3A_2096 : i32 to index
      %swap3A_2098 = arith.constant 16 : index
      %swap3A_2099 = tpu.vector_load %arg7[%swap3A_2097, %swap3A_2098] {strides = array<i32>} : memref<128x128xf32, #tpu.memory_space<vmem>>, vector<16xf32>,
      tpu.vector_store %arg7[%swap3A_2097, %swap3A_2098], %get3A_2095 {strides = array<i32>} : memref<128x128xf32, #tpu.memory_space<vmem>>, vector<16xf32>,
      %get3A_2100 = arith.constant 31 : i32
      %get3A_2101 = arith.index_cast %get3A_2100 : i32 to index
      %get3A_2102 = arith.constant 32 : index
      %get3A_2103 = tpu.vector_load %arg9[%get3A_2101, %get3A_2102] {strides = array<i32>} : memref<32x128xf32, #tpu.memory_space<vmem>>, vector<16xf32>,
      %swap3A_2104 = arith.constant 62 : i32
      %swap3A_2105 = arith.index_cast %swap3A_2104 : i32 to index
      %swap3A_2106 = arith.constant 32 : index
      %swap3A_2107 = tpu.vector_load %arg7[%swap3A_2105, %swap3A_2106] {strides = array<i32>} : memref<128x128xf32, #tpu.memory_space<vmem>>, vector<16xf32>,
      tpu.vector_store %arg7[%swap3A_2105, %swap3A_2106], %get3A_2103 {strides = array<i32>} : memref<128x128xf32, #tpu.memory_space<vmem>>, vector<16xf32>,
      %get3A_2108 = arith.constant 31 : i32
      %get3A_2109 = arith.index_cast %get3A_2108 : i32 to index
      %get3A_2110 = arith.constant 48 : index
      %get3A_2111 = tpu.vector_load %arg9[%get3A_2109, %get3A_2110] {strides = array<i32>} : memref<32x128xf32, #tpu.memory_space<vmem>>, vector<16xf32>,
      %swap3A_2112 = arith.constant 62 : i32
      %swap3A_2113 = arith.index_cast %swap3A_2112 : i32 to index
      %swap3A_2114 = arith.constant 48 : index
      %swap3A_2115 = tpu.vector_load %arg7[%swap3A_2113, %swap3A_2114] {strides = array<i32>} : memref<128x128xf32, #tpu.memory_space<vmem>>, vector<16xf32>,
      tpu.vector_store %arg7[%swap3A_2113, %swap3A_2114], %get3A_2111 {strides = array<i32>} : memref<128x128xf32, #tpu.memory_space<vmem>>, vector<16xf32>,
      %get3A_2116 = arith.constant 31 : i32
      %get3A_2117 = arith.index_cast %get3A_2116 : i32 to index
      %get3A_2118 = arith.constant 64 : index
      %get3A_2119 = tpu.vector_load %arg9[%get3A_2117, %get3A_2118] {strides = array<i32>} : memref<32x128xf32, #tpu.memory_space<vmem>>, vector<16xf32>,
      %swap3A_2120 = arith.constant 63 : i32
      %swap3A_2121 = arith.index_cast %swap3A_2120 : i32 to index
      %swap3A_2122 = arith.constant 0 : index
      %swap3A_2123 = tpu.vector_load %arg7[%swap3A_2121, %swap3A_2122] {strides = array<i32>} : memref<128x128xf32, #tpu.memory_space<vmem>>, vector<16xf32>,
      tpu.vector_store %arg7[%swap3A_2121, %swap3A_2122], %get3A_2119 {strides = array<i32>} : memref<128x128xf32, #tpu.memory_space<vmem>>, vector<16xf32>,
      %get3A_2124 = arith.constant 31 : i32
      %get3A_2125 = arith.index_cast %get3A_2124 : i32 to index
      %get3A_2126 = arith.constant 80 : index
      %get3A_2127 = tpu.vector_load %arg9[%get3A_2125, %get3A_2126] {strides = array<i32>} : memref<32x128xf32, #tpu.memory_space<vmem>>, vector<16xf32>,
      %swap3A_2128 = arith.constant 63 : i32
      %swap3A_2129 = arith.index_cast %swap3A_2128 : i32 to index
      %swap3A_2130 = arith.constant 16 : index
      %swap3A_2131 = tpu.vector_load %arg7[%swap3A_2129, %swap3A_2130] {strides = array<i32>} : memref<128x128xf32, #tpu.memory_space<vmem>>, vector<16xf32>,
      tpu.vector_store %arg7[%swap3A_2129, %swap3A_2130], %get3A_2127 {strides = array<i32>} : memref<128x128xf32, #tpu.memory_space<vmem>>, vector<16xf32>,
      %get3A_2132 = arith.constant 31 : i32
      %get3A_2133 = arith.index_cast %get3A_2132 : i32 to index
      %get3A_2134 = arith.constant 96 : index
      %get3A_2135 = tpu.vector_load %arg9[%get3A_2133, %get3A_2134] {strides = array<i32>} : memref<32x128xf32, #tpu.memory_space<vmem>>, vector<16xf32>,
      %swap3A_2136 = arith.constant 63 : i32
      %swap3A_2137 = arith.index_cast %swap3A_2136 : i32 to index
      %swap3A_2138 = arith.constant 32 : index
      %swap3A_2139 = tpu.vector_load %arg7[%swap3A_2137, %swap3A_2138] {strides = array<i32>} : memref<128x128xf32, #tpu.memory_space<vmem>>, vector<16xf32>,
      tpu.vector_store %arg7[%swap3A_2137, %swap3A_2138], %get3A_2135 {strides = array<i32>} : memref<128x128xf32, #tpu.memory_space<vmem>>, vector<16xf32>,
      %get3A_2140 = arith.constant 31 : i32
      %get3A_2141 = arith.index_cast %get3A_2140 : i32 to index
      %get3A_2142 = arith.constant 112 : index
      %get3A_2143 = tpu.vector_load %arg9[%get3A_2141, %get3A_2142] {strides = array<i32>} : memref<32x128xf32, #tpu.memory_space<vmem>>, vector<16xf32>,
      %swap3A_2144 = arith.constant 63 : i32
      %swap3A_2145 = arith.index_cast %swap3A_2144 : i32 to index
      %swap3A_2146 = arith.constant 48 : index
      %swap3A_2147 = tpu.vector_load %arg7[%swap3A_2145, %swap3A_2146] {strides = array<i32>} : memref<128x128xf32, #tpu.memory_space<vmem>>, vector<16xf32>,
      tpu.vector_store %arg7[%swap3A_2145, %swap3A_2146], %get3A_2143 {strides = array<i32>} : memref<128x128xf32, #tpu.memory_space<vmem>>, vector<16xf32>,
      "tpu.region"() ({
        %run_scoped3A = tpu.sem_alloc : memref<!tpu.dma_semaphore, #tpu.memory_space<semaphore_mem>>
        %dma_start3A = arith.constant 0 : i32
        %dma_start3A_2148 = arith.constant 0 : i32
        %dma_start3A_2149 = tpu.memref_slice %arg7[%dma_start3A, %dma_start3A_2148] : memref<128x128xf32, #tpu.memory_space<vmem>> -> memref<64x128xf32, #tpu.memory_space<vmem>>
        %dma_start3A_2150 = arith.constant 999936 : i32
        %dma_start3A_2151 = arith.constant 0 : i32
        %dma_start3A_2152 = tpu.memref_slice %arg4[%dma_start3A_2150, %dma_start3A_2151] : memref<1000000x128xf32, #tpu.memory_space<hbm>> -> memref<64x128xf32, #tpu.memory_space<hbm>>
        %dma_start3A_2153 = arith.constant 999936 : i32
        %dma_start3A_2154 = arith.constant 0 : i32
        %dma_start3A_2155 = tpu.memref_slice %arg4[%dma_start3A_2153, %dma_start3A_2154] : memref<1000000x128xf32, #tpu.memory_space<hbm>> -> memref<64x128xf32, #tpu.memory_space<hbm>>
        %dma_start3A_2156 = arith.constant 0 : i32
        %dma_start3A_2157 = arith.constant 0 : i32
        %dma_start3A_2158 = tpu.memref_slice %arg7[%dma_start3A_2156, %dma_start3A_2157] : memref<128x128xf32, #tpu.memory_space<vmem>> -> memref<64x128xf32, #tpu.memory_space<vmem>>
        tpu.enqueue_dma source(%dma_start3A_2158 : memref<64x128xf32, #tpu.memory_space<vmem>>) target(%dma_start3A_2155 : memref<64x128xf32, #tpu.memory_space<hbm>>) target_semaphore(%run_scoped3A : memref<!tpu.dma_semaphore, #tpu.memory_space<semaphore_mem>>)
        %dma_wait3A = arith.constant 0 : i32
        %dma_wait3A_2159 = arith.constant 0 : i32
        %dma_wait3A_2160 = tpu.memref_slice %arg7[%dma_wait3A, %dma_wait3A_2159] : memref<128x128xf32, #tpu.memory_space<vmem>> -> memref<64x128xf32, #tpu.memory_space<vmem>>
        %dma_wait3A_2161 = arith.constant 999936 : i32
        %dma_wait3A_2162 = arith.constant 0 : i32
        %dma_wait3A_2163 = tpu.memref_slice %arg4[%dma_wait3A_2161, %dma_wait3A_2162] : memref<1000000x128xf32, #tpu.memory_space<hbm>> -> memref<64x128xf32, #tpu.memory_space<hbm>>
        %dma_wait3A_2164 = arith.constant 999936 : i32
        %dma_wait3A_2165 = arith.constant 0 : i32
        %dma_wait3A_2166 = tpu.memref_slice %arg4[%dma_wait3A_2164, %dma_wait3A_2165] : memref<1000000x128xf32, #tpu.memory_space<hbm>> -> memref<64x128xf32, #tpu.memory_space<hbm>>
        %dma_wait3A_2167 = arith.constant 0 : i32
        %dma_wait3A_2168 = arith.constant 0 : i32
        %dma_wait3A_2169 = tpu.memref_slice %arg7[%dma_wait3A_2167, %dma_wait3A_2168] : memref<128x128xf32, #tpu.memory_space<vmem>> -> memref<64x128xf32, #tpu.memory_space<vmem>>
        tpu.wait_dma2 semaphore(%run_scoped3A : memref<!tpu.dma_semaphore, #tpu.memory_space<semaphore_mem>>) src(%dma_wait3A_2169 : memref<64x128xf32, #tpu.memory_space<vmem>>) dst(%dma_wait3A_2166 : memref<64x128xf32, #tpu.memory_space<hbm>>)
        tpu.yield
      }) : () -> ()
    } else {
    }
    return
  }
}

#map = affine_map<(d0, d1) -> (0)>
#map1 = affine_map<(d0, d1) -> (0, 0)>
module attributes {stable_mosaic.version = 14 : i64} {
  func.func @_sc_gather(%arg0: i32, %arg1: i32, %arg2: memref<524288xi32, #tpu.memory_space<hbm>>, %arg3: memref<1000000x128xf32, #tpu.memory_space<hbm>>, %arg4: memref<64x512xf32, #tpu.memory_space<hbm>>, %arg5: memref<65536x512xf32, #tpu.memory_space<hbm>>, %arg6: memref<128xi32, #tpu.memory_space<vmem>>, %arg7: memref<128xi32, #tpu.memory_space<vmem>>, %arg8: memref<128x128xf32, #tpu.memory_space<vmem>>, %arg9: memref<128x128xf32, #tpu.memory_space<vmem>>, %arg10: memref<4x64x128xf32, #tpu.memory_space<vmem>>, %arg11: memref<64x128xf32, #tpu.memory_space<vmem>>, %arg12: memref<64x128xf32, #tpu.memory_space<vmem>>, %arg13: memref<1024xi32, #tpu.memory_space<vmem>>, %arg14: memref<!tpu.dma_semaphore, #tpu.memory_space<semaphore_mem>>, %arg15: memref<!tpu.dma_semaphore, #tpu.memory_space<semaphore_mem>>, %arg16: memref<!tpu.dma_semaphore, #tpu.memory_space<semaphore_mem>>, %arg17: memref<!tpu.dma_semaphore, #tpu.memory_space<semaphore_mem>>) attributes {dimension_semantics = [#tpu.dimension_semantics<core_parallel>, #tpu.dimension_semantics<subcore_parallel>], iteration_bounds = array<i64: 2, 16>, scalar_prefetch = 0 : i64, scratch_operands = 12 : i64, tpu.core_type = #tpu.core_type<sc_vector_subcore>, window_params = [{transform_indices = #map}, {transform_indices = #map1}, {transform_indices = #map1}, {transform_indices = #map1}]} {
    %mul3A = arith.constant 2 : i32
    %mul3A_0 = arith.muli %arg1, %mul3A : i32
    %add3A = arith.addi %mul3A_0, %arg0 : i32
    %mul3A_1 = arith.constant 16384 : i32
    %mul3A_2 = arith.muli %add3A, %mul3A_1 : i32
    %iota3A = tpu.iota {dimensions = array<i32: 0>} : vector<16xi32>
    %add3A_3 = arith.constant 0 : i32
    %add3A_4 = vector.broadcast %add3A_3 : i32 to vector<16xi32>
    %add3A_5 = arith.addi %add3A_4, %iota3A : vector<16xi32>
    %add3A_6 = arith.constant 16 : i32
    %add3A_7 = vector.broadcast %add3A_6 : i32 to vector<16xi32>
    %add3A_8 = arith.addi %add3A_7, %iota3A : vector<16xi32>
    %add3A_9 = arith.constant 32 : i32
    %add3A_10 = vector.broadcast %add3A_9 : i32 to vector<16xi32>
    %add3A_11 = arith.addi %add3A_10, %iota3A : vector<16xi32>
    %add3A_12 = arith.constant 48 : i32
    %add3A_13 = vector.broadcast %add3A_12 : i32 to vector<16xi32>
    %add3A_14 = arith.addi %add3A_13, %iota3A : vector<16xi32>
    %add3A_15 = arith.constant 64 : i32
    %add3A_16 = vector.broadcast %add3A_15 : i32 to vector<16xi32>
    %add3A_17 = arith.addi %add3A_16, %iota3A : vector<16xi32>
    %add3A_18 = arith.constant 80 : i32
    %add3A_19 = vector.broadcast %add3A_18 : i32 to vector<16xi32>
    %add3A_20 = arith.addi %add3A_19, %iota3A : vector<16xi32>
    %add3A_21 = arith.constant 96 : i32
    %add3A_22 = vector.broadcast %add3A_21 : i32 to vector<16xi32>
    %add3A_23 = arith.addi %add3A_22, %iota3A : vector<16xi32>
    %add3A_24 = arith.constant 112 : i32
    %add3A_25 = vector.broadcast %add3A_24 : i32 to vector<16xi32>
    %add3A_26 = arith.addi %add3A_25, %iota3A : vector<16xi32>
    %run_scoped3A = arith.constant 0 : i32
    "tpu.region"() ({
      %run_scoped3A_160 = tpu.sem_alloc : memref<!tpu.dma_semaphore, #tpu.memory_space<semaphore_mem>>
      %dma_start3A_161 = arith.constant 0 : i32
      %dma_start3A_162 = arith.constant 0 : i32
      %dma_start3A_163 = tpu.memref_slice %arg10[%run_scoped3A, %dma_start3A_161, %dma_start3A_162] : memref<4x64x128xf32, #tpu.memory_space<vmem>> -> memref<1x64x128xf32, #tpu.memory_space<vmem>>
      %dma_start3A_164 = tpu.memref_squeeze %dma_start3A_163 : memref<1x64x128xf32, #tpu.memory_space<vmem>> -> memref<64x128xf32, #tpu.memory_space<vmem>>
      %dma_start3A_165 = arith.constant 0 : i32
      %dma_start3A_166 = arith.constant 0 : i32
      %dma_start3A_167 = tpu.memref_slice %arg4[%dma_start3A_165, %dma_start3A_166] : memref<64x512xf32, #tpu.memory_space<hbm>> -> memref<64x128xf32, #tpu.memory_space<hbm>>
      %dma_start3A_168 = arith.constant 0 : i32
      %dma_start3A_169 = arith.constant 0 : i32
      %dma_start3A_170 = tpu.memref_slice %arg10[%run_scoped3A, %dma_start3A_168, %dma_start3A_169] : memref<4x64x128xf32, #tpu.memory_space<vmem>> -> memref<1x64x128xf32, #tpu.memory_space<vmem>>
      %dma_start3A_171 = tpu.memref_squeeze %dma_start3A_170 : memref<1x64x128xf32, #tpu.memory_space<vmem>> -> memref<64x128xf32, #tpu.memory_space<vmem>>
      %dma_start3A_172 = arith.constant 0 : i32
      %dma_start3A_173 = arith.constant 0 : i32
      %dma_start3A_174 = tpu.memref_slice %arg4[%dma_start3A_172, %dma_start3A_173] : memref<64x512xf32, #tpu.memory_space<hbm>> -> memref<64x128xf32, #tpu.memory_space<hbm>>
      tpu.enqueue_dma source(%dma_start3A_174 : memref<64x128xf32, #tpu.memory_space<hbm>>) target(%dma_start3A_171 : memref<64x128xf32, #tpu.memory_space<vmem>>) target_semaphore(%run_scoped3A_160 : memref<!tpu.dma_semaphore, #tpu.memory_space<semaphore_mem>>)
      %dma_wait3A_175 = arith.constant 0 : i32
      %dma_wait3A_176 = arith.constant 0 : i32
      %dma_wait3A_177 = tpu.memref_slice %arg10[%run_scoped3A, %dma_wait3A_175, %dma_wait3A_176] : memref<4x64x128xf32, #tpu.memory_space<vmem>> -> memref<1x64x128xf32, #tpu.memory_space<vmem>>
      %dma_wait3A_178 = tpu.memref_squeeze %dma_wait3A_177 : memref<1x64x128xf32, #tpu.memory_space<vmem>> -> memref<64x128xf32, #tpu.memory_space<vmem>>
      %dma_wait3A_179 = arith.constant 0 : i32
      %dma_wait3A_180 = arith.constant 0 : i32
      %dma_wait3A_181 = tpu.memref_slice %arg4[%dma_wait3A_179, %dma_wait3A_180] : memref<64x512xf32, #tpu.memory_space<hbm>> -> memref<64x128xf32, #tpu.memory_space<hbm>>
      %dma_wait3A_182 = arith.constant 0 : i32
      %dma_wait3A_183 = arith.constant 0 : i32
      %dma_wait3A_184 = tpu.memref_slice %arg10[%run_scoped3A, %dma_wait3A_182, %dma_wait3A_183] : memref<4x64x128xf32, #tpu.memory_space<vmem>> -> memref<1x64x128xf32, #tpu.memory_space<vmem>>
      %dma_wait3A_185 = tpu.memref_squeeze %dma_wait3A_184 : memref<1x64x128xf32, #tpu.memory_space<vmem>> -> memref<64x128xf32, #tpu.memory_space<vmem>>
      %dma_wait3A_186 = arith.constant 0 : i32
      %dma_wait3A_187 = arith.constant 0 : i32
      %dma_wait3A_188 = tpu.memref_slice %arg4[%dma_wait3A_186, %dma_wait3A_187] : memref<64x512xf32, #tpu.memory_space<hbm>> -> memref<64x128xf32, #tpu.memory_space<hbm>>
      tpu.wait_dma2 semaphore(%run_scoped3A_160 : memref<!tpu.dma_semaphore, #tpu.memory_space<semaphore_mem>>) src(%dma_wait3A_188 : memref<64x128xf32, #tpu.memory_space<hbm>>) dst(%dma_wait3A_185 : memref<64x128xf32, #tpu.memory_space<vmem>>)
      tpu.yield
    }) : () -> ()
    %run_scoped3A_27 = arith.constant 1 : i32
    "tpu.region"() ({
      %run_scoped3A_160 = tpu.sem_alloc : memref<!tpu.dma_semaphore, #tpu.memory_space<semaphore_mem>>
      %dma_start3A_161 = arith.constant 0 : i32
      %dma_start3A_162 = arith.constant 0 : i32
      %dma_start3A_163 = tpu.memref_slice %arg10[%run_scoped3A_27, %dma_start3A_161, %dma_start3A_162] : memref<4x64x128xf32, #tpu.memory_space<vmem>> -> memref<1x64x128xf32, #tpu.memory_space<vmem>>
      %dma_start3A_164 = tpu.memref_squeeze %dma_start3A_163 : memref<1x64x128xf32, #tpu.memory_space<vmem>> -> memref<64x128xf32, #tpu.memory_space<vmem>>
      %dma_start3A_165 = arith.constant 0 : i32
      %dma_start3A_166 = arith.constant 128 : i32
      %dma_start3A_167 = tpu.memref_slice %arg4[%dma_start3A_165, %dma_start3A_166] : memref<64x512xf32, #tpu.memory_space<hbm>> -> memref<64x128xf32, #tpu.memory_space<hbm>>
      %dma_start3A_168 = arith.constant 0 : i32
      %dma_start3A_169 = arith.constant 0 : i32
      %dma_start3A_170 = tpu.memref_slice %arg10[%run_scoped3A_27, %dma_start3A_168, %dma_start3A_169] : memref<4x64x128xf32, #tpu.memory_space<vmem>> -> memref<1x64x128xf32, #tpu.memory_space<vmem>>
      %dma_start3A_171 = tpu.memref_squeeze %dma_start3A_170 : memref<1x64x128xf32, #tpu.memory_space<vmem>> -> memref<64x128xf32, #tpu.memory_space<vmem>>
      %dma_start3A_172 = arith.constant 0 : i32
      %dma_start3A_173 = arith.constant 128 : i32
      %dma_start3A_174 = tpu.memref_slice %arg4[%dma_start3A_172, %dma_start3A_173] : memref<64x512xf32, #tpu.memory_space<hbm>> -> memref<64x128xf32, #tpu.memory_space<hbm>>
      tpu.enqueue_dma source(%dma_start3A_174 : memref<64x128xf32, #tpu.memory_space<hbm>>) target(%dma_start3A_171 : memref<64x128xf32, #tpu.memory_space<vmem>>) target_semaphore(%run_scoped3A_160 : memref<!tpu.dma_semaphore, #tpu.memory_space<semaphore_mem>>)
      %dma_wait3A_175 = arith.constant 0 : i32
      %dma_wait3A_176 = arith.constant 0 : i32
      %dma_wait3A_177 = tpu.memref_slice %arg10[%run_scoped3A_27, %dma_wait3A_175, %dma_wait3A_176] : memref<4x64x128xf32, #tpu.memory_space<vmem>> -> memref<1x64x128xf32, #tpu.memory_space<vmem>>
      %dma_wait3A_178 = tpu.memref_squeeze %dma_wait3A_177 : memref<1x64x128xf32, #tpu.memory_space<vmem>> -> memref<64x128xf32, #tpu.memory_space<vmem>>
      %dma_wait3A_179 = arith.constant 0 : i32
      %dma_wait3A_180 = arith.constant 128 : i32
      %dma_wait3A_181 = tpu.memref_slice %arg4[%dma_wait3A_179, %dma_wait3A_180] : memref<64x512xf32, #tpu.memory_space<hbm>> -> memref<64x128xf32, #tpu.memory_space<hbm>>
      %dma_wait3A_182 = arith.constant 0 : i32
      %dma_wait3A_183 = arith.constant 0 : i32
      %dma_wait3A_184 = tpu.memref_slice %arg10[%run_scoped3A_27, %dma_wait3A_182, %dma_wait3A_183] : memref<4x64x128xf32, #tpu.memory_space<vmem>> -> memref<1x64x128xf32, #tpu.memory_space<vmem>>
      %dma_wait3A_185 = tpu.memref_squeeze %dma_wait3A_184 : memref<1x64x128xf32, #tpu.memory_space<vmem>> -> memref<64x128xf32, #tpu.memory_space<vmem>>
      %dma_wait3A_186 = arith.constant 0 : i32
      %dma_wait3A_187 = arith.constant 128 : i32
      %dma_wait3A_188 = tpu.memref_slice %arg4[%dma_wait3A_186, %dma_wait3A_187] : memref<64x512xf32, #tpu.memory_space<hbm>> -> memref<64x128xf32, #tpu.memory_space<hbm>>
      tpu.wait_dma2 semaphore(%run_scoped3A_160 : memref<!tpu.dma_semaphore, #tpu.memory_space<semaphore_mem>>) src(%dma_wait3A_188 : memref<64x128xf32, #tpu.memory_space<hbm>>) dst(%dma_wait3A_185 : memref<64x128xf32, #tpu.memory_space<vmem>>)
      tpu.yield
    }) : () -> ()
    %run_scoped3A_28 = arith.constant 2 : i32
    "tpu.region"() ({
      %run_scoped3A_160 = tpu.sem_alloc : memref<!tpu.dma_semaphore, #tpu.memory_space<semaphore_mem>>
      %dma_start3A_161 = arith.constant 0 : i32
      %dma_start3A_162 = arith.constant 0 : i32
      %dma_start3A_163 = tpu.memref_slice %arg10[%run_scoped3A_28, %dma_start3A_161, %dma_start3A_162] : memref<4x64x128xf32, #tpu.memory_space<vmem>> -> memref<1x64x128xf32, #tpu.memory_space<vmem>>
      %dma_start3A_164 = tpu.memref_squeeze %dma_start3A_163 : memref<1x64x128xf32, #tpu.memory_space<vmem>> -> memref<64x128xf32, #tpu.memory_space<vmem>>
      %dma_start3A_165 = arith.constant 0 : i32
      %dma_start3A_166 = arith.constant 256 : i32
      %dma_start3A_167 = tpu.memref_slice %arg4[%dma_start3A_165, %dma_start3A_166] : memref<64x512xf32, #tpu.memory_space<hbm>> -> memref<64x128xf32, #tpu.memory_space<hbm>>
      %dma_start3A_168 = arith.constant 0 : i32
      %dma_start3A_169 = arith.constant 0 : i32
      %dma_start3A_170 = tpu.memref_slice %arg10[%run_scoped3A_28, %dma_start3A_168, %dma_start3A_169] : memref<4x64x128xf32, #tpu.memory_space<vmem>> -> memref<1x64x128xf32, #tpu.memory_space<vmem>>
      %dma_start3A_171 = tpu.memref_squeeze %dma_start3A_170 : memref<1x64x128xf32, #tpu.memory_space<vmem>> -> memref<64x128xf32, #tpu.memory_space<vmem>>
      %dma_start3A_172 = arith.constant 0 : i32
      %dma_start3A_173 = arith.constant 256 : i32
      %dma_start3A_174 = tpu.memref_slice %arg4[%dma_start3A_172, %dma_start3A_173] : memref<64x512xf32, #tpu.memory_space<hbm>> -> memref<64x128xf32, #tpu.memory_space<hbm>>
      tpu.enqueue_dma source(%dma_start3A_174 : memref<64x128xf32, #tpu.memory_space<hbm>>) target(%dma_start3A_171 : memref<64x128xf32, #tpu.memory_space<vmem>>) target_semaphore(%run_scoped3A_160 : memref<!tpu.dma_semaphore, #tpu.memory_space<semaphore_mem>>)
      %dma_wait3A_175 = arith.constant 0 : i32
      %dma_wait3A_176 = arith.constant 0 : i32
      %dma_wait3A_177 = tpu.memref_slice %arg10[%run_scoped3A_28, %dma_wait3A_175, %dma_wait3A_176] : memref<4x64x128xf32, #tpu.memory_space<vmem>> -> memref<1x64x128xf32, #tpu.memory_space<vmem>>
      %dma_wait3A_178 = tpu.memref_squeeze %dma_wait3A_177 : memref<1x64x128xf32, #tpu.memory_space<vmem>> -> memref<64x128xf32, #tpu.memory_space<vmem>>
      %dma_wait3A_179 = arith.constant 0 : i32
      %dma_wait3A_180 = arith.constant 256 : i32
      %dma_wait3A_181 = tpu.memref_slice %arg4[%dma_wait3A_179, %dma_wait3A_180] : memref<64x512xf32, #tpu.memory_space<hbm>> -> memref<64x128xf32, #tpu.memory_space<hbm>>
      %dma_wait3A_182 = arith.constant 0 : i32
      %dma_wait3A_183 = arith.constant 0 : i32
      %dma_wait3A_184 = tpu.memref_slice %arg10[%run_scoped3A_28, %dma_wait3A_182, %dma_wait3A_183] : memref<4x64x128xf32, #tpu.memory_space<vmem>> -> memref<1x64x128xf32, #tpu.memory_space<vmem>>
      %dma_wait3A_185 = tpu.memref_squeeze %dma_wait3A_184 : memref<1x64x128xf32, #tpu.memory_space<vmem>> -> memref<64x128xf32, #tpu.memory_space<vmem>>
      %dma_wait3A_186 = arith.constant 0 : i32
      %dma_wait3A_187 = arith.constant 256 : i32
      %dma_wait3A_188 = tpu.memref_slice %arg4[%dma_wait3A_186, %dma_wait3A_187] : memref<64x512xf32, #tpu.memory_space<hbm>> -> memref<64x128xf32, #tpu.memory_space<hbm>>
      tpu.wait_dma2 semaphore(%run_scoped3A_160 : memref<!tpu.dma_semaphore, #tpu.memory_space<semaphore_mem>>) src(%dma_wait3A_188 : memref<64x128xf32, #tpu.memory_space<hbm>>) dst(%dma_wait3A_185 : memref<64x128xf32, #tpu.memory_space<vmem>>)
      tpu.yield
    }) : () -> ()
    %run_scoped3A_29 = arith.constant 3 : i32
    "tpu.region"() ({
      %run_scoped3A_160 = tpu.sem_alloc : memref<!tpu.dma_semaphore, #tpu.memory_space<semaphore_mem>>
      %dma_start3A_161 = arith.constant 0 : i32
      %dma_start3A_162 = arith.constant 0 : i32
      %dma_start3A_163 = tpu.memref_slice %arg10[%run_scoped3A_29, %dma_start3A_161, %dma_start3A_162] : memref<4x64x128xf32, #tpu.memory_space<vmem>> -> memref<1x64x128xf32, #tpu.memory_space<vmem>>
      %dma_start3A_164 = tpu.memref_squeeze %dma_start3A_163 : memref<1x64x128xf32, #tpu.memory_space<vmem>> -> memref<64x128xf32, #tpu.memory_space<vmem>>
      %dma_start3A_165 = arith.constant 0 : i32
      %dma_start3A_166 = arith.constant 384 : i32
      %dma_start3A_167 = tpu.memref_slice %arg4[%dma_start3A_165, %dma_start3A_166] : memref<64x512xf32, #tpu.memory_space<hbm>> -> memref<64x128xf32, #tpu.memory_space<hbm>>
      %dma_start3A_168 = arith.constant 0 : i32
      %dma_start3A_169 = arith.constant 0 : i32
      %dma_start3A_170 = tpu.memref_slice %arg10[%run_scoped3A_29, %dma_start3A_168, %dma_start3A_169] : memref<4x64x128xf32, #tpu.memory_space<vmem>> -> memref<1x64x128xf32, #tpu.memory_space<vmem>>
      %dma_start3A_171 = tpu.memref_squeeze %dma_start3A_170 : memref<1x64x128xf32, #tpu.memory_space<vmem>> -> memref<64x128xf32, #tpu.memory_space<vmem>>
      %dma_start3A_172 = arith.constant 0 : i32
      %dma_start3A_173 = arith.constant 384 : i32
      %dma_start3A_174 = tpu.memref_slice %arg4[%dma_start3A_172, %dma_start3A_173] : memref<64x512xf32, #tpu.memory_space<hbm>> -> memref<64x128xf32, #tpu.memory_space<hbm>>
      tpu.enqueue_dma source(%dma_start3A_174 : memref<64x128xf32, #tpu.memory_space<hbm>>) target(%dma_start3A_171 : memref<64x128xf32, #tpu.memory_space<vmem>>) target_semaphore(%run_scoped3A_160 : memref<!tpu.dma_semaphore, #tpu.memory_space<semaphore_mem>>)
      %dma_wait3A_175 = arith.constant 0 : i32
      %dma_wait3A_176 = arith.constant 0 : i32
      %dma_wait3A_177 = tpu.memref_slice %arg10[%run_scoped3A_29, %dma_wait3A_175, %dma_wait3A_176] : memref<4x64x128xf32, #tpu.memory_space<vmem>> -> memref<1x64x128xf32, #tpu.memory_space<vmem>>
      %dma_wait3A_178 = tpu.memref_squeeze %dma_wait3A_177 : memref<1x64x128xf32, #tpu.memory_space<vmem>> -> memref<64x128xf32, #tpu.memory_space<vmem>>
      %dma_wait3A_179 = arith.constant 0 : i32
      %dma_wait3A_180 = arith.constant 384 : i32
      %dma_wait3A_181 = tpu.memref_slice %arg4[%dma_wait3A_179, %dma_wait3A_180] : memref<64x512xf32, #tpu.memory_space<hbm>> -> memref<64x128xf32, #tpu.memory_space<hbm>>
      %dma_wait3A_182 = arith.constant 0 : i32
      %dma_wait3A_183 = arith.constant 0 : i32
      %dma_wait3A_184 = tpu.memref_slice %arg10[%run_scoped3A_29, %dma_wait3A_182, %dma_wait3A_183] : memref<4x64x128xf32, #tpu.memory_space<vmem>> -> memref<1x64x128xf32, #tpu.memory_space<vmem>>
      %dma_wait3A_185 = tpu.memref_squeeze %dma_wait3A_184 : memref<1x64x128xf32, #tpu.memory_space<vmem>> -> memref<64x128xf32, #tpu.memory_space<vmem>>
      %dma_wait3A_186 = arith.constant 0 : i32
      %dma_wait3A_187 = arith.constant 384 : i32
      %dma_wait3A_188 = tpu.memref_slice %arg4[%dma_wait3A_186, %dma_wait3A_187] : memref<64x512xf32, #tpu.memory_space<hbm>> -> memref<64x128xf32, #tpu.memory_space<hbm>>
      tpu.wait_dma2 semaphore(%run_scoped3A_160 : memref<!tpu.dma_semaphore, #tpu.memory_space<semaphore_mem>>) src(%dma_wait3A_188 : memref<64x128xf32, #tpu.memory_space<hbm>>) dst(%dma_wait3A_185 : memref<64x128xf32, #tpu.memory_space<vmem>>)
      tpu.yield
    }) : () -> ()
    %scan3A = arith.constant 0 : i32
    %scan3A_30 = arith.constant 64 : i32
    %scan3A_31 = arith.addi %scan3A, %scan3A_30 : i32
    %scan3A_32 = arith.constant 4 : i32
    scf.for %scan3A_160 = %scan3A to %scan3A_31 step %scan3A_32  : i32 {
      %broadcast_in_dim3A = vector.broadcast %scan3A_160 : i32 to vector<16xi32>
      %mul3A_161 = arith.constant 16 : i32
      %mul3A_162 = arith.muli %scan3A_160, %mul3A_161 : i32
      %swap3A = arith.index_cast %mul3A_162 : i32 to index
      %swap3A_163 = tpu.vector_load %arg13[%swap3A] {strides = array<i32>} : memref<1024xi32, #tpu.memory_space<vmem>>, vector<16xi32>,
      tpu.vector_store %arg13[%swap3A], %broadcast_in_dim3A {strides = array<i32>} : memref<1024xi32, #tpu.memory_space<vmem>>, vector<16xi32>,
      %scan3A_164 = arith.constant 1 : i32
      %scan3A_165 = arith.addi %scan3A_160, %scan3A_164 : i32
      %broadcast_in_dim3A_166 = vector.broadcast %scan3A_165 : i32 to vector<16xi32>
      %mul3A_167 = arith.constant 16 : i32
      %mul3A_168 = arith.muli %scan3A_165, %mul3A_167 : i32
      %swap3A_169 = arith.index_cast %mul3A_168 : i32 to index
      %swap3A_170 = tpu.vector_load %arg13[%swap3A_169] {strides = array<i32>} : memref<1024xi32, #tpu.memory_space<vmem>>, vector<16xi32>,
      tpu.vector_store %arg13[%swap3A_169], %broadcast_in_dim3A_166 {strides = array<i32>} : memref<1024xi32, #tpu.memory_space<vmem>>, vector<16xi32>,
      %scan3A_171 = arith.constant 2 : i32
      %scan3A_172 = arith.addi %scan3A_160, %scan3A_171 : i32
      %broadcast_in_dim3A_173 = vector.broadcast %scan3A_172 : i32 to vector<16xi32>
      %mul3A_174 = arith.constant 16 : i32
      %mul3A_175 = arith.muli %scan3A_172, %mul3A_174 : i32
      %swap3A_176 = arith.index_cast %mul3A_175 : i32 to index
      %swap3A_177 = tpu.vector_load %arg13[%swap3A_176] {strides = array<i32>} : memref<1024xi32, #tpu.memory_space<vmem>>, vector<16xi32>,
      tpu.vector_store %arg13[%swap3A_176], %broadcast_in_dim3A_173 {strides = array<i32>} : memref<1024xi32, #tpu.memory_space<vmem>>, vector<16xi32>,
      %scan3A_178 = arith.constant 3 : i32
      %scan3A_179 = arith.addi %scan3A_160, %scan3A_178 : i32
      %broadcast_in_dim3A_180 = vector.broadcast %scan3A_179 : i32 to vector<16xi32>
      %mul3A_181 = arith.constant 16 : i32
      %mul3A_182 = arith.muli %scan3A_179, %mul3A_181 : i32
      %swap3A_183 = arith.index_cast %mul3A_182 : i32 to index
      %swap3A_184 = tpu.vector_load %arg13[%swap3A_183] {strides = array<i32>} : memref<1024xi32, #tpu.memory_space<vmem>>, vector<16xi32>,
      tpu.vector_store %arg13[%swap3A_183], %broadcast_in_dim3A_180 {strides = array<i32>} : memref<1024xi32, #tpu.memory_space<vmem>>, vector<16xi32>,
    }
    %scan3A_33 = arith.constant 64 : i32
    %add3A_34 = arith.constant 0 : i32
    %add3A_35 = arith.addi %mul3A_2, %add3A_34 : i32
    %multiple_of3A = tpu.assume_multiple %add3A_35, 128 : i32
    "tpu.region"() ({
      %run_scoped3A_160 = tpu.sem_alloc : memref<!tpu.dma_semaphore, #tpu.memory_space<semaphore_mem>>
      %dma_start3A_161 = tpu.memref_slice %arg2[%multiple_of3A] : memref<524288xi32, #tpu.memory_space<hbm>> -> memref<128xi32, #tpu.memory_space<hbm>>
      %dma_start3A_162 = tpu.memref_slice %arg2[%multiple_of3A] : memref<524288xi32, #tpu.memory_space<hbm>> -> memref<128xi32, #tpu.memory_space<hbm>>
      tpu.enqueue_dma source(%dma_start3A_162 : memref<128xi32, #tpu.memory_space<hbm>>) target(%arg6 : memref<128xi32, #tpu.memory_space<vmem>>) target_semaphore(%run_scoped3A_160 : memref<!tpu.dma_semaphore, #tpu.memory_space<semaphore_mem>>)
      %dma_wait3A_163 = tpu.memref_slice %arg2[%multiple_of3A] : memref<524288xi32, #tpu.memory_space<hbm>> -> memref<128xi32, #tpu.memory_space<hbm>>
      %dma_wait3A_164 = tpu.memref_slice %arg2[%multiple_of3A] : memref<524288xi32, #tpu.memory_space<hbm>> -> memref<128xi32, #tpu.memory_space<hbm>>
      tpu.wait_dma2 semaphore(%run_scoped3A_160 : memref<!tpu.dma_semaphore, #tpu.memory_space<semaphore_mem>>) src(%dma_wait3A_164 : memref<128xi32, #tpu.memory_space<hbm>>) dst(%arg6 : memref<128xi32, #tpu.memory_space<vmem>>)
      tpu.yield
    }) : () -> ()
    %dma_start3A = arith.constant 0 : i32
    %dma_start3A_36 = arith.constant 0 : i32
    %dma_start3A_37 = tpu.memref_slice %arg3[%dma_start3A, %dma_start3A_36] : memref<1000000x128xf32, #tpu.memory_space<hbm>> -> memref<1000000x128xf32, #tpu.memory_space<hbm>>
    tpu.enqueue_indirect_dma source(%dma_start3A_37 : memref<1000000x128xf32, #tpu.memory_space<hbm>>) target(%arg8 : memref<128x128xf32, #tpu.memory_space<vmem>>) offsets(%arg6 : memref<128xi32, #tpu.memory_space<vmem>>) semaphore(%arg14 : memref<!tpu.dma_semaphore, #tpu.memory_space<semaphore_mem>>)
    %add3A_38 = arith.constant 128 : i32
    %add3A_39 = arith.addi %mul3A_2, %add3A_38 : i32
    %multiple_of3A_40 = tpu.assume_multiple %add3A_39, 128 : i32
    "tpu.region"() ({
      %run_scoped3A_160 = tpu.sem_alloc : memref<!tpu.dma_semaphore, #tpu.memory_space<semaphore_mem>>
      %dma_start3A_161 = tpu.memref_slice %arg2[%multiple_of3A_40] : memref<524288xi32, #tpu.memory_space<hbm>> -> memref<128xi32, #tpu.memory_space<hbm>>
      %dma_start3A_162 = tpu.memref_slice %arg2[%multiple_of3A_40] : memref<524288xi32, #tpu.memory_space<hbm>> -> memref<128xi32, #tpu.memory_space<hbm>>
      tpu.enqueue_dma source(%dma_start3A_162 : memref<128xi32, #tpu.memory_space<hbm>>) target(%arg7 : memref<128xi32, #tpu.memory_space<vmem>>) target_semaphore(%run_scoped3A_160 : memref<!tpu.dma_semaphore, #tpu.memory_space<semaphore_mem>>)
      %dma_wait3A_163 = tpu.memref_slice %arg2[%multiple_of3A_40] : memref<524288xi32, #tpu.memory_space<hbm>> -> memref<128xi32, #tpu.memory_space<hbm>>
      %dma_wait3A_164 = tpu.memref_slice %arg2[%multiple_of3A_40] : memref<524288xi32, #tpu.memory_space<hbm>> -> memref<128xi32, #tpu.memory_space<hbm>>
      tpu.wait_dma2 semaphore(%run_scoped3A_160 : memref<!tpu.dma_semaphore, #tpu.memory_space<semaphore_mem>>) src(%dma_wait3A_164 : memref<128xi32, #tpu.memory_space<hbm>>) dst(%arg7 : memref<128xi32, #tpu.memory_space<vmem>>)
      tpu.yield
    }) : () -> ()
    %dma_start3A_41 = arith.constant 0 : i32
    %dma_start3A_42 = arith.constant 0 : i32
    %dma_start3A_43 = tpu.memref_slice %arg3[%dma_start3A_41, %dma_start3A_42] : memref<1000000x128xf32, #tpu.memory_space<hbm>> -> memref<1000000x128xf32, #tpu.memory_space<hbm>>
    tpu.enqueue_indirect_dma source(%dma_start3A_43 : memref<1000000x128xf32, #tpu.memory_space<hbm>>) target(%arg9 : memref<128x128xf32, #tpu.memory_space<vmem>>) offsets(%arg7 : memref<128xi32, #tpu.memory_space<vmem>>) semaphore(%arg15 : memref<!tpu.dma_semaphore, #tpu.memory_space<semaphore_mem>>)
    %scan3A_44 = arith.constant 0 : i32
    %scan3A_45 = arith.constant 64 : i32
    %scan3A_46 = arith.addi %scan3A_44, %scan3A_45 : i32
    %scan3A_47 = arith.constant 1 : i32
    scf.for %scan3A_160 = %scan3A_44 to %scan3A_46 step %scan3A_47  : i32 {
      %mul3A_161 = arith.constant 2 : i32
      %mul3A_162 = arith.muli %scan3A_160, %mul3A_161 : i32
      %add3A_163 = arith.constant 0 : i32
      %add3A_164 = arith.addi %mul3A_162, %add3A_163 : i32
      %dma_wait3A_165 = arith.constant 0 : i32
      %dma_wait3A_166 = arith.constant 0 : i32
      %dma_wait3A_167 = tpu.memref_slice %arg3[%dma_wait3A_165, %dma_wait3A_166] : memref<1000000x128xf32, #tpu.memory_space<hbm>> -> memref<1000000x128xf32, #tpu.memory_space<hbm>>
      tpu.wait_indirect_dma semaphore(%arg14 : memref<!tpu.dma_semaphore, #tpu.memory_space<semaphore_mem>>) src(%dma_wait3A_167 : memref<1000000x128xf32, #tpu.memory_space<hbm>>) dst(%arg8 : memref<128x128xf32, #tpu.memory_space<vmem>>)
      %mul3A_168 = arith.constant 128 : i32
      %mul3A_169 = arith.muli %add3A_164, %mul3A_168 : i32
      %add3A_170 = arith.addi %mul3A_2, %mul3A_169 : i32
      %rem3A_171 = arith.constant 512 : i32
      %rem3A_172 = arith.remsi %add3A_170, %rem3A_171 : i32
      %jit3A_173 = arith.constant 128 : i32
      %div3A_174 = arith.divsi %rem3A_172, %jit3A_173 : i32
      %sign3A_175 = arith.constant 0 : i32
      %sign3A_176 = arith.cmpi sgt, %rem3A_172, %sign3A_175 : i32
      %sign3A_177 = arith.extui %sign3A_176 : i1 to i32
      %sign3A_178 = arith.constant 0 : i32
      %sign3A_179 = arith.cmpi slt, %rem3A_172, %sign3A_178 : i32
      %sign3A_180 = arith.extui %sign3A_179 : i1 to i32
      %sign3A_181 = arith.subi %sign3A_177, %sign3A_180 : i32
      %sign3A_182 = arith.constant 0 : i32
      %sign3A_183 = arith.cmpi sgt, %jit3A_173, %sign3A_182 : i32
      %sign3A_184 = arith.extui %sign3A_183 : i1 to i32
      %sign3A_185 = arith.constant 0 : i32
      %sign3A_186 = arith.cmpi slt, %jit3A_173, %sign3A_185 : i32
      %sign3A_187 = arith.extui %sign3A_186 : i1 to i32
      %sign3A_188 = arith.subi %sign3A_184, %sign3A_187 : i32
      %ne3A_189 = arith.cmpi ne, %sign3A_181, %sign3A_188 : i32
      %rem3A_190 = arith.remsi %rem3A_172, %jit3A_173 : i32
      %ne3A_191 = arith.constant 0 : i32
      %ne3A_192 = arith.cmpi ne, %rem3A_190, %ne3A_191 : i32
      %and3A_193 = arith.andi %ne3A_189, %ne3A_192 : i1
      %sub3A_194 = arith.constant 1 : i32
      %sub3A_195 = arith.subi %div3A_174, %sub3A_194 : i32
      %select_n3A_196 = arith.select %and3A_193, %sub3A_195, %div3A_174 : i32
      %ge3A = arith.constant 2 : i32
      %ge3A_197 = arith.cmpi sge, %add3A_164, %ge3A : i32
      %convert_element_type3A = arith.extui %ge3A_197 : i1 to i32
      %cond3A = arith.constant 0 : i32
      %cond3A_198 = arith.cmpi ne, %convert_element_type3A, %cond3A : i32
      scf.if %cond3A_198 {
        %sub3A_380 = arith.constant 2 : i32
        %sub3A_381 = arith.subi %add3A_164, %sub3A_380 : i32
        %mul3A_382 = arith.constant 128 : i32
        %mul3A_383 = arith.muli %sub3A_381, %mul3A_382 : i32
        %add3A_384 = arith.addi %mul3A_2, %mul3A_383 : i32
        %jit3A_385 = arith.constant 512 : i32
        %div3A_386 = arith.divsi %add3A_384, %jit3A_385 : i32
        %sign3A_387 = arith.constant 0 : i32
        %sign3A_388 = arith.cmpi sgt, %add3A_384, %sign3A_387 : i32
        %sign3A_389 = arith.extui %sign3A_388 : i1 to i32
        %sign3A_390 = arith.constant 0 : i32
        %sign3A_391 = arith.cmpi slt, %add3A_384, %sign3A_390 : i32
        %sign3A_392 = arith.extui %sign3A_391 : i1 to i32
        %sign3A_393 = arith.subi %sign3A_389, %sign3A_392 : i32
        %sign3A_394 = arith.constant 0 : i32
        %sign3A_395 = arith.cmpi sgt, %jit3A_385, %sign3A_394 : i32
        %sign3A_396 = arith.extui %sign3A_395 : i1 to i32
        %sign3A_397 = arith.constant 0 : i32
        %sign3A_398 = arith.cmpi slt, %jit3A_385, %sign3A_397 : i32
        %sign3A_399 = arith.extui %sign3A_398 : i1 to i32
        %sign3A_400 = arith.subi %sign3A_396, %sign3A_399 : i32
        %ne3A_401 = arith.cmpi ne, %sign3A_393, %sign3A_400 : i32
        %rem3A_402 = arith.remsi %add3A_384, %jit3A_385 : i32
        %ne3A_403 = arith.constant 0 : i32
        %ne3A_404 = arith.cmpi ne, %rem3A_402, %ne3A_403 : i32
        %and3A_405 = arith.andi %ne3A_401, %ne3A_404 : i1
        %sub3A_406 = arith.constant 1 : i32
        %sub3A_407 = arith.subi %div3A_386, %sub3A_406 : i32
        %select_n3A_408 = arith.select %and3A_405, %sub3A_407, %div3A_386 : i32
        %rem3A_409 = arith.constant 512 : i32
        %rem3A_410 = arith.remsi %add3A_384, %rem3A_409 : i32
        %jit3A_411 = arith.constant 128 : i32
        %div3A_412 = arith.divsi %rem3A_410, %jit3A_411 : i32
        %sign3A_413 = arith.constant 0 : i32
        %sign3A_414 = arith.cmpi sgt, %rem3A_410, %sign3A_413 : i32
        %sign3A_415 = arith.extui %sign3A_414 : i1 to i32
        %sign3A_416 = arith.constant 0 : i32
        %sign3A_417 = arith.cmpi slt, %rem3A_410, %sign3A_416 : i32
        %sign3A_418 = arith.extui %sign3A_417 : i1 to i32
        %sign3A_419 = arith.subi %sign3A_415, %sign3A_418 : i32
        %sign3A_420 = arith.constant 0 : i32
        %sign3A_421 = arith.cmpi sgt, %jit3A_411, %sign3A_420 : i32
        %sign3A_422 = arith.extui %sign3A_421 : i1 to i32
        %sign3A_423 = arith.constant 0 : i32
        %sign3A_424 = arith.cmpi slt, %jit3A_411, %sign3A_423 : i32
        %sign3A_425 = arith.extui %sign3A_424 : i1 to i32
        %sign3A_426 = arith.subi %sign3A_422, %sign3A_425 : i32
        %ne3A_427 = arith.cmpi ne, %sign3A_419, %sign3A_426 : i32
        %rem3A_428 = arith.remsi %rem3A_410, %jit3A_411 : i32
        %ne3A_429 = arith.constant 0 : i32
        %ne3A_430 = arith.cmpi ne, %rem3A_428, %ne3A_429 : i32
        %and3A_431 = arith.andi %ne3A_427, %ne3A_430 : i1
        %sub3A_432 = arith.constant 1 : i32
        %sub3A_433 = arith.subi %div3A_412, %sub3A_432 : i32
        %select_n3A_434 = arith.select %and3A_431, %sub3A_433, %div3A_412 : i32
        %mul3A_435 = arith.constant 64 : i32
        %mul3A_436 = arith.muli %select_n3A_408, %mul3A_435 : i32
        %multiple_of3A_437 = tpu.assume_multiple %mul3A_436, 64 : i32
        %mul3A_438 = arith.constant 128 : i32
        %mul3A_439 = arith.muli %select_n3A_434, %mul3A_438 : i32
        %multiple_of3A_440 = tpu.assume_multiple %mul3A_439, 128 : i32
        %dma_wait3A_441 = tpu.memref_slice %arg5[%multiple_of3A_437, %multiple_of3A_440] : memref<65536x512xf32, #tpu.memory_space<hbm>> -> memref<64x128xf32, #tpu.memory_space<hbm>>
        %dma_wait3A_442 = tpu.memref_slice %arg5[%multiple_of3A_437, %multiple_of3A_440] : memref<65536x512xf32, #tpu.memory_space<hbm>> -> memref<64x128xf32, #tpu.memory_space<hbm>>
        tpu.wait_dma2 semaphore(%arg16 : memref<!tpu.dma_semaphore, #tpu.memory_space<semaphore_mem>>) src(%arg11 : memref<64x128xf32, #tpu.memory_space<vmem>>) dst(%dma_wait3A_442 : memref<64x128xf32, #tpu.memory_space<hbm>>)
      } else {
      }
      %parallel_loop3A = arith.constant 0 : i32
      %parallel_loop3A_199 = arith.constant 64 : i32
      %parallel_loop3A_200 = arith.constant 1 : i32
      scf.for %parallel_loop3A_380 = %parallel_loop3A to %parallel_loop3A_199 step %parallel_loop3A_200  : i32 {
        %parallel_loop3A_381 = arith.constant 16 : i32
        %parallel_loop3A_382 = arith.muli %parallel_loop3A_380, %parallel_loop3A_381 : i32
        %parallel_loop3A_383 = arith.index_cast %parallel_loop3A_382 : i32 to index
        %parallel_loop3A_384 = tpu.vector_load %arg13[%parallel_loop3A_383] {strides = array<i32>} : memref<1024xi32, #tpu.memory_space<vmem>>, vector<16xi32>,
        %parallel_loop3A_385 = tpu.vector_load_idx %arg8[%add3A_5, %parallel_loop3A_384] : memref<128x128xf32, #tpu.memory_space<vmem>>[vector<16xi32>, vector<16xi32>], vector<16xf32>,
        %parallel_loop3A_386 = arith.index_cast %select_n3A_196 : i32 to index
        %parallel_loop3A_387 = arith.index_cast %parallel_loop3A_380 : i32 to index
        %parallel_loop3A_388 = arith.constant 0 : index
        %parallel_loop3A_389 = tpu.vector_load %arg10[%parallel_loop3A_386, %parallel_loop3A_387, %parallel_loop3A_388] {strides = array<i32>} : memref<4x64x128xf32, #tpu.memory_space<vmem>>, vector<16xf32>,
        %parallel_loop3A_390 = arith.addf %parallel_loop3A_385, %parallel_loop3A_389 : vector<16xf32>
        %parallel_loop3A_391 = arith.index_cast %parallel_loop3A_380 : i32 to index
        %parallel_loop3A_392 = arith.constant 0 : index
        %parallel_loop3A_393 = tpu.vector_load %arg11[%parallel_loop3A_391, %parallel_loop3A_392] {strides = array<i32>} : memref<64x128xf32, #tpu.memory_space<vmem>>, vector<16xf32>,
        tpu.vector_store %arg11[%parallel_loop3A_391, %parallel_loop3A_392], %parallel_loop3A_390 {strides = array<i32>} : memref<64x128xf32, #tpu.memory_space<vmem>>, vector<16xf32>,
        %parallel_loop3A_394 = tpu.vector_load_idx %arg8[%add3A_8, %parallel_loop3A_384] : memref<128x128xf32, #tpu.memory_space<vmem>>[vector<16xi32>, vector<16xi32>], vector<16xf32>,
        %parallel_loop3A_395 = arith.index_cast %select_n3A_196 : i32 to index
        %parallel_loop3A_396 = arith.index_cast %parallel_loop3A_380 : i32 to index
        %parallel_loop3A_397 = arith.constant 16 : index
        %parallel_loop3A_398 = tpu.vector_load %arg10[%parallel_loop3A_395, %parallel_loop3A_396, %parallel_loop3A_397] {strides = array<i32>} : memref<4x64x128xf32, #tpu.memory_space<vmem>>, vector<16xf32>,
        %parallel_loop3A_399 = arith.addf %parallel_loop3A_394, %parallel_loop3A_398 : vector<16xf32>
        %parallel_loop3A_400 = arith.index_cast %parallel_loop3A_380 : i32 to index
        %parallel_loop3A_401 = arith.constant 16 : index
        %parallel_loop3A_402 = tpu.vector_load %arg11[%parallel_loop3A_400, %parallel_loop3A_401] {strides = array<i32>} : memref<64x128xf32, #tpu.memory_space<vmem>>, vector<16xf32>,
        tpu.vector_store %arg11[%parallel_loop3A_400, %parallel_loop3A_401], %parallel_loop3A_399 {strides = array<i32>} : memref<64x128xf32, #tpu.memory_space<vmem>>, vector<16xf32>,
        %parallel_loop3A_403 = tpu.vector_load_idx %arg8[%add3A_11, %parallel_loop3A_384] : memref<128x128xf32, #tpu.memory_space<vmem>>[vector<16xi32>, vector<16xi32>], vector<16xf32>,
        %parallel_loop3A_404 = arith.index_cast %select_n3A_196 : i32 to index
        %parallel_loop3A_405 = arith.index_cast %parallel_loop3A_380 : i32 to index
        %parallel_loop3A_406 = arith.constant 32 : index
        %parallel_loop3A_407 = tpu.vector_load %arg10[%parallel_loop3A_404, %parallel_loop3A_405, %parallel_loop3A_406] {strides = array<i32>} : memref<4x64x128xf32, #tpu.memory_space<vmem>>, vector<16xf32>,
        %parallel_loop3A_408 = arith.addf %parallel_loop3A_403, %parallel_loop3A_407 : vector<16xf32>
        %parallel_loop3A_409 = arith.index_cast %parallel_loop3A_380 : i32 to index
        %parallel_loop3A_410 = arith.constant 32 : index
        %parallel_loop3A_411 = tpu.vector_load %arg11[%parallel_loop3A_409, %parallel_loop3A_410] {strides = array<i32>} : memref<64x128xf32, #tpu.memory_space<vmem>>, vector<16xf32>,
        tpu.vector_store %arg11[%parallel_loop3A_409, %parallel_loop3A_410], %parallel_loop3A_408 {strides = array<i32>} : memref<64x128xf32, #tpu.memory_space<vmem>>, vector<16xf32>,
        %parallel_loop3A_412 = tpu.vector_load_idx %arg8[%add3A_14, %parallel_loop3A_384] : memref<128x128xf32, #tpu.memory_space<vmem>>[vector<16xi32>, vector<16xi32>], vector<16xf32>,
        %parallel_loop3A_413 = arith.index_cast %select_n3A_196 : i32 to index
        %parallel_loop3A_414 = arith.index_cast %parallel_loop3A_380 : i32 to index
        %parallel_loop3A_415 = arith.constant 48 : index
        %parallel_loop3A_416 = tpu.vector_load %arg10[%parallel_loop3A_413, %parallel_loop3A_414, %parallel_loop3A_415] {strides = array<i32>} : memref<4x64x128xf32, #tpu.memory_space<vmem>>, vector<16xf32>,
        %parallel_loop3A_417 = arith.addf %parallel_loop3A_412, %parallel_loop3A_416 : vector<16xf32>
        %parallel_loop3A_418 = arith.index_cast %parallel_loop3A_380 : i32 to index
        %parallel_loop3A_419 = arith.constant 48 : index
        %parallel_loop3A_420 = tpu.vector_load %arg11[%parallel_loop3A_418, %parallel_loop3A_419] {strides = array<i32>} : memref<64x128xf32, #tpu.memory_space<vmem>>, vector<16xf32>,
        tpu.vector_store %arg11[%parallel_loop3A_418, %parallel_loop3A_419], %parallel_loop3A_417 {strides = array<i32>} : memref<64x128xf32, #tpu.memory_space<vmem>>, vector<16xf32>,
        %parallel_loop3A_421 = tpu.vector_load_idx %arg8[%add3A_17, %parallel_loop3A_384] : memref<128x128xf32, #tpu.memory_space<vmem>>[vector<16xi32>, vector<16xi32>], vector<16xf32>,
        %parallel_loop3A_422 = arith.index_cast %select_n3A_196 : i32 to index
        %parallel_loop3A_423 = arith.index_cast %parallel_loop3A_380 : i32 to index
        %parallel_loop3A_424 = arith.constant 64 : index
        %parallel_loop3A_425 = tpu.vector_load %arg10[%parallel_loop3A_422, %parallel_loop3A_423, %parallel_loop3A_424] {strides = array<i32>} : memref<4x64x128xf32, #tpu.memory_space<vmem>>, vector<16xf32>,
        %parallel_loop3A_426 = arith.addf %parallel_loop3A_421, %parallel_loop3A_425 : vector<16xf32>
        %parallel_loop3A_427 = arith.index_cast %parallel_loop3A_380 : i32 to index
        %parallel_loop3A_428 = arith.constant 64 : index
        %parallel_loop3A_429 = tpu.vector_load %arg11[%parallel_loop3A_427, %parallel_loop3A_428] {strides = array<i32>} : memref<64x128xf32, #tpu.memory_space<vmem>>, vector<16xf32>,
        tpu.vector_store %arg11[%parallel_loop3A_427, %parallel_loop3A_428], %parallel_loop3A_426 {strides = array<i32>} : memref<64x128xf32, #tpu.memory_space<vmem>>, vector<16xf32>,
        %parallel_loop3A_430 = tpu.vector_load_idx %arg8[%add3A_20, %parallel_loop3A_384] : memref<128x128xf32, #tpu.memory_space<vmem>>[vector<16xi32>, vector<16xi32>], vector<16xf32>,
        %parallel_loop3A_431 = arith.index_cast %select_n3A_196 : i32 to index
        %parallel_loop3A_432 = arith.index_cast %parallel_loop3A_380 : i32 to index
        %parallel_loop3A_433 = arith.constant 80 : index
        %parallel_loop3A_434 = tpu.vector_load %arg10[%parallel_loop3A_431, %parallel_loop3A_432, %parallel_loop3A_433] {strides = array<i32>} : memref<4x64x128xf32, #tpu.memory_space<vmem>>, vector<16xf32>,
        %parallel_loop3A_435 = arith.addf %parallel_loop3A_430, %parallel_loop3A_434 : vector<16xf32>
        %parallel_loop3A_436 = arith.index_cast %parallel_loop3A_380 : i32 to index
        %parallel_loop3A_437 = arith.constant 80 : index
        %parallel_loop3A_438 = tpu.vector_load %arg11[%parallel_loop3A_436, %parallel_loop3A_437] {strides = array<i32>} : memref<64x128xf32, #tpu.memory_space<vmem>>, vector<16xf32>,
        tpu.vector_store %arg11[%parallel_loop3A_436, %parallel_loop3A_437], %parallel_loop3A_435 {strides = array<i32>} : memref<64x128xf32, #tpu.memory_space<vmem>>, vector<16xf32>,
        %parallel_loop3A_439 = tpu.vector_load_idx %arg8[%add3A_23, %parallel_loop3A_384] : memref<128x128xf32, #tpu.memory_space<vmem>>[vector<16xi32>, vector<16xi32>], vector<16xf32>,
        %parallel_loop3A_440 = arith.index_cast %select_n3A_196 : i32 to index
        %parallel_loop3A_441 = arith.index_cast %parallel_loop3A_380 : i32 to index
        %parallel_loop3A_442 = arith.constant 96 : index
        %parallel_loop3A_443 = tpu.vector_load %arg10[%parallel_loop3A_440, %parallel_loop3A_441, %parallel_loop3A_442] {strides = array<i32>} : memref<4x64x128xf32, #tpu.memory_space<vmem>>, vector<16xf32>,
        %parallel_loop3A_444 = arith.addf %parallel_loop3A_439, %parallel_loop3A_443 : vector<16xf32>
        %parallel_loop3A_445 = arith.index_cast %parallel_loop3A_380 : i32 to index
        %parallel_loop3A_446 = arith.constant 96 : index
        %parallel_loop3A_447 = tpu.vector_load %arg11[%parallel_loop3A_445, %parallel_loop3A_446] {strides = array<i32>} : memref<64x128xf32, #tpu.memory_space<vmem>>, vector<16xf32>,
        tpu.vector_store %arg11[%parallel_loop3A_445, %parallel_loop3A_446], %parallel_loop3A_444 {strides = array<i32>} : memref<64x128xf32, #tpu.memory_space<vmem>>, vector<16xf32>,
        %parallel_loop3A_448 = tpu.vector_load_idx %arg8[%add3A_26, %parallel_loop3A_384] : memref<128x128xf32, #tpu.memory_space<vmem>>[vector<16xi32>, vector<16xi32>], vector<16xf32>,
        %parallel_loop3A_449 = arith.index_cast %select_n3A_196 : i32 to index
        %parallel_loop3A_450 = arith.index_cast %parallel_loop3A_380 : i32 to index
        %parallel_loop3A_451 = arith.constant 112 : index
        %parallel_loop3A_452 = tpu.vector_load %arg10[%parallel_loop3A_449, %parallel_loop3A_450, %parallel_loop3A_451] {strides = array<i32>} : memref<4x64x128xf32, #tpu.memory_space<vmem>>, vector<16xf32>,
        %parallel_loop3A_453 = arith.addf %parallel_loop3A_448, %parallel_loop3A_452 : vector<16xf32>
        %parallel_loop3A_454 = arith.index_cast %parallel_loop3A_380 : i32 to index
        %parallel_loop3A_455 = arith.constant 112 : index
        %parallel_loop3A_456 = tpu.vector_load %arg11[%parallel_loop3A_454, %parallel_loop3A_455] {strides = array<i32>} : memref<64x128xf32, #tpu.memory_space<vmem>>, vector<16xf32>,
        tpu.vector_store %arg11[%parallel_loop3A_454, %parallel_loop3A_455], %parallel_loop3A_453 {strides = array<i32>} : memref<64x128xf32, #tpu.memory_space<vmem>>, vector<16xf32>,
      } {sc.loop_unroll_factor = 4 : i64, sc.parallel_access}
      %mul3A_201 = arith.constant 128 : i32
      %mul3A_202 = arith.muli %add3A_164, %mul3A_201 : i32
      %add3A_203 = arith.addi %mul3A_2, %mul3A_202 : i32
      %jit3A_204 = arith.constant 512 : i32
      %div3A_205 = arith.divsi %add3A_203, %jit3A_204 : i32
      %sign3A_206 = arith.constant 0 : i32
      %sign3A_207 = arith.cmpi sgt, %add3A_203, %sign3A_206 : i32
      %sign3A_208 = arith.extui %sign3A_207 : i1 to i32
      %sign3A_209 = arith.constant 0 : i32
      %sign3A_210 = arith.cmpi slt, %add3A_203, %sign3A_209 : i32
      %sign3A_211 = arith.extui %sign3A_210 : i1 to i32
      %sign3A_212 = arith.subi %sign3A_208, %sign3A_211 : i32
      %sign3A_213 = arith.constant 0 : i32
      %sign3A_214 = arith.cmpi sgt, %jit3A_204, %sign3A_213 : i32
      %sign3A_215 = arith.extui %sign3A_214 : i1 to i32
      %sign3A_216 = arith.constant 0 : i32
      %sign3A_217 = arith.cmpi slt, %jit3A_204, %sign3A_216 : i32
      %sign3A_218 = arith.extui %sign3A_217 : i1 to i32
      %sign3A_219 = arith.subi %sign3A_215, %sign3A_218 : i32
      %ne3A_220 = arith.cmpi ne, %sign3A_212, %sign3A_219 : i32
      %rem3A_221 = arith.remsi %add3A_203, %jit3A_204 : i32
      %ne3A_222 = arith.constant 0 : i32
      %ne3A_223 = arith.cmpi ne, %rem3A_221, %ne3A_222 : i32
      %and3A_224 = arith.andi %ne3A_220, %ne3A_223 : i1
      %sub3A_225 = arith.constant 1 : i32
      %sub3A_226 = arith.subi %div3A_205, %sub3A_225 : i32
      %select_n3A_227 = arith.select %and3A_224, %sub3A_226, %div3A_205 : i32
      %rem3A_228 = arith.constant 512 : i32
      %rem3A_229 = arith.remsi %add3A_203, %rem3A_228 : i32
      %jit3A_230 = arith.constant 128 : i32
      %div3A_231 = arith.divsi %rem3A_229, %jit3A_230 : i32
      %sign3A_232 = arith.constant 0 : i32
      %sign3A_233 = arith.cmpi sgt, %rem3A_229, %sign3A_232 : i32
      %sign3A_234 = arith.extui %sign3A_233 : i1 to i32
      %sign3A_235 = arith.constant 0 : i32
      %sign3A_236 = arith.cmpi slt, %rem3A_229, %sign3A_235 : i32
      %sign3A_237 = arith.extui %sign3A_236 : i1 to i32
      %sign3A_238 = arith.subi %sign3A_234, %sign3A_237 : i32
      %sign3A_239 = arith.constant 0 : i32
      %sign3A_240 = arith.cmpi sgt, %jit3A_230, %sign3A_239 : i32
      %sign3A_241 = arith.extui %sign3A_240 : i1 to i32
      %sign3A_242 = arith.constant 0 : i32
      %sign3A_243 = arith.cmpi slt, %jit3A_230, %sign3A_242 : i32
      %sign3A_244 = arith.extui %sign3A_243 : i1 to i32
      %sign3A_245 = arith.subi %sign3A_241, %sign3A_244 : i32
      %ne3A_246 = arith.cmpi ne, %sign3A_238, %sign3A_245 : i32
      %rem3A_247 = arith.remsi %rem3A_229, %jit3A_230 : i32
      %ne3A_248 = arith.constant 0 : i32
      %ne3A_249 = arith.cmpi ne, %rem3A_247, %ne3A_248 : i32
      %and3A_250 = arith.andi %ne3A_246, %ne3A_249 : i1
      %sub3A_251 = arith.constant 1 : i32
      %sub3A_252 = arith.subi %div3A_231, %sub3A_251 : i32
      %select_n3A_253 = arith.select %and3A_250, %sub3A_252, %div3A_231 : i32
      %mul3A_254 = arith.constant 64 : i32
      %mul3A_255 = arith.muli %select_n3A_227, %mul3A_254 : i32
      %multiple_of3A_256 = tpu.assume_multiple %mul3A_255, 64 : i32
      %mul3A_257 = arith.constant 128 : i32
      %mul3A_258 = arith.muli %select_n3A_253, %mul3A_257 : i32
      %multiple_of3A_259 = tpu.assume_multiple %mul3A_258, 128 : i32
      %dma_start3A_260 = tpu.memref_slice %arg5[%multiple_of3A_256, %multiple_of3A_259] : memref<65536x512xf32, #tpu.memory_space<hbm>> -> memref<64x128xf32, #tpu.memory_space<hbm>>
      %dma_start3A_261 = tpu.memref_slice %arg5[%multiple_of3A_256, %multiple_of3A_259] : memref<65536x512xf32, #tpu.memory_space<hbm>> -> memref<64x128xf32, #tpu.memory_space<hbm>>
      tpu.enqueue_dma source(%arg11 : memref<64x128xf32, #tpu.memory_space<vmem>>) target(%dma_start3A_261 : memref<64x128xf32, #tpu.memory_space<hbm>>) target_semaphore(%arg16 : memref<!tpu.dma_semaphore, #tpu.memory_space<semaphore_mem>>)
      %add3A_262 = arith.constant 2 : i32
      %add3A_263 = arith.addi %add3A_164, %add3A_262 : i32
      %lt3A = arith.constant 128 : i32
      %lt3A_264 = arith.cmpi slt, %add3A_263, %lt3A : i32
      %convert_element_type3A_265 = arith.extui %lt3A_264 : i1 to i32
      %cond3A_266 = arith.constant 0 : i32
      %cond3A_267 = arith.cmpi ne, %convert_element_type3A_265, %cond3A_266 : i32
      scf.if %cond3A_267 {
        %add3A_380 = arith.constant 2 : i32
        %add3A_381 = arith.addi %add3A_164, %add3A_380 : i32
        %mul3A_382 = arith.constant 128 : i32
        %mul3A_383 = arith.muli %add3A_381, %mul3A_382 : i32
        %add3A_384 = arith.addi %mul3A_2, %mul3A_383 : i32
        %multiple_of3A_385 = tpu.assume_multiple %add3A_384, 128 : i32
        "tpu.region"() ({
          %run_scoped3A_389 = tpu.sem_alloc : memref<!tpu.dma_semaphore, #tpu.memory_space<semaphore_mem>>
          %dma_start3A_390 = tpu.memref_slice %arg2[%multiple_of3A_385] : memref<524288xi32, #tpu.memory_space<hbm>> -> memref<128xi32, #tpu.memory_space<hbm>>
          %dma_start3A_391 = tpu.memref_slice %arg2[%multiple_of3A_385] : memref<524288xi32, #tpu.memory_space<hbm>> -> memref<128xi32, #tpu.memory_space<hbm>>
          tpu.enqueue_dma source(%dma_start3A_391 : memref<128xi32, #tpu.memory_space<hbm>>) target(%arg6 : memref<128xi32, #tpu.memory_space<vmem>>) target_semaphore(%run_scoped3A_389 : memref<!tpu.dma_semaphore, #tpu.memory_space<semaphore_mem>>)
          %dma_wait3A_392 = tpu.memref_slice %arg2[%multiple_of3A_385] : memref<524288xi32, #tpu.memory_space<hbm>> -> memref<128xi32, #tpu.memory_space<hbm>>
          %dma_wait3A_393 = tpu.memref_slice %arg2[%multiple_of3A_385] : memref<524288xi32, #tpu.memory_space<hbm>> -> memref<128xi32, #tpu.memory_space<hbm>>
          tpu.wait_dma2 semaphore(%run_scoped3A_389 : memref<!tpu.dma_semaphore, #tpu.memory_space<semaphore_mem>>) src(%dma_wait3A_393 : memref<128xi32, #tpu.memory_space<hbm>>) dst(%arg6 : memref<128xi32, #tpu.memory_space<vmem>>)
          tpu.yield
        }) : () -> ()
        %dma_start3A_386 = arith.constant 0 : i32
        %dma_start3A_387 = arith.constant 0 : i32
        %dma_start3A_388 = tpu.memref_slice %arg3[%dma_start3A_386, %dma_start3A_387] : memref<1000000x128xf32, #tpu.memory_space<hbm>> -> memref<1000000x128xf32, #tpu.memory_space<hbm>>
        tpu.enqueue_indirect_dma source(%dma_start3A_388 : memref<1000000x128xf32, #tpu.memory_space<hbm>>) target(%arg8 : memref<128x128xf32, #tpu.memory_space<vmem>>) offsets(%arg6 : memref<128xi32, #tpu.memory_space<vmem>>) semaphore(%arg14 : memref<!tpu.dma_semaphore, #tpu.memory_space<semaphore_mem>>)
      } else {
      }
      %mul3A_268 = arith.constant 2 : i32
      %mul3A_269 = arith.muli %scan3A_160, %mul3A_268 : i32
      %add3A_270 = arith.constant 1 : i32
      %add3A_271 = arith.addi %mul3A_269, %add3A_270 : i32
      %dma_wait3A_272 = arith.constant 0 : i32
      %dma_wait3A_273 = arith.constant 0 : i32
      %dma_wait3A_274 = tpu.memref_slice %arg3[%dma_wait3A_272, %dma_wait3A_273] : memref<1000000x128xf32, #tpu.memory_space<hbm>> -> memref<1000000x128xf32, #tpu.memory_space<hbm>>
      tpu.wait_indirect_dma semaphore(%arg15 : memref<!tpu.dma_semaphore, #tpu.memory_space<semaphore_mem>>) src(%dma_wait3A_274 : memref<1000000x128xf32, #tpu.memory_space<hbm>>) dst(%arg9 : memref<128x128xf32, #tpu.memory_space<vmem>>)
      %mul3A_275 = arith.constant 128 : i32
      %mul3A_276 = arith.muli %add3A_271, %mul3A_275 : i32
      %add3A_277 = arith.addi %mul3A_2, %mul3A_276 : i32
      %rem3A_278 = arith.constant 512 : i32
      %rem3A_279 = arith.remsi %add3A_277, %rem3A_278 : i32
      %jit3A_280 = arith.constant 128 : i32
      %div3A_281 = arith.divsi %rem3A_279, %jit3A_280 : i32
      %sign3A_282 = arith.constant 0 : i32
      %sign3A_283 = arith.cmpi sgt, %rem3A_279, %sign3A_282 : i32
      %sign3A_284 = arith.extui %sign3A_283 : i1 to i32
      %sign3A_285 = arith.constant 0 : i32
      %sign3A_286 = arith.cmpi slt, %rem3A_279, %sign3A_285 : i32
      %sign3A_287 = arith.extui %sign3A_286 : i1 to i32
      %sign3A_288 = arith.subi %sign3A_284, %sign3A_287 : i32
      %sign3A_289 = arith.constant 0 : i32
      %sign3A_290 = arith.cmpi sgt, %jit3A_280, %sign3A_289 : i32
      %sign3A_291 = arith.extui %sign3A_290 : i1 to i32
      %sign3A_292 = arith.constant 0 : i32
      %sign3A_293 = arith.cmpi slt, %jit3A_280, %sign3A_292 : i32
      %sign3A_294 = arith.extui %sign3A_293 : i1 to i32
      %sign3A_295 = arith.subi %sign3A_291, %sign3A_294 : i32
      %ne3A_296 = arith.cmpi ne, %sign3A_288, %sign3A_295 : i32
      %rem3A_297 = arith.remsi %rem3A_279, %jit3A_280 : i32
      %ne3A_298 = arith.constant 0 : i32
      %ne3A_299 = arith.cmpi ne, %rem3A_297, %ne3A_298 : i32
      %and3A_300 = arith.andi %ne3A_296, %ne3A_299 : i1
      %sub3A_301 = arith.constant 1 : i32
      %sub3A_302 = arith.subi %div3A_281, %sub3A_301 : i32
      %select_n3A_303 = arith.select %and3A_300, %sub3A_302, %div3A_281 : i32
      %ge3A_304 = arith.constant 2 : i32
      %ge3A_305 = arith.cmpi sge, %add3A_271, %ge3A_304 : i32
      %convert_element_type3A_306 = arith.extui %ge3A_305 : i1 to i32
      %cond3A_307 = arith.constant 0 : i32
      %cond3A_308 = arith.cmpi ne, %convert_element_type3A_306, %cond3A_307 : i32
      scf.if %cond3A_308 {
        %sub3A_380 = arith.constant 2 : i32
        %sub3A_381 = arith.subi %add3A_271, %sub3A_380 : i32
        %mul3A_382 = arith.constant 128 : i32
        %mul3A_383 = arith.muli %sub3A_381, %mul3A_382 : i32
        %add3A_384 = arith.addi %mul3A_2, %mul3A_383 : i32
        %jit3A_385 = arith.constant 512 : i32
        %div3A_386 = arith.divsi %add3A_384, %jit3A_385 : i32
        %sign3A_387 = arith.constant 0 : i32
        %sign3A_388 = arith.cmpi sgt, %add3A_384, %sign3A_387 : i32
        %sign3A_389 = arith.extui %sign3A_388 : i1 to i32
        %sign3A_390 = arith.constant 0 : i32
        %sign3A_391 = arith.cmpi slt, %add3A_384, %sign3A_390 : i32
        %sign3A_392 = arith.extui %sign3A_391 : i1 to i32
        %sign3A_393 = arith.subi %sign3A_389, %sign3A_392 : i32
        %sign3A_394 = arith.constant 0 : i32
        %sign3A_395 = arith.cmpi sgt, %jit3A_385, %sign3A_394 : i32
        %sign3A_396 = arith.extui %sign3A_395 : i1 to i32
        %sign3A_397 = arith.constant 0 : i32
        %sign3A_398 = arith.cmpi slt, %jit3A_385, %sign3A_397 : i32
        %sign3A_399 = arith.extui %sign3A_398 : i1 to i32
        %sign3A_400 = arith.subi %sign3A_396, %sign3A_399 : i32
        %ne3A_401 = arith.cmpi ne, %sign3A_393, %sign3A_400 : i32
        %rem3A_402 = arith.remsi %add3A_384, %jit3A_385 : i32
        %ne3A_403 = arith.constant 0 : i32
        %ne3A_404 = arith.cmpi ne, %rem3A_402, %ne3A_403 : i32
        %and3A_405 = arith.andi %ne3A_401, %ne3A_404 : i1
        %sub3A_406 = arith.constant 1 : i32
        %sub3A_407 = arith.subi %div3A_386, %sub3A_406 : i32
        %select_n3A_408 = arith.select %and3A_405, %sub3A_407, %div3A_386 : i32
        %rem3A_409 = arith.constant 512 : i32
        %rem3A_410 = arith.remsi %add3A_384, %rem3A_409 : i32
        %jit3A_411 = arith.constant 128 : i32
        %div3A_412 = arith.divsi %rem3A_410, %jit3A_411 : i32
        %sign3A_413 = arith.constant 0 : i32
        %sign3A_414 = arith.cmpi sgt, %rem3A_410, %sign3A_413 : i32
        %sign3A_415 = arith.extui %sign3A_414 : i1 to i32
        %sign3A_416 = arith.constant 0 : i32
        %sign3A_417 = arith.cmpi slt, %rem3A_410, %sign3A_416 : i32
        %sign3A_418 = arith.extui %sign3A_417 : i1 to i32
        %sign3A_419 = arith.subi %sign3A_415, %sign3A_418 : i32
        %sign3A_420 = arith.constant 0 : i32
        %sign3A_421 = arith.cmpi sgt, %jit3A_411, %sign3A_420 : i32
        %sign3A_422 = arith.extui %sign3A_421 : i1 to i32
        %sign3A_423 = arith.constant 0 : i32
        %sign3A_424 = arith.cmpi slt, %jit3A_411, %sign3A_423 : i32
        %sign3A_425 = arith.extui %sign3A_424 : i1 to i32
        %sign3A_426 = arith.subi %sign3A_422, %sign3A_425 : i32
        %ne3A_427 = arith.cmpi ne, %sign3A_419, %sign3A_426 : i32
        %rem3A_428 = arith.remsi %rem3A_410, %jit3A_411 : i32
        %ne3A_429 = arith.constant 0 : i32
        %ne3A_430 = arith.cmpi ne, %rem3A_428, %ne3A_429 : i32
        %and3A_431 = arith.andi %ne3A_427, %ne3A_430 : i1
        %sub3A_432 = arith.constant 1 : i32
        %sub3A_433 = arith.subi %div3A_412, %sub3A_432 : i32
        %select_n3A_434 = arith.select %and3A_431, %sub3A_433, %div3A_412 : i32
        %mul3A_435 = arith.constant 64 : i32
        %mul3A_436 = arith.muli %select_n3A_408, %mul3A_435 : i32
        %multiple_of3A_437 = tpu.assume_multiple %mul3A_436, 64 : i32
        %mul3A_438 = arith.constant 128 : i32
        %mul3A_439 = arith.muli %select_n3A_434, %mul3A_438 : i32
        %multiple_of3A_440 = tpu.assume_multiple %mul3A_439, 128 : i32
        %dma_wait3A_441 = tpu.memref_slice %arg5[%multiple_of3A_437, %multiple_of3A_440] : memref<65536x512xf32, #tpu.memory_space<hbm>> -> memref<64x128xf32, #tpu.memory_space<hbm>>
        %dma_wait3A_442 = tpu.memref_slice %arg5[%multiple_of3A_437, %multiple_of3A_440] : memref<65536x512xf32, #tpu.memory_space<hbm>> -> memref<64x128xf32, #tpu.memory_space<hbm>>
        tpu.wait_dma2 semaphore(%arg17 : memref<!tpu.dma_semaphore, #tpu.memory_space<semaphore_mem>>) src(%arg12 : memref<64x128xf32, #tpu.memory_space<vmem>>) dst(%dma_wait3A_442 : memref<64x128xf32, #tpu.memory_space<hbm>>)
      } else {
      }
      %parallel_loop3A_309 = arith.constant 0 : i32
      %parallel_loop3A_310 = arith.constant 64 : i32
      %parallel_loop3A_311 = arith.constant 1 : i32
      scf.for %parallel_loop3A_380 = %parallel_loop3A_309 to %parallel_loop3A_310 step %parallel_loop3A_311  : i32 {
        %parallel_loop3A_381 = arith.constant 16 : i32
        %parallel_loop3A_382 = arith.muli %parallel_loop3A_380, %parallel_loop3A_381 : i32
        %parallel_loop3A_383 = arith.index_cast %parallel_loop3A_382 : i32 to index
        %parallel_loop3A_384 = tpu.vector_load %arg13[%parallel_loop3A_383] {strides = array<i32>} : memref<1024xi32, #tpu.memory_space<vmem>>, vector<16xi32>,
        %parallel_loop3A_385 = tpu.vector_load_idx %arg9[%add3A_5, %parallel_loop3A_384] : memref<128x128xf32, #tpu.memory_space<vmem>>[vector<16xi32>, vector<16xi32>], vector<16xf32>,
        %parallel_loop3A_386 = arith.index_cast %select_n3A_303 : i32 to index
        %parallel_loop3A_387 = arith.index_cast %parallel_loop3A_380 : i32 to index
        %parallel_loop3A_388 = arith.constant 0 : index
        %parallel_loop3A_389 = tpu.vector_load %arg10[%parallel_loop3A_386, %parallel_loop3A_387, %parallel_loop3A_388] {strides = array<i32>} : memref<4x64x128xf32, #tpu.memory_space<vmem>>, vector<16xf32>,
        %parallel_loop3A_390 = arith.addf %parallel_loop3A_385, %parallel_loop3A_389 : vector<16xf32>
        %parallel_loop3A_391 = arith.index_cast %parallel_loop3A_380 : i32 to index
        %parallel_loop3A_392 = arith.constant 0 : index
        %parallel_loop3A_393 = tpu.vector_load %arg12[%parallel_loop3A_391, %parallel_loop3A_392] {strides = array<i32>} : memref<64x128xf32, #tpu.memory_space<vmem>>, vector<16xf32>,
        tpu.vector_store %arg12[%parallel_loop3A_391, %parallel_loop3A_392], %parallel_loop3A_390 {strides = array<i32>} : memref<64x128xf32, #tpu.memory_space<vmem>>, vector<16xf32>,
        %parallel_loop3A_394 = tpu.vector_load_idx %arg9[%add3A_8, %parallel_loop3A_384] : memref<128x128xf32, #tpu.memory_space<vmem>>[vector<16xi32>, vector<16xi32>], vector<16xf32>,
        %parallel_loop3A_395 = arith.index_cast %select_n3A_303 : i32 to index
        %parallel_loop3A_396 = arith.index_cast %parallel_loop3A_380 : i32 to index
        %parallel_loop3A_397 = arith.constant 16 : index
        %parallel_loop3A_398 = tpu.vector_load %arg10[%parallel_loop3A_395, %parallel_loop3A_396, %parallel_loop3A_397] {strides = array<i32>} : memref<4x64x128xf32, #tpu.memory_space<vmem>>, vector<16xf32>,
        %parallel_loop3A_399 = arith.addf %parallel_loop3A_394, %parallel_loop3A_398 : vector<16xf32>
        %parallel_loop3A_400 = arith.index_cast %parallel_loop3A_380 : i32 to index
        %parallel_loop3A_401 = arith.constant 16 : index
        %parallel_loop3A_402 = tpu.vector_load %arg12[%parallel_loop3A_400, %parallel_loop3A_401] {strides = array<i32>} : memref<64x128xf32, #tpu.memory_space<vmem>>, vector<16xf32>,
        tpu.vector_store %arg12[%parallel_loop3A_400, %parallel_loop3A_401], %parallel_loop3A_399 {strides = array<i32>} : memref<64x128xf32, #tpu.memory_space<vmem>>, vector<16xf32>,
        %parallel_loop3A_403 = tpu.vector_load_idx %arg9[%add3A_11, %parallel_loop3A_384] : memref<128x128xf32, #tpu.memory_space<vmem>>[vector<16xi32>, vector<16xi32>], vector<16xf32>,
        %parallel_loop3A_404 = arith.index_cast %select_n3A_303 : i32 to index
        %parallel_loop3A_405 = arith.index_cast %parallel_loop3A_380 : i32 to index
        %parallel_loop3A_406 = arith.constant 32 : index
        %parallel_loop3A_407 = tpu.vector_load %arg10[%parallel_loop3A_404, %parallel_loop3A_405, %parallel_loop3A_406] {strides = array<i32>} : memref<4x64x128xf32, #tpu.memory_space<vmem>>, vector<16xf32>,
        %parallel_loop3A_408 = arith.addf %parallel_loop3A_403, %parallel_loop3A_407 : vector<16xf32>
        %parallel_loop3A_409 = arith.index_cast %parallel_loop3A_380 : i32 to index
        %parallel_loop3A_410 = arith.constant 32 : index
        %parallel_loop3A_411 = tpu.vector_load %arg12[%parallel_loop3A_409, %parallel_loop3A_410] {strides = array<i32>} : memref<64x128xf32, #tpu.memory_space<vmem>>, vector<16xf32>,
        tpu.vector_store %arg12[%parallel_loop3A_409, %parallel_loop3A_410], %parallel_loop3A_408 {strides = array<i32>} : memref<64x128xf32, #tpu.memory_space<vmem>>, vector<16xf32>,
        %parallel_loop3A_412 = tpu.vector_load_idx %arg9[%add3A_14, %parallel_loop3A_384] : memref<128x128xf32, #tpu.memory_space<vmem>>[vector<16xi32>, vector<16xi32>], vector<16xf32>,
        %parallel_loop3A_413 = arith.index_cast %select_n3A_303 : i32 to index
        %parallel_loop3A_414 = arith.index_cast %parallel_loop3A_380 : i32 to index
        %parallel_loop3A_415 = arith.constant 48 : index
        %parallel_loop3A_416 = tpu.vector_load %arg10[%parallel_loop3A_413, %parallel_loop3A_414, %parallel_loop3A_415] {strides = array<i32>} : memref<4x64x128xf32, #tpu.memory_space<vmem>>, vector<16xf32>,
        %parallel_loop3A_417 = arith.addf %parallel_loop3A_412, %parallel_loop3A_416 : vector<16xf32>
        %parallel_loop3A_418 = arith.index_cast %parallel_loop3A_380 : i32 to index
        %parallel_loop3A_419 = arith.constant 48 : index
        %parallel_loop3A_420 = tpu.vector_load %arg12[%parallel_loop3A_418, %parallel_loop3A_419] {strides = array<i32>} : memref<64x128xf32, #tpu.memory_space<vmem>>, vector<16xf32>,
        tpu.vector_store %arg12[%parallel_loop3A_418, %parallel_loop3A_419], %parallel_loop3A_417 {strides = array<i32>} : memref<64x128xf32, #tpu.memory_space<vmem>>, vector<16xf32>,
        %parallel_loop3A_421 = tpu.vector_load_idx %arg9[%add3A_17, %parallel_loop3A_384] : memref<128x128xf32, #tpu.memory_space<vmem>>[vector<16xi32>, vector<16xi32>], vector<16xf32>,
        %parallel_loop3A_422 = arith.index_cast %select_n3A_303 : i32 to index
        %parallel_loop3A_423 = arith.index_cast %parallel_loop3A_380 : i32 to index
        %parallel_loop3A_424 = arith.constant 64 : index
        %parallel_loop3A_425 = tpu.vector_load %arg10[%parallel_loop3A_422, %parallel_loop3A_423, %parallel_loop3A_424] {strides = array<i32>} : memref<4x64x128xf32, #tpu.memory_space<vmem>>, vector<16xf32>,
        %parallel_loop3A_426 = arith.addf %parallel_loop3A_421, %parallel_loop3A_425 : vector<16xf32>
        %parallel_loop3A_427 = arith.index_cast %parallel_loop3A_380 : i32 to index
        %parallel_loop3A_428 = arith.constant 64 : index
        %parallel_loop3A_429 = tpu.vector_load %arg12[%parallel_loop3A_427, %parallel_loop3A_428] {strides = array<i32>} : memref<64x128xf32, #tpu.memory_space<vmem>>, vector<16xf32>,
        tpu.vector_store %arg12[%parallel_loop3A_427, %parallel_loop3A_428], %parallel_loop3A_426 {strides = array<i32>} : memref<64x128xf32, #tpu.memory_space<vmem>>, vector<16xf32>,
        %parallel_loop3A_430 = tpu.vector_load_idx %arg9[%add3A_20, %parallel_loop3A_384] : memref<128x128xf32, #tpu.memory_space<vmem>>[vector<16xi32>, vector<16xi32>], vector<16xf32>,
        %parallel_loop3A_431 = arith.index_cast %select_n3A_303 : i32 to index
        %parallel_loop3A_432 = arith.index_cast %parallel_loop3A_380 : i32 to index
        %parallel_loop3A_433 = arith.constant 80 : index
        %parallel_loop3A_434 = tpu.vector_load %arg10[%parallel_loop3A_431, %parallel_loop3A_432, %parallel_loop3A_433] {strides = array<i32>} : memref<4x64x128xf32, #tpu.memory_space<vmem>>, vector<16xf32>,
        %parallel_loop3A_435 = arith.addf %parallel_loop3A_430, %parallel_loop3A_434 : vector<16xf32>
        %parallel_loop3A_436 = arith.index_cast %parallel_loop3A_380 : i32 to index
        %parallel_loop3A_437 = arith.constant 80 : index
        %parallel_loop3A_438 = tpu.vector_load %arg12[%parallel_loop3A_436, %parallel_loop3A_437] {strides = array<i32>} : memref<64x128xf32, #tpu.memory_space<vmem>>, vector<16xf32>,
        tpu.vector_store %arg12[%parallel_loop3A_436, %parallel_loop3A_437], %parallel_loop3A_435 {strides = array<i32>} : memref<64x128xf32, #tpu.memory_space<vmem>>, vector<16xf32>,
        %parallel_loop3A_439 = tpu.vector_load_idx %arg9[%add3A_23, %parallel_loop3A_384] : memref<128x128xf32, #tpu.memory_space<vmem>>[vector<16xi32>, vector<16xi32>], vector<16xf32>,
        %parallel_loop3A_440 = arith.index_cast %select_n3A_303 : i32 to index
        %parallel_loop3A_441 = arith.index_cast %parallel_loop3A_380 : i32 to index
        %parallel_loop3A_442 = arith.constant 96 : index
        %parallel_loop3A_443 = tpu.vector_load %arg10[%parallel_loop3A_440, %parallel_loop3A_441, %parallel_loop3A_442] {strides = array<i32>} : memref<4x64x128xf32, #tpu.memory_space<vmem>>, vector<16xf32>,
        %parallel_loop3A_444 = arith.addf %parallel_loop3A_439, %parallel_loop3A_443 : vector<16xf32>
        %parallel_loop3A_445 = arith.index_cast %parallel_loop3A_380 : i32 to index
        %parallel_loop3A_446 = arith.constant 96 : index
        %parallel_loop3A_447 = tpu.vector_load %arg12[%parallel_loop3A_445, %parallel_loop3A_446] {strides = array<i32>} : memref<64x128xf32, #tpu.memory_space<vmem>>, vector<16xf32>,
        tpu.vector_store %arg12[%parallel_loop3A_445, %parallel_loop3A_446], %parallel_loop3A_444 {strides = array<i32>} : memref<64x128xf32, #tpu.memory_space<vmem>>, vector<16xf32>,
        %parallel_loop3A_448 = tpu.vector_load_idx %arg9[%add3A_26, %parallel_loop3A_384] : memref<128x128xf32, #tpu.memory_space<vmem>>[vector<16xi32>, vector<16xi32>], vector<16xf32>,
        %parallel_loop3A_449 = arith.index_cast %select_n3A_303 : i32 to index
        %parallel_loop3A_450 = arith.index_cast %parallel_loop3A_380 : i32 to index
        %parallel_loop3A_451 = arith.constant 112 : index
        %parallel_loop3A_452 = tpu.vector_load %arg10[%parallel_loop3A_449, %parallel_loop3A_450, %parallel_loop3A_451] {strides = array<i32>} : memref<4x64x128xf32, #tpu.memory_space<vmem>>, vector<16xf32>,
        %parallel_loop3A_453 = arith.addf %parallel_loop3A_448, %parallel_loop3A_452 : vector<16xf32>
        %parallel_loop3A_454 = arith.index_cast %parallel_loop3A_380 : i32 to index
        %parallel_loop3A_455 = arith.constant 112 : index
        %parallel_loop3A_456 = tpu.vector_load %arg12[%parallel_loop3A_454, %parallel_loop3A_455] {strides = array<i32>} : memref<64x128xf32, #tpu.memory_space<vmem>>, vector<16xf32>,
        tpu.vector_store %arg12[%parallel_loop3A_454, %parallel_loop3A_455], %parallel_loop3A_453 {strides = array<i32>} : memref<64x128xf32, #tpu.memory_space<vmem>>, vector<16xf32>,
      } {sc.loop_unroll_factor = 4 : i64, sc.parallel_access}
      %mul3A_312 = arith.constant 128 : i32
      %mul3A_313 = arith.muli %add3A_271, %mul3A_312 : i32
      %add3A_314 = arith.addi %mul3A_2, %mul3A_313 : i32
      %jit3A_315 = arith.constant 512 : i32
      %div3A_316 = arith.divsi %add3A_314, %jit3A_315 : i32
      %sign3A_317 = arith.constant 0 : i32
      %sign3A_318 = arith.cmpi sgt, %add3A_314, %sign3A_317 : i32
      %sign3A_319 = arith.extui %sign3A_318 : i1 to i32
      %sign3A_320 = arith.constant 0 : i32
      %sign3A_321 = arith.cmpi slt, %add3A_314, %sign3A_320 : i32
      %sign3A_322 = arith.extui %sign3A_321 : i1 to i32
      %sign3A_323 = arith.subi %sign3A_319, %sign3A_322 : i32
      %sign3A_324 = arith.constant 0 : i32
      %sign3A_325 = arith.cmpi sgt, %jit3A_315, %sign3A_324 : i32
      %sign3A_326 = arith.extui %sign3A_325 : i1 to i32
      %sign3A_327 = arith.constant 0 : i32
      %sign3A_328 = arith.cmpi slt, %jit3A_315, %sign3A_327 : i32
      %sign3A_329 = arith.extui %sign3A_328 : i1 to i32
      %sign3A_330 = arith.subi %sign3A_326, %sign3A_329 : i32
      %ne3A_331 = arith.cmpi ne, %sign3A_323, %sign3A_330 : i32
      %rem3A_332 = arith.remsi %add3A_314, %jit3A_315 : i32
      %ne3A_333 = arith.constant 0 : i32
      %ne3A_334 = arith.cmpi ne, %rem3A_332, %ne3A_333 : i32
      %and3A_335 = arith.andi %ne3A_331, %ne3A_334 : i1
      %sub3A_336 = arith.constant 1 : i32
      %sub3A_337 = arith.subi %div3A_316, %sub3A_336 : i32
      %select_n3A_338 = arith.select %and3A_335, %sub3A_337, %div3A_316 : i32
      %rem3A_339 = arith.constant 512 : i32
      %rem3A_340 = arith.remsi %add3A_314, %rem3A_339 : i32
      %jit3A_341 = arith.constant 128 : i32
      %div3A_342 = arith.divsi %rem3A_340, %jit3A_341 : i32
      %sign3A_343 = arith.constant 0 : i32
      %sign3A_344 = arith.cmpi sgt, %rem3A_340, %sign3A_343 : i32
      %sign3A_345 = arith.extui %sign3A_344 : i1 to i32
      %sign3A_346 = arith.constant 0 : i32
      %sign3A_347 = arith.cmpi slt, %rem3A_340, %sign3A_346 : i32
      %sign3A_348 = arith.extui %sign3A_347 : i1 to i32
      %sign3A_349 = arith.subi %sign3A_345, %sign3A_348 : i32
      %sign3A_350 = arith.constant 0 : i32
      %sign3A_351 = arith.cmpi sgt, %jit3A_341, %sign3A_350 : i32
      %sign3A_352 = arith.extui %sign3A_351 : i1 to i32
      %sign3A_353 = arith.constant 0 : i32
      %sign3A_354 = arith.cmpi slt, %jit3A_341, %sign3A_353 : i32
      %sign3A_355 = arith.extui %sign3A_354 : i1 to i32
      %sign3A_356 = arith.subi %sign3A_352, %sign3A_355 : i32
      %ne3A_357 = arith.cmpi ne, %sign3A_349, %sign3A_356 : i32
      %rem3A_358 = arith.remsi %rem3A_340, %jit3A_341 : i32
      %ne3A_359 = arith.constant 0 : i32
      %ne3A_360 = arith.cmpi ne, %rem3A_358, %ne3A_359 : i32
      %and3A_361 = arith.andi %ne3A_357, %ne3A_360 : i1
      %sub3A_362 = arith.constant 1 : i32
      %sub3A_363 = arith.subi %div3A_342, %sub3A_362 : i32
      %select_n3A_364 = arith.select %and3A_361, %sub3A_363, %div3A_342 : i32
      %mul3A_365 = arith.constant 64 : i32
      %mul3A_366 = arith.muli %select_n3A_338, %mul3A_365 : i32
      %multiple_of3A_367 = tpu.assume_multiple %mul3A_366, 64 : i32
      %mul3A_368 = arith.constant 128 : i32
      %mul3A_369 = arith.muli %select_n3A_364, %mul3A_368 : i32
      %multiple_of3A_370 = tpu.assume_multiple %mul3A_369, 128 : i32
      %dma_start3A_371 = tpu.memref_slice %arg5[%multiple_of3A_367, %multiple_of3A_370] : memref<65536x512xf32, #tpu.memory_space<hbm>> -> memref<64x128xf32, #tpu.memory_space<hbm>>
      %dma_start3A_372 = tpu.memref_slice %arg5[%multiple_of3A_367, %multiple_of3A_370] : memref<65536x512xf32, #tpu.memory_space<hbm>> -> memref<64x128xf32, #tpu.memory_space<hbm>>
      tpu.enqueue_dma source(%arg12 : memref<64x128xf32, #tpu.memory_space<vmem>>) target(%dma_start3A_372 : memref<64x128xf32, #tpu.memory_space<hbm>>) target_semaphore(%arg17 : memref<!tpu.dma_semaphore, #tpu.memory_space<semaphore_mem>>)
      %add3A_373 = arith.constant 2 : i32
      %add3A_374 = arith.addi %add3A_271, %add3A_373 : i32
      %lt3A_375 = arith.constant 128 : i32
      %lt3A_376 = arith.cmpi slt, %add3A_374, %lt3A_375 : i32
      %convert_element_type3A_377 = arith.extui %lt3A_376 : i1 to i32
      %cond3A_378 = arith.constant 0 : i32
      %cond3A_379 = arith.cmpi ne, %convert_element_type3A_377, %cond3A_378 : i32
      scf.if %cond3A_379 {
        %add3A_380 = arith.constant 2 : i32
        %add3A_381 = arith.addi %add3A_271, %add3A_380 : i32
        %mul3A_382 = arith.constant 128 : i32
        %mul3A_383 = arith.muli %add3A_381, %mul3A_382 : i32
        %add3A_384 = arith.addi %mul3A_2, %mul3A_383 : i32
        %multiple_of3A_385 = tpu.assume_multiple %add3A_384, 128 : i32
        "tpu.region"() ({
          %run_scoped3A_389 = tpu.sem_alloc : memref<!tpu.dma_semaphore, #tpu.memory_space<semaphore_mem>>
          %dma_start3A_390 = tpu.memref_slice %arg2[%multiple_of3A_385] : memref<524288xi32, #tpu.memory_space<hbm>> -> memref<128xi32, #tpu.memory_space<hbm>>
          %dma_start3A_391 = tpu.memref_slice %arg2[%multiple_of3A_385] : memref<524288xi32, #tpu.memory_space<hbm>> -> memref<128xi32, #tpu.memory_space<hbm>>
          tpu.enqueue_dma source(%dma_start3A_391 : memref<128xi32, #tpu.memory_space<hbm>>) target(%arg7 : memref<128xi32, #tpu.memory_space<vmem>>) target_semaphore(%run_scoped3A_389 : memref<!tpu.dma_semaphore, #tpu.memory_space<semaphore_mem>>)
          %dma_wait3A_392 = tpu.memref_slice %arg2[%multiple_of3A_385] : memref<524288xi32, #tpu.memory_space<hbm>> -> memref<128xi32, #tpu.memory_space<hbm>>
          %dma_wait3A_393 = tpu.memref_slice %arg2[%multiple_of3A_385] : memref<524288xi32, #tpu.memory_space<hbm>> -> memref<128xi32, #tpu.memory_space<hbm>>
          tpu.wait_dma2 semaphore(%run_scoped3A_389 : memref<!tpu.dma_semaphore, #tpu.memory_space<semaphore_mem>>) src(%dma_wait3A_393 : memref<128xi32, #tpu.memory_space<hbm>>) dst(%arg7 : memref<128xi32, #tpu.memory_space<vmem>>)
          tpu.yield
        }) : () -> ()
        %dma_start3A_386 = arith.constant 0 : i32
        %dma_start3A_387 = arith.constant 0 : i32
        %dma_start3A_388 = tpu.memref_slice %arg3[%dma_start3A_386, %dma_start3A_387] : memref<1000000x128xf32, #tpu.memory_space<hbm>> -> memref<1000000x128xf32, #tpu.memory_space<hbm>>
        tpu.enqueue_indirect_dma source(%dma_start3A_388 : memref<1000000x128xf32, #tpu.memory_space<hbm>>) target(%arg9 : memref<128x128xf32, #tpu.memory_space<vmem>>) offsets(%arg7 : memref<128xi32, #tpu.memory_space<vmem>>) semaphore(%arg15 : memref<!tpu.dma_semaphore, #tpu.memory_space<semaphore_mem>>)
      } else {
      }
    }
    %scan3A_48 = arith.constant 64 : i32
    %add3A_49 = arith.constant 16128 : i32
    %add3A_50 = arith.addi %mul3A_2, %add3A_49 : i32
    %jit3A = arith.constant 512 : i32
    %div3A = arith.divsi %add3A_50, %jit3A : i32
    %sign3A = arith.constant 0 : i32
    %sign3A_51 = arith.cmpi sgt, %add3A_50, %sign3A : i32
    %sign3A_52 = arith.extui %sign3A_51 : i1 to i32
    %sign3A_53 = arith.constant 0 : i32
    %sign3A_54 = arith.cmpi slt, %add3A_50, %sign3A_53 : i32
    %sign3A_55 = arith.extui %sign3A_54 : i1 to i32
    %sign3A_56 = arith.subi %sign3A_52, %sign3A_55 : i32
    %sign3A_57 = arith.constant 0 : i32
    %sign3A_58 = arith.cmpi sgt, %jit3A, %sign3A_57 : i32
    %sign3A_59 = arith.extui %sign3A_58 : i1 to i32
    %sign3A_60 = arith.constant 0 : i32
    %sign3A_61 = arith.cmpi slt, %jit3A, %sign3A_60 : i32
    %sign3A_62 = arith.extui %sign3A_61 : i1 to i32
    %sign3A_63 = arith.subi %sign3A_59, %sign3A_62 : i32
    %ne3A = arith.cmpi ne, %sign3A_56, %sign3A_63 : i32
    %rem3A = arith.remsi %add3A_50, %jit3A : i32
    %ne3A_64 = arith.constant 0 : i32
    %ne3A_65 = arith.cmpi ne, %rem3A, %ne3A_64 : i32
    %and3A = arith.andi %ne3A, %ne3A_65 : i1
    %sub3A = arith.constant 1 : i32
    %sub3A_66 = arith.subi %div3A, %sub3A : i32
    %select_n3A = arith.select %and3A, %sub3A_66, %div3A : i32
    %rem3A_67 = arith.constant 512 : i32
    %rem3A_68 = arith.remsi %add3A_50, %rem3A_67 : i32
    %jit3A_69 = arith.constant 128 : i32
    %div3A_70 = arith.divsi %rem3A_68, %jit3A_69 : i32
    %sign3A_71 = arith.constant 0 : i32
    %sign3A_72 = arith.cmpi sgt, %rem3A_68, %sign3A_71 : i32
    %sign3A_73 = arith.extui %sign3A_72 : i1 to i32
    %sign3A_74 = arith.constant 0 : i32
    %sign3A_75 = arith.cmpi slt, %rem3A_68, %sign3A_74 : i32
    %sign3A_76 = arith.extui %sign3A_75 : i1 to i32
    %sign3A_77 = arith.subi %sign3A_73, %sign3A_76 : i32
    %sign3A_78 = arith.constant 0 : i32
    %sign3A_79 = arith.cmpi sgt, %jit3A_69, %sign3A_78 : i32
    %sign3A_80 = arith.extui %sign3A_79 : i1 to i32
    %sign3A_81 = arith.constant 0 : i32
    %sign3A_82 = arith.cmpi slt, %jit3A_69, %sign3A_81 : i32
    %sign3A_83 = arith.extui %sign3A_82 : i1 to i32
    %sign3A_84 = arith.subi %sign3A_80, %sign3A_83 : i32
    %ne3A_85 = arith.cmpi ne, %sign3A_77, %sign3A_84 : i32
    %rem3A_86 = arith.remsi %rem3A_68, %jit3A_69 : i32
    %ne3A_87 = arith.constant 0 : i32
    %ne3A_88 = arith.cmpi ne, %rem3A_86, %ne3A_87 : i32
    %and3A_89 = arith.andi %ne3A_85, %ne3A_88 : i1
    %sub3A_90 = arith.constant 1 : i32
    %sub3A_91 = arith.subi %div3A_70, %sub3A_90 : i32
    %select_n3A_92 = arith.select %and3A_89, %sub3A_91, %div3A_70 : i32
    %mul3A_93 = arith.constant 64 : i32
    %mul3A_94 = arith.muli %select_n3A, %mul3A_93 : i32
    %multiple_of3A_95 = tpu.assume_multiple %mul3A_94, 64 : i32
    %mul3A_96 = arith.constant 128 : i32
    %mul3A_97 = arith.muli %select_n3A_92, %mul3A_96 : i32
    %multiple_of3A_98 = tpu.assume_multiple %mul3A_97, 128 : i32
    %dma_wait3A = tpu.memref_slice %arg5[%multiple_of3A_95, %multiple_of3A_98] : memref<65536x512xf32, #tpu.memory_space<hbm>> -> memref<64x128xf32, #tpu.memory_space<hbm>>
    %dma_wait3A_99 = tpu.memref_slice %arg5[%multiple_of3A_95, %multiple_of3A_98] : memref<65536x512xf32, #tpu.memory_space<hbm>> -> memref<64x128xf32, #tpu.memory_space<hbm>>
    tpu.wait_dma2 semaphore(%arg16 : memref<!tpu.dma_semaphore, #tpu.memory_space<semaphore_mem>>) src(%arg11 : memref<64x128xf32, #tpu.memory_space<vmem>>) dst(%dma_wait3A_99 : memref<64x128xf32, #tpu.memory_space<hbm>>)
    %add3A_100 = arith.constant 16256 : i32
    %add3A_101 = arith.addi %mul3A_2, %add3A_100 : i32
    %jit3A_102 = arith.constant 512 : i32
    %div3A_103 = arith.divsi %add3A_101, %jit3A_102 : i32
    %sign3A_104 = arith.constant 0 : i32
    %sign3A_105 = arith.cmpi sgt, %add3A_101, %sign3A_104 : i32
    %sign3A_106 = arith.extui %sign3A_105 : i1 to i32
    %sign3A_107 = arith.constant 0 : i32
    %sign3A_108 = arith.cmpi slt, %add3A_101, %sign3A_107 : i32
    %sign3A_109 = arith.extui %sign3A_108 : i1 to i32
    %sign3A_110 = arith.subi %sign3A_106, %sign3A_109 : i32
    %sign3A_111 = arith.constant 0 : i32
    %sign3A_112 = arith.cmpi sgt, %jit3A_102, %sign3A_111 : i32
    %sign3A_113 = arith.extui %sign3A_112 : i1 to i32
    %sign3A_114 = arith.constant 0 : i32
    %sign3A_115 = arith.cmpi slt, %jit3A_102, %sign3A_114 : i32
    %sign3A_116 = arith.extui %sign3A_115 : i1 to i32
    %sign3A_117 = arith.subi %sign3A_113, %sign3A_116 : i32
    %ne3A_118 = arith.cmpi ne, %sign3A_110, %sign3A_117 : i32
    %rem3A_119 = arith.remsi %add3A_101, %jit3A_102 : i32
    %ne3A_120 = arith.constant 0 : i32
    %ne3A_121 = arith.cmpi ne, %rem3A_119, %ne3A_120 : i32
    %and3A_122 = arith.andi %ne3A_118, %ne3A_121 : i1
    %sub3A_123 = arith.constant 1 : i32
    %sub3A_124 = arith.subi %div3A_103, %sub3A_123 : i32
    %select_n3A_125 = arith.select %and3A_122, %sub3A_124, %div3A_103 : i32
    %rem3A_126 = arith.constant 512 : i32
    %rem3A_127 = arith.remsi %add3A_101, %rem3A_126 : i32
    %jit3A_128 = arith.constant 128 : i32
    %div3A_129 = arith.divsi %rem3A_127, %jit3A_128 : i32
    %sign3A_130 = arith.constant 0 : i32
    %sign3A_131 = arith.cmpi sgt, %rem3A_127, %sign3A_130 : i32
    %sign3A_132 = arith.extui %sign3A_131 : i1 to i32
    %sign3A_133 = arith.constant 0 : i32
    %sign3A_134 = arith.cmpi slt, %rem3A_127, %sign3A_133 : i32
    %sign3A_135 = arith.extui %sign3A_134 : i1 to i32
    %sign3A_136 = arith.subi %sign3A_132, %sign3A_135 : i32
    %sign3A_137 = arith.constant 0 : i32
    %sign3A_138 = arith.cmpi sgt, %jit3A_128, %sign3A_137 : i32
    %sign3A_139 = arith.extui %sign3A_138 : i1 to i32
    %sign3A_140 = arith.constant 0 : i32
    %sign3A_141 = arith.cmpi slt, %jit3A_128, %sign3A_140 : i32
    %sign3A_142 = arith.extui %sign3A_141 : i1 to i32
    %sign3A_143 = arith.subi %sign3A_139, %sign3A_142 : i32
    %ne3A_144 = arith.cmpi ne, %sign3A_136, %sign3A_143 : i32
    %rem3A_145 = arith.remsi %rem3A_127, %jit3A_128 : i32
    %ne3A_146 = arith.constant 0 : i32
    %ne3A_147 = arith.cmpi ne, %rem3A_145, %ne3A_146 : i32
    %and3A_148 = arith.andi %ne3A_144, %ne3A_147 : i1
    %sub3A_149 = arith.constant 1 : i32
    %sub3A_150 = arith.subi %div3A_129, %sub3A_149 : i32
    %select_n3A_151 = arith.select %and3A_148, %sub3A_150, %div3A_129 : i32
    %mul3A_152 = arith.constant 64 : i32
    %mul3A_153 = arith.muli %select_n3A_125, %mul3A_152 : i32
    %multiple_of3A_154 = tpu.assume_multiple %mul3A_153, 64 : i32
    %mul3A_155 = arith.constant 128 : i32
    %mul3A_156 = arith.muli %select_n3A_151, %mul3A_155 : i32
    %multiple_of3A_157 = tpu.assume_multiple %mul3A_156, 128 : i32
    %dma_wait3A_158 = tpu.memref_slice %arg5[%multiple_of3A_154, %multiple_of3A_157] : memref<65536x512xf32, #tpu.memory_space<hbm>> -> memref<64x128xf32, #tpu.memory_space<hbm>>
    %dma_wait3A_159 = tpu.memref_slice %arg5[%multiple_of3A_154, %multiple_of3A_157] : memref<65536x512xf32, #tpu.memory_space<hbm>> -> memref<64x128xf32, #tpu.memory_space<hbm>>
    tpu.wait_dma2 semaphore(%arg17 : memref<!tpu.dma_semaphore, #tpu.memory_space<semaphore_mem>>) src(%arg12 : memref<64x128xf32, #tpu.memory_space<vmem>>) dst(%dma_wait3A_159 : memref<64x128xf32, #tpu.memory_space<hbm>>)
    return
  }
}

</mosaic_0001>

<sc_bundles>
// kernel: kernel.4.cloned.1.call-start
scs
__scs_entry_jumppad:
0x0: {  	(pc) =	sbr.rel $0x88, $3  }
0x1: {  	(tag) =	ssettag $0x0;
	lr =	simm.s32 $0x1  }
0x2: {  	[smem:$0x3F9E] =	sst lr;
	_ =	strace $0xD0000000  }
0x3: {  	_ = 	snop  }
0x4: {  	_ = 	snop  }
0x5: {  	_ = 	snop  }
0x6: {  	_ = 	snop  }
0x7: {  	_ = 	snop  }
__scs_overlays_trampoline_lowered:
0x8: {  	[smem:$0x3FAD] =	sst s0  }
0x9: {  	[smem:$0x3FAE] =	sst s1  }
0xa: {  	[smem:$0x3FAF] =	sst s2  }
0xb: {  	[smem:$0x3FB0] =	sst s3  }
0xc: {  	[smem:$0x3FB1] =	sst s4  }
0xd: {  	[smem:$0x3FB2] =	sst s5  }
0xe: {  	[smem:$0x3FB3] =	sst s6  }
0xf: {  	[smem:$0x3FB4] =	sst s7  }
0x10: {  	[smem:$0x3FB5] =	sst s8  }
0x11: {  	[smem:$0x3FB6] =	sst s9;
	s0 =	simm.s32 @!p0 $0x0  }
0x12: {  	s1 =	sld [smem:$0x3F9C];
	s0 =	simm.s32 @p0 $0x1  }
0x13: {  	[smem:$0x3FB7] =	sst s0;
	s0 =	simm.s32 @!p1 $0x0  }
0x14: {  	s2 =	sld [smem:$0x3F9B];
	s0 =	simm.s32 @p1 $0x1  }
0x15: {  	[smem:$0x3FB8] =	sst s0;
	s0 =	simm.s32 @!p2 $0x0  }
0x16: {  	s3 =	sld [smem:$0x3FDB];
	s0 =	simm.s32 @p2 $0x1  }
0x17: {  	s4 =	simm.s32 $0x1BF5;
	[smem:$0x3FBA] =	sst s0  }
0x18: {  	s0 =	sld [smem:$0x3F9D];
	_ =	swait.ge [sflag:s4], $0x0  }
0x19: {  	s7 =	sld [smem:$0x3F9E]  }
0x1a: {  	s8 =	sadd.s32 $0xFFFFE003, lr  }
0x1b: {  	s9 =	sadd.s32 $0xFFFFFEF7, lr;
	s5 =	simm.s32 $0xFFFFFFFF;
	p2 =	slt.u32 s8, $0xFFFFF086  }
0x1c: {  	p1 =	slt.u32 s9, $0xF7A;
	s5 =	simm.s32 @!p2 $0x0  }
0x1d: {  	s5 =	simm.s32 @p1 $0x1;
	p0 =	seq.s32 s7, s2  }
0x1e: {  	s7 =	smul.u32 @!p0 $0xF7A, s2;
	p2 =	seq.s32 @!p0 s5, $0x0  }
0x1f: {  	s9 =	smul.u32 $0xF7A, s1;
	s8 =	simm.s32 @!p0 $0x1BF5;
	p2 =	por !p2, p0  }
0x20: {  	[sflag:s8] =	ssyncset.s32 @!p0 $0xFFFFF086;
	s6 =	sadd.s32 @!p0 s3, s7;
	s7 =	simm.s32 @!p0 $0x108  }
0x21: {  	s3 =	sadd.s32 s3, s9;
	s6 =	sadd.s32 @!p0 $0x88, s6;
	s7 =	simm.s32 @p2 $0x1082  }
0x22: {  	[simem:s7], [sflag:s8] =	dma.local @!p0 [hbm:s6], $0xF7A  }
0x23: {  	s9 =	sor.u32 $0xD0000000, s2;
	s6 =	simm.s32 $0x108;
	_ =	swait.ge @!p0 [sflag:s8], $0x0  }
0x24: {  	s3 =	sadd.s32 $0x88, s3;
	s6 =	simm.s32 @!p1 $0x1082;
	[sflag:s4] =	ssyncset.s32 $0xFFFFF086  }
0x25: {  	[simem:s6], [sflag:s4] =	dma.local [hbm:s3], $0xF7A  }
0x26: {  	[smem:$0x3F9E] =	sst s1;
	(tag) =	ssettag s2;
	_ =	strace s9  }
0x27: {  	s1 =	sld [smem:$0x3FAE]  }
0x28: {  	s2 =	sld [smem:$0x3FAF]  }
0x29: {  	s4 =	sld [smem:$0x3FB1]  }
0x2a: {  	p0 =	seq.s32 s5, $0x0;
	s5 =	sld [smem:$0x3FB2]  }
0x2b: {  	s6 =	sld [smem:$0x3FB3]  }
0x2c: {  	s7 =	sld [smem:$0x3FB4]  }
0x2d: {  	s3 =	simm.s32 $0x108;
	s8 =	sld [smem:$0x3FB5]  }
0x2e: {  	s3 =	simm.s32 @!p0 $0x1082;
	s9 =	sld [smem:$0x3FB6]  }
0x2f: {  	lr =	sadd.s32 s0, s3;
	s0 =	sld [smem:$0x3FAD]  }
0x30: {  	s3 =	sld [smem:$0x3FB0]  }
0x31: {  	[smem:$0x3FB9] =	sst s10  }
0x32: {  	s10 =	sld [smem:$0x3FB7];
	_ =	sdelay $0x3  }
0x33: {  	p0 =	seq.s32 s10, $0x1;
	s10 =	sld [smem:$0x3FB9];
	_ =	sdelay $0x3  }
0x34: {  	[smem:$0x3FB9] =	sst s10  }
0x35: {  	s10 =	sld [smem:$0x3FB8];
	_ =	sdelay $0x3  }
0x36: {  	p1 =	seq.s32 s10, $0x1;
	s10 =	sld [smem:$0x3FB9];
	_ =	sdelay $0x3  }
0x37: {  	[smem:$0x3FB9] =	sst s10  }
0x38: {  	s10 =	sld [smem:$0x3FBA]  }
0x39: {  	_ = 	snop;
	(pc) =	sbr.ind lr, $3  }
0x3a: {  	_ = 	snop  }
0x3b: {  	_ = 	snop  }
0x3c: {  	p2 =	seq.s32 s10, $0x1;
	s10 =	sld [smem:$0x3FB9]  }
0x3d: {  	_ =	shalt  }
0x3e: {  	_ =	shalt  }
0x3f: {  	_ =	shalt  }
0x40: {  	_ =	shalt  }
0x41: {  	_ =	shalt  }
0x42: {  	_ =	shalt  }
0x43: {  	_ =	shalt  }
0x44: {  	_ =	shalt  }
0x45: {  	_ =	shalt  }
0x46: {  	_ =	shalt  }
0x47: {  	_ =	shalt  }
0x48: {  	_ =	shalt  }
0x49: {  	_ =	shalt  }
0x4a: {  	_ =	shalt  }
0x4b: {  	_ =	shalt  }
0x4c: {  	_ =	shalt  }
0x4d: {  	_ =	shalt  }
0x4e: {  	_ =	shalt  }
0x4f: {  	_ =	shalt  }
0x50: {  	_ =	shalt  }
0x51: {  	_ =	shalt  }
0x52: {  	_ =	shalt  }
0x53: {  	_ =	shalt  }
0x54: {  	_ =	shalt  }
0x55: {  	_ =	shalt  }
0x56: {  	_ =	shalt  }
0x57: {  	_ =	shalt  }
0x58: {  	_ =	shalt  }
0x59: {  	_ =	shalt  }
0x5a: {  	_ =	shalt  }
0x5b: {  	_ =	shalt  }
0x5c: {  	_ =	shalt  }
0x5d: {  	_ =	shalt  }
0x5e: {  	_ =	shalt  }
0x5f: {  	_ =	shalt  }
0x60: {  	_ =	shalt  }
0x61: {  	_ =	shalt  }
0x62: {  	_ =	shalt  }
0x63: {  	_ =	shalt  }
0x64: {  	_ =	shalt  }
0x65: {  	_ =	shalt  }
0x66: {  	_ =	shalt  }
0x67: {  	_ =	shalt  }
0x68: {  	_ =	shalt  }
0x69: {  	_ =	shalt  }
0x6a: {  	_ =	shalt  }
0x6b: {  	_ =	shalt  }
0x6c: {  	_ =	shalt  }
0x6d: {  	_ =	shalt  }
0x6e: {  	_ =	shalt  }
0x6f: {  	_ =	shalt  }
0x70: {  	_ =	shalt  }
0x71: {  	_ =	shalt  }
0x72: {  	_ =	shalt  }
0x73: {  	_ =	shalt  }
0x74: {  	_ =	shalt  }
0x75: {  	_ =	shalt  }
0x76: {  	_ =	shalt  }
0x77: {  	_ =	shalt  }
0x78: {  	_ =	shalt  }
0x79: {  	_ =	shalt  }
0x7a: {  	_ =	shalt  }
0x7b: {  	_ =	shalt  }
0x7c: {  	_ =	shalt  }
0x7d: {  	_ =	shalt  }
0x7e: {  	_ =	shalt  }
0x7f: {  	_ =	shalt  }
0x80: {  	_ =	shalt  }
0x81: {  	_ =	shalt  }
0x82: {  	_ =	shalt  }
0x83: {  	_ =	shalt  }
0x84: {  	_ =	shalt  }
0x85: {  	_ =	shalt  }
0x86: {  	_ =	shalt  }
0x87: {  	_ =	shalt  }
.Lfunc_end0:
.L_simem_size_0:
called_computation_lowered:
.L_overlay_start_0:
0x88: {  	s2 =	sld [smem:$0x3FD9]  }
0x89: {  	s3 =	sld [smem:$0x3FFE];
	_ =	sdelay $0x1  }
0x8a: {  	s1 =	srdreg.scid  }
0x8b: {  	s0 =	sand.u32 $0x1, s1  }
0x8c: {  	s17 =	sshll.u32 s0, $0xA;
	s2 =	sadd.s32 s3, s2  }
0x8d: {  	s2 =	sadd.s32 s2, s17  }
0x8e: {  	[smem:$0x3FC5] =	sst s2  }
0x8f: {  	_ = 	snop  }
0x90: {  	s2 =	sld [smem:$0x3FC8]  }
0x91: {  	s18 =	sld [smem:$0x3FD0];
	(tm) =	ssettm $0x1  }
0x92: {  	s4 =	sld [smem:$0x3FFB];
	_ =	sdelay $0x3  }
0x93: {  	_ =	strace s4  }
0x94: {  	s4 =	sld [smem:$0x3FFC];
	_ =	sdelay $0x3  }
0x95: {  	_ =	strace s4  }
0x96: {  	s4 =	sld [smem:$0x3FFD];
	_ =	sdelay $0x3  }
0x97: {  	_ =	strace s4  }
0x98: {  	_ =	strace $0x8FFFFFFF  }
0x99: {  	s19 =	sld [smem:$0x3FDB];
	_ =	sdelay $0x1  }
0x9a: {  	s5 =	simm.s32 $_scs_section_size  }
0x9b: {  	s6 =	simm.s32 $_size__tile_overlayer_lowered;
	s7 =	simm.s32 $_tile_overlayer_lowered  }
0x9c: {  	s22 =	simm.s32 $0x1BFF;
	s21 =	sshll.u32 s7, $0x1;
	s4 =	sadd.s32 s5, s19  }
0x9d: {  	s8 =	simm.s32 $0x0;
	s20 =	sshll.u32 s6, $0x1;
	s6 =	sadd.s32 s21, s4  }
0x9e: {  	[timem:s8], [sflag:s22] =	dma.local [hbm:s6], s20  }
0x9f: {  	_ =	swait.ge [sflag:s22], s20  }
0xa0: {  	s5 =	ssub.s32 $0x0, s20;
	[sflag:s22] =	ssyncset.done $0x0  }
0xa1: {  	[sflag:s22] =	ssyncadd.s32 s5;
	_ =	sdelay $0x1  }
0xa2: {  	s23 =	simm.s32 $0x1B8B  }
0xa3: {  	_ =	swait.ge [sflag:s23], $0x1  }
0xa4: {  	[sflag:s23] =	ssyncset.done $0x0  }
0xa5: {  	s25 =	simm.s32 $0x1B8E;
	s24 =	sld [smem:$0x3FFE];
	[sflag:s23] =	ssyncadd.s32 $0xFFFFFFFF  }
0xa6: {  	s26 =	simm.s32 $execute0_lowered;
	[smem:$0x3FD2] =	sst s25  }
0xa7: {  	s6 =	sshll.u32 s26, $0x1;
	_ =	strace $0x80000046;
	[dreg:$0x1] =	wrdreg $0xFFFFFFFF  }
0xa8: {  	s28 =	simm.s32 $_size_execute0_lowered;
	s4 =	sadd.s32 s4, s6;
	[dreg:$0x0] =	wrdreg $0x0  }
0xa9: {  	s6 =	sshll.u32 s28, $0x1;
	[dreg:$0x2] =	wrdreg s4  }
0xaa: {  	[dreg:$0x3] =	wrdreg s6  }
0xab: {  	[dreg:$0x4] =	wrdreg $0xC0  }
0xac: {  	_ =	task [dreg:s8], $0x5FFFF  }
0xad: {  	[dreg:$0x1] =	wrdreg $0xFFFFFFFF  }
0xae: {  	[dreg:$0x0] =	wrdreg $0x60  }
0xaf: {  	[dreg:$0x2] =	wrdreg s2  }
0xb0: {  	[dreg:$0x3] =	wrdreg s18  }
0xb1: {  	[dreg:$0x4] =	wrdreg s24  }
0xb2: {  	[dreg:$0x5] =	wrdreg $0x9  }
0xb3: {  	_ =	task.clear_ibuf [dreg:s8], $0x6FFFF;
	_ =	strace $0x90000046  }
0xb4: {  	s29 =	simm.s32 $0x9;
	_ =	strace $0x80000048  }
0xb5: {  	_ =	swait.ge [sflag:s29], $0x1  }
0xb6: {  	[sflag:s29] =	ssyncadd.s32 $0xFFFFFFFF  }
0xb7: {  	_ =	strace $0x90000048  }
0xb8: {  	_ =	sfence  }
0xb9: {  	s30 =	sld [smem:$0x0];
	_ =	sdelay $0x2  }
0xba: {  	s31 =	sshll.u32 s1, $0xD;
	s1 =	sshrl.u32 s1, $0x2  }
0xbb: {  	s3 =	sand.u32 $0x4000, s31;
	s1 =	sadd.s32 s1, s30  }
0xbc: {  	s0 =	sor.u32 s3, s0;
	s1 =	sshll.u32 s1, $0x11  }
0xbd: {  	s0 =	sor.u32 s1, s0  }
0xbe: {  	s0 =	sadd.s32 $0x8F2B, s0  }
0xbf: {  	[sflag:s0] =	ssyncadd.remote.s32 $0x1  }
0xc0: {  	_ =	sfence.sel $0xFFFF  }
0xc1: {  	[dreg:$0x0] =	wrdreg $0xFFFFFFFF;
	(pc) =	sbr.abs _section_cstart, $3  }
0xc2: {  	[dreg:$0x1] =	wrdreg $0xFFFFFFFF  }
0xc3: {  	_ =	task.clear_ibuf [dreg:s8], $0x2FFFF;
	_ =	strace $0x9FFFFFFF  }
0xc4: {  	(tm) =	ssettm $0x7FFFFFFF  }
0xc5: {  	_ =	shalt  }
tec
execute0_lowered:
.L_overlay_start_1:
0x0: {  	(tag) =	ssettag $0x1  }
0x1: {  	s1 =	rddreg [dreg:$0x0]  }
0x2: {  	s3 =	rddreg [dreg:$0x1]  }
0x3: {  	s0 =	rddreg [dreg:$0x2]  }
0x4: {  	s5 =	srdreg.scid;
	s2 =	stileid.u32;
	s4 =	simm.s32 $0x0  }
0x5: {  	s13 =	simm.s32 $0x400;
	s14 =	simm.s32 $0x7A1400;
	s15 =	simm.s32 $0x2000  }
0x6: {  	s16 =	simm.s32 $0x1;
	s17 =	simm.s32 $0x4000;
	s18 =	simm.s32 $0x2  }
0x7: {  	s19 =	simm.s32 $0x8000;
	s20 =	simm.s32 $0x3;
	s21 =	simm.s32 $0x4  }
0x8: {  	s22 =	simm.s32 $0xC000;
	s23 =	simm.s32 $0x5;
	s24 =	simm.s32 $0x0  }
0x9: {  	s5 =	sand.u32 $0x1, s5;
	s6 =	sshll.u32 s2, $0x1;
	[smem:$0x7FF] =	sst s4  }
.Ltmp0:
0xa: {  	s11 =	sadd.s32 $0xF42A00, s0;
	s7 =	ssub.s32 $0x2, s5;
	(pc) =	sbr.rel .LBB2_1-.Ltmp0, $4  }
0xb: {  	v0 =	vlaneseq.u32;
	s5 =	sor.u32 s5, s6;
	_ =	strace $0x80000047;
	s6 =	sadd.s32 $0xA00, s0  }
0xc: {  	v0 =	vmul.u32 $0x80, v0;
	s8 =	sshrl.u32 s7, $0x1;
	s9 =	sshll.u32 s5, $0x7;
	s10 =	sor.u32 $0x60, s5  }
0xd: {  	p0 =	sne.s32 s5, $0x0;
	s12 =	ssub.s32 s7, s8;
	s7 =	sadd.s32 s1, s9  }
0xe: {  	v1 =	vor.u32 $0x800, v0;
	v2 =	vor.u32 $0x1000, v0;
	v3 =	vor.u32 $0x1800, v0;
	s9 =	sor.u32 $0x40, s5;
	s8 =	sadd.s32 $0x1000, s7;
	s12 =	smax.u32 s12, $0x1  }
.LBB2_13:
0xf: {  	_ =	swait.ge [sflag:s20], $0x4000  }
.Ltmp1:
0x10: {  	[sflag:s20] =	ssyncset.done $0x0;
	(pc) =	sbr.rel @!p0 .LBB2_14-.Ltmp1, $4  }
0x11: {  	[sflag:s20] =	ssyncadd.s32 $0xFFFFC000  }
0x12: {  	_ =	swait.ge [sflag:s21], $0x4000  }
0x13: {  	[sflag:s21] =	ssyncset.done $0x0  }
0x14: {  	[sflag:s21] =	ssyncadd.s32 $0xFFFFC000  }
.LBB2_15:
0x15: {  	s24 =	sadd.s32 $0x1, s24  }
0x16: {  	p1 =	sne.s32 s24, s12  }
.Ltmp2:
0x17: {  	_ = 	snop;
	(pc) =	sbr.rel @!p1 .LBB2_16-.Ltmp2, $1  }
0x18: {  	_ =	sdelay $0x3  }
.LBB2_1:
0x19: {  	s25 =	simm.s32 $0x3  }
0x1a: {  	s0 =	simm.s32 $0xD020;
	s26 =	simm.s32 $0x1;
	v4 =	vmov s25  }
0x1b: {  	s31 =	simm.s32 $0x2;
	v5 =	vmov s26;
	[tilespmem:s0+$0x10] =	vst v4  }
0x1c: {  	[tilespmem:s0+$0xFFFFFFF0] =	vst v5;
	v4 =	vmov s31  }
0x1d: {  	v5 =	vmov s4;
	[tilespmem:s0+$0x0] =	vst v4  }
0x1e: {  	s25 =	simm.s32 $0x4;
	[tilespmem:s0+$0xFFFFFFE0] =	vst v5  }
.LBB2_2:
0x1f: {  	s26 =	sadd.s32 $0x3, s25  }
0x20: {  	p1 =	slt.u32 s25, $0x7C;
	s28 =	smov.u32 s25;
	s25 =	sadd.s32 $0x4, s25  }
.Ltmp3:
0x21: {  	s0 =	sadd.s32 $0x40, s0;
	s29 =	sadd.s32 $0x1, s28;
	v4 =	vmov s26;
	(pc) =	sbr.rel @p1 .LBB2_2-.Ltmp3, $4  }
0x22: {  	s26 =	sadd.s32 $0x2, s28;
	v5 =	vmov s29;
	[tilespmem:s0+$0x10] =	vst v4  }
0x23: {  	v4 =	vmov s26;
	[tilespmem:s0+$0xFFFFFFF0] =	vst v5  }
0x24: {  	v5 =	vmov s28;
	[tilespmem:s0+$0x0] =	vst v4  }
0x25: {  	[tilespmem:s0+$0xFFFFFFE0] =	vst v5  }
.Ltmp4:
0x26: {  	(pc) =	sbr.rel .LBB2_4-.Ltmp4, $4  }
0x27: {  	s25 =	simm.s32 $0x0  }
0x28: {  	[tilespmem:s25], [sflag:$0x1] =	stream.strided.gather [hbm4b:s7+s13], $0x2000, s14, s13, $0x38;
	[tilespmem:$0xD800] =	vst v63  }
0x29: {  	_ = 	snop  }
0x2a: {  	[tilespmem:s15], [sflag:$0x2] =	stream.strided.gather [hbm4b:s8+s13], $0x2000, s14, s13, $0x38;
	[tilespmem:$0xD800] =	vst v63  }
.LBB2_12:
0x2b: {  	s25 =	sadd.s32 $0x1, s25  }
0x2c: {  	p1 =	sne.s32 s25, $0x7B  }
.Ltmp5:
0x2d: {  	_ = 	snop;
	(pc) =	sbr.rel @!p1 .LBB2_13-.Ltmp5, $1  }
0x2e: {  	_ =	sdelay $0x3  }
.LBB2_4:
0x2f: {  	s26 =	sshll.u32 s25, $0x6  }
0x30: {  	s28 =	sor.u32 s5, s26  }
0x31: {  	p1 =	sgt.u32 s28, $0x1E83  }
.Ltmp6:
0x32: {  	_ = 	snop;
	(pc) =	sbr.rel @p1 .LBB2_8-.Ltmp6, $1  }
0x33: {  	_ =	sdelay $0x3  }
0x34: {  	_ =	swait.ge [sflag:s16], $0x2000  }
0x35: {  	[sflag:s16] =	ssyncset.done $0x0  }
0x36: {  	s0 =	simm.s32 $0xD040;
	[sflag:s16] =	ssyncadd.s32 $0xFFFFE000  }
0x37: {  	v4 =	vld [tilespmem:s0+$0x30]  }
0x38: {  	v5 =	vld [tilespmem:s0+$0xFFFFFFD0]  }
0x39: {  	v6 =	vld [tilespmem:s0+$0xFFFFFFE0]  }
0x3a: {  	v7 =	vld [tilespmem:s0+$0xFFFFFFF0]  }
0x3b: {  	v8 =	vld [tilespmem:s0+$0x0]  }
0x3c: {  	v9 =	vld [tilespmem:s0+$0x10]  }
0x3d: {  	v12 =	vld [tilespmem:s0+$0x20]  }
0x3e: {  	v14 =	vld [tilespmem:s0+$0xFFFFFFC0];
	s0 =	simm.s32 $0xD0C0  }
0x3f: {  	v43 =	vld [tilespmem:s0+$0xFFFFFFE0];
	v10 =	vadd.s32 v0, v4  }
0x40: {  	v44 =	vld [tilespmem:s0+$0xFFFFFFF0];
	v11 =	vadd.s32 v0, v5  }
0x41: {  	v45 =	vld [tilespmem:s0+$0x0];
	v13 =	vadd.s32 v0, v6  }
0x42: {  	v46 =	vld [tilespmem:s0+$0x10];
	v15 =	vadd.s32 v0, v7  }
0x43: {  	v49 =	vld [tilespmem:s0+$0x20];
	v16 =	vadd.s32 v0, v8  }
0x44: {  	v17 =	vadd.s32 v0, v9;
	v10 =	vld.idx.msk [tilespmem:v10+s4+$0x0], $0xffff  }
0x45: {  	v18 =	vadd.s32 v0, v12;
	v11 =	vld.idx.msk [tilespmem:v11+s4+$0x0], $0xffff  }
0x46: {  	v20 =	vadd.s32 v0, v14;
	v13 =	vld.idx.msk [tilespmem:v13+s4+$0x0], $0xffff  }
0x47: {  	v19 =	vadd.s32 v1, v4;
	v15 =	vld.idx.msk [tilespmem:v15+s4+$0x0], $0xffff  }
0x48: {  	v21 =	vadd.s32 v1, v5;
	v16 =	vld.idx.msk [tilespmem:v16+s4+$0x0], $0xffff  }
0x49: {  	s29 =	simm.s32 $0x4200;
	v22 =	vadd.s32 v1, v6;
	v17 =	vld.idx.msk [tilespmem:v17+s4+$0x0], $0xffff  }
0x4a: {  	v23 =	vadd.s32 v1, v7;
	v18 =	vld.idx.msk [tilespmem:v18+s4+$0x0], $0xffff;
	[tilespmem:s29+$0x180] =	vst v10  }
0x4b: {  	v24 =	vadd.s32 v1, v9;
	[tilespmem:s29+$0xFFFFFE80] =	vst v11;
	v11 =	vld.idx.msk [tilespmem:v20+s4+$0x0], $0xffff  }
0x4c: {  	v10 =	vadd.s32 v1, v8;
	[tilespmem:s29+$0xFFFFFF00] =	vst v13;
	v19 =	vld.idx.msk [tilespmem:v19+s4+$0x0], $0xffff  }
0x4d: {  	v30 =	vadd.s32 v1, v14;
	[tilespmem:s29+$0xFFFFFF80] =	vst v15;
	v13 =	vld.idx.msk [tilespmem:v21+s4+$0x0], $0xffff  }
0x4e: {  	v31 =	vadd.s32 v1, v12;
	[tilespmem:s29+$0x0] =	vst v16;
	v15 =	vld.idx.msk [tilespmem:v22+s4+$0x0], $0xffff  }
0x4f: {  	v29 =	vadd.s32 v2, v4;
	[tilespmem:s29+$0x80] =	vst v17;
	v32 =	vld.idx.msk [tilespmem:v23+s4+$0x0], $0xffff  }
0x50: {  	v33 =	vadd.s32 v2, v5;
	[tilespmem:s29+$0x100] =	vst v18;
	v24 =	vld.idx.msk [tilespmem:v24+s4+$0x0], $0xffff  }
0x51: {  	v34 =	vadd.s32 v2, v6;
	v10 =	vld.idx.msk [tilespmem:v10+s4+$0x0], $0xffff;
	[tilespmem:s29+$0xFFFFFE00] =	vst v11  }
0x52: {  	v35 =	vadd.s32 v2, v7;
	[tilespmem:s29+$0x190] =	vst v19;
	v37 =	vld.idx.msk [tilespmem:v30+s4+$0x0], $0xffff  }
0x53: {  	v36 =	vadd.s32 v2, v8;
	[tilespmem:s29+$0xFFFFFE90] =	vst v13;
	v13 =	vld.idx.msk [tilespmem:v31+s4+$0x0], $0xffff  }
0x54: {  	v39 =	vadd.s32 v2, v9;
	[tilespmem:s29+$0xFFFFFF10] =	vst v15;
	v11 =	vld.idx.msk [tilespmem:v29+s4+$0x0], $0xffff  }
0x55: {  	v38 =	vadd.s32 v2, v14;
	[tilespmem:s29+$0xFFFFFF90] =	vst v32;
	v15 =	vld.idx.msk [tilespmem:v33+s4+$0x0], $0xffff  }
0x56: {  	v41 =	vadd.s32 v2, v12;
	[tilespmem:s29+$0x90] =	vst v24;
	v40 =	vld.idx.msk [tilespmem:v34+s4+$0x0], $0xffff  }
0x57: {  	v4 =	vadd.s32 v3, v4;
	[tilespmem:s29+$0x10] =	vst v10;
	v10 =	vld.idx.msk [tilespmem:v35+s4+$0x0], $0xffff  }
0x58: {  	v5 =	vadd.s32 v3, v5;
	v42 =	vld.idx.msk [tilespmem:v36+s4+$0x0], $0xffff;
	[tilespmem:s29+$0xFFFFFE10] =	vst v37  }
0x59: {  	v7 =	vadd.s32 v3, v7;
	[tilespmem:s29+$0x110] =	vst v13;
	v13 =	vld.idx.msk [tilespmem:v39+s4+$0x0], $0xffff  }
0x5a: {  	[tilespmem:s29+$0x1A0] =	vst v11;
	v11 =	vld.idx.msk [tilespmem:v38+s4+$0x0], $0xffff  }
0x5b: {  	[tilespmem:s29+$0xFFFFFEA0] =	vst v15;
	v15 =	vld.idx.msk [tilespmem:v41+s4+$0x0], $0xffff  }
0x5c: {  	v14 =	vadd.s32 v3, v14;
	v4 =	vld.idx.msk [tilespmem:v4+s4+$0x0], $0xffff  }
0x5d: {  	v5 =	vld.idx.msk [tilespmem:v5+s4+$0x0], $0xffff;
	[tilespmem:s29+$0xFFFFFFA0] =	vst v10  }
0x5e: {  	v9 =	vadd.s32 v3, v9;
	v7 =	vld.idx.msk [tilespmem:v7+s4+$0x0], $0xffff  }
0x5f: {  	v8 =	vadd.s32 v3, v8;
	[tilespmem:s29+$0xA0] =	vst v13;
	v13 =	vld [tilespmem:s0+$0xFFFFFFC0]  }
0x60: {  	v51 =	vadd.s32 v0, v45;
	[tilespmem:s29+$0xFFFFFE20] =	vst v11;
	v11 =	vld [tilespmem:s0+$0x30]  }
0x61: {  	v6 =	vadd.s32 v3, v6;
	v10 =	vld.idx.msk [tilespmem:v14+s4+$0x0], $0xffff  }
0x62: {  	[tilespmem:s29+$0x120] =	vst v15;
	v15 =	vadd.s32 v0, v44;
	v14 =	vld [tilespmem:s0+$0xFFFFFFD0]  }
0x63: {  	v12 =	vadd.s32 v3, v12;
	[tilespmem:s29+$0x20] =	vst v42;
	v9 =	vld.idx.msk [tilespmem:v9+s4+$0x0], $0xffff  }
0x64: {  	v50 =	vadd.s32 v0, v43;
	[tilespmem:s29+$0xFFFFFF20] =	vst v40;
	v8 =	vld.idx.msk [tilespmem:v8+s4+$0x0], $0xffff  }
0x65: {  	v54 =	vld.idx.msk [tilespmem:v51+s4+$0x0], $0xffff;
	[tilespmem:s29+$0xFFFFFEB0] =	vst v5;
	v5 =	vadd.s32 v0, v46  }
0x66: {  	v6 =	vld.idx.msk [tilespmem:v6+s4+$0x0], $0xffff;
	[tilespmem:s29+$0x1B0] =	vst v4;
	v47 =	vadd.s32 v0, v11  }
0x67: {  	[tilespmem:s29+$0xFFFFFFB0] =	vst v7;
	v15 =	vld.idx.msk [tilespmem:v15+s4+$0x0], $0xffff;
	v48 =	vadd.s32 v0, v14  }
0x68: {  	v4 =	vld.idx.msk [tilespmem:v12+s4+$0x0], $0xffff;
	[tilespmem:s29+$0xB0] =	vst v9;
	v9 =	vadd.s32 v1, v44  }
0x69: {  	s30 =	simm.s32 $0x4600;
	v7 =	vld.idx.msk [tilespmem:v50+s4+$0x0], $0xffff;
	[tilespmem:s29+$0x30] =	vst v8;
	v8 =	vadd.s32 v0, v13  }
0x6a: {  	v55 =	vadd.s32 v1, v43;
	[tilespmem:s30+$0x0] =	vst v54;
	v5 =	vld.idx.msk [tilespmem:v5+s4+$0x0], $0xffff  }
0x6b: {  	v52 =	vadd.s32 v0, v49;
	[tilespmem:s29+$0xFFFFFF30] =	vst v6;
	v12 =	vld.idx.msk [tilespmem:v47+s4+$0x0], $0xffff  }
0x6c: {  	v56 =	vadd.s32 v1, v46;
	[tilespmem:s30+$0xFFFFFF80] =	vst v15;
	v6 =	vld.idx.msk [tilespmem:v48+s4+$0x0], $0xffff  }
0x6d: {  	v53 =	vadd.s32 v1, v11;
	[tilespmem:s29+$0xFFFFFE30] =	vst v10;
	v9 =	vld.idx.msk [tilespmem:v9+s4+$0x0], $0xffff  }
0x6e: {  	v10 =	vadd.s32 v1, v14;
	[tilespmem:s30+$0xFFFFFF00] =	vst v7;
	v8 =	vld.idx.msk [tilespmem:v8+s4+$0x0], $0xffff  }
0x6f: {  	v15 =	vadd.s32 v1, v13;
	v24 =	vld.idx.msk [tilespmem:v55+s4+$0x0], $0xffff;
	[tilespmem:s30+$0x80] =	vst v5  }
0x70: {  	v58 =	vadd.s32 v2, v43;
	v20 =	vld.idx.msk [tilespmem:v52+s4+$0x0], $0xffff;
	[tilespmem:s30+$0x180] =	vst v12  }
0x71: {  	v21 =	vld.idx.msk [tilespmem:v56+s4+$0x0], $0xffff;
	v12 =	vadd.s32 v1, v45;
	[tilespmem:s30+$0xFFFFFE80] =	vst v6  }
0x72: {  	v6 =	vld.idx.msk [tilespmem:v53+s4+$0x0], $0xffff;
	[tilespmem:s30+$0xFFFFFF90] =	vst v9;
	v9 =	vadd.s32 v2, v46  }
0x73: {  	[tilespmem:s30+$0xFFFFFE00] =	vst v8;
	v7 =	vld.idx.msk [tilespmem:v10+s4+$0x0], $0xffff;
	v10 =	vadd.s32 v2, v11  }
0x74: {  	v5 =	vadd.s32 v2, v14;
	[tilespmem:s30+$0xFFFFFF10] =	vst v24;
	v15 =	vld.idx.msk [tilespmem:v15+s4+$0x0], $0xffff  }
0x75: {  	v57 =	vadd.s32 v1, v49;
	[tilespmem:s30+$0x100] =	vst v20;
	v20 =	vld.idx.msk [tilespmem:v58+s4+$0x0], $0xffff  }
0x76: {  	v59 =	vadd.s32 v2, v13;
	[tilespmem:s30+$0x90] =	vst v21;
	v12 =	vld.idx.msk [tilespmem:v12+s4+$0x0], $0xffff  }
0x77: {  	[tilespmem:s30+$0x190] =	vst v6;
	v6 =	vadd.s32 v2, v44;
	v63 =	vld.idx.msk [tilespmem:v9+s4+$0x0], $0xffff  }
0x78: {  	v8 =	vld.idx.msk [tilespmem:v10+s4+$0x0], $0xffff;
	v10 =	vadd.s32 v2, v45;
	[tilespmem:s30+$0xFFFFFE90] =	vst v7  }
0x79: {  	v11 =	vadd.s32 v3, v11;
	v5 =	vld.idx.msk [tilespmem:v5+s4+$0x0], $0xffff  }
0x7a: {  	v14 =	vadd.s32 v3, v14;
	[tilespmem:s30+$0xFFFFFE10] =	vst v15;
	v7 =	vld.idx.msk [tilespmem:v57+s4+$0x0], $0xffff  }
0x7b: {  	v61 =	vld.idx.msk [tilespmem:v59+s4+$0x0], $0xffff;
	[tilespmem:s30+$0x10] =	vst v12;
	v12 =	vadd.s32 v2, v49  }
0x7c: {  	v13 =	vadd.s32 v3, v13;
	[tilespmem:s30+$0xFFFFFF20] =	vst v20;
	v6 =	vld.idx.msk [tilespmem:v6+s4+$0x0], $0xffff  }
0x7d: {  	v60 =	vld.idx.msk [tilespmem:v10+s4+$0x0], $0xffff;
	[tilespmem:s30+$0x1A0] =	vst v8;
	v8 =	vadd.s32 v3, v43  }
0x7e: {  	v15 =	vadd.s32 v3, v44;
	v11 =	vld.idx.msk [tilespmem:v11+s4+$0x0], $0xffff;
	[tilespmem:s30+$0xFFFFFEA0] =	vst v5  }
0x7f: {  	v62 =	vadd.s32 v3, v45;
	[tilespmem:s30+$0x110] =	vst v7;
	v7 =	vld.idx.msk [tilespmem:v14+s4+$0x0], $0xffff  }
0x80: {  	[tilespmem:s30+$0xFFFFFE20] =	vst v61;
	v10 =	vld.idx.msk [tilespmem:v12+s4+$0x0], $0xffff  }
0x81: {  	[tilespmem:s30+$0xA0] =	vst v63;
	v12 =	vld.idx.msk [tilespmem:v13+s4+$0x0], $0xffff  }
0x82: {  	[tilespmem:s30+$0xFFFFFFA0] =	vst v6;
	v8 =	vld.idx.msk [tilespmem:v8+s4+$0x0], $0xffff  }
0x83: {  	[tilespmem:s30+$0x20] =	vst v60;
	v9 =	vld.idx.msk [tilespmem:v15+s4+$0x0], $0xffff  }
0x84: {  	s31 =	simm.s32 $0x8;
	s0 =	simm.s32 $0xD140;
	v5 =	vadd.s32 v3, v49;
	v6 =	vadd.s32 v3, v46;
	[tilespmem:s30+$0x1B0] =	vst v11;
	v11 =	vld.idx.msk [tilespmem:v62+s4+$0x0], $0xffff  }
.LBB2_6:
0x85: {  	v13 =	vld [tilespmem:s0+$0x30];
	s31 =	sadd.s32 $0x8, s31;
	[tilespmem:s30+$0x120] =	vst v10  }
0x86: {  	v10 =	vld [tilespmem:s0+$0xFFFFFFD0];
	p1 =	slt.u32 s31, $0x78;
	[tilespmem:s30+$0xFFFFFEB0] =	vst v7  }
0x87: {  	v7 =	vld [tilespmem:s0+$0xFFFFFFE0];
	[tilespmem:s30+$0xFFFFFF30] =	vst v8  }
0x88: {  	v8 =	vld [tilespmem:s0+$0xFFFFFFF0];
	[tilespmem:s30+$0xFFFFFFB0] =	vst v9  }
0x89: {  	v9 =	vld [tilespmem:s0+$0x0];
	[tilespmem:s30+$0x30] =	vst v11  }
0x8a: {  	v11 =	vld [tilespmem:s0+$0x10];
	v14 =	vadd.s32 v0, v13;
	[tilespmem:s30+$0xFFFFFE30] =	vst v12  }
0x8b: {  	v12 =	vadd.s32 v0, v10;
	v15 =	vadd.s32 v1, v10;
	v16 =	vadd.s32 v2, v10;
	v17 =	vld [tilespmem:s0+$0x20];
	[tilespmem:s29+$0x130] =	vst v4;
	s29 =	smov.u32 s30  }
0x8c: {  	v18 =	vld [tilespmem:s0+$0xFFFFFFC0];
	v19 =	vadd.s32 v0, v7;
	v20 =	vadd.s32 v1, v7;
	v21 =	vadd.s32 v2, v7  }
0x8d: {  	v22 =	vadd.s32 v0, v8;
	v23 =	vadd.s32 v1, v8;
	v24 =	vadd.s32 v2, v8;
	v25 =	vld.idx.msk [tilespmem:v6+s4+$0x0], $0xffff  }
0x8e: {  	v6 =	vadd.s32 v0, v9;
	v26 =	vadd.s32 v1, v9;
	v27 =	vadd.s32 v2, v9;
	v4 =	vld.idx.msk [tilespmem:v5+s4+$0x0], $0xffff  }
0x8f: {  	v5 =	vadd.s32 v0, v11;
	v28 =	vadd.s32 v1, v11;
	v29 =	vadd.s32 v2, v11;
	v14 =	vld.idx.msk [tilespmem:v14+s4+$0x0], $0xffff  }
0x90: {  	v12 =	vld.idx.msk [tilespmem:v12+s4+$0x0], $0xffff;
	v30 =	vadd.s32 v0, v17;
	v31 =	vadd.s32 v1, v17;
	v32 =	vadd.s32 v2, v17  }
0x91: {  	v35 =	vadd.s32 v1, v13;
	v33 =	vadd.s32 v0, v18;
	v34 =	vadd.s32 v1, v18;
	v19 =	vld.idx.msk [tilespmem:v19+s4+$0x0], $0xffff  }
0x92: {  	v37 =	vadd.s32 v3, v10;
	v36 =	vadd.s32 v2, v18;
	v18 =	vadd.s32 v3, v18;
	v10 =	vld.idx.msk [tilespmem:v22+s4+$0x0], $0xffff  }
0x93: {  	v38 =	vadd.s32 v3, v8;
	v39 =	vadd.s32 v3, v9;
	v22 =	vadd.s32 v3, v7;
	v7 =	vld.idx.msk [tilespmem:v6+s4+$0x0], $0xffff  }
0x94: {  	s30 =	sadd.s32 $0x400, s30;
	v6 =	vadd.s32 v3, v11;
	v8 =	vld.idx.msk [tilespmem:v5+s4+$0x0], $0xffff;
	v5 =	vadd.s32 v3, v17;
	[tilespmem:s29+$0xB0] =	vst v25  }
0x95: {  	v9 =	vld.idx.msk [tilespmem:v30+s4+$0x0], $0xffff;
	[tilespmem:s30+$0x180] =	vst v14  }
0x96: {  	[tilespmem:s30+$0xFFFFFE80] =	vst v12;
	v11 =	vld.idx.msk [tilespmem:v35+s4+$0x0], $0xffff  }
0x97: {  	v12 =	vld.idx.msk [tilespmem:v33+s4+$0x0], $0xffff;
	[tilespmem:s30+$0xFFFFFF00] =	vst v19  }
0x98: {  	v14 =	vld.idx.msk [tilespmem:v15+s4+$0x0], $0xffff;
	[tilespmem:s30+$0xFFFFFF80] =	vst v10;
	v10 =	vadd.s32 v2, v13  }
0x99: {  	v15 =	vld.idx.msk [tilespmem:v20+s4+$0x0], $0xffff;
	[tilespmem:s30+$0x0] =	vst v7  }
0x9a: {  	v7 =	vld.idx.msk [tilespmem:v23+s4+$0x0], $0xffff;
	[tilespmem:s30+$0x80] =	vst v8  }
0x9b: {  	v8 =	vld.idx.msk [tilespmem:v26+s4+$0x0], $0xffff;
	[tilespmem:s30+$0x100] =	vst v9  }
0x9c: {  	v9 =	vld.idx.msk [tilespmem:v28+s4+$0x0], $0xffff;
	[tilespmem:s30+$0x190] =	vst v11  }
0x9d: {  	[tilespmem:s30+$0xFFFFFE00] =	vst v12;
	v10 =	vld.idx.msk [tilespmem:v10+s4+$0x0], $0xffff  }
0x9e: {  	v11 =	vld.idx.msk [tilespmem:v34+s4+$0x0], $0xffff;
	[tilespmem:s30+$0xFFFFFE90] =	vst v14  }
0x9f: {  	v13 =	vadd.s32 v3, v13;
	[tilespmem:s30+$0xFFFFFF10] =	vst v15;
	v12 =	vld.idx.msk [tilespmem:v31+s4+$0x0], $0xffff  }
0xa0: {  	v14 =	vld.idx.msk [tilespmem:v16+s4+$0x0], $0xffff;
	[tilespmem:s30+$0xFFFFFF90] =	vst v7  }
0xa1: {  	v7 =	vld.idx.msk [tilespmem:v21+s4+$0x0], $0xffff;
	[tilespmem:s30+$0x10] =	vst v8  }
0xa2: {  	v8 =	vld.idx.msk [tilespmem:v24+s4+$0x0], $0xffff;
	[tilespmem:s30+$0x90] =	vst v9  }
0xa3: {  	v9 =	vld.idx.msk [tilespmem:v27+s4+$0x0], $0xffff;
	[tilespmem:s30+$0x1A0] =	vst v10  }
0xa4: {  	[tilespmem:s30+$0xFFFFFE10] =	vst v11;
	v11 =	vld.idx.msk [tilespmem:v13+s4+$0x0], $0xffff  }
0xa5: {  	v13 =	vld.idx.msk [tilespmem:v36+s4+$0x0], $0xffff;
	[tilespmem:s30+$0x110] =	vst v12  }
0xa6: {  	[tilespmem:s30+$0xFFFFFEA0] =	vst v14;
	v14 =	vld.idx.msk [tilespmem:v29+s4+$0x0], $0xffff  }
0xa7: {  	[tilespmem:s30+$0xFFFFFF20] =	vst v7;
	v10 =	vld.idx.msk [tilespmem:v32+s4+$0x0], $0xffff  }
.Ltmp7:
0xa8: {  	v7 =	vld.idx.msk [tilespmem:v37+s4+$0x0], $0xffff;
	[tilespmem:s30+$0xFFFFFFA0] =	vst v8;
	(pc) =	sbr.rel @p1 .LBB2_6-.Ltmp7, $4  }
0xa9: {  	v8 =	vld.idx.msk [tilespmem:v22+s4+$0x0], $0xffff;
	[tilespmem:s30+$0x20] =	vst v9  }
0xaa: {  	v9 =	vld.idx.msk [tilespmem:v38+s4+$0x0], $0xffff;
	[tilespmem:s30+$0x1B0] =	vst v11  }
0xab: {  	[tilespmem:s30+$0xFFFFFE20] =	vst v13;
	v11 =	vld.idx.msk [tilespmem:v39+s4+$0x0], $0xffff  }
0xac: {  	s0 =	sadd.s32 $0x80, s0;
	v12 =	vld.idx.msk [tilespmem:v18+s4+$0x0], $0xffff;
	[tilespmem:s30+$0xA0] =	vst v14  }
0xad: {  	_ =	sdelay $0x1  }
0xae: {  	[tilespmem:s30+$0x120] =	vst v10  }
0xaf: {  	[tilespmem:s30+$0xFFFFFEB0] =	vst v7  }
0xb0: {  	v6 =	vld.idx.msk [tilespmem:v6+s4+$0x0], $0xffff;
	[tilespmem:s29+$0x130] =	vst v4  }
0xb1: {  	[tilespmem:s30+$0xFFFFFF30] =	vst v8;
	v5 =	vld.idx.msk [tilespmem:v5+s4+$0x0], $0xffff  }
0xb2: {  	[tilespmem:s30+$0xFFFFFFB0] =	vst v9  }
0xb3: {  	[tilespmem:s30+$0x30] =	vst v11  }
0xb4: {  	[tilespmem:s30+$0xFFFFFE30] =	vst v12  }
0xb5: {  	p1 =	seq.s32 s25, $0x0;
	[tilespmem:s30+$0xB0] =	vst v6  }
0xb6: {  	s0 =	simm.s32 @!p1 $0x3;
	[tilespmem:s30+$0x130] =	vst v5  }
0xb7: {  	_ =	swait.ge @!p1 [sflag:s0], $0x4000  }
0xb8: {  	s30 =	sshll.u32 s28, $0xB;
	[sflag:s0] =	ssyncset.done @!p1 $0x0  }
0xb9: {  	s31 =	sadd.s32 s6, s30;
	[sflag:s0] =	ssyncadd.s32 @!p1 $0xFFFFC000;
	s0 =	sadd.s32 s9, s26  }
0xba: {  	[hbm4b:s31+s4] =	stream.linear.scatter [tilespmem:s17], [sflag:$0x3], $0x4000, $0x38;
	[tilespmem:$0xD800] =	vst v63  }
0xbb: {  	p1 =	sgt.u32 s0, $0x1E83  }
0xbc: {  	s0 =	sshll.u32 @!p1 s0, $0x7;
	s29 =	simm.s32 @!p1 $0x400  }
0xbd: {  	s30 =	simm.s32 @!p1 $0x7A1400;
	s31 =	simm.s32 @!p1 $0x0;
	s0 =	sadd.s32 @!p1 s1, s0  }
0xbe: {  	[tilespmem:s31], [sflag:$0x1] =	stream.strided.gather @!p1 [hbm4b:s0+s29], $0x2000, s30, s29, $0x38;
	[tilespmem:$0xD800] =	vst v63  }
.LBB2_8:
0xbf: {  	s28 =	sor.u32 $0x20, s28  }
0xc0: {  	p1 =	sgt.u32 s28, $0x1E83  }
.Ltmp8:
0xc1: {  	_ = 	snop;
	(pc) =	sbr.rel @p1 .LBB2_12-.Ltmp8, $1  }
0xc2: {  	_ =	sdelay $0x3  }
0xc3: {  	_ =	swait.ge [sflag:s18], $0x2000  }
0xc4: {  	[sflag:s18] =	ssyncset.done $0x0  }
0xc5: {  	s0 =	simm.s32 $0xD040;
	[sflag:s18] =	ssyncadd.s32 $0xFFFFE000  }
0xc6: {  	v4 =	vld [tilespmem:s0+$0x30]  }
0xc7: {  	v5 =	vld [tilespmem:s0+$0xFFFFFFD0]  }
0xc8: {  	v6 =	vld [tilespmem:s0+$0xFFFFFFE0]  }
0xc9: {  	v7 =	vld [tilespmem:s0+$0xFFFFFFF0]  }
0xca: {  	v8 =	vld [tilespmem:s0+$0x0]  }
0xcb: {  	v9 =	vld [tilespmem:s0+$0x10]  }
0xcc: {  	v12 =	vld [tilespmem:s0+$0x20]  }
0xcd: {  	v14 =	vld [tilespmem:s0+$0xFFFFFFC0];
	s0 =	simm.s32 $0xD0C0  }
0xce: {  	v43 =	vld [tilespmem:s0+$0xFFFFFFE0];
	v10 =	vadd.s32 v0, v4  }
0xcf: {  	v44 =	vld [tilespmem:s0+$0xFFFFFFF0];
	v11 =	vadd.s32 v0, v5  }
0xd0: {  	v45 =	vld [tilespmem:s0+$0x0];
	v13 =	vadd.s32 v0, v6  }
0xd1: {  	v46 =	vld [tilespmem:s0+$0x10];
	v15 =	vadd.s32 v0, v7  }
0xd2: {  	v49 =	vld [tilespmem:s0+$0x20];
	v16 =	vadd.s32 v0, v8  }
0xd3: {  	v17 =	vadd.s32 v0, v9;
	v10 =	vld.idx.msk [tilespmem:v10+s15+$0x0], $0xffff  }
0xd4: {  	v18 =	vadd.s32 v0, v12;
	v11 =	vld.idx.msk [tilespmem:v11+s15+$0x0], $0xffff  }
0xd5: {  	v20 =	vadd.s32 v0, v14;
	v13 =	vld.idx.msk [tilespmem:v13+s15+$0x0], $0xffff  }
0xd6: {  	v19 =	vadd.s32 v1, v4;
	v15 =	vld.idx.msk [tilespmem:v15+s15+$0x0], $0xffff  }
0xd7: {  	v21 =	vadd.s32 v1, v5;
	v16 =	vld.idx.msk [tilespmem:v16+s15+$0x0], $0xffff  }
0xd8: {  	s29 =	simm.s32 $0x8200;
	v22 =	vadd.s32 v1, v6;
	v17 =	vld.idx.msk [tilespmem:v17+s15+$0x0], $0xffff  }
0xd9: {  	v23 =	vadd.s32 v1, v7;
	v18 =	vld.idx.msk [tilespmem:v18+s15+$0x0], $0xffff;
	[tilespmem:s29+$0x180] =	vst v10  }
0xda: {  	v24 =	vadd.s32 v1, v9;
	[tilespmem:s29+$0xFFFFFE80] =	vst v11;
	v11 =	vld.idx.msk [tilespmem:v20+s15+$0x0], $0xffff  }
0xdb: {  	v10 =	vadd.s32 v1, v8;
	[tilespmem:s29+$0xFFFFFF00] =	vst v13;
	v19 =	vld.idx.msk [tilespmem:v19+s15+$0x0], $0xffff  }
0xdc: {  	v30 =	vadd.s32 v1, v14;
	[tilespmem:s29+$0xFFFFFF80] =	vst v15;
	v13 =	vld.idx.msk [tilespmem:v21+s15+$0x0], $0xffff  }
0xdd: {  	v31 =	vadd.s32 v1, v12;
	[tilespmem:s29+$0x0] =	vst v16;
	v15 =	vld.idx.msk [tilespmem:v22+s15+$0x0], $0xffff  }
0xde: {  	v29 =	vadd.s32 v2, v4;
	[tilespmem:s29+$0x80] =	vst v17;
	v32 =	vld.idx.msk [tilespmem:v23+s15+$0x0], $0xffff  }
0xdf: {  	v33 =	vadd.s32 v2, v5;
	[tilespmem:s29+$0x100] =	vst v18;
	v24 =	vld.idx.msk [tilespmem:v24+s15+$0x0], $0xffff  }
0xe0: {  	v34 =	vadd.s32 v2, v6;
	v10 =	vld.idx.msk [tilespmem:v10+s15+$0x0], $0xffff;
	[tilespmem:s29+$0xFFFFFE00] =	vst v11  }
0xe1: {  	v35 =	vadd.s32 v2, v7;
	[tilespmem:s29+$0x190] =	vst v19;
	v37 =	vld.idx.msk [tilespmem:v30+s15+$0x0], $0xffff  }
0xe2: {  	v36 =	vadd.s32 v2, v8;
	[tilespmem:s29+$0xFFFFFE90] =	vst v13;
	v13 =	vld.idx.msk [tilespmem:v31+s15+$0x0], $0xffff  }
0xe3: {  	v39 =	vadd.s32 v2, v9;
	[tilespmem:s29+$0xFFFFFF10] =	vst v15;
	v11 =	vld.idx.msk [tilespmem:v29+s15+$0x0], $0xffff  }
0xe4: {  	v38 =	vadd.s32 v2, v14;
	[tilespmem:s29+$0xFFFFFF90] =	vst v32;
	v15 =	vld.idx.msk [tilespmem:v33+s15+$0x0], $0xffff  }
0xe5: {  	v41 =	vadd.s32 v2, v12;
	[tilespmem:s29+$0x90] =	vst v24;
	v40 =	vld.idx.msk [tilespmem:v34+s15+$0x0], $0xffff  }
0xe6: {  	v4 =	vadd.s32 v3, v4;
	[tilespmem:s29+$0x10] =	vst v10;
	v10 =	vld.idx.msk [tilespmem:v35+s15+$0x0], $0xffff  }
0xe7: {  	v5 =	vadd.s32 v3, v5;
	v42 =	vld.idx.msk [tilespmem:v36+s15+$0x0], $0xffff;
	[tilespmem:s29+$0xFFFFFE10] =	vst v37  }
0xe8: {  	v7 =	vadd.s32 v3, v7;
	[tilespmem:s29+$0x110] =	vst v13;
	v13 =	vld.idx.msk [tilespmem:v39+s15+$0x0], $0xffff  }
0xe9: {  	[tilespmem:s29+$0x1A0] =	vst v11;
	v11 =	vld.idx.msk [tilespmem:v38+s15+$0x0], $0xffff  }
0xea: {  	[tilespmem:s29+$0xFFFFFEA0] =	vst v15;
	v15 =	vld.idx.msk [tilespmem:v41+s15+$0x0], $0xffff  }
0xeb: {  	v14 =	vadd.s32 v3, v14;
	v4 =	vld.idx.msk [tilespmem:v4+s15+$0x0], $0xffff  }
0xec: {  	v5 =	vld.idx.msk [tilespmem:v5+s15+$0x0], $0xffff;
	[tilespmem:s29+$0xFFFFFFA0] =	vst v10  }
0xed: {  	v9 =	vadd.s32 v3, v9;
	v7 =	vld.idx.msk [tilespmem:v7+s15+$0x0], $0xffff  }
0xee: {  	v8 =	vadd.s32 v3, v8;
	[tilespmem:s29+$0xA0] =	vst v13;
	v13 =	vld [tilespmem:s0+$0xFFFFFFC0]  }
0xef: {  	v51 =	vadd.s32 v0, v45;
	[tilespmem:s29+$0xFFFFFE20] =	vst v11;
	v11 =	vld [tilespmem:s0+$0x30]  }
0xf0: {  	v6 =	vadd.s32 v3, v6;
	v10 =	vld.idx.msk [tilespmem:v14+s15+$0x0], $0xffff  }
0xf1: {  	[tilespmem:s29+$0x120] =	vst v15;
	v15 =	vadd.s32 v0, v44;
	v14 =	vld [tilespmem:s0+$0xFFFFFFD0]  }
0xf2: {  	v12 =	vadd.s32 v3, v12;
	[tilespmem:s29+$0x20] =	vst v42;
	v9 =	vld.idx.msk [tilespmem:v9+s15+$0x0], $0xffff  }
0xf3: {  	v50 =	vadd.s32 v0, v43;
	[tilespmem:s29+$0xFFFFFF20] =	vst v40;
	v8 =	vld.idx.msk [tilespmem:v8+s15+$0x0], $0xffff  }
0xf4: {  	v54 =	vld.idx.msk [tilespmem:v51+s15+$0x0], $0xffff;
	[tilespmem:s29+$0xFFFFFEB0] =	vst v5;
	v5 =	vadd.s32 v0, v46  }
0xf5: {  	v6 =	vld.idx.msk [tilespmem:v6+s15+$0x0], $0xffff;
	[tilespmem:s29+$0x1B0] =	vst v4;
	v47 =	vadd.s32 v0, v11  }
0xf6: {  	[tilespmem:s29+$0xFFFFFFB0] =	vst v7;
	v15 =	vld.idx.msk [tilespmem:v15+s15+$0x0], $0xffff;
	v48 =	vadd.s32 v0, v14  }
0xf7: {  	v4 =	vld.idx.msk [tilespmem:v12+s15+$0x0], $0xffff;
	[tilespmem:s29+$0xB0] =	vst v9;
	v9 =	vadd.s32 v1, v44  }
0xf8: {  	s30 =	simm.s32 $0x8600;
	v7 =	vld.idx.msk [tilespmem:v50+s15+$0x0], $0xffff;
	[tilespmem:s29+$0x30] =	vst v8;
	v8 =	vadd.s32 v0, v13  }
0xf9: {  	v55 =	vadd.s32 v1, v43;
	[tilespmem:s30+$0x0] =	vst v54;
	v5 =	vld.idx.msk [tilespmem:v5+s15+$0x0], $0xffff  }
0xfa: {  	v52 =	vadd.s32 v0, v49;
	[tilespmem:s29+$0xFFFFFF30] =	vst v6;
	v12 =	vld.idx.msk [tilespmem:v47+s15+$0x0], $0xffff  }
0xfb: {  	v56 =	vadd.s32 v1, v46;
	[tilespmem:s30+$0xFFFFFF80] =	vst v15;
	v6 =	vld.idx.msk [tilespmem:v48+s15+$0x0], $0xffff  }
0xfc: {  	v53 =	vadd.s32 v1, v11;
	[tilespmem:s29+$0xFFFFFE30] =	vst v10;
	v9 =	vld.idx.msk [tilespmem:v9+s15+$0x0], $0xffff  }
0xfd: {  	v10 =	vadd.s32 v1, v14;
	[tilespmem:s30+$0xFFFFFF00] =	vst v7;
	v8 =	vld.idx.msk [tilespmem:v8+s15+$0x0], $0xffff  }
0xfe: {  	v15 =	vadd.s32 v1, v13;
	v24 =	vld.idx.msk [tilespmem:v55+s15+$0x0], $0xffff;
	[tilespmem:s30+$0x80] =	vst v5  }
0xff: {  	v58 =	vadd.s32 v2, v43;
	v20 =	vld.idx.msk [tilespmem:v52+s15+$0x0], $0xffff;
	[tilespmem:s30+$0x180] =	vst v12  }
0x100: {  	v21 =	vld.idx.msk [tilespmem:v56+s15+$0x0], $0xffff;
	v12 =	vadd.s32 v1, v45;
	[tilespmem:s30+$0xFFFFFE80] =	vst v6  }
0x101: {  	v6 =	vld.idx.msk [tilespmem:v53+s15+$0x0], $0xffff;
	[tilespmem:s30+$0xFFFFFF90] =	vst v9;
	v9 =	vadd.s32 v2, v46  }
0x102: {  	[tilespmem:s30+$0xFFFFFE00] =	vst v8;
	v7 =	vld.idx.msk [tilespmem:v10+s15+$0x0], $0xffff;
	v10 =	vadd.s32 v2, v11  }
0x103: {  	v5 =	vadd.s32 v2, v14;
	[tilespmem:s30+$0xFFFFFF10] =	vst v24;
	v15 =	vld.idx.msk [tilespmem:v15+s15+$0x0], $0xffff  }
0x104: {  	v57 =	vadd.s32 v1, v49;
	[tilespmem:s30+$0x100] =	vst v20;
	v20 =	vld.idx.msk [tilespmem:v58+s15+$0x0], $0xffff  }
0x105: {  	v59 =	vadd.s32 v2, v13;
	[tilespmem:s30+$0x90] =	vst v21;
	v12 =	vld.idx.msk [tilespmem:v12+s15+$0x0], $0xffff  }
0x106: {  	[tilespmem:s30+$0x190] =	vst v6;
	v6 =	vadd.s32 v2, v44;
	v63 =	vld.idx.msk [tilespmem:v9+s15+$0x0], $0xffff  }
0x107: {  	v8 =	vld.idx.msk [tilespmem:v10+s15+$0x0], $0xffff;
	v10 =	vadd.s32 v2, v45;
	[tilespmem:s30+$0xFFFFFE90] =	vst v7  }
0x108: {  	v11 =	vadd.s32 v3, v11;
	v5 =	vld.idx.msk [tilespmem:v5+s15+$0x0], $0xffff  }
0x109: {  	v14 =	vadd.s32 v3, v14;
	[tilespmem:s30+$0xFFFFFE10] =	vst v15;
	v7 =	vld.idx.msk [tilespmem:v57+s15+$0x0], $0xffff  }
0x10a: {  	v61 =	vld.idx.msk [tilespmem:v59+s15+$0x0], $0xffff;
	[tilespmem:s30+$0x10] =	vst v12;
	v12 =	vadd.s32 v2, v49  }
0x10b: {  	v13 =	vadd.s32 v3, v13;
	[tilespmem:s30+$0xFFFFFF20] =	vst v20;
	v6 =	vld.idx.msk [tilespmem:v6+s15+$0x0], $0xffff  }
0x10c: {  	v60 =	vld.idx.msk [tilespmem:v10+s15+$0x0], $0xffff;
	[tilespmem:s30+$0x1A0] =	vst v8;
	v8 =	vadd.s32 v3, v43  }
0x10d: {  	v15 =	vadd.s32 v3, v44;
	v11 =	vld.idx.msk [tilespmem:v11+s15+$0x0], $0xffff;
	[tilespmem:s30+$0xFFFFFEA0] =	vst v5  }
0x10e: {  	v62 =	vadd.s32 v3, v45;
	[tilespmem:s30+$0x110] =	vst v7;
	v7 =	vld.idx.msk [tilespmem:v14+s15+$0x0], $0xffff  }
0x10f: {  	[tilespmem:s30+$0xFFFFFE20] =	vst v61;
	v10 =	vld.idx.msk [tilespmem:v12+s15+$0x0], $0xffff  }
0x110: {  	[tilespmem:s30+$0xA0] =	vst v63;
	v12 =	vld.idx.msk [tilespmem:v13+s15+$0x0], $0xffff  }
0x111: {  	[tilespmem:s30+$0xFFFFFFA0] =	vst v6;
	v8 =	vld.idx.msk [tilespmem:v8+s15+$0x0], $0xffff  }
0x112: {  	[tilespmem:s30+$0x20] =	vst v60;
	v9 =	vld.idx.msk [tilespmem:v15+s15+$0x0], $0xffff  }
0x113: {  	s31 =	simm.s32 $0x8;
	s0 =	simm.s32 $0xD140;
	v5 =	vadd.s32 v3, v49;
	v6 =	vadd.s32 v3, v46;
	[tilespmem:s30+$0x1B0] =	vst v11;
	v11 =	vld.idx.msk [tilespmem:v62+s15+$0x0], $0xffff  }
.LBB2_10:
0x114: {  	v13 =	vld [tilespmem:s0+$0x30];
	s31 =	sadd.s32 $0x8, s31;
	[tilespmem:s30+$0x120] =	vst v10  }
0x115: {  	v10 =	vld [tilespmem:s0+$0xFFFFFFD0];
	p1 =	slt.u32 s31, $0x78;
	[tilespmem:s30+$0xFFFFFEB0] =	vst v7  }
0x116: {  	v7 =	vld [tilespmem:s0+$0xFFFFFFE0];
	[tilespmem:s30+$0xFFFFFF30] =	vst v8  }
0x117: {  	v8 =	vld [tilespmem:s0+$0xFFFFFFF0];
	[tilespmem:s30+$0xFFFFFFB0] =	vst v9  }
0x118: {  	v9 =	vld [tilespmem:s0+$0x0];
	[tilespmem:s30+$0x30] =	vst v11  }
0x119: {  	v11 =	vld [tilespmem:s0+$0x10];
	v14 =	vadd.s32 v0, v13;
	[tilespmem:s30+$0xFFFFFE30] =	vst v12  }
0x11a: {  	v12 =	vadd.s32 v0, v10;
	v15 =	vadd.s32 v1, v10;
	v16 =	vadd.s32 v2, v10;
	v17 =	vld [tilespmem:s0+$0x20];
	[tilespmem:s29+$0x130] =	vst v4;
	s29 =	smov.u32 s30  }
0x11b: {  	v18 =	vld [tilespmem:s0+$0xFFFFFFC0];
	v19 =	vadd.s32 v0, v7;
	v20 =	vadd.s32 v1, v7;
	v21 =	vadd.s32 v2, v7  }
0x11c: {  	v22 =	vadd.s32 v0, v8;
	v23 =	vadd.s32 v1, v8;
	v24 =	vadd.s32 v2, v8;
	v25 =	vld.idx.msk [tilespmem:v6+s15+$0x0], $0xffff  }
0x11d: {  	v6 =	vadd.s32 v0, v9;
	v26 =	vadd.s32 v1, v9;
	v27 =	vadd.s32 v2, v9;
	v4 =	vld.idx.msk [tilespmem:v5+s15+$0x0], $0xffff  }
0x11e: {  	v5 =	vadd.s32 v0, v11;
	v28 =	vadd.s32 v1, v11;
	v29 =	vadd.s32 v2, v11;
	v14 =	vld.idx.msk [tilespmem:v14+s15+$0x0], $0xffff  }
0x11f: {  	v12 =	vld.idx.msk [tilespmem:v12+s15+$0x0], $0xffff;
	v30 =	vadd.s32 v0, v17;
	v31 =	vadd.s32 v1, v17;
	v32 =	vadd.s32 v2, v17  }
0x120: {  	v35 =	vadd.s32 v1, v13;
	v33 =	vadd.s32 v0, v18;
	v34 =	vadd.s32 v1, v18;
	v19 =	vld.idx.msk [tilespmem:v19+s15+$0x0], $0xffff  }
0x121: {  	v37 =	vadd.s32 v3, v10;
	v36 =	vadd.s32 v2, v18;
	v18 =	vadd.s32 v3, v18;
	v10 =	vld.idx.msk [tilespmem:v22+s15+$0x0], $0xffff  }
0x122: {  	v38 =	vadd.s32 v3, v8;
	v39 =	vadd.s32 v3, v9;
	v22 =	vadd.s32 v3, v7;
	v7 =	vld.idx.msk [tilespmem:v6+s15+$0x0], $0xffff  }
0x123: {  	s30 =	sadd.s32 $0x400, s30;
	v6 =	vadd.s32 v3, v11;
	v8 =	vld.idx.msk [tilespmem:v5+s15+$0x0], $0xffff;
	v5 =	vadd.s32 v3, v17;
	[tilespmem:s29+$0xB0] =	vst v25  }
0x124: {  	v9 =	vld.idx.msk [tilespmem:v30+s15+$0x0], $0xffff;
	[tilespmem:s30+$0x180] =	vst v14  }
0x125: {  	[tilespmem:s30+$0xFFFFFE80] =	vst v12;
	v11 =	vld.idx.msk [tilespmem:v35+s15+$0x0], $0xffff  }
0x126: {  	v12 =	vld.idx.msk [tilespmem:v33+s15+$0x0], $0xffff;
	[tilespmem:s30+$0xFFFFFF00] =	vst v19  }
0x127: {  	v14 =	vld.idx.msk [tilespmem:v15+s15+$0x0], $0xffff;
	[tilespmem:s30+$0xFFFFFF80] =	vst v10;
	v10 =	vadd.s32 v2, v13  }
0x128: {  	v15 =	vld.idx.msk [tilespmem:v20+s15+$0x0], $0xffff;
	[tilespmem:s30+$0x0] =	vst v7  }
0x129: {  	v7 =	vld.idx.msk [tilespmem:v23+s15+$0x0], $0xffff;
	[tilespmem:s30+$0x80] =	vst v8  }
0x12a: {  	v8 =	vld.idx.msk [tilespmem:v26+s15+$0x0], $0xffff;
	[tilespmem:s30+$0x100] =	vst v9  }
0x12b: {  	v9 =	vld.idx.msk [tilespmem:v28+s15+$0x0], $0xffff;
	[tilespmem:s30+$0x190] =	vst v11  }
0x12c: {  	[tilespmem:s30+$0xFFFFFE00] =	vst v12;
	v10 =	vld.idx.msk [tilespmem:v10+s15+$0x0], $0xffff  }
0x12d: {  	v11 =	vld.idx.msk [tilespmem:v34+s15+$0x0], $0xffff;
	[tilespmem:s30+$0xFFFFFE90] =	vst v14  }
0x12e: {  	v13 =	vadd.s32 v3, v13;
	[tilespmem:s30+$0xFFFFFF10] =	vst v15;
	v12 =	vld.idx.msk [tilespmem:v31+s15+$0x0], $0xffff  }
0x12f: {  	v14 =	vld.idx.msk [tilespmem:v16+s15+$0x0], $0xffff;
	[tilespmem:s30+$0xFFFFFF90] =	vst v7  }
0x130: {  	v7 =	vld.idx.msk [tilespmem:v21+s15+$0x0], $0xffff;
	[tilespmem:s30+$0x10] =	vst v8  }
0x131: {  	v8 =	vld.idx.msk [tilespmem:v24+s15+$0x0], $0xffff;
	[tilespmem:s30+$0x90] =	vst v9  }
0x132: {  	v9 =	vld.idx.msk [tilespmem:v27+s15+$0x0], $0xffff;
	[tilespmem:s30+$0x1A0] =	vst v10  }
0x133: {  	[tilespmem:s30+$0xFFFFFE10] =	vst v11;
	v11 =	vld.idx.msk [tilespmem:v13+s15+$0x0], $0xffff  }
0x134: {  	v13 =	vld.idx.msk [tilespmem:v36+s15+$0x0], $0xffff;
	[tilespmem:s30+$0x110] =	vst v12  }
0x135: {  	[tilespmem:s30+$0xFFFFFEA0] =	vst v14;
	v14 =	vld.idx.msk [tilespmem:v29+s15+$0x0], $0xffff  }
0x136: {  	[tilespmem:s30+$0xFFFFFF20] =	vst v7;
	v10 =	vld.idx.msk [tilespmem:v32+s15+$0x0], $0xffff  }
.Ltmp9:
0x137: {  	v7 =	vld.idx.msk [tilespmem:v37+s15+$0x0], $0xffff;
	[tilespmem:s30+$0xFFFFFFA0] =	vst v8;
	(pc) =	sbr.rel @p1 .LBB2_10-.Ltmp9, $4  }
0x138: {  	v8 =	vld.idx.msk [tilespmem:v22+s15+$0x0], $0xffff;
	[tilespmem:s30+$0x20] =	vst v9  }
0x139: {  	v9 =	vld.idx.msk [tilespmem:v38+s15+$0x0], $0xffff;
	[tilespmem:s30+$0x1B0] =	vst v11  }
0x13a: {  	[tilespmem:s30+$0xFFFFFE20] =	vst v13;
	v11 =	vld.idx.msk [tilespmem:v39+s15+$0x0], $0xffff  }
0x13b: {  	s0 =	sadd.s32 $0x80, s0;
	v12 =	vld.idx.msk [tilespmem:v18+s15+$0x0], $0xffff;
	[tilespmem:s30+$0xA0] =	vst v14  }
0x13c: {  	_ =	sdelay $0x1  }
0x13d: {  	[tilespmem:s30+$0x120] =	vst v10  }
0x13e: {  	[tilespmem:s30+$0xFFFFFEB0] =	vst v7  }
0x13f: {  	v6 =	vld.idx.msk [tilespmem:v6+s15+$0x0], $0xffff;
	[tilespmem:s29+$0x130] =	vst v4  }
0x140: {  	[tilespmem:s30+$0xFFFFFF30] =	vst v8;
	v5 =	vld.idx.msk [tilespmem:v5+s15+$0x0], $0xffff  }
0x141: {  	[tilespmem:s30+$0xFFFFFFB0] =	vst v9  }
0x142: {  	[tilespmem:s30+$0x30] =	vst v11  }
0x143: {  	[tilespmem:s30+$0xFFFFFE30] =	vst v12  }
0x144: {  	p1 =	seq.s32 s25, $0x0;
	[tilespmem:s30+$0xB0] =	vst v6  }
0x145: {  	s0 =	simm.s32 @!p1 $0x4;
	[tilespmem:s30+$0x130] =	vst v5  }
0x146: {  	_ =	swait.ge @!p1 [sflag:s0], $0x4000  }
0x147: {  	s28 =	sshll.u32 s28, $0xB;
	[sflag:s0] =	ssyncset.done @!p1 $0x0  }
0x148: {  	s31 =	sadd.s32 s6, s28;
	[sflag:s0] =	ssyncadd.s32 @!p1 $0xFFFFC000  }
0x149: {  	[hbm4b:s31+s4] =	stream.linear.scatter [tilespmem:s19], [sflag:$0x4], $0x4000, $0x38;
	[tilespmem:$0xD800] =	vst v63  }
.Ltmp10:
0x14a: {  	s0 =	sadd.s32 s10, s26;
	(pc) =	sbr.rel .LBB2_12-.Ltmp10, $4  }
0x14b: {  	p1 =	sgt.u32 s0, $0x1E83  }
0x14c: {  	s0 =	sshll.u32 @!p1 s0, $0x7;
	s26 =	simm.s32 @!p1 $0x400  }
0x14d: {  	s28 =	simm.s32 @!p1 $0x7A1400;
	s29 =	simm.s32 @!p1 $0x2000;
	s0 =	sadd.s32 @!p1 s1, s0  }
0x14e: {  	[tilespmem:s29], [sflag:$0x2] =	stream.strided.gather @!p1 [hbm4b:s0+s26], $0x2000, s28, s26, $0x38;
	[tilespmem:$0xD800] =	vst v63  }
.LBB2_14:
0x14f: {  	[tilespmem:s22], [sflag:$0x5] =	stream.linear.gather [hbm4b:s3+s4], $0x1000, $0x38;
	[tilespmem:$0xD800] =	vst v63  }
0x150: {  	_ =	swait.ge [sflag:s23], $0x1000  }
0x151: {  	[sflag:s23] =	ssyncset.done $0x0  }
0x152: {  	[sflag:s23] =	ssyncadd.s32 $0xFFFFF000  }
0x153: {  	v4 =	vld [tilespmem:$0xC000]  }
0x154: {  	v5 =	vld [tilespmem:$0xC010]  }
0x155: {  	v6 =	vld [tilespmem:$0xC020]  }
0x156: {  	v7 =	vld [tilespmem:$0xC030]  }
0x157: {  	v8 =	vld [tilespmem:$0xC040]  }
0x158: {  	[tilespmem:$0x4000] =	vst v4;
	v4 =	vld [tilespmem:$0xC050]  }
0x159: {  	[tilespmem:$0x4010] =	vst v5;
	v5 =	vld [tilespmem:$0xC060]  }
0x15a: {  	v20 =	vld [tilespmem:$0xC070];
	[tilespmem:$0x4020] =	vst v6  }
0x15b: {  	[tilespmem:$0x4030] =	vst v7  }
0x15c: {  	[tilespmem:$0x4080] =	vst v8  }
0x15d: {  	[tilespmem:$0x4090] =	vst v4  }
0x15e: {  	[tilespmem:$0x40A0] =	vst v5  }
0x15f: {  	[tilespmem:$0x40B0] =	vst v20  }
0x160: {  	v4 =	vld [tilespmem:$0xC080]  }
0x161: {  	v5 =	vld [tilespmem:$0xC090]  }
0x162: {  	v6 =	vld [tilespmem:$0xC0A0]  }
0x163: {  	v21 =	vld [tilespmem:$0xC0B0]  }
0x164: {  	v22 =	vld [tilespmem:$0xC0C0]  }
0x165: {  	v23 =	vld [tilespmem:$0xC0F0];
	[tilespmem:$0x4100] =	vst v4  }
0x166: {  	v4 =	vld [tilespmem:$0xC0D0];
	[tilespmem:$0x4110] =	vst v5  }
0x167: {  	v5 =	vld [tilespmem:$0xC0E0];
	[tilespmem:$0x4120] =	vst v6  }
0x168: {  	v24 =	vld [tilespmem:$0xC100];
	[tilespmem:$0x4130] =	vst v21  }
0x169: {  	v25 =	vld [tilespmem:$0xC110];
	[tilespmem:$0x4180] =	vst v22  }
0x16a: {  	v26 =	vld [tilespmem:$0xC140];
	[tilespmem:$0x41B0] =	vst v23  }
0x16b: {  	[tilespmem:$0x4190] =	vst v4;
	v4 =	vld [tilespmem:$0xC120]  }
0x16c: {  	[tilespmem:$0x41A0] =	vst v5;
	v5 =	vld [tilespmem:$0xC130]  }
0x16d: {  	v27 =	vld [tilespmem:$0xC150];
	[tilespmem:$0x4200] =	vst v24  }
0x16e: {  	v28 =	vld [tilespmem:$0xC160];
	[tilespmem:$0x4210] =	vst v25  }
0x16f: {  	v29 =	vld [tilespmem:$0xC190];
	[tilespmem:$0x4280] =	vst v26  }
0x170: {  	[tilespmem:$0x4220] =	vst v4;
	v4 =	vld [tilespmem:$0xC170]  }
0x171: {  	[tilespmem:$0x4230] =	vst v5;
	v5 =	vld [tilespmem:$0xC180]  }
0x172: {  	v30 =	vld [tilespmem:$0xC1A0];
	[tilespmem:$0x4290] =	vst v27  }
0x173: {  	v31 =	vld [tilespmem:$0xC1B0];
	[tilespmem:$0x42A0] =	vst v28  }
0x174: {  	v32 =	vld [tilespmem:$0xC1E0];
	[tilespmem:$0x4310] =	vst v29  }
0x175: {  	[tilespmem:$0x42B0] =	vst v4;
	v4 =	vld [tilespmem:$0xC1C0]  }
0x176: {  	[tilespmem:$0x4300] =	vst v5;
	v5 =	vld [tilespmem:$0xC1D0]  }
0x177: {  	v33 =	vld [tilespmem:$0xC1F0];
	[tilespmem:$0x4320] =	vst v30  }
0x178: {  	v34 =	vld [tilespmem:$0xC200];
	[tilespmem:$0x4330] =	vst v31  }
0x179: {  	v35 =	vld [tilespmem:$0xC230];
	[tilespmem:$0x43A0] =	vst v32  }
0x17a: {  	[tilespmem:$0x4380] =	vst v4;
	v4 =	vld [tilespmem:$0xC210]  }
0x17b: {  	[tilespmem:$0x4390] =	vst v5;
	v5 =	vld [tilespmem:$0xC220]  }
0x17c: {  	v36 =	vld [tilespmem:$0xC240];
	[tilespmem:$0x43B0] =	vst v33  }
0x17d: {  	v37 =	vld [tilespmem:$0xC250];
	[tilespmem:$0x4400] =	vst v34  }
0x17e: {  	v38 =	vld [tilespmem:$0xC280];
	[tilespmem:$0x4430] =	vst v35  }
0x17f: {  	[tilespmem:$0x4410] =	vst v4;
	v4 =	vld [tilespmem:$0xC260]  }
0x180: {  	[tilespmem:$0x4420] =	vst v5;
	v5 =	vld [tilespmem:$0xC270]  }
0x181: {  	v39 =	vld [tilespmem:$0xC290];
	[tilespmem:$0x4480] =	vst v36  }
0x182: {  	v40 =	vld [tilespmem:$0xC2A0];
	[tilespmem:$0x4490] =	vst v37  }
0x183: {  	v41 =	vld [tilespmem:$0xC2D0];
	[tilespmem:$0x4500] =	vst v38  }
0x184: {  	[tilespmem:$0x44A0] =	vst v4;
	v4 =	vld [tilespmem:$0xC2B0]  }
0x185: {  	[tilespmem:$0x44B0] =	vst v5;
	v5 =	vld [tilespmem:$0xC2C0]  }
0x186: {  	v42 =	vld [tilespmem:$0xC2E0];
	[tilespmem:$0x4510] =	vst v39  }
0x187: {  	v43 =	vld [tilespmem:$0xC2F0];
	[tilespmem:$0x4520] =	vst v40  }
0x188: {  	v44 =	vld [tilespmem:$0xC320];
	[tilespmem:$0x4590] =	vst v41  }
0x189: {  	[tilespmem:$0x4530] =	vst v4;
	v4 =	vld [tilespmem:$0xC300]  }
0x18a: {  	[tilespmem:$0x4580] =	vst v5;
	v5 =	vld [tilespmem:$0xC310]  }
0x18b: {  	v45 =	vld [tilespmem:$0xC330];
	[tilespmem:$0x45A0] =	vst v42  }
0x18c: {  	v46 =	vld [tilespmem:$0xC340];
	[tilespmem:$0x45B0] =	vst v43  }
0x18d: {  	v47 =	vld [tilespmem:$0xC370];
	[tilespmem:$0x4620] =	vst v44  }
0x18e: {  	[tilespmem:$0x4600] =	vst v4;
	v4 =	vld [tilespmem:$0xC350]  }
0x18f: {  	[tilespmem:$0x4610] =	vst v5;
	v5 =	vld [tilespmem:$0xC360]  }
0x190: {  	v48 =	vld [tilespmem:$0xC380];
	[tilespmem:$0x4630] =	vst v45  }
0x191: {  	v49 =	vld [tilespmem:$0xC390];
	[tilespmem:$0x4680] =	vst v46  }
0x192: {  	v50 =	vld [tilespmem:$0xC3C0];
	[tilespmem:$0x46B0] =	vst v47  }
0x193: {  	[tilespmem:$0x4690] =	vst v4;
	v4 =	vld [tilespmem:$0xC3A0]  }
0x194: {  	[tilespmem:$0x46A0] =	vst v5;
	v5 =	vld [tilespmem:$0xC3B0]  }
0x195: {  	v51 =	vld [tilespmem:$0xC3D0];
	[tilespmem:$0x4700] =	vst v48  }
0x196: {  	v52 =	vld [tilespmem:$0xC3E0];
	[tilespmem:$0x4710] =	vst v49  }
0x197: {  	v53 =	vld [tilespmem:$0xC410];
	[tilespmem:$0x4780] =	vst v50  }
0x198: {  	[tilespmem:$0x4720] =	vst v4;
	v4 =	vld [tilespmem:$0xC3F0]  }
0x199: {  	[tilespmem:$0x4730] =	vst v5;
	v5 =	vld [tilespmem:$0xC400]  }
0x19a: {  	v54 =	vld [tilespmem:$0xC420];
	[tilespmem:$0x4790] =	vst v51  }
0x19b: {  	v55 =	vld [tilespmem:$0xC430];
	[tilespmem:$0x47A0] =	vst v52  }
0x19c: {  	v56 =	vld [tilespmem:$0xC460];
	[tilespmem:$0x4810] =	vst v53  }
0x19d: {  	[tilespmem:$0x47B0] =	vst v4;
	v4 =	vld [tilespmem:$0xC440]  }
0x19e: {  	[tilespmem:$0x4800] =	vst v5;
	v5 =	vld [tilespmem:$0xC450]  }
0x19f: {  	v57 =	vld [tilespmem:$0xC470];
	[tilespmem:$0x4820] =	vst v54  }
0x1a0: {  	v58 =	vld [tilespmem:$0xC480];
	[tilespmem:$0x4830] =	vst v55  }
0x1a1: {  	v59 =	vld [tilespmem:$0xC4B0];
	[tilespmem:$0x48A0] =	vst v56  }
0x1a2: {  	[tilespmem:$0x4880] =	vst v4;
	v4 =	vld [tilespmem:$0xC490]  }
0x1a3: {  	[tilespmem:$0x4890] =	vst v5;
	v5 =	vld [tilespmem:$0xC4A0]  }
0x1a4: {  	v60 =	vld [tilespmem:$0xC4C0];
	[tilespmem:$0x48B0] =	vst v57  }
0x1a5: {  	v61 =	vld [tilespmem:$0xC4D0];
	[tilespmem:$0x4900] =	vst v58  }
0x1a6: {  	v62 =	vld [tilespmem:$0xC500];
	[tilespmem:$0x4930] =	vst v59  }
0x1a7: {  	[tilespmem:$0x4910] =	vst v4;
	v4 =	vld [tilespmem:$0xC4E0]  }
0x1a8: {  	[tilespmem:$0x4920] =	vst v5;
	v5 =	vld [tilespmem:$0xC4F0]  }
0x1a9: {  	v63 =	vld [tilespmem:$0xC510];
	[tilespmem:$0x4980] =	vst v60  }
0x1aa: {  	v12 =	vld [tilespmem:$0xC520];
	[tilespmem:$0x4990] =	vst v61  }
0x1ab: {  	v13 =	vld [tilespmem:$0xC550];
	[tilespmem:$0x4A00] =	vst v62  }
0x1ac: {  	[tilespmem:$0x49A0] =	vst v4;
	v4 =	vld [tilespmem:$0xC530]  }
0x1ad: {  	[tilespmem:$0x49B0] =	vst v5;
	v5 =	vld [tilespmem:$0xC540]  }
0x1ae: {  	v14 =	vld [tilespmem:$0xC560];
	[tilespmem:$0x4A10] =	vst v63  }
0x1af: {  	v15 =	vld [tilespmem:$0xC570];
	[tilespmem:$0x4A20] =	vst v12  }
0x1b0: {  	v16 =	vld [tilespmem:$0xC5A0];
	[tilespmem:$0x4A90] =	vst v13  }
0x1b1: {  	[tilespmem:$0x4A30] =	vst v4;
	v4 =	vld [tilespmem:$0xC580]  }
0x1b2: {  	[tilespmem:$0x4A80] =	vst v5;
	v5 =	vld [tilespmem:$0xC590]  }
0x1b3: {  	v17 =	vld [tilespmem:$0xC5B0];
	[tilespmem:$0x4AA0] =	vst v14  }
0x1b4: {  	v18 =	vld [tilespmem:$0xC5C0];
	[tilespmem:$0x4AB0] =	vst v15  }
0x1b5: {  	v19 =	vld [tilespmem:$0xC5F0];
	[tilespmem:$0x4B20] =	vst v16  }
0x1b6: {  	[tilespmem:$0x4B00] =	vst v4;
	v4 =	vld [tilespmem:$0xC5D0]  }
0x1b7: {  	[tilespmem:$0x4B10] =	vst v5;
	v5 =	vld [tilespmem:$0xC5E0]  }
0x1b8: {  	v20 =	vld [tilespmem:$0xC600];
	[tilespmem:$0x4B30] =	vst v17  }
0x1b9: {  	[tilespmem:$0x4B80] =	vst v18;
	v21 =	vld [tilespmem:$0xC610]  }
0x1ba: {  	[tilespmem:$0x4BB0] =	vst v19;
	v22 =	vld [tilespmem:$0xC640]  }
0x1bb: {  	[tilespmem:$0x4B90] =	vst v4;
	v4 =	vld [tilespmem:$0xC620]  }
0x1bc: {  	[tilespmem:$0x4BA0] =	vst v5;
	v5 =	vld [tilespmem:$0xC630]  }
0x1bd: {  	[tilespmem:$0x4C00] =	vst v20;
	v23 =	vld [tilespmem:$0xC650]  }
0x1be: {  	v24 =	vld [tilespmem:$0xC660];
	[tilespmem:$0x4C10] =	vst v21  }
0x1bf: {  	v25 =	vld [tilespmem:$0xC690];
	[tilespmem:$0x4C80] =	vst v22  }
0x1c0: {  	[tilespmem:$0x4C20] =	vst v4;
	v4 =	vld [tilespmem:$0xC670]  }
0x1c1: {  	[tilespmem:$0x4C30] =	vst v5;
	v5 =	vld [tilespmem:$0xC680]  }
0x1c2: {  	v26 =	vld [tilespmem:$0xC6A0];
	[tilespmem:$0x4C90] =	vst v23  }
0x1c3: {  	v27 =	vld [tilespmem:$0xC6B0];
	[tilespmem:$0x4CA0] =	vst v24  }
0x1c4: {  	v28 =	vld [tilespmem:$0xC6E0];
	[tilespmem:$0x4D10] =	vst v25  }
0x1c5: {  	[tilespmem:$0x4CB0] =	vst v4;
	v4 =	vld [tilespmem:$0xC6C0]  }
0x1c6: {  	[tilespmem:$0x4D00] =	vst v5;
	v5 =	vld [tilespmem:$0xC6D0]  }
0x1c7: {  	v29 =	vld [tilespmem:$0xC6F0];
	[tilespmem:$0x4D20] =	vst v26  }
0x1c8: {  	v30 =	vld [tilespmem:$0xC700];
	[tilespmem:$0x4D30] =	vst v27  }
0x1c9: {  	v31 =	vld [tilespmem:$0xC730];
	[tilespmem:$0x4DA0] =	vst v28  }
0x1ca: {  	[tilespmem:$0x4D80] =	vst v4;
	v4 =	vld [tilespmem:$0xC710]  }
0x1cb: {  	[tilespmem:$0x4D90] =	vst v5;
	v5 =	vld [tilespmem:$0xC720]  }
0x1cc: {  	v32 =	vld [tilespmem:$0xC740];
	[tilespmem:$0x4DB0] =	vst v29  }
0x1cd: {  	v33 =	vld [tilespmem:$0xC750];
	[tilespmem:$0x4E00] =	vst v30  }
0x1ce: {  	v34 =	vld [tilespmem:$0xC780];
	[tilespmem:$0x4E30] =	vst v31  }
0x1cf: {  	[tilespmem:$0x4E10] =	vst v4;
	v4 =	vld [tilespmem:$0xC760]  }
0x1d0: {  	[tilespmem:$0x4E20] =	vst v5;
	v5 =	vld [tilespmem:$0xC770]  }
0x1d1: {  	v35 =	vld [tilespmem:$0xC790];
	[tilespmem:$0x4E80] =	vst v32  }
0x1d2: {  	v36 =	vld [tilespmem:$0xC7A0];
	[tilespmem:$0x4E90] =	vst v33  }
0x1d3: {  	v37 =	vld [tilespmem:$0xC7D0];
	[tilespmem:$0x4F00] =	vst v34  }
0x1d4: {  	[tilespmem:$0x4EA0] =	vst v4;
	v4 =	vld [tilespmem:$0xC7B0]  }
0x1d5: {  	[tilespmem:$0x4EB0] =	vst v5;
	v5 =	vld [tilespmem:$0xC7C0]  }
0x1d6: {  	v38 =	vld [tilespmem:$0xC7E0];
	[tilespmem:$0x4F10] =	vst v35  }
0x1d7: {  	v39 =	vld [tilespmem:$0xC7F0];
	[tilespmem:$0x4F20] =	vst v36  }
0x1d8: {  	v40 =	vld [tilespmem:$0xC820];
	[tilespmem:$0x4F90] =	vst v37  }
0x1d9: {  	[tilespmem:$0x4F30] =	vst v4;
	v4 =	vld [tilespmem:$0xC800]  }
0x1da: {  	[tilespmem:$0x4F80] =	vst v5;
	v5 =	vld [tilespmem:$0xC810]  }
0x1db: {  	v41 =	vld [tilespmem:$0xC830];
	[tilespmem:$0x4FA0] =	vst v38  }
0x1dc: {  	v42 =	vld [tilespmem:$0xC840];
	[tilespmem:$0x4FB0] =	vst v39  }
0x1dd: {  	v43 =	vld [tilespmem:$0xC870];
	[tilespmem:$0x5020] =	vst v40  }
0x1de: {  	[tilespmem:$0x5000] =	vst v4;
	v4 =	vld [tilespmem:$0xC850]  }
0x1df: {  	[tilespmem:$0x5010] =	vst v5;
	v5 =	vld [tilespmem:$0xC860]  }
0x1e0: {  	v44 =	vld [tilespmem:$0xC880];
	[tilespmem:$0x5030] =	vst v41  }
0x1e1: {  	v45 =	vld [tilespmem:$0xC890];
	[tilespmem:$0x5080] =	vst v42  }
0x1e2: {  	v46 =	vld [tilespmem:$0xC8C0];
	[tilespmem:$0x50B0] =	vst v43  }
0x1e3: {  	[tilespmem:$0x5090] =	vst v4;
	v4 =	vld [tilespmem:$0xC8A0]  }
0x1e4: {  	[tilespmem:$0x50A0] =	vst v5;
	v5 =	vld [tilespmem:$0xC8B0]  }
0x1e5: {  	v47 =	vld [tilespmem:$0xC8D0];
	[tilespmem:$0x5100] =	vst v44  }
0x1e6: {  	v48 =	vld [tilespmem:$0xC8E0];
	[tilespmem:$0x5110] =	vst v45  }
0x1e7: {  	v49 =	vld [tilespmem:$0xC910];
	[tilespmem:$0x5180] =	vst v46  }
0x1e8: {  	[tilespmem:$0x5120] =	vst v4;
	v4 =	vld [tilespmem:$0xC8F0]  }
0x1e9: {  	[tilespmem:$0x5130] =	vst v5;
	v5 =	vld [tilespmem:$0xC900]  }
0x1ea: {  	v50 =	vld [tilespmem:$0xC920];
	[tilespmem:$0x5190] =	vst v47  }
0x1eb: {  	v51 =	vld [tilespmem:$0xC930];
	[tilespmem:$0x51A0] =	vst v48  }
0x1ec: {  	v52 =	vld [tilespmem:$0xC960];
	[tilespmem:$0x5210] =	vst v49  }
0x1ed: {  	[tilespmem:$0x51B0] =	vst v4;
	v4 =	vld [tilespmem:$0xC940]  }
0x1ee: {  	[tilespmem:$0x5200] =	vst v5;
	v5 =	vld [tilespmem:$0xC950]  }
0x1ef: {  	v53 =	vld [tilespmem:$0xC970];
	[tilespmem:$0x5220] =	vst v50  }
0x1f0: {  	v54 =	vld [tilespmem:$0xC980];
	[tilespmem:$0x5230] =	vst v51  }
0x1f1: {  	v55 =	vld [tilespmem:$0xC9B0];
	[tilespmem:$0x52A0] =	vst v52  }
0x1f2: {  	[tilespmem:$0x5280] =	vst v4;
	v4 =	vld [tilespmem:$0xC990]  }
0x1f3: {  	[tilespmem:$0x5290] =	vst v5;
	v5 =	vld [tilespmem:$0xC9A0]  }
0x1f4: {  	v56 =	vld [tilespmem:$0xC9C0];
	[tilespmem:$0x52B0] =	vst v53  }
0x1f5: {  	v57 =	vld [tilespmem:$0xC9D0];
	[tilespmem:$0x5300] =	vst v54  }
0x1f6: {  	v58 =	vld [tilespmem:$0xCA00];
	[tilespmem:$0x5330] =	vst v55  }
0x1f7: {  	[tilespmem:$0x5310] =	vst v4;
	v4 =	vld [tilespmem:$0xC9E0]  }
0x1f8: {  	[tilespmem:$0x5320] =	vst v5;
	v5 =	vld [tilespmem:$0xC9F0]  }
0x1f9: {  	v59 =	vld [tilespmem:$0xCA10];
	[tilespmem:$0x5380] =	vst v56  }
0x1fa: {  	v60 =	vld [tilespmem:$0xCA20];
	[tilespmem:$0x5390] =	vst v57  }
0x1fb: {  	v61 =	vld [tilespmem:$0xCA50];
	[tilespmem:$0x5400] =	vst v58  }
0x1fc: {  	[tilespmem:$0x53A0] =	vst v4;
	v4 =	vld [tilespmem:$0xCA30]  }
0x1fd: {  	[tilespmem:$0x53B0] =	vst v5;
	v5 =	vld [tilespmem:$0xCA40]  }
0x1fe: {  	v62 =	vld [tilespmem:$0xCA60];
	[tilespmem:$0x5410] =	vst v59  }
0x1ff: {  	v63 =	vld [tilespmem:$0xCA70];
	[tilespmem:$0x5420] =	vst v60  }
0x200: {  	v12 =	vld [tilespmem:$0xCAA0];
	[tilespmem:$0x5490] =	vst v61  }
0x201: {  	[tilespmem:$0x5430] =	vst v4;
	v4 =	vld [tilespmem:$0xCA80]  }
0x202: {  	[tilespmem:$0x5480] =	vst v5;
	v5 =	vld [tilespmem:$0xCA90]  }
0x203: {  	v13 =	vld [tilespmem:$0xCAB0];
	[tilespmem:$0x54A0] =	vst v62  }
0x204: {  	v14 =	vld [tilespmem:$0xCAC0];
	[tilespmem:$0x54B0] =	vst v63  }
0x205: {  	v15 =	vld [tilespmem:$0xCAF0];
	[tilespmem:$0x5520] =	vst v12  }
0x206: {  	[tilespmem:$0x5500] =	vst v4;
	v4 =	vld [tilespmem:$0xCAD0]  }
0x207: {  	[tilespmem:$0x5510] =	vst v5;
	v5 =	vld [tilespmem:$0xCAE0]  }
0x208: {  	v16 =	vld [tilespmem:$0xCB00];
	[tilespmem:$0x5530] =	vst v13  }
0x209: {  	v17 =	vld [tilespmem:$0xCB10];
	[tilespmem:$0x5580] =	vst v14  }
0x20a: {  	v18 =	vld [tilespmem:$0xCB40];
	[tilespmem:$0x55B0] =	vst v15  }
0x20b: {  	[tilespmem:$0x5590] =	vst v4;
	v4 =	vld [tilespmem:$0xCB20]  }
0x20c: {  	[tilespmem:$0x55A0] =	vst v5;
	v5 =	vld [tilespmem:$0xCB30]  }
0x20d: {  	v19 =	vld [tilespmem:$0xCB50];
	[tilespmem:$0x5600] =	vst v16  }
0x20e: {  	v20 =	vld [tilespmem:$0xCB60];
	[tilespmem:$0x5610] =	vst v17  }
0x20f: {  	[tilespmem:$0x5680] =	vst v18;
	v21 =	vld [tilespmem:$0xCB90]  }
0x210: {  	[tilespmem:$0x5620] =	vst v4;
	v4 =	vld [tilespmem:$0xCB70]  }
0x211: {  	[tilespmem:$0x5630] =	vst v5;
	v5 =	vld [tilespmem:$0xCB80]  }
0x212: {  	[tilespmem:$0x5690] =	vst v19;
	v22 =	vld [tilespmem:$0xCBA0]  }
0x213: {  	[tilespmem:$0x56A0] =	vst v20;
	v23 =	vld [tilespmem:$0xCBB0]  }
0x214: {  	v24 =	vld [tilespmem:$0xCBE0];
	[tilespmem:$0x5710] =	vst v21  }
0x215: {  	[tilespmem:$0x56B0] =	vst v4;
	v4 =	vld [tilespmem:$0xCBC0]  }
0x216: {  	[tilespmem:$0x5700] =	vst v5;
	v5 =	vld [tilespmem:$0xCBD0]  }
0x217: {  	v25 =	vld [tilespmem:$0xCBF0];
	[tilespmem:$0x5720] =	vst v22  }
0x218: {  	v26 =	vld [tilespmem:$0xCC00];
	[tilespmem:$0x5730] =	vst v23  }
0x219: {  	v27 =	vld [tilespmem:$0xCC30];
	[tilespmem:$0x57A0] =	vst v24  }
0x21a: {  	[tilespmem:$0x5780] =	vst v4;
	v4 =	vld [tilespmem:$0xCC10]  }
0x21b: {  	[tilespmem:$0x5790] =	vst v5;
	v5 =	vld [tilespmem:$0xCC20]  }
0x21c: {  	v28 =	vld [tilespmem:$0xCC40];
	[tilespmem:$0x57B0] =	vst v25  }
0x21d: {  	v29 =	vld [tilespmem:$0xCC50];
	[tilespmem:$0x5800] =	vst v26  }
0x21e: {  	v30 =	vld [tilespmem:$0xCC80];
	[tilespmem:$0x5830] =	vst v27  }
0x21f: {  	[tilespmem:$0x5810] =	vst v4;
	v4 =	vld [tilespmem:$0xCC60]  }
0x220: {  	[tilespmem:$0x5820] =	vst v5;
	v5 =	vld [tilespmem:$0xCC70]  }
0x221: {  	v31 =	vld [tilespmem:$0xCC90];
	[tilespmem:$0x5880] =	vst v28  }
0x222: {  	v32 =	vld [tilespmem:$0xCCA0];
	[tilespmem:$0x5890] =	vst v29  }
0x223: {  	v33 =	vld [tilespmem:$0xCCD0];
	[tilespmem:$0x5900] =	vst v30  }
0x224: {  	[tilespmem:$0x58A0] =	vst v4;
	v4 =	vld [tilespmem:$0xCCB0]  }
0x225: {  	[tilespmem:$0x58B0] =	vst v5;
	v5 =	vld [tilespmem:$0xCCC0]  }
0x226: {  	v34 =	vld [tilespmem:$0xCCE0];
	[tilespmem:$0x5910] =	vst v31  }
0x227: {  	v35 =	vld [tilespmem:$0xCCF0];
	[tilespmem:$0x5920] =	vst v32  }
0x228: {  	v36 =	vld [tilespmem:$0xCD20];
	[tilespmem:$0x5990] =	vst v33  }
0x229: {  	[tilespmem:$0x5930] =	vst v4;
	v4 =	vld [tilespmem:$0xCD00]  }
0x22a: {  	[tilespmem:$0x5980] =	vst v5;
	v5 =	vld [tilespmem:$0xCD10]  }
0x22b: {  	v37 =	vld [tilespmem:$0xCD30];
	[tilespmem:$0x59A0] =	vst v34  }
0x22c: {  	v38 =	vld [tilespmem:$0xCD40];
	[tilespmem:$0x59B0] =	vst v35  }
0x22d: {  	v39 =	vld [tilespmem:$0xCD70];
	[tilespmem:$0x5A20] =	vst v36  }
0x22e: {  	[tilespmem:$0x5A00] =	vst v4;
	v4 =	vld [tilespmem:$0xCD50]  }
0x22f: {  	[tilespmem:$0x5A10] =	vst v5;
	v5 =	vld [tilespmem:$0xCD60]  }
0x230: {  	v40 =	vld [tilespmem:$0xCD80];
	[tilespmem:$0x5A30] =	vst v37  }
0x231: {  	v41 =	vld [tilespmem:$0xCD90];
	[tilespmem:$0x5A80] =	vst v38  }
0x232: {  	v42 =	vld [tilespmem:$0xCDC0];
	[tilespmem:$0x5AB0] =	vst v39  }
0x233: {  	[tilespmem:$0x5A90] =	vst v4;
	v4 =	vld [tilespmem:$0xCDA0]  }
0x234: {  	[tilespmem:$0x5AA0] =	vst v5;
	v5 =	vld [tilespmem:$0xCDB0]  }
0x235: {  	v43 =	vld [tilespmem:$0xCDD0];
	[tilespmem:$0x5B00] =	vst v40  }
0x236: {  	v44 =	vld [tilespmem:$0xCDE0];
	[tilespmem:$0x5B10] =	vst v41  }
0x237: {  	v45 =	vld [tilespmem:$0xCE10];
	[tilespmem:$0x5B80] =	vst v42  }
0x238: {  	[tilespmem:$0x5B20] =	vst v4;
	v4 =	vld [tilespmem:$0xCDF0]  }
0x239: {  	[tilespmem:$0x5B30] =	vst v5;
	v5 =	vld [tilespmem:$0xCE00]  }
0x23a: {  	v46 =	vld [tilespmem:$0xCE20];
	[tilespmem:$0x5B90] =	vst v43  }
0x23b: {  	v47 =	vld [tilespmem:$0xCE30];
	[tilespmem:$0x5BA0] =	vst v44  }
0x23c: {  	v48 =	vld [tilespmem:$0xCE60];
	[tilespmem:$0x5C10] =	vst v45  }
0x23d: {  	[tilespmem:$0x5BB0] =	vst v4;
	v4 =	vld [tilespmem:$0xCE40]  }
0x23e: {  	[tilespmem:$0x5C00] =	vst v5;
	v5 =	vld [tilespmem:$0xCE50]  }
0x23f: {  	v49 =	vld [tilespmem:$0xCE70];
	[tilespmem:$0x5C20] =	vst v46  }
0x240: {  	v50 =	vld [tilespmem:$0xCE80];
	[tilespmem:$0x5C30] =	vst v47  }
0x241: {  	v51 =	vld [tilespmem:$0xCEB0];
	[tilespmem:$0x5CA0] =	vst v48  }
0x242: {  	[tilespmem:$0x5C80] =	vst v4;
	v4 =	vld [tilespmem:$0xCE90]  }
0x243: {  	[tilespmem:$0x5C90] =	vst v5;
	v5 =	vld [tilespmem:$0xCEA0]  }
0x244: {  	v52 =	vld [tilespmem:$0xCEC0];
	[tilespmem:$0x5CB0] =	vst v49  }
0x245: {  	v53 =	vld [tilespmem:$0xCED0];
	[tilespmem:$0x5D00] =	vst v50  }
0x246: {  	v54 =	vld [tilespmem:$0xCF00];
	[tilespmem:$0x5D30] =	vst v51  }
0x247: {  	[tilespmem:$0x5D10] =	vst v4;
	v4 =	vld [tilespmem:$0xCEE0]  }
0x248: {  	[tilespmem:$0x5D20] =	vst v5;
	v5 =	vld [tilespmem:$0xCEF0]  }
0x249: {  	v55 =	vld [tilespmem:$0xCF10];
	[tilespmem:$0x5D80] =	vst v52  }
0x24a: {  	v56 =	vld [tilespmem:$0xCF20];
	[tilespmem:$0x5D90] =	vst v53  }
0x24b: {  	v57 =	vld [tilespmem:$0xCF50];
	[tilespmem:$0x5E00] =	vst v54  }
0x24c: {  	[tilespmem:$0x5DA0] =	vst v4;
	v4 =	vld [tilespmem:$0xCF30]  }
0x24d: {  	[tilespmem:$0x5DB0] =	vst v5;
	v5 =	vld [tilespmem:$0xCF40]  }
0x24e: {  	v58 =	vld [tilespmem:$0xCF60];
	[tilespmem:$0x5E10] =	vst v55  }
0x24f: {  	v59 =	vld [tilespmem:$0xCF70];
	[tilespmem:$0x5E20] =	vst v56  }
0x250: {  	v60 =	vld [tilespmem:$0xCFA0];
	[tilespmem:$0x5E90] =	vst v57  }
0x251: {  	[tilespmem:$0x5E30] =	vst v4;
	v4 =	vld [tilespmem:$0xCF80]  }
0x252: {  	[tilespmem:$0x5E80] =	vst v5;
	v5 =	vld [tilespmem:$0xCF90]  }
0x253: {  	v61 =	vld [tilespmem:$0xCFB0];
	[tilespmem:$0x5EA0] =	vst v58  }
0x254: {  	v62 =	vld [tilespmem:$0xCFC0];
	[tilespmem:$0x5EB0] =	vst v59  }
0x255: {  	v63 =	vld [tilespmem:$0xCFF0];
	[tilespmem:$0x5F20] =	vst v60  }
0x256: {  	[tilespmem:$0x5F00] =	vst v4;
	v4 =	vld [tilespmem:$0xCFD0]  }
0x257: {  	[tilespmem:$0x5F10] =	vst v5;
	v5 =	vld [tilespmem:$0xCFE0]  }
0x258: {  	[tilespmem:$0x5F30] =	vst v61  }
0x259: {  	[tilespmem:$0x5F80] =	vst v62  }
0x25a: {  	[tilespmem:$0x5FB0] =	vst v63  }
0x25b: {  	[tilespmem:$0x5F90] =	vst v4  }
.Ltmp11:
0x25c: {  	[tilespmem:$0x5FA0] =	vst v5;
	(pc) =	sbr.rel .LBB2_15-.Ltmp11, $4  }
0x25d: {  	[hbm4b:s11+s4] =	stream.linear.scatter [tilespmem:s17], [sflag:$0x5], $0x2000, $0x38;
	[tilespmem:$0xD800] =	vst v63  }
0x25e: {  	_ =	swait.ge [sflag:s23], $0x2000  }
0x25f: {  	[sflag:s23] =	ssyncset.done $0x0  }
0x260: {  	[sflag:s23] =	ssyncadd.s32 $0xFFFFE000  }
.LBB2_16:
0x261: {  	_ =	sfence.sel $0x180000  }
0x262: {  	[bflag:$0x0] =	sbarrier.arrive $0xFFFF  }
0x263: {  	_ =	strace $0x90000047  }
0x264: {  	[bflag:$0x2] =	sbarrier.arrive $0xFFFF  }
0x265: {  	p0 =	sne.s32 s2, $0x0;
	s0 =	rddreg [dreg:$0x3]  }
0x266: {  	s0 =	sadd.s32 @!p0 $0x100000, s0  }
0x267: {  	[sflag:s0] =	ssyncadd.tile.s32 @!p0 $0x1;
	_ =	shalt  }
.Lfunc_end2:
_tile_overlayer_lowered:
.L_overlay_start_2:
0x268: {  	(tag) =	ssettag $0x2  }
0x269: {  	s0 =	rddreg [dreg:$0x0];
	s2 =	stileid.u32  }
0x26a: {  	s1 =	rddreg [dreg:$0x1];
	p0 =	sne.s32 s2, $0x0  }
0x26b: {  	s3 =	rddreg [dreg:$0x2];
	[bflag:$0x3] =	sbarrier.arrive $0xFFFF;
	s2 =	simm.s32 @!p0 $0x1C05  }
0x26c: {  	[timem:s3], [sflag:s2] =	dma.local @!p0 [hbm:s0], s1  }
0x26d: {  	s0 =	simm.s32 @!p0 $0x5  }
0x26e: {  	_ =	swait.ge @!p0 [sflag:s0], s1  }
0x26f: {  	s1 =	ssub.s32 @!p0 $0x0, s1;
	[sflag:s0] =	ssyncset.done @!p0 $0x0  }
0x270: {  	[sflag:s0] =	ssyncadd.s32 @!p0 s1  }
0x271: {  	[bflag:$0x3] =	sbarrier.arrive $0xFFFF  }
0x272: {  	_ =	shalt  }

// kernel: kernel.7.cloned.1.call-start
scs
__scs_entry_jumppad:
0x0: {  	(pc) =	sbr.rel $0x88, $3  }
0x1: {  	(tag) =	ssettag $0x0;
	lr =	simm.s32 $0x1  }
0x2: {  	[smem:$0x3F9E] =	sst lr;
	_ =	strace $0xD0000000  }
0x3: {  	_ = 	snop  }
0x4: {  	_ = 	snop  }
0x5: {  	_ = 	snop  }
0x6: {  	_ = 	snop  }
0x7: {  	_ = 	snop  }
__scs_overlays_trampoline_lowered:
0x8: {  	[smem:$0x3FAD] =	sst s0  }
0x9: {  	[smem:$0x3FAE] =	sst s1  }
0xa: {  	[smem:$0x3FAF] =	sst s2  }
0xb: {  	[smem:$0x3FB0] =	sst s3  }
0xc: {  	[smem:$0x3FB1] =	sst s4  }
0xd: {  	[smem:$0x3FB2] =	sst s5  }
0xe: {  	[smem:$0x3FB3] =	sst s6  }
0xf: {  	[smem:$0x3FB4] =	sst s7  }
0x10: {  	[smem:$0x3FB5] =	sst s8  }
0x11: {  	[smem:$0x3FB6] =	sst s9;
	s0 =	simm.s32 @!p0 $0x0  }
0x12: {  	s1 =	sld [smem:$0x3F9C];
	s0 =	simm.s32 @p0 $0x1  }
0x13: {  	[smem:$0x3FB7] =	sst s0;
	s0 =	simm.s32 @!p1 $0x0  }
0x14: {  	s2 =	sld [smem:$0x3F9B];
	s0 =	simm.s32 @p1 $0x1  }
0x15: {  	[smem:$0x3FB8] =	sst s0;
	s0 =	simm.s32 @!p2 $0x0  }
0x16: {  	s3 =	sld [smem:$0x3FDB];
	s0 =	simm.s32 @p2 $0x1  }
0x17: {  	s4 =	simm.s32 $0x1BF5;
	[smem:$0x3FBA] =	sst s0  }
0x18: {  	s0 =	sld [smem:$0x3F9D];
	_ =	swait.ge [sflag:s4], $0x0  }
0x19: {  	s7 =	sld [smem:$0x3F9E]  }
0x1a: {  	s8 =	sadd.s32 $0xFFFFE003, lr  }
0x1b: {  	s9 =	sadd.s32 $0xFFFFFEF7, lr;
	s5 =	simm.s32 $0xFFFFFFFF;
	p2 =	slt.u32 s8, $0xFFFFF086  }
0x1c: {  	p1 =	slt.u32 s9, $0xF7A;
	s5 =	simm.s32 @!p2 $0x0  }
0x1d: {  	s5 =	simm.s32 @p1 $0x1;
	p0 =	seq.s32 s7, s2  }
0x1e: {  	s7 =	smul.u32 @!p0 $0xF7A, s2;
	p2 =	seq.s32 @!p0 s5, $0x0  }
0x1f: {  	s9 =	smul.u32 $0xF7A, s1;
	s8 =	simm.s32 @!p0 $0x1BF5;
	p2 =	por !p2, p0  }
0x20: {  	[sflag:s8] =	ssyncset.s32 @!p0 $0xFFFFF086;
	s6 =	sadd.s32 @!p0 s3, s7;
	s7 =	simm.s32 @!p0 $0x108  }
0x21: {  	s3 =	sadd.s32 s3, s9;
	s6 =	sadd.s32 @!p0 $0x88, s6;
	s7 =	simm.s32 @p2 $0x1082  }
0x22: {  	[simem:s7], [sflag:s8] =	dma.local @!p0 [hbm:s6], $0xF7A  }
0x23: {  	s9 =	sor.u32 $0xD0000000, s2;
	s6 =	simm.s32 $0x108;
	_ =	swait.ge @!p0 [sflag:s8], $0x0  }
0x24: {  	s3 =	sadd.s32 $0x88, s3;
	s6 =	simm.s32 @!p1 $0x1082;
	[sflag:s4] =	ssyncset.s32 $0xFFFFF086  }
0x25: {  	[simem:s6], [sflag:s4] =	dma.local [hbm:s3], $0xF7A  }
0x26: {  	[smem:$0x3F9E] =	sst s1;
	(tag) =	ssettag s2;
	_ =	strace s9  }
0x27: {  	s1 =	sld [smem:$0x3FAE]  }
0x28: {  	s2 =	sld [smem:$0x3FAF]  }
0x29: {  	s4 =	sld [smem:$0x3FB1]  }
0x2a: {  	p0 =	seq.s32 s5, $0x0;
	s5 =	sld [smem:$0x3FB2]  }
0x2b: {  	s6 =	sld [smem:$0x3FB3]  }
0x2c: {  	s7 =	sld [smem:$0x3FB4]  }
0x2d: {  	s3 =	simm.s32 $0x108;
	s8 =	sld [smem:$0x3FB5]  }
0x2e: {  	s3 =	simm.s32 @!p0 $0x1082;
	s9 =	sld [smem:$0x3FB6]  }
0x2f: {  	lr =	sadd.s32 s0, s3;
	s0 =	sld [smem:$0x3FAD]  }
0x30: {  	s3 =	sld [smem:$0x3FB0]  }
0x31: {  	[smem:$0x3FB9] =	sst s10  }
0x32: {  	s10 =	sld [smem:$0x3FB7];
	_ =	sdelay $0x3  }
0x33: {  	p0 =	seq.s32 s10, $0x1;
	s10 =	sld [smem:$0x3FB9];
	_ =	sdelay $0x3  }
0x34: {  	[smem:$0x3FB9] =	sst s10  }
0x35: {  	s10 =	sld [smem:$0x3FB8];
	_ =	sdelay $0x3  }
0x36: {  	p1 =	seq.s32 s10, $0x1;
	s10 =	sld [smem:$0x3FB9];
	_ =	sdelay $0x3  }
0x37: {  	[smem:$0x3FB9] =	sst s10  }
0x38: {  	s10 =	sld [smem:$0x3FBA]  }
0x39: {  	_ = 	snop;
	(pc) =	sbr.ind lr, $3  }
0x3a: {  	_ = 	snop  }
0x3b: {  	_ = 	snop  }
0x3c: {  	p2 =	seq.s32 s10, $0x1;
	s10 =	sld [smem:$0x3FB9]  }
0x3d: {  	_ =	shalt  }
0x3e: {  	_ =	shalt  }
0x3f: {  	_ =	shalt  }
0x40: {  	_ =	shalt  }
0x41: {  	_ =	shalt  }
0x42: {  	_ =	shalt  }
0x43: {  	_ =	shalt  }
0x44: {  	_ =	shalt  }
0x45: {  	_ =	shalt  }
0x46: {  	_ =	shalt  }
0x47: {  	_ =	shalt  }
0x48: {  	_ =	shalt  }
0x49: {  	_ =	shalt  }
0x4a: {  	_ =	shalt  }
0x4b: {  	_ =	shalt  }
0x4c: {  	_ =	shalt  }
0x4d: {  	_ =	shalt  }
0x4e: {  	_ =	shalt  }
0x4f: {  	_ =	shalt  }
0x50: {  	_ =	shalt  }
0x51: {  	_ =	shalt  }
0x52: {  	_ =	shalt  }
0x53: {  	_ =	shalt  }
0x54: {  	_ =	shalt  }
0x55: {  	_ =	shalt  }
0x56: {  	_ =	shalt  }
0x57: {  	_ =	shalt  }
0x58: {  	_ =	shalt  }
0x59: {  	_ =	shalt  }
0x5a: {  	_ =	shalt  }
0x5b: {  	_ =	shalt  }
0x5c: {  	_ =	shalt  }
0x5d: {  	_ =	shalt  }
0x5e: {  	_ =	shalt  }
0x5f: {  	_ =	shalt  }
0x60: {  	_ =	shalt  }
0x61: {  	_ =	shalt  }
0x62: {  	_ =	shalt  }
0x63: {  	_ =	shalt  }
0x64: {  	_ =	shalt  }
0x65: {  	_ =	shalt  }
0x66: {  	_ =	shalt  }
0x67: {  	_ =	shalt  }
0x68: {  	_ =	shalt  }
0x69: {  	_ =	shalt  }
0x6a: {  	_ =	shalt  }
0x6b: {  	_ =	shalt  }
0x6c: {  	_ =	shalt  }
0x6d: {  	_ =	shalt  }
0x6e: {  	_ =	shalt  }
0x6f: {  	_ =	shalt  }
0x70: {  	_ =	shalt  }
0x71: {  	_ =	shalt  }
0x72: {  	_ =	shalt  }
0x73: {  	_ =	shalt  }
0x74: {  	_ =	shalt  }
0x75: {  	_ =	shalt  }
0x76: {  	_ =	shalt  }
0x77: {  	_ =	shalt  }
0x78: {  	_ =	shalt  }
0x79: {  	_ =	shalt  }
0x7a: {  	_ =	shalt  }
0x7b: {  	_ =	shalt  }
0x7c: {  	_ =	shalt  }
0x7d: {  	_ =	shalt  }
0x7e: {  	_ =	shalt  }
0x7f: {  	_ =	shalt  }
0x80: {  	_ =	shalt  }
0x81: {  	_ =	shalt  }
0x82: {  	_ =	shalt  }
0x83: {  	_ =	shalt  }
0x84: {  	_ =	shalt  }
0x85: {  	_ =	shalt  }
0x86: {  	_ =	shalt  }
0x87: {  	_ =	shalt  }
.Lfunc_end0:
.L_simem_size_0:
called_computation.1_lowered:
.L_overlay_start_0:
0x88: {  	s2 =	sld [smem:$0x3FD9]  }
0x89: {  	s3 =	sld [smem:$0x3FFE];
	_ =	sdelay $0x1  }
0x8a: {  	s1 =	srdreg.scid  }
0x8b: {  	s0 =	sand.u32 $0x1, s1  }
0x8c: {  	s17 =	sshll.u32 s0, $0xA;
	s2 =	sadd.s32 s3, s2  }
0x8d: {  	s2 =	sadd.s32 s2, s17  }
0x8e: {  	[smem:$0x3FC5] =	sst s2  }
0x8f: {  	_ = 	snop  }
0x90: {  	s2 =	sld [smem:$0x3FC7]  }
0x91: {  	s18 =	sld [smem:$0x3FD0];
	(tm) =	ssettm $0x1  }
0x92: {  	s4 =	sld [smem:$0x3FFB];
	_ =	sdelay $0x3  }
0x93: {  	_ =	strace s4  }
0x94: {  	s4 =	sld [smem:$0x3FFC];
	_ =	sdelay $0x3  }
0x95: {  	_ =	strace s4  }
0x96: {  	s4 =	sld [smem:$0x3FFD];
	_ =	sdelay $0x3  }
0x97: {  	_ =	strace s4  }
0x98: {  	_ =	strace $0x8FFFFFFF  }
0x99: {  	s19 =	sld [smem:$0x3FDB];
	_ =	sdelay $0x1  }
0x9a: {  	s5 =	simm.s32 $_scs_section_size  }
0x9b: {  	s6 =	simm.s32 $_size__tile_overlayer_lowered;
	s7 =	simm.s32 $_tile_overlayer_lowered  }
0x9c: {  	s22 =	simm.s32 $0x1BFF;
	s21 =	sshll.u32 s7, $0x1;
	s4 =	sadd.s32 s5, s19  }
0x9d: {  	s8 =	simm.s32 $0x0;
	s20 =	sshll.u32 s6, $0x1;
	s6 =	sadd.s32 s21, s4  }
0x9e: {  	[timem:s8], [sflag:s22] =	dma.local [hbm:s6], s20  }
0x9f: {  	_ =	swait.ge [sflag:s22], s20  }
0xa0: {  	s5 =	ssub.s32 $0x0, s20;
	[sflag:s22] =	ssyncset.done $0x0  }
0xa1: {  	[sflag:s22] =	ssyncadd.s32 s5;
	_ =	sdelay $0x1  }
0xa2: {  	s23 =	simm.s32 $0x1B8B  }
0xa3: {  	_ =	swait.ge [sflag:s23], $0x1  }
0xa4: {  	[sflag:s23] =	ssyncset.done $0x0  }
0xa5: {  	s25 =	simm.s32 $0x1B8E;
	s24 =	sld [smem:$0x3FFE];
	[sflag:s23] =	ssyncadd.s32 $0xFFFFFFFF  }
0xa6: {  	s26 =	simm.s32 $execute0_lowered;
	[smem:$0x3FD2] =	sst s25  }
0xa7: {  	s6 =	sshll.u32 s26, $0x1;
	_ =	strace $0x80000049;
	[dreg:$0x1] =	wrdreg $0xFFFFFFFF  }
0xa8: {  	s28 =	simm.s32 $_size_execute0_lowered;
	s4 =	sadd.s32 s4, s6;
	[dreg:$0x0] =	wrdreg $0x0  }
0xa9: {  	s6 =	sshll.u32 s28, $0x1;
	[dreg:$0x2] =	wrdreg s4  }
0xaa: {  	[dreg:$0x3] =	wrdreg s6  }
0xab: {  	[dreg:$0x4] =	wrdreg $0xC0  }
0xac: {  	_ =	task [dreg:s8], $0x5FFFF  }
0xad: {  	[dreg:$0x1] =	wrdreg $0xFFFFFFFF  }
0xae: {  	[dreg:$0x0] =	wrdreg $0x60  }
0xaf: {  	[dreg:$0x2] =	wrdreg s24  }
0xb0: {  	[dreg:$0x3] =	wrdreg s2  }
0xb1: {  	[dreg:$0x4] =	wrdreg s18  }
0xb2: {  	[dreg:$0x5] =	wrdreg $0x9  }
0xb3: {  	_ =	task.clear_ibuf [dreg:s8], $0x6FFFF;
	_ =	strace $0x90000049  }
0xb4: {  	s29 =	simm.s32 $0x9;
	_ =	strace $0x8000004B  }
0xb5: {  	_ =	swait.ge [sflag:s29], $0x1  }
0xb6: {  	[sflag:s29] =	ssyncadd.s32 $0xFFFFFFFF  }
0xb7: {  	_ =	strace $0x9000004B  }
0xb8: {  	_ =	sfence  }
0xb9: {  	s30 =	sld [smem:$0x0];
	_ =	sdelay $0x2  }
0xba: {  	s31 =	sshll.u32 s1, $0xD;
	s1 =	sshrl.u32 s1, $0x2  }
0xbb: {  	s3 =	sand.u32 $0x4000, s31;
	s1 =	sadd.s32 s1, s30  }
0xbc: {  	s0 =	sor.u32 s3, s0;
	s1 =	sshll.u32 s1, $0x11  }
0xbd: {  	s0 =	sor.u32 s1, s0  }
0xbe: {  	s0 =	sadd.s32 $0x8F2B, s0  }
0xbf: {  	[sflag:s0] =	ssyncadd.remote.s32 $0x1  }
0xc0: {  	_ =	sfence.sel $0xFFFF  }
0xc1: {  	[dreg:$0x0] =	wrdreg $0xFFFFFFFF;
	(pc) =	sbr.abs _section_cstart, $3  }
0xc2: {  	[dreg:$0x1] =	wrdreg $0xFFFFFFFF  }
0xc3: {  	_ =	task.clear_ibuf [dreg:s8], $0x2FFFF;
	_ =	strace $0x9FFFFFFF  }
0xc4: {  	(tm) =	ssettm $0x7FFFFFFF  }
0xc5: {  	_ =	shalt  }
tec
execute0_lowered:
.L_overlay_start_1:
0x0: {  	(tag) =	ssettag $0x1  }
0x1: {  	s0 =	rddreg [dreg:$0x0]  }
0x2: {  	s8 =	rddreg [dreg:$0x1]  }
0x3: {  	s2 =	rddreg [dreg:$0x2];
	s3 =	simm.s32 $0x0  }
0x4: {  	s1 =	srdreg.scid;
	s6 =	stileid.u32;
	s16 =	simm.s32 $0x400  }
0x5: {  	s17 =	simm.s32 $0x1000;
	s19 =	simm.s32 $0x5;
	s28 =	simm.s32 $0x10100  }
0x6: {  	s29 =	simm.s32 $0x2;
	s30 =	simm.s32 $0x12100;
	s31 =	simm.s32 $0x3  }
0x7: {  	[smem:$0x7FF] =	sst s3;
	s5 =	sadd.s32 $0xF42E00, s0;
	s1 =	sand.u32 $0x1, s1  }
0x8: {  	s7 =	sshll.u32 s6, $0xF;
	s6 =	sadd.s32 $0xA00, s0;
	s23 =	sadd.s32 $0x80, s8  }
0x9: {  	s25 =	sadd.s32 $0x100, s8;
	_ =	strace $0x8000004A;
	[dreg:$0x4] =	wrdreg s23  }
0xa: {  	s26 =	sadd.s32 $0x180, s8;
	s4 =	ssub.s32 $0x2, s1;
	[dreg:$0x5] =	wrdreg s25  }
0xb: {  	s1 =	sshll.u32 s1, $0xE;
	[dreg:$0x6] =	wrdreg s26;
	s23 =	simm.s32 $0x80  }
0xc: {  	v0 =	vlaneseq.u32;
	s25 =	simm.s32 $0x4100;
	s26 =	simm.s32 $0x1;
	s7 =	sor.u32 s1, s7  }
.Ltmp0:
0xd: {  	v0 =	vmul.u32 $0x80, v0;
	s22 =	sshrl.u32 s4, $0x1;
	s24 =	sshrl.u32 s7, $0x3;
	(pc) =	sbr.rel .LBB2_1-.Ltmp0, $4  }
0xe: {  	s0 =	ssub.s32 s4, s22;
	s13 =	sor.u32 $0x100, s7;
	s1 =	sadd.s32 s5, s24  }
0xf: {  	v1 =	vor.u32 $0x800, v0;
	s14 =	sor.u32 $0x180, s7;
	s0 =	smax.u32 s0, $0x1;
	[dreg:$0x7] =	wrdreg s1  }
0x10: {  	v2 =	vor.u32 $0x1000, v0;
	v3 =	vor.u32 $0x1800, v0;
	v4 =	vor.u32 $0x2000, v0;
	s4 =	simm.s32 $0x0;
	s1 =	sadd.s32 $0x10, s1;
	[dreg:$0x9] =	wrdreg s0  }
0x11: {  	v5 =	vor.u32 $0x2800, v0;
	v6 =	vor.u32 $0x3000, v0;
	v7 =	vor.u32 $0x3800, v0;
	s24 =	simm.s32 $0x100;
	s0 =	simm.s32 $0x4;
	[dreg:$0x8] =	wrdreg s1  }
.LBB2_10:
0x12: {  	_ =	swait.ge [sflag:s31], $0x2000  }
0x13: {  	[sflag:s31] =	ssyncset.done $0x0  }
0x14: {  	[sflag:s31] =	ssyncadd.s32 $0xFFFFE000  }
0x15: {  	_ =	swait.ge [sflag:s0], $0x2000  }
0x16: {  	s4 =	sadd.s32 $0x1, s4;
	s1 =	rddreg [dreg:$0x9]  }
0x17: {  	p0 =	sne.s32 s4, s1  }
.Ltmp1:
0x18: {  	_ = 	snop;
	(pc) =	sbr.rel @!p0 .LBB2_11-.Ltmp1, $3  }
0x19: {  	_ =	sdelay $0x1  }
0x1a: {  	[sflag:s0] =	ssyncset.done $0x0  }
0x1b: {  	[sflag:s0] =	ssyncadd.s32 $0xFFFFE000  }
.LBB2_1:
0x1c: {  	s1 =	rddreg [dreg:$0x1];
	s8 =	simm.s32 $0x8100  }
0x1d: {  	[tilespmem:s8], [sflag:$0x5] =	stream.strided.gather [hbm4b:s1+s16], $0x2000, s17, s16, $0x38;
	[tilespmem:$0x14500] =	vst v63  }
0x1e: {  	_ =	swait.ge [sflag:s19], $0x2000  }
0x1f: {  	[sflag:s19] =	ssyncset.done $0x0  }
0x20: {  	s11 =	simm.s32 $0xA100;
	s10 =	rddreg [dreg:$0x4];
	[sflag:s19] =	ssyncadd.s32 $0xFFFFE000  }
0x21: {  	[tilespmem:s11], [sflag:$0x5] =	stream.strided.gather [hbm4b:s10+s16], $0x2000, s17, s16, $0x38;
	[tilespmem:$0x14500] =	vst v63  }
0x22: {  	_ =	swait.ge [sflag:s19], $0x2000  }
0x23: {  	[sflag:s19] =	ssyncset.done $0x0  }
0x24: {  	s15 =	simm.s32 $0xC100;
	s12 =	rddreg [dreg:$0x5];
	[sflag:s19] =	ssyncadd.s32 $0xFFFFE000  }
0x25: {  	[tilespmem:s15], [sflag:$0x5] =	stream.strided.gather [hbm4b:s12+s16], $0x2000, s17, s16, $0x38;
	[tilespmem:$0x14500] =	vst v63  }
0x26: {  	_ =	swait.ge [sflag:s19], $0x2000  }
0x27: {  	[sflag:s19] =	ssyncset.done $0x0  }
0x28: {  	s20 =	simm.s32 $0xE100;
	s18 =	rddreg [dreg:$0x6];
	[sflag:s19] =	ssyncadd.s32 $0xFFFFE000  }
0x29: {  	[tilespmem:s20], [sflag:$0x5] =	stream.strided.gather [hbm4b:s18+s16], $0x2000, s17, s16, $0x38;
	[tilespmem:$0x14500] =	vst v63  }
0x2a: {  	_ =	swait.ge [sflag:s19], $0x2000  }
0x2b: {  	s21 =	simm.s32 $0x3;
	[sflag:s19] =	ssyncset.done $0x0  }
0x2c: {  	s9 =	simm.s32 $0x1;
	s1 =	simm.s32 $0x14120;
	v8 =	vmov s21;
	[sflag:s19] =	ssyncadd.s32 $0xFFFFE000  }
0x2d: {  	v9 =	vmov s9;
	[tilespmem:s1+$0x10] =	vst v8  }
0x2e: {  	s22 =	simm.s32 $0x2;
	v63 =	vmov s3;
	[tilespmem:s1+$0xFFFFFFF0] =	vst v9  }
0x2f: {  	v8 =	vmov s22;
	[tilespmem:s1+$0xFFFFFFE0] =	vst v63  }
0x30: {  	s8 =	simm.s32 $0x4;
	[tilespmem:s1+$0x0] =	vst v8  }
.LBB2_2:
0x31: {  	s9 =	sadd.s32 $0x3, s8  }
0x32: {  	p0 =	slt.u32 s8, $0x3C;
	s10 =	smov.u32 s8;
	s8 =	sadd.s32 $0x4, s8  }
.Ltmp2:
0x33: {  	s1 =	sadd.s32 $0x40, s1;
	s11 =	sadd.s32 $0x1, s10;
	v8 =	vmov s9;
	(pc) =	sbr.rel @p0 .LBB2_2-.Ltmp2, $4  }
0x34: {  	s9 =	sadd.s32 $0x2, s10;
	v9 =	vmov s11;
	[tilespmem:s1+$0x10] =	vst v8  }
0x35: {  	v8 =	vmov s9;
	[tilespmem:s1+$0xFFFFFFF0] =	vst v9  }
0x36: {  	v9 =	vmov s10;
	[tilespmem:s1+$0x0] =	vst v8  }
0x37: {  	[tilespmem:s1+$0xFFFFFFE0] =	vst v9  }
0x38: {  	s18 =	simm.s32 $0x0;
	s1 =	rddreg [dreg:$0x7]  }
0x39: {  	[tilespmem:s18], [sflag:$0x5] =	stream.linear.gather [hbm4b:s1+s18], $0x80, $0x38;
	[tilespmem:$0x14500] =	vst v63  }
0x3a: {  	_ =	swait.ge [sflag:s19], $0x80  }
0x3b: {  	[sflag:s19] =	ssyncset.done $0x0  }
0x3c: {  	[sflag:s19] =	ssyncadd.s32 $0xFFFFFF80  }
0x3d: {  	[tilespmem:s24], [sflag:$0x1] =	stream.indirect.gather [hbm4b:s6+s23], $0x80, s18, s23, $0xb8;
	[tilespmem:$0x14500] =	vst v63  }
0x3e: {  	s22 =	rddreg [dreg:$0x8]  }
0x3f: {  	[tilespmem:s23], [sflag:$0x5] =	stream.linear.gather [hbm4b:s22+s18], $0x80, $0x38;
	[tilespmem:$0x14500] =	vst v63  }
0x40: {  	_ =	swait.ge [sflag:s19], $0x80  }
0x41: {  	[sflag:s19] =	ssyncset.done $0x0  }
0x42: {  	p0 =	por $0x0, $0x0;
	[sflag:s19] =	ssyncadd.s32 $0xFFFFFF80  }
0x43: {  	[tilespmem:s25], [sflag:$0x2] =	stream.indirect.gather [hbm4b:s6+s23], $0x80, s23, s23, $0xb8;
	[tilespmem:$0x14500] =	vst v63  }
.LBB2_4:
0x44: {  	_ =	swait.ge [sflag:s26], $0x4000  }
0x45: {  	p1 =	seq.s32 s18, $0x0;
	[sflag:s26] =	ssyncset.done $0x0  }
0x46: {  	s1 =	simm.s32 @!p1 $0x3;
	[sflag:s26] =	ssyncadd.s32 $0xFFFFC000  }
0x47: {  	_ =	swait.ge @!p1 [sflag:s1], $0x2000  }
0x48: {  	[sflag:s1] =	ssyncset.done @!p1 $0x0  }
0x49: {  	s8 =	simm.s32 $0x14120;
	[sflag:s1] =	ssyncadd.s32 @!p1 $0xFFFFE000  }
0x4a: {  	v12 =	vld [tilespmem:s8+$0x10];
	_ =	sdelay $0x4  }
0x4b: {  	s1 =	simm.s32 $0x1;
	v8 =	vadd.s32 v0, v12  }
0x4c: {  	s1 =	simm.s32 @!p0 $0x0  }
0x4d: {  	v10 =	vld [tilespmem:s8+$0xFFFFFFE0];
	s1 =	sshll.u32 s1, $0xE  }
0x4e: {  	s12 =	sor.u32 $0x8200, s1  }
0x4f: {  	v13 =	vld [tilespmem:s12+$0x80]  }
0x50: {  	v8 =	vld.idx.msk [tilespmem:v8+s24+$0x0], $0xffff  }
0x51: {  	v11 =	vld [tilespmem:s8+$0xFFFFFFF0]  }
0x52: {  	v14 =	vadd.s32 v0, v10  }
0x53: {  	v9 =	vld [tilespmem:s8+$0x0];
	v15 =	vadd.s32 v1, v12;
	_ =	sdelay $0x1  }
0x54: {  	v8 =	vadd.f32 v13, v8  }
0x55: {  	s8 =	simm.s32 $0x10200;
	v17 =	vld [tilespmem:s12+$0xFFFFFF00];
	v16 =	vadd.s32 v0, v11  }
0x56: {  	v13 =	vld.idx.msk [tilespmem:v14+s24+$0x0], $0xffff;
	[tilespmem:s8+$0x80] =	vst v8  }
0x57: {  	v14 =	vadd.s32 v0, v9;
	v8 =	vld.idx.msk [tilespmem:v15+s24+$0x0], $0xffff  }
0x58: {  	v15 =	vld [tilespmem:s12+$0x90]  }
0x59: {  	v19 =	vld [tilespmem:s12+$0xFFFFFF80];
	v18 =	vadd.s32 v1, v10  }
0x5a: {  	v16 =	vld.idx.msk [tilespmem:v16+s24+$0x0], $0xffff  }
0x5b: {  	v20 =	vld [tilespmem:s12+$0x0];
	v13 =	vadd.f32 v17, v13;
	v17 =	vadd.s32 v2, v12  }
0x5c: {  	v14 =	vld.idx.msk [tilespmem:v14+s24+$0x0], $0xffff  }
0x5d: {  	v21 =	vadd.s32 v1, v11;
	[tilespmem:s8+$0xFFFFFF00] =	vst v13;
	v8 =	vadd.f32 v15, v8  }
0x5e: {  	v13 =	vld.idx.msk [tilespmem:v18+s24+$0x0], $0xffff  }
0x5f: {  	v16 =	vadd.f32 v19, v16;
	v15 =	vadd.s32 v1, v9;
	v18 =	vld [tilespmem:s12+$0xFFFFFF10];
	[tilespmem:s8+$0x90] =	vst v8  }
0x60: {  	v8 =	vld.idx.msk [tilespmem:v17+s24+$0x0], $0xffff  }
0x61: {  	[tilespmem:s8+$0xFFFFFF80] =	vst v16;
	v14 =	vadd.f32 v20, v14;
	v16 =	vld [tilespmem:s12+$0xA0]  }
0x62: {  	v17 =	vld.idx.msk [tilespmem:v21+s24+$0x0], $0xffff  }
0x63: {  	v19 =	vadd.s32 v2, v10;
	[tilespmem:s8+$0x0] =	vst v14;
	v14 =	vld [tilespmem:s12+$0xFFFFFF90]  }
0x64: {  	v20 =	vadd.s32 v3, v12;
	v15 =	vld.idx.msk [tilespmem:v15+s24+$0x0], $0xffff  }
0x65: {  	v21 =	vld [tilespmem:s12+$0x10];
	v13 =	vadd.f32 v18, v13  }
0x66: {  	v18 =	vadd.s32 v2, v11;
	v8 =	vadd.f32 v16, v8  }
0x67: {  	[tilespmem:s8+$0xFFFFFF10] =	vst v13  }
0x68: {  	v16 =	vld.idx.msk [tilespmem:v19+s24+$0x0], $0xffff;
	v14 =	vadd.f32 v14, v17;
	[tilespmem:s8+$0xA0] =	vst v8  }
0x69: {  	v8 =	vld.idx.msk [tilespmem:v20+s24+$0x0], $0xffff  }
0x6a: {  	v13 =	vadd.s32 v2, v9;
	[tilespmem:s8+$0xFFFFFF90] =	vst v14;
	v14 =	vadd.f32 v21, v15;
	v15 =	vld [tilespmem:s12+$0xB0]  }
0x6b: {  	v17 =	vld.idx.msk [tilespmem:v18+s24+$0x0], $0xffff  }
0x6c: {  	v18 =	vld [tilespmem:s12+$0xFFFFFF20]  }
0x6d: {  	[tilespmem:s8+$0x10] =	vst v14;
	v14 =	vadd.s32 v4, v12  }
0x6e: {  	v19 =	vld [tilespmem:s12+$0xFFFFFFA0]  }
0x6f: {  	v20 =	vadd.s32 v3, v10;
	v13 =	vld.idx.msk [tilespmem:v13+s24+$0x0], $0xffff;
	v8 =	vadd.f32 v15, v8  }
0x70: {  	v21 =	vld [tilespmem:s12+$0x20]  }
0x71: {  	v15 =	vadd.s32 v3, v11;
	v16 =	vadd.f32 v18, v16;
	[tilespmem:s8+$0xB0] =	vst v8  }
0x72: {  	v14 =	vld.idx.msk [tilespmem:v14+s24+$0x0], $0xffff  }
0x73: {  	v8 =	vadd.s32 v3, v9;
	[tilespmem:s8+$0xFFFFFF20] =	vst v16;
	v16 =	vadd.f32 v19, v17;
	v17 =	vld [tilespmem:s12+$0xC0]  }
0x74: {  	v18 =	vld.idx.msk [tilespmem:v20+s24+$0x0], $0xffff  }
0x75: {  	v13 =	vadd.f32 v21, v13;
	v19 =	vld [tilespmem:s12+$0xFFFFFF30];
	[tilespmem:s8+$0xFFFFFFA0] =	vst v16  }
0x76: {  	v15 =	vld.idx.msk [tilespmem:v15+s24+$0x0], $0xffff  }
0x77: {  	[tilespmem:s8+$0x20] =	vst v13;
	v13 =	vadd.s32 v5, v12;
	v20 =	vld [tilespmem:s12+$0xFFFFFFB0]  }
0x78: {  	v8 =	vld.idx.msk [tilespmem:v8+s24+$0x0], $0xffff  }
0x79: {  	v16 =	vadd.s32 v4, v10;
	v14 =	vadd.f32 v17, v14;
	v17 =	vld [tilespmem:s12+$0x30];
	_ =	sdelay $0x1  }
0x7a: {  	v18 =	vadd.f32 v19, v18;
	[tilespmem:s8+$0xC0] =	vst v14;
	v14 =	vadd.s32 v4, v11  }
0x7b: {  	v19 =	vadd.s32 v4, v9;
	v13 =	vld.idx.msk [tilespmem:v13+s24+$0x0], $0xffff  }
0x7c: {  	[tilespmem:s8+$0xFFFFFF30] =	vst v18;
	v18 =	vld [tilespmem:s12+$0xD0];
	v15 =	vadd.f32 v20, v15  }
0x7d: {  	v16 =	vld.idx.msk [tilespmem:v16+s24+$0x0], $0xffff;
	v8 =	vadd.f32 v17, v8  }
0x7e: {  	v20 =	vld [tilespmem:s12+$0xFFFFFF40];
	[tilespmem:s8+$0xFFFFFFB0] =	vst v15  }
0x7f: {  	v15 =	vadd.s32 v6, v12;
	v14 =	vld.idx.msk [tilespmem:v14+s24+$0x0], $0xffff;
	[tilespmem:s8+$0x30] =	vst v8  }
0x80: {  	v17 =	vld.idx.msk [tilespmem:v19+s24+$0x0], $0xffff  }
0x81: {  	v8 =	vadd.s32 v5, v10;
	v13 =	vadd.f32 v18, v13;
	v18 =	vld [tilespmem:s12+$0xFFFFFFC0]  }
0x82: {  	s9 =	simm.s32 $0x14160;
	v21 =	vld [tilespmem:s12+$0x40]  }
0x83: {  	v16 =	vadd.f32 v20, v16;
	v20 =	vld [tilespmem:s9+$0xFFFFFFE0];
	[tilespmem:s8+$0xD0] =	vst v13  }
0x84: {  	v13 =	vld.idx.msk [tilespmem:v15+s24+$0x0], $0xffff  }
0x85: {  	[tilespmem:s8+$0xFFFFFF40] =	vst v16;
	v15 =	vld [tilespmem:s12+$0xE0]  }
0x86: {  	v22 =	vadd.s32 v5, v11;
	v16 =	vld.idx.msk [tilespmem:v8+s24+$0x0], $0xffff  }
0x87: {  	v8 =	vld [tilespmem:s9+$0x10]  }
0x88: {  	v24 =	vadd.s32 v5, v9;
	v19 =	vld [tilespmem:s9+$0x0];
	v14 =	vadd.f32 v18, v14  }
0x89: {  	v23 =	vld [tilespmem:s12+$0xFFFFFF50]  }
0x8a: {  	v18 =	vld [tilespmem:s9+$0xFFFFFFF0];
	[tilespmem:s8+$0xFFFFFFC0] =	vst v14;
	v14 =	vadd.f32 v21, v17  }
0x8b: {  	s10 =	sadd.s32 $0x200, s12;
	v13 =	vadd.f32 v15, v13;
	v15 =	vld.idx.msk [tilespmem:v22+s24+$0x0], $0xffff;
	v22 =	vadd.s32 v0, v20  }
0x8c: {  	v27 =	vld [tilespmem:s10+$0x80];
	v17 =	vadd.s32 v0, v8;
	[tilespmem:s8+$0x40] =	vst v14  }
0x8d: {  	v21 =	vld.idx.msk [tilespmem:v24+s24+$0x0], $0xffff  }
0x8e: {  	v24 =	vld [tilespmem:s12+$0xFFFFFFD0]  }
0x8f: {  	v25 =	vadd.s32 v0, v19;
	v16 =	vadd.f32 v23, v16;
	v23 =	vld [tilespmem:s10+$0xFFFFFF00]  }
0x90: {  	v14 =	vadd.s32 v0, v18;
	v22 =	vld.idx.msk [tilespmem:v22+s24+$0x0], $0xffff  }
0x91: {  	v17 =	vld.idx.msk [tilespmem:v17+s24+$0x0], $0xffff  }
0x92: {  	v31 =	vld [tilespmem:s10+$0xFFFFFF80];
	v12 =	vadd.s32 v7, v12  }
0x93: {  	v28 =	vadd.s32 v6, v10;
	v26 =	vld [tilespmem:s12+$0x50];
	v15 =	vadd.f32 v24, v15  }
0x94: {  	v32 =	vadd.s32 v1, v20;
	[tilespmem:s8+$0xE0] =	vst v13;
	v25 =	vld.idx.msk [tilespmem:v25+s24+$0x0], $0xffff  }
0x95: {  	v29 =	vadd.s32 v1, v8;
	v14 =	vld.idx.msk [tilespmem:v14+s24+$0x0], $0xffff;
	[tilespmem:s8+$0xFFFFFFD0] =	vst v15;
	v15 =	vadd.f32 v23, v22  }
0x96: {  	s9 =	simm.s32 $0x10400;
	[tilespmem:s8+$0xFFFFFF50] =	vst v16;
	v16 =	vld [tilespmem:s10+$0x0];
	v17 =	vadd.f32 v27, v17  }
0x97: {  	v12 =	vld.idx.msk [tilespmem:v12+s24+$0x0], $0xffff;
	[tilespmem:s9+$0xFFFFFF00] =	vst v15  }
0x98: {  	v24 =	vadd.s32 v1, v18;
	[tilespmem:s9+$0x80] =	vst v17;
	v17 =	vld.idx.msk [tilespmem:v28+s24+$0x0], $0xffff  }
0x99: {  	v57 =	vadd.s32 v1, v19;
	v23 =	vld.idx.msk [tilespmem:v32+s24+$0x0], $0xffff  }
0x9a: {  	v21 =	vadd.f32 v26, v21;
	v14 =	vadd.f32 v31, v14;
	v26 =	vld.idx.msk [tilespmem:v29+s24+$0x0], $0xffff  }
0x9b: {  	v27 =	vadd.s32 v6, v9;
	v15 =	vadd.f32 v16, v25;
	v22 =	vld [tilespmem:s10+$0x90]  }
0x9c: {  	v25 =	vld [tilespmem:s10+$0xFFFFFF10];
	[tilespmem:s9+$0xFFFFFF80] =	vst v14  }
0x9d: {  	[tilespmem:s9+$0x0] =	vst v15;
	v24 =	vld.idx.msk [tilespmem:v24+s24+$0x0], $0xffff  }
0x9e: {  	v14 =	vadd.s32 v2, v8;
	v15 =	vld.idx.msk [tilespmem:v57+s24+$0x0], $0xffff  }
0x9f: {  	[tilespmem:s8+$0x50] =	vst v21;
	v59 =	vld [tilespmem:s10+$0x10]  }
0xa0: {  	v16 =	vld.idx.msk [tilespmem:v27+s24+$0x0], $0xffff;
	v22 =	vadd.f32 v22, v26  }
0xa1: {  	v30 =	vadd.s32 v6, v11;
	v23 =	vadd.f32 v25, v23;
	v25 =	vld [tilespmem:s12+$0xFFFFFF60]  }
0xa2: {  	v26 =	vld [tilespmem:s10+$0xFFFFFF90];
	[tilespmem:s9+$0x90] =	vst v22  }
0xa3: {  	v14 =	vld.idx.msk [tilespmem:v14+s24+$0x0], $0xffff  }
0xa4: {  	v61 =	vadd.s32 v2, v19;
	v27 =	vld [tilespmem:s10+$0xA0]  }
0xa5: {  	v13 =	vld [tilespmem:s12+$0xF0];
	v22 =	vadd.s32 v2, v20  }
0xa6: {  	v21 =	vld.idx.msk [tilespmem:v30+s24+$0x0], $0xffff;
	v15 =	vadd.f32 v59, v15  }
0xa7: {  	v60 =	vld [tilespmem:s12+$0xFFFFFFE0];
	[tilespmem:s9+$0xFFFFFF10] =	vst v23;
	v24 =	vadd.f32 v26, v24;
	v26 =	vadd.s32 v3, v8  }
0xa8: {  	v23 =	vld [tilespmem:s12+$0x60];
	[tilespmem:s9+$0x10] =	vst v15  }
0xa9: {  	v58 =	vadd.s32 v2, v18;
	v17 =	vadd.f32 v25, v17;
	v25 =	vld.idx.msk [tilespmem:v61+s24+$0x0], $0xffff;
	v14 =	vadd.f32 v27, v14  }
0xaa: {  	v22 =	vld.idx.msk [tilespmem:v22+s24+$0x0], $0xffff  }
0xab: {  	v27 =	vld [tilespmem:s10+$0xFFFFFF20];
	[tilespmem:s9+$0xA0] =	vst v14  }
0xac: {  	v10 =	vadd.s32 v7, v10;
	v14 =	vld.idx.msk [tilespmem:v26+s24+$0x0], $0xffff  }
0xad: {  	v11 =	vadd.s32 v7, v11;
	[tilespmem:s9+$0xFFFFFF90] =	vst v24;
	v15 =	vld [tilespmem:s10+$0xB0]  }
0xae: {  	v24 =	vld.idx.msk [tilespmem:v58+s24+$0x0], $0xffff;
	v26 =	vadd.s32 v3, v20  }
0xaf: {  	v21 =	vadd.f32 v60, v21;
	v62 =	vld [tilespmem:s10+$0xFFFFFFA0]  }
0xb0: {  	[tilespmem:s8+$0xFFFFFF60] =	vst v17;
	v17 =	vadd.f32 v27, v22;
	v22 =	vld [tilespmem:s10+$0x20];
	v27 =	vadd.s32 v4, v8  }
0xb1: {  	[tilespmem:s8+$0xFFFFFFE0] =	vst v21;
	v10 =	vld.idx.msk [tilespmem:v10+s24+$0x0], $0xffff  }
0xb2: {  	v21 =	vadd.s32 v3, v18;
	[tilespmem:s9+$0xFFFFFF20] =	vst v17;
	v17 =	vld.idx.msk [tilespmem:v11+s24+$0x0], $0xffff;
	v14 =	vadd.f32 v15, v14  }
0xb3: {  	v15 =	vld.idx.msk [tilespmem:v26+s24+$0x0], $0xffff  }
0xb4: {  	v24 =	vadd.f32 v62, v24;
	v11 =	vadd.s32 v3, v19;
	v26 =	vld [tilespmem:s10+$0xFFFFFF30];
	[tilespmem:s9+$0xB0] =	vst v14  }
0xb5: {  	v14 =	vadd.f32 v22, v25;
	v22 =	vld.idx.msk [tilespmem:v27+s24+$0x0], $0xffff  }
0xb6: {  	v9 =	vadd.s32 v7, v9;
	[tilespmem:s9+$0xFFFFFFA0] =	vst v24;
	v24 =	vld [tilespmem:s10+$0xC0]  }
0xb7: {  	v25 =	vadd.s32 v4, v20;
	v27 =	vld.idx.msk [tilespmem:v21+s24+$0x0], $0xffff  }
0xb8: {  	[tilespmem:s9+$0x20] =	vst v14;
	v14 =	vadd.f32 v23, v16;
	v16 =	vld [tilespmem:s10+$0xFFFFFFB0]  }
0xb9: {  	v23 =	vadd.s32 v5, v8;
	v11 =	vld.idx.msk [tilespmem:v11+s24+$0x0], $0xffff;
	v15 =	vadd.f32 v26, v15  }
0xba: {  	[tilespmem:s8+$0x60] =	vst v14;
	v14 =	vld [tilespmem:s10+$0x30]  }
0xbb: {  	[tilespmem:s9+$0xFFFFFF30] =	vst v15;
	v21 =	vld.idx.msk [tilespmem:v9+s24+$0x0], $0xffff;
	v15 =	vadd.f32 v24, v22  }
0xbc: {  	v9 =	vadd.s32 v4, v18;
	v22 =	vld.idx.msk [tilespmem:v25+s24+$0x0], $0xffff  }
0xbd: {  	v25 =	vld [tilespmem:s10+$0xFFFFFF40];
	[tilespmem:s9+$0xC0] =	vst v15  }
0xbe: {  	v24 =	vadd.s32 v4, v19;
	v15 =	vadd.f32 v16, v27;
	v16 =	vld.idx.msk [tilespmem:v23+s24+$0x0], $0xffff  }
0xbf: {  	v11 =	vadd.f32 v14, v11;
	v14 =	vld [tilespmem:s10+$0xD0]  }
0xc0: {  	v23 =	vadd.s32 v5, v20;
	[tilespmem:s9+$0xFFFFFFB0] =	vst v15;
	v15 =	vld [tilespmem:s12+$0xFFFFFF70]  }
0xc1: {  	v9 =	vld.idx.msk [tilespmem:v9+s24+$0x0], $0xffff  }
0xc2: {  	[tilespmem:s9+$0x30] =	vst v11;
	v11 =	vadd.f32 v25, v22;
	v22 =	vadd.s32 v6, v8;
	v27 =	vld [tilespmem:s10+$0xFFFFFFC0]  }
0xc3: {  	v26 =	vld.idx.msk [tilespmem:v24+s24+$0x0], $0xffff  }
0xc4: {  	v63 =	vld [tilespmem:s10+$0x40];
	[tilespmem:s9+$0xFFFFFF40] =	vst v11;
	v11 =	vadd.f32 v14, v16  }
0xc5: {  	v24 =	vld.idx.msk [tilespmem:v23+s24+$0x0], $0xffff  }
0xc6: {  	v14 =	vadd.f32 v13, v12;
	v25 =	vld [tilespmem:s10+$0xFFFFFF50];
	[tilespmem:s9+$0xD0] =	vst v11  }
0xc7: {  	v13 =	vadd.s32 v6, v20;
	v10 =	vadd.f32 v15, v10;
	v22 =	vld.idx.msk [tilespmem:v22+s24+$0x0], $0xffff  }
0xc8: {  	s20 =	sshll.u32 s18, $0x8;
	v15 =	vadd.s32 v5, v19;
	[tilespmem:s8+$0xF0] =	vst v14;
	v27 =	vadd.f32 v27, v9;
	v14 =	vadd.s32 v6, v19;
	v23 =	vld [tilespmem:s10+$0xE0]  }
0xc9: {  	s15 =	simm.s32 $0x4;
	s11 =	simm.s32 $0x141A0;
	s21 =	sor.u32 s7, s20;
	v9 =	vadd.s32 v7, v20;
	v20 =	vld [tilespmem:s12+$0xFFFFFFF0];
	v11 =	vadd.s32 v7, v19;
	[tilespmem:s8+$0xFFFFFF70] =	vst v10;
	v19 =	vadd.f32 v63, v26  }
0xca: {  	s22 =	sor.u32 $0xA2F0, s1;
	s1 =	sand.u32 $0x100, s20;
	v16 =	vadd.s32 v5, v18;
	v12 =	vadd.s32 v6, v18;
	v10 =	vadd.s32 v7, v18;
	v18 =	vld [tilespmem:s12+$0x70];
	s12 =	smov.u32 s10;
	[tilespmem:s9+$0xFFFFFFC0] =	vst v27  }
.LBB2_5:
0xcb: {  	s15 =	sadd.s32 $0x4, s15;
	v24 =	vadd.f32 v25, v24;
	[tilespmem:s9+$0x40] =	vst v19;
	v19 =	vadd.s32 v7, v8;
	v8 =	vld [tilespmem:s11+$0x10]  }
0xcc: {  	v25 =	vld [tilespmem:s11+$0xFFFFFFF0];
	p2 =	slt.u32 s15, $0x3C  }
0xcd: {  	v26 =	vld [tilespmem:s11+$0x0];
	[tilespmem:s9+$0xFFFFFF50] =	vst v24;
	v22 =	vadd.f32 v23, v22  }
0xce: {  	v27 =	vld [tilespmem:s11+$0xFFFFFFE0];
	v17 =	vadd.f32 v20, v17  }
0xcf: {  	v28 =	vld.idx.msk [tilespmem:v16+s24+$0x0], $0xffff;
	[tilespmem:s9+$0xE0] =	vst v22;
	v16 =	vadd.f32 v18, v21  }
0xd0: {  	v18 =	vadd.s32 v0, v8;
	v29 =	vld.idx.msk [tilespmem:v19+s24+$0x0], $0xffff;
	[tilespmem:s8+$0xFFFFFFF0] =	vst v17  }
0xd1: {  	v17 =	vadd.s32 v0, v25;
	v30 =	vadd.s32 v1, v25;
	v31 =	vadd.s32 v2, v25;
	v32 =	vld [tilespmem:s10+$0xF0];
	[tilespmem:s8+$0x70] =	vst v16;
	s8 =	smov.u32 s9  }
0xd2: {  	v33 =	vadd.s32 v0, v26;
	v34 =	vadd.s32 v1, v26;
	v35 =	vadd.s32 v2, v26;
	v36 =	vld.idx.msk [tilespmem:v15+s24+$0x0], $0xffff  }
0xd3: {  	v37 =	vadd.s32 v0, v27;
	v38 =	vadd.s32 v1, v27;
	v39 =	vadd.s32 v2, v27;
	v40 =	vld [tilespmem:s10+$0xFFFFFFD0]  }
0xd4: {  	v23 =	vadd.s32 v3, v25;
	v21 =	vadd.s32 v3, v26;
	v24 =	vadd.s32 v3, v27;
	v41 =	vld [tilespmem:s10+$0x50]  }
0xd5: {  	v20 =	vadd.s32 v4, v25;
	v19 =	vadd.s32 v4, v26;
	v22 =	vadd.s32 v4, v27;
	s10 =	sadd.s32 $0x200, s10;
	v42 =	vld.idx.msk [tilespmem:v18+s24+$0x0], $0xffff  }
0xd6: {  	v16 =	vadd.s32 v5, v25;
	v18 =	vadd.s32 v5, v27;
	v43 =	vld [tilespmem:s10+$0x80];
	v29 =	vadd.f32 v32, v29  }
0xd7: {  	v44 =	vadd.s32 v6, v25;
	v15 =	vadd.s32 v5, v26;
	v32 =	vadd.s32 v6, v27;
	v17 =	vld.idx.msk [tilespmem:v17+s24+$0x0], $0xffff  }
0xd8: {  	v45 =	vadd.s32 v6, v26;
	v37 =	vld.idx.msk [tilespmem:v37+s24+$0x0], $0xffff;
	v28 =	vadd.f32 v40, v28;
	[tilespmem:s9+$0xF0] =	vst v29  }
0xd9: {  	v27 =	vadd.s32 v7, v27;
	v29 =	vld.idx.msk [tilespmem:v33+s24+$0x0], $0xffff;
	v33 =	vadd.s32 v1, v8;
	v36 =	vadd.f32 v41, v36  }
0xda: {  	v25 =	vadd.s32 v7, v25;
	v26 =	vadd.s32 v7, v26;
	v40 =	vld [tilespmem:s10+$0xFFFFFF00];
	[tilespmem:s9+$0xFFFFFFD0] =	vst v28  }
0xdb: {  	v28 =	vld [tilespmem:s10+$0xFFFFFF80];
	v41 =	vadd.f32 v43, v42;
	[tilespmem:s9+$0x50] =	vst v36  }
0xdc: {  	s9 =	sadd.s32 $0x200, s9;
	v36 =	vld [tilespmem:s10+$0x0]  }
0xdd: {  	[tilespmem:s9+$0x80] =	vst v41;
	v41 =	vld.idx.msk [tilespmem:v13+s24+$0x0], $0xffff;
	v13 =	vmov v32  }
0xde: {  	v32 =	vld.idx.msk [tilespmem:v33+s24+$0x0], $0xffff  }
0xdf: {  	v33 =	vadd.f32 v40, v37;
	v37 =	vld [tilespmem:s10+$0x90]  }
0xe0: {  	v17 =	vadd.f32 v28, v17;
	v28 =	vld.idx.msk [tilespmem:v12+s24+$0x0], $0xffff;
	v12 =	vmov v44  }
0xe1: {  	[tilespmem:s9+$0xFFFFFF00] =	vst v33;
	v29 =	vadd.f32 v36, v29;
	v33 =	vld.idx.msk [tilespmem:v14+s24+$0x0], $0xffff;
	v14 =	vmov v45  }
0xe2: {  	v36 =	vld.idx.msk [tilespmem:v38+s24+$0x0], $0xffff;
	[tilespmem:s9+$0xFFFFFF80] =	vst v17;
	v17 =	vadd.s32 v2, v8  }
0xe3: {  	v30 =	vld.idx.msk [tilespmem:v30+s24+$0x0], $0xffff;
	[tilespmem:s9+$0x0] =	vst v29  }
0xe4: {  	v29 =	vld.idx.msk [tilespmem:v34+s24+$0x0], $0xffff;
	v32 =	vadd.f32 v37, v32  }
0xe5: {  	v34 =	vld [tilespmem:s10+$0xFFFFFF10]  }
0xe6: {  	v37 =	vld [tilespmem:s10+$0xFFFFFF90];
	[tilespmem:s9+$0x90] =	vst v32  }
0xe7: {  	v17 =	vld.idx.msk [tilespmem:v17+s24+$0x0], $0xffff  }
0xe8: {  	v32 =	vld [tilespmem:s10+$0xA0]  }
0xe9: {  	v38 =	vld [tilespmem:s10+$0x10]  }
0xea: {  	v34 =	vadd.f32 v34, v36;
	v36 =	vld [tilespmem:s12+$0xFFFFFF60]  }
0xeb: {  	v30 =	vadd.f32 v37, v30;
	v37 =	vadd.s32 v3, v8;
	v40 =	vld [tilespmem:s12+$0xFFFFFFE0]  }
0xec: {  	[tilespmem:s9+$0xFFFFFF10] =	vst v34;
	v34 =	vld [tilespmem:s12+$0x60]  }
0xed: {  	v39 =	vld.idx.msk [tilespmem:v39+s24+$0x0], $0xffff;
	[tilespmem:s9+$0xFFFFFF90] =	vst v30;
	v17 =	vadd.f32 v32, v17  }
0xee: {  	v30 =	vld.idx.msk [tilespmem:v31+s24+$0x0], $0xffff;
	v29 =	vadd.f32 v38, v29  }
0xef: {  	v31 =	vld [tilespmem:s10+$0xFFFFFF20];
	[tilespmem:s9+$0xA0] =	vst v17;
	v17 =	vadd.f32 v36, v41  }
0xf0: {  	[tilespmem:s9+$0x10] =	vst v29;
	v29 =	vld.idx.msk [tilespmem:v37+s24+$0x0], $0xffff;
	v28 =	vadd.f32 v40, v28  }
0xf1: {  	v32 =	vld [tilespmem:s10+$0xB0];
	[tilespmem:s8+$0xFFFFFF60] =	vst v17;
	v17 =	vadd.f32 v34, v33  }
0xf2: {  	v33 =	vld.idx.msk [tilespmem:v35+s24+$0x0], $0xffff;
	[tilespmem:s8+$0xFFFFFFE0] =	vst v28  }
0xf3: {  	v28 =	vld [tilespmem:s10+$0xFFFFFFA0];
	[tilespmem:s8+$0x60] =	vst v17  }
0xf4: {  	v34 =	vadd.s32 v4, v8;
	v17 =	vadd.f32 v31, v39;
	v31 =	vld [tilespmem:s10+$0x20]  }
0xf5: {  	v35 =	vld.idx.msk [tilespmem:v9+s24+$0x0], $0xffff;
	v9 =	vmov v27  }
0xf6: {  	[tilespmem:s9+$0xFFFFFF20] =	vst v17;
	v27 =	vadd.f32 v32, v29;
	v17 =	vld.idx.msk [tilespmem:v10+s24+$0x0], $0xffff;
	v10 =	vmov v25  }
0xf7: {  	v24 =	vld.idx.msk [tilespmem:v24+s24+$0x0], $0xffff  }
0xf8: {  	v25 =	vld [tilespmem:s10+$0xFFFFFF30];
	v28 =	vadd.f32 v28, v30;
	[tilespmem:s9+$0xB0] =	vst v27  }
0xf9: {  	v27 =	vadd.f32 v31, v33;
	v29 =	vld.idx.msk [tilespmem:v34+s24+$0x0], $0xffff  }
0xfa: {  	[tilespmem:s9+$0xFFFFFFA0] =	vst v28;
	v28 =	vld [tilespmem:s10+$0xC0]  }
0xfb: {  	v23 =	vld.idx.msk [tilespmem:v23+s24+$0x0], $0xffff;
	[tilespmem:s9+$0x20] =	vst v27  }
0xfc: {  	v27 =	vld.idx.msk [tilespmem:v21+s24+$0x0], $0xffff  }
0xfd: {  	v21 =	vadd.f32 v25, v24;
	v24 =	vld [tilespmem:s10+$0xFFFFFFB0];
	v25 =	vadd.s32 v5, v8  }
0xfe: {  	v30 =	vld [tilespmem:s10+$0x30]  }
0xff: {  	[tilespmem:s9+$0xFFFFFF30] =	vst v21;
	v28 =	vadd.f32 v28, v29;
	v21 =	vld.idx.msk [tilespmem:v11+s24+$0x0], $0xffff;
	v11 =	vmov v26  }
0x100: {  	v22 =	vld.idx.msk [tilespmem:v22+s24+$0x0], $0xffff  }
0x101: {  	v26 =	vld [tilespmem:s10+$0xFFFFFF40];
	[tilespmem:s9+$0xC0] =	vst v28  }
0x102: {  	v23 =	vadd.f32 v24, v23;
	v24 =	vld.idx.msk [tilespmem:v25+s24+$0x0], $0xffff  }
0x103: {  	v25 =	vadd.f32 v30, v27;
	v27 =	vld [tilespmem:s10+$0xD0]  }
0x104: {  	[tilespmem:s9+$0xFFFFFFB0] =	vst v23;
	v23 =	vld [tilespmem:s12+$0xFFFFFF70]  }
0x105: {  	v20 =	vld.idx.msk [tilespmem:v20+s24+$0x0], $0xffff;
	[tilespmem:s9+$0x30] =	vst v25  }
0x106: {  	v22 =	vadd.f32 v26, v22;
	v19 =	vld.idx.msk [tilespmem:v19+s24+$0x0], $0xffff;
	v26 =	vadd.s32 v6, v8  }
0x107: {  	v28 =	vld [tilespmem:s10+$0xFFFFFFC0]  }
0x108: {  	[tilespmem:s9+$0xFFFFFF40] =	vst v22;
	v29 =	vld [tilespmem:s10+$0x40];
	v22 =	vadd.f32 v27, v24  }
0x109: {  	v24 =	vld.idx.msk [tilespmem:v18+s24+$0x0], $0xffff;
	v18 =	vadd.f32 v23, v35  }
.Ltmp3:
0x10a: {  	v25 =	vld [tilespmem:s10+$0xFFFFFF50];
	[tilespmem:s9+$0xD0] =	vst v22;
	(pc) =	sbr.rel @p2 .LBB2_5-.Ltmp3, $4  }
0x10b: {  	v22 =	vld.idx.msk [tilespmem:v26+s24+$0x0], $0xffff;
	[tilespmem:s8+$0xFFFFFF70] =	vst v18  }
0x10c: {  	v18 =	vadd.f32 v28, v20;
	v23 =	vld [tilespmem:s10+$0xE0]  }
0x10d: {  	v19 =	vadd.f32 v29, v19;
	v20 =	vld [tilespmem:s12+$0xFFFFFFF0]  }
0x10e: {  	s11 =	sadd.s32 $0x40, s11;
	[tilespmem:s9+$0xFFFFFFC0] =	vst v18;
	v18 =	vld [tilespmem:s12+$0x70];
	s12 =	smov.u32 s10  }
0x10f: {  	_ =	sdelay $0x3  }
0x110: {  	v16 =	vld.idx.msk [tilespmem:v16+s24+$0x0], $0xffff  }
0x111: {  	[tilespmem:s9+$0x40] =	vst v19;
	v19 =	vld [tilespmem:s10+$0xFFFFFFD0]  }
0x112: {  	v15 =	vld.idx.msk [tilespmem:v15+s24+$0x0], $0xffff  }
0x113: {  	v26 =	vld [tilespmem:s10+$0x50];
	_ =	sdelay $0x1  }
0x114: {  	v24 =	vadd.f32 v25, v24  }
0x115: {  	v16 =	vadd.f32 v19, v16  }
0x116: {  	[tilespmem:s9+$0xFFFFFF50] =	vst v24  }
0x117: {  	v13 =	vld.idx.msk [tilespmem:v13+s24+$0x0], $0xffff;
	v15 =	vadd.f32 v26, v15;
	[tilespmem:s9+$0xFFFFFFD0] =	vst v16  }
0x118: {  	v12 =	vld.idx.msk [tilespmem:v12+s24+$0x0], $0xffff  }
0x119: {  	[tilespmem:s9+$0x50] =	vst v15;
	v15 =	vld [tilespmem:s12+$0xFFFFFF60]  }
0x11a: {  	v8 =	vadd.s32 v7, v8;
	v16 =	vld [tilespmem:s12+$0xFFFFFFE0];
	_ =	sdelay $0x1  }
0x11b: {  	v22 =	vadd.f32 v23, v22;
	v14 =	vld.idx.msk [tilespmem:v14+s24+$0x0], $0xffff  }
0x11c: {  	v19 =	vld [tilespmem:s12+$0x60]  }
0x11d: {  	[tilespmem:s9+$0xE0] =	vst v22;
	v13 =	vadd.f32 v15, v13  }
0x11e: {  	v8 =	vld.idx.msk [tilespmem:v8+s24+$0x0], $0xffff;
	v12 =	vadd.f32 v16, v12  }
0x11f: {  	v15 =	vld [tilespmem:s10+$0xF0];
	[tilespmem:s9+$0xFFFFFF60] =	vst v13  }
0x120: {  	[tilespmem:s9+$0xFFFFFFE0] =	vst v12;
	v9 =	vld.idx.msk [tilespmem:v9+s24+$0x0], $0xffff  }
0x121: {  	v13 =	vadd.f32 v19, v14;
	v10 =	vld.idx.msk [tilespmem:v10+s24+$0x0], $0xffff  }
0x122: {  	v12 =	vld [tilespmem:s12+$0xFFFFFF70]  }
0x123: {  	[tilespmem:s9+$0x60] =	vst v13;
	v13 =	vld [tilespmem:s12+$0xFFFFFFF0]  }
0x124: {  	v11 =	vld.idx.msk [tilespmem:v11+s24+$0x0], $0xffff  }
0x125: {  	p2 =	seq.s32 s21, $0x0;
	p3 =	sne.s32 s1, $0x0;
	v14 =	vadd.f32 v20, v17;
	v16 =	vld [tilespmem:s12+$0x70]  }
0x126: {  	p2 =	por !p2, !p3;
	v17 =	vadd.f32 v18, v21  }
0x127: {  	p2 =	por !p2, !p2;
	s10 =	simm.s32 $0x1;
	[tilespmem:s8+$0xFFFFFFF0] =	vst v14;
	v8 =	vadd.f32 v15, v8  }
0x128: {  	s15 =	sshrl.u32 s21, $0x9;
	s10 =	simm.s32 @!p2 $0x0;
	[tilespmem:s8+$0x70] =	vst v17;
	v9 =	vadd.f32 v12, v9  }
0x129: {  	s8 =	ssub.s32 s15, s10;
	[tilespmem:s9+$0xF0] =	vst v8;
	v8 =	vadd.f32 v13, v10  }
0x12a: {  	s8 =	sshll.u32 s8, $0xC;
	[tilespmem:s9+$0xFFFFFF70] =	vst v9;
	v9 =	vadd.f32 v16, v11  }
0x12b: {  	s11 =	sadd.s32 s2, s1;
	s8 =	sand.u32 $0x1FFFF000, s8;
	[tilespmem:s9+$0xFFFFFFF0] =	vst v8  }
0x12c: {  	p2 =	seq.s32 s18, $0x3F;
	s8 =	sadd.s32 s8, s11;
	[tilespmem:s9+$0x70] =	vst v9  }
0x12d: {  	[hbm4b:s8+s16] =	stream.strided.scatter [tilespmem:s28], [sflag:$0x3], $0x2000, s17, s16, $0x38;
	[tilespmem:$0x14500] =	vst v63  }
0x12e: {  	s8 =	sadd.s32 @!p2 s20, s13  }
0x12f: {  	s8 =	sshrl.u32 @!p2 s8, $0x3  }
0x130: {  	s9 =	simm.s32 @!p2 $0x0;
	s8 =	sadd.s32 @!p2 s5, s8  }
0x131: {  	[tilespmem:s9], [sflag:$0x5] =	stream.linear.gather @!p2 [hbm4b:s8+s9], $0x80, $0x38;
	[tilespmem:$0x14500] =	vst v63  }
0x132: {  	s8 =	simm.s32 @!p2 $0x5  }
0x133: {  	_ =	swait.ge @!p2 [sflag:s8], $0x80  }
0x134: {  	[sflag:s8] =	ssyncset.done @!p2 $0x0  }
0x135: {  	s10 =	simm.s32 @!p2 $0x100;
	[sflag:s8] =	ssyncadd.s32 @!p2 $0xFFFFFF80;
	s8 =	simm.s32 @!p2 $0x80  }
0x136: {  	[tilespmem:s10], [sflag:$0x1] =	stream.indirect.gather @!p2 [hbm4b:s6+s8], $0x80, s9, s8, $0xb8;
	[tilespmem:$0x14500] =	vst v63  }
0x137: {  	_ =	swait.ge [sflag:s29], $0x4000  }
0x138: {  	[sflag:s29] =	ssyncset.done $0x0  }
0x139: {  	s8 =	simm.s32 @!p1 $0x4;
	[sflag:s29] =	ssyncadd.s32 $0xFFFFC000  }
0x13a: {  	_ =	swait.ge @!p1 [sflag:s8], $0x2000  }
0x13b: {  	[sflag:s8] =	ssyncset.done @!p1 $0x0  }
0x13c: {  	s12 =	simm.s32 $0x14120;
	[sflag:s8] =	ssyncadd.s32 @!p1 $0xFFFFE000  }
0x13d: {  	v12 =	vld [tilespmem:s12+$0x10];
	_ =	sdelay $0x4  }
0x13e: {  	v8 =	vadd.s32 v0, v12;
	_ =	sdelay $0x1  }
0x13f: {  	v11 =	vld [tilespmem:s12+$0xFFFFFFE0];
	_ =	sdelay $0x1  }
0x140: {  	v13 =	vld [tilespmem:s22+$0xFFFFFF90]  }
0x141: {  	v8 =	vld.idx.msk [tilespmem:v8+s25+$0x0], $0xffff  }
0x142: {  	v10 =	vld [tilespmem:s12+$0xFFFFFFF0]  }
0x143: {  	v14 =	vadd.s32 v0, v11  }
0x144: {  	v9 =	vld [tilespmem:s12+$0x0];
	v15 =	vadd.s32 v1, v12;
	_ =	sdelay $0x1  }
0x145: {  	v8 =	vadd.f32 v13, v8  }
0x146: {  	s8 =	simm.s32 $0x12200;
	v17 =	vld [tilespmem:s22+$0xFFFFFE10];
	v16 =	vadd.s32 v0, v10  }
0x147: {  	v13 =	vld.idx.msk [tilespmem:v14+s25+$0x0], $0xffff;
	[tilespmem:s8+$0x80] =	vst v8  }
0x148: {  	v14 =	vadd.s32 v0, v9;
	v8 =	vld.idx.msk [tilespmem:v15+s25+$0x0], $0xffff  }
0x149: {  	v15 =	vld [tilespmem:s22+$0xFFFFFFA0]  }
0x14a: {  	v19 =	vld [tilespmem:s22+$0xFFFFFE90];
	v18 =	vadd.s32 v1, v11  }
0x14b: {  	v16 =	vld.idx.msk [tilespmem:v16+s25+$0x0], $0xffff  }
0x14c: {  	v20 =	vld [tilespmem:s22+$0xFFFFFF10];
	v13 =	vadd.f32 v17, v13;
	v17 =	vadd.s32 v2, v12  }
0x14d: {  	v14 =	vld.idx.msk [tilespmem:v14+s25+$0x0], $0xffff  }
0x14e: {  	v21 =	vadd.s32 v1, v10;
	[tilespmem:s8+$0xFFFFFF00] =	vst v13;
	v8 =	vadd.f32 v15, v8  }
0x14f: {  	v13 =	vld.idx.msk [tilespmem:v18+s25+$0x0], $0xffff  }
0x150: {  	v16 =	vadd.f32 v19, v16;
	v15 =	vadd.s32 v1, v9;
	v18 =	vld [tilespmem:s22+$0xFFFFFE20];
	[tilespmem:s8+$0x90] =	vst v8  }
0x151: {  	v8 =	vld.idx.msk [tilespmem:v17+s25+$0x0], $0xffff  }
0x152: {  	[tilespmem:s8+$0xFFFFFF80] =	vst v16;
	v14 =	vadd.f32 v20, v14;
	v16 =	vld [tilespmem:s22+$0xFFFFFFB0]  }
0x153: {  	v17 =	vld.idx.msk [tilespmem:v21+s25+$0x0], $0xffff  }
0x154: {  	v19 =	vadd.s32 v2, v11;
	[tilespmem:s8+$0x0] =	vst v14;
	v14 =	vld [tilespmem:s22+$0xFFFFFEA0]  }
0x155: {  	v20 =	vadd.s32 v3, v12;
	v15 =	vld.idx.msk [tilespmem:v15+s25+$0x0], $0xffff  }
0x156: {  	v21 =	vld [tilespmem:s22+$0xFFFFFF20];
	v13 =	vadd.f32 v18, v13  }
0x157: {  	v18 =	vadd.s32 v2, v10;
	v8 =	vadd.f32 v16, v8  }
0x158: {  	[tilespmem:s8+$0xFFFFFF10] =	vst v13  }
0x159: {  	v16 =	vld.idx.msk [tilespmem:v19+s25+$0x0], $0xffff;
	v14 =	vadd.f32 v14, v17;
	[tilespmem:s8+$0xA0] =	vst v8  }
0x15a: {  	v8 =	vld.idx.msk [tilespmem:v20+s25+$0x0], $0xffff  }
0x15b: {  	v13 =	vadd.s32 v2, v9;
	[tilespmem:s8+$0xFFFFFF90] =	vst v14;
	v14 =	vadd.f32 v21, v15;
	v15 =	vld [tilespmem:s22+$0xFFFFFFC0]  }
0x15c: {  	v17 =	vld.idx.msk [tilespmem:v18+s25+$0x0], $0xffff  }
0x15d: {  	v18 =	vld [tilespmem:s22+$0xFFFFFE30]  }
0x15e: {  	[tilespmem:s8+$0x10] =	vst v14;
	v14 =	vadd.s32 v4, v12  }
0x15f: {  	v19 =	vld [tilespmem:s22+$0xFFFFFEB0]  }
0x160: {  	v20 =	vadd.s32 v3, v11;
	v13 =	vld.idx.msk [tilespmem:v13+s25+$0x0], $0xffff;
	v8 =	vadd.f32 v15, v8  }
0x161: {  	v21 =	vld [tilespmem:s22+$0xFFFFFF30]  }
0x162: {  	v15 =	vadd.s32 v3, v10;
	v16 =	vadd.f32 v18, v16;
	[tilespmem:s8+$0xB0] =	vst v8  }
0x163: {  	v14 =	vld.idx.msk [tilespmem:v14+s25+$0x0], $0xffff  }
0x164: {  	v8 =	vadd.s32 v3, v9;
	[tilespmem:s8+$0xFFFFFF20] =	vst v16;
	v16 =	vadd.f32 v19, v17;
	v17 =	vld [tilespmem:s22+$0xFFFFFFD0]  }
0x165: {  	v18 =	vld.idx.msk [tilespmem:v20+s25+$0x0], $0xffff  }
0x166: {  	v13 =	vadd.f32 v21, v13;
	v19 =	vld [tilespmem:s22+$0xFFFFFE40];
	[tilespmem:s8+$0xFFFFFFA0] =	vst v16  }
0x167: {  	v15 =	vld.idx.msk [tilespmem:v15+s25+$0x0], $0xffff  }
0x168: {  	[tilespmem:s8+$0x20] =	vst v13;
	v13 =	vadd.s32 v5, v12;
	v20 =	vld [tilespmem:s22+$0xFFFFFEC0]  }
0x169: {  	v8 =	vld.idx.msk [tilespmem:v8+s25+$0x0], $0xffff  }
0x16a: {  	v16 =	vadd.s32 v4, v11;
	v14 =	vadd.f32 v17, v14;
	v17 =	vld [tilespmem:s22+$0xFFFFFF40];
	_ =	sdelay $0x1  }
0x16b: {  	v18 =	vadd.f32 v19, v18;
	[tilespmem:s8+$0xC0] =	vst v14;
	v14 =	vadd.s32 v4, v10  }
0x16c: {  	v19 =	vadd.s32 v4, v9;
	v13 =	vld.idx.msk [tilespmem:v13+s25+$0x0], $0xffff  }
0x16d: {  	[tilespmem:s8+$0xFFFFFF30] =	vst v18;
	v18 =	vld [tilespmem:s22+$0xFFFFFFE0];
	v15 =	vadd.f32 v20, v15  }
0x16e: {  	v16 =	vld.idx.msk [tilespmem:v16+s25+$0x0], $0xffff;
	v8 =	vadd.f32 v17, v8  }
0x16f: {  	v20 =	vld [tilespmem:s22+$0xFFFFFE50];
	[tilespmem:s8+$0xFFFFFFB0] =	vst v15  }
0x170: {  	v15 =	vadd.s32 v6, v12;
	v14 =	vld.idx.msk [tilespmem:v14+s25+$0x0], $0xffff;
	[tilespmem:s8+$0x30] =	vst v8  }
0x171: {  	v17 =	vld.idx.msk [tilespmem:v19+s25+$0x0], $0xffff  }
0x172: {  	v8 =	vadd.s32 v5, v11;
	v13 =	vadd.f32 v18, v13;
	v18 =	vld [tilespmem:s22+$0xFFFFFED0]  }
0x173: {  	s15 =	simm.s32 $0x14160;
	v21 =	vld [tilespmem:s22+$0xFFFFFF50]  }
0x174: {  	v16 =	vadd.f32 v20, v16;
	v20 =	vld [tilespmem:s15+$0xFFFFFFE0];
	[tilespmem:s8+$0xD0] =	vst v13  }
0x175: {  	v13 =	vld.idx.msk [tilespmem:v15+s25+$0x0], $0xffff  }
0x176: {  	[tilespmem:s8+$0xFFFFFF40] =	vst v16;
	v15 =	vld [tilespmem:s22+$0xFFFFFFF0]  }
0x177: {  	v22 =	vadd.s32 v5, v10;
	v16 =	vld.idx.msk [tilespmem:v8+s25+$0x0], $0xffff  }
0x178: {  	v8 =	vld [tilespmem:s15+$0x10]  }
0x179: {  	v24 =	vadd.s32 v5, v9;
	v19 =	vld [tilespmem:s15+$0x0];
	v14 =	vadd.f32 v18, v14  }
0x17a: {  	v23 =	vld [tilespmem:s22+$0xFFFFFE60]  }
0x17b: {  	v18 =	vld [tilespmem:s15+$0xFFFFFFF0];
	[tilespmem:s8+$0xFFFFFFC0] =	vst v14;
	v14 =	vadd.f32 v21, v17  }
0x17c: {  	s10 =	sadd.s32 $0x200, s22;
	v13 =	vadd.f32 v15, v13;
	v15 =	vld.idx.msk [tilespmem:v22+s25+$0x0], $0xffff;
	v22 =	vadd.s32 v0, v20  }
0x17d: {  	v27 =	vld [tilespmem:s10+$0xFFFFFF90];
	v17 =	vadd.s32 v0, v8;
	[tilespmem:s8+$0x40] =	vst v14  }
0x17e: {  	v21 =	vld.idx.msk [tilespmem:v24+s25+$0x0], $0xffff  }
0x17f: {  	v24 =	vld [tilespmem:s22+$0xFFFFFEE0]  }
0x180: {  	v25 =	vadd.s32 v0, v19;
	v16 =	vadd.f32 v23, v16;
	v23 =	vld [tilespmem:s10+$0xFFFFFE10]  }
0x181: {  	v14 =	vadd.s32 v0, v18;
	v22 =	vld.idx.msk [tilespmem:v22+s25+$0x0], $0xffff  }
0x182: {  	v17 =	vld.idx.msk [tilespmem:v17+s25+$0x0], $0xffff  }
0x183: {  	v31 =	vld [tilespmem:s10+$0xFFFFFE90];
	v12 =	vadd.s32 v7, v12  }
0x184: {  	v28 =	vadd.s32 v6, v11;
	v26 =	vld [tilespmem:s22+$0xFFFFFF60];
	v15 =	vadd.f32 v24, v15  }
0x185: {  	v32 =	vadd.s32 v1, v20;
	[tilespmem:s8+$0xE0] =	vst v13;
	v25 =	vld.idx.msk [tilespmem:v25+s25+$0x0], $0xffff  }
0x186: {  	v29 =	vadd.s32 v1, v8;
	v14 =	vld.idx.msk [tilespmem:v14+s25+$0x0], $0xffff;
	[tilespmem:s8+$0xFFFFFFD0] =	vst v15;
	v15 =	vadd.f32 v23, v22  }
0x187: {  	s9 =	simm.s32 $0x12400;
	[tilespmem:s8+$0xFFFFFF50] =	vst v16;
	v16 =	vld [tilespmem:s10+$0xFFFFFF10];
	v17 =	vadd.f32 v27, v17  }
0x188: {  	v12 =	vld.idx.msk [tilespmem:v12+s25+$0x0], $0xffff;
	[tilespmem:s9+$0xFFFFFF00] =	vst v15  }
0x189: {  	v24 =	vadd.s32 v1, v18;
	[tilespmem:s9+$0x80] =	vst v17;
	v17 =	vld.idx.msk [tilespmem:v28+s25+$0x0], $0xffff  }
0x18a: {  	v57 =	vadd.s32 v1, v19;
	v23 =	vld.idx.msk [tilespmem:v32+s25+$0x0], $0xffff  }
0x18b: {  	v21 =	vadd.f32 v26, v21;
	v14 =	vadd.f32 v31, v14;
	v26 =	vld.idx.msk [tilespmem:v29+s25+$0x0], $0xffff  }
0x18c: {  	v27 =	vadd.s32 v6, v9;
	v15 =	vadd.f32 v16, v25;
	v22 =	vld [tilespmem:s10+$0xFFFFFFA0]  }
0x18d: {  	v25 =	vld [tilespmem:s10+$0xFFFFFE20];
	[tilespmem:s9+$0xFFFFFF80] =	vst v14  }
0x18e: {  	[tilespmem:s9+$0x0] =	vst v15;
	v24 =	vld.idx.msk [tilespmem:v24+s25+$0x0], $0xffff  }
0x18f: {  	v14 =	vadd.s32 v2, v8;
	v15 =	vld.idx.msk [tilespmem:v57+s25+$0x0], $0xffff  }
0x190: {  	[tilespmem:s8+$0x50] =	vst v21;
	v59 =	vld [tilespmem:s10+$0xFFFFFF20]  }
0x191: {  	v16 =	vld.idx.msk [tilespmem:v27+s25+$0x0], $0xffff;
	v22 =	vadd.f32 v22, v26  }
0x192: {  	v30 =	vadd.s32 v6, v10;
	v23 =	vadd.f32 v25, v23;
	v25 =	vld [tilespmem:s22+$0xFFFFFE70]  }
0x193: {  	v26 =	vld [tilespmem:s10+$0xFFFFFEA0];
	[tilespmem:s9+$0x90] =	vst v22  }
0x194: {  	v14 =	vld.idx.msk [tilespmem:v14+s25+$0x0], $0xffff  }
0x195: {  	v61 =	vadd.s32 v2, v19;
	v27 =	vld [tilespmem:s10+$0xFFFFFFB0]  }
0x196: {  	v13 =	vld [tilespmem:s22+$0x0];
	v22 =	vadd.s32 v2, v20  }
0x197: {  	v21 =	vld.idx.msk [tilespmem:v30+s25+$0x0], $0xffff;
	v15 =	vadd.f32 v59, v15  }
0x198: {  	v60 =	vld [tilespmem:s22+$0xFFFFFEF0];
	[tilespmem:s9+$0xFFFFFF10] =	vst v23;
	v24 =	vadd.f32 v26, v24;
	v26 =	vadd.s32 v3, v8  }
0x199: {  	v23 =	vld [tilespmem:s22+$0xFFFFFF70];
	[tilespmem:s9+$0x10] =	vst v15  }
0x19a: {  	v58 =	vadd.s32 v2, v18;
	v17 =	vadd.f32 v25, v17;
	v25 =	vld.idx.msk [tilespmem:v61+s25+$0x0], $0xffff;
	v14 =	vadd.f32 v27, v14  }
0x19b: {  	v22 =	vld.idx.msk [tilespmem:v22+s25+$0x0], $0xffff  }
0x19c: {  	v27 =	vld [tilespmem:s10+$0xFFFFFE30];
	[tilespmem:s9+$0xA0] =	vst v14  }
0x19d: {  	v11 =	vadd.s32 v7, v11;
	v14 =	vld.idx.msk [tilespmem:v26+s25+$0x0], $0xffff  }
0x19e: {  	v10 =	vadd.s32 v7, v10;
	[tilespmem:s9+$0xFFFFFF90] =	vst v24;
	v15 =	vld [tilespmem:s10+$0xFFFFFFC0]  }
0x19f: {  	v24 =	vld.idx.msk [tilespmem:v58+s25+$0x0], $0xffff;
	v26 =	vadd.s32 v3, v20  }
0x1a0: {  	v21 =	vadd.f32 v60, v21;
	v62 =	vld [tilespmem:s10+$0xFFFFFEB0]  }
0x1a1: {  	[tilespmem:s8+$0xFFFFFF60] =	vst v17;
	v17 =	vadd.f32 v27, v22;
	v22 =	vld [tilespmem:s10+$0xFFFFFF30];
	v27 =	vadd.s32 v4, v8  }
0x1a2: {  	[tilespmem:s8+$0xFFFFFFE0] =	vst v21;
	v11 =	vld.idx.msk [tilespmem:v11+s25+$0x0], $0xffff  }
0x1a3: {  	v21 =	vadd.s32 v3, v18;
	[tilespmem:s9+$0xFFFFFF20] =	vst v17;
	v17 =	vld.idx.msk [tilespmem:v10+s25+$0x0], $0xffff;
	v14 =	vadd.f32 v15, v14  }
0x1a4: {  	v15 =	vld.idx.msk [tilespmem:v26+s25+$0x0], $0xffff  }
0x1a5: {  	v24 =	vadd.f32 v62, v24;
	v10 =	vadd.s32 v3, v19;
	v26 =	vld [tilespmem:s10+$0xFFFFFE40];
	[tilespmem:s9+$0xB0] =	vst v14  }
0x1a6: {  	v14 =	vadd.f32 v22, v25;
	v22 =	vld.idx.msk [tilespmem:v27+s25+$0x0], $0xffff  }
0x1a7: {  	v9 =	vadd.s32 v7, v9;
	[tilespmem:s9+$0xFFFFFFA0] =	vst v24;
	v24 =	vld [tilespmem:s10+$0xFFFFFFD0]  }
0x1a8: {  	v25 =	vadd.s32 v4, v20;
	v27 =	vld.idx.msk [tilespmem:v21+s25+$0x0], $0xffff  }
0x1a9: {  	[tilespmem:s9+$0x20] =	vst v14;
	v14 =	vadd.f32 v23, v16;
	v16 =	vld [tilespmem:s10+$0xFFFFFEC0]  }
0x1aa: {  	v23 =	vadd.s32 v5, v8;
	v10 =	vld.idx.msk [tilespmem:v10+s25+$0x0], $0xffff;
	v15 =	vadd.f32 v26, v15  }
0x1ab: {  	[tilespmem:s8+$0x60] =	vst v14;
	v14 =	vld [tilespmem:s10+$0xFFFFFF40]  }
0x1ac: {  	[tilespmem:s9+$0xFFFFFF30] =	vst v15;
	v21 =	vld.idx.msk [tilespmem:v9+s25+$0x0], $0xffff;
	v15 =	vadd.f32 v24, v22  }
0x1ad: {  	v9 =	vadd.s32 v4, v18;
	v22 =	vld.idx.msk [tilespmem:v25+s25+$0x0], $0xffff  }
0x1ae: {  	v25 =	vld [tilespmem:s10+$0xFFFFFE50];
	[tilespmem:s9+$0xC0] =	vst v15  }
0x1af: {  	v24 =	vadd.s32 v4, v19;
	v15 =	vadd.f32 v16, v27;
	v16 =	vld.idx.msk [tilespmem:v23+s25+$0x0], $0xffff  }
0x1b0: {  	v10 =	vadd.f32 v14, v10;
	v14 =	vld [tilespmem:s10+$0xFFFFFFE0]  }
0x1b1: {  	v23 =	vadd.s32 v5, v20;
	[tilespmem:s9+$0xFFFFFFB0] =	vst v15;
	v15 =	vld [tilespmem:s22+$0xFFFFFE80]  }
0x1b2: {  	v9 =	vld.idx.msk [tilespmem:v9+s25+$0x0], $0xffff  }
0x1b3: {  	[tilespmem:s9+$0x30] =	vst v10;
	v10 =	vadd.f32 v25, v22;
	v22 =	vadd.s32 v6, v8;
	v27 =	vld [tilespmem:s10+$0xFFFFFED0]  }
0x1b4: {  	v26 =	vld.idx.msk [tilespmem:v24+s25+$0x0], $0xffff  }
0x1b5: {  	v63 =	vld [tilespmem:s10+$0xFFFFFF50];
	[tilespmem:s9+$0xFFFFFF40] =	vst v10;
	v10 =	vadd.f32 v14, v16  }
0x1b6: {  	v24 =	vld.idx.msk [tilespmem:v23+s25+$0x0], $0xffff  }
0x1b7: {  	v14 =	vadd.f32 v13, v12;
	v25 =	vld [tilespmem:s10+$0xFFFFFE60];
	[tilespmem:s9+$0xD0] =	vst v10  }
0x1b8: {  	v13 =	vadd.s32 v6, v20;
	v10 =	vadd.f32 v15, v11;
	v22 =	vld.idx.msk [tilespmem:v22+s25+$0x0], $0xffff  }
0x1b9: {  	[tilespmem:s8+$0xF0] =	vst v14;
	v27 =	vadd.f32 v27, v9;
	v15 =	vadd.s32 v5, v19;
	v14 =	vadd.s32 v6, v19;
	v23 =	vld [tilespmem:s10+$0xFFFFFFF0]  }
0x1ba: {  	s1 =	sor.u32 $0x80, s1;
	v9 =	vadd.s32 v7, v20;
	v20 =	vld [tilespmem:s22+$0xFFFFFF00];
	v11 =	vadd.s32 v7, v19;
	v19 =	vadd.f32 v63, v26;
	[tilespmem:s8+$0xFFFFFF70] =	vst v10  }
0x1bb: {  	s11 =	simm.s32 $0x141A0;
	s12 =	smov.u32 s10;
	s15 =	simm.s32 $0x4;
	v16 =	vadd.s32 v5, v18;
	v12 =	vadd.s32 v6, v18;
	v10 =	vadd.s32 v7, v18;
	[tilespmem:s9+$0xFFFFFFC0] =	vst v27;
	v18 =	vld [tilespmem:s22+$0xFFFFFF80]  }
.LBB2_7:
0x1bc: {  	s15 =	sadd.s32 $0x4, s15;
	v24 =	vadd.f32 v25, v24;
	[tilespmem:s9+$0x40] =	vst v19;
	v19 =	vadd.s32 v7, v8;
	v8 =	vld [tilespmem:s11+$0x10]  }
0x1bd: {  	v25 =	vld [tilespmem:s11+$0xFFFFFFF0];
	p1 =	slt.u32 s15, $0x3C  }
0x1be: {  	v26 =	vld [tilespmem:s11+$0x0];
	[tilespmem:s9+$0xFFFFFF50] =	vst v24;
	v22 =	vadd.f32 v23, v22  }
0x1bf: {  	v27 =	vld [tilespmem:s11+$0xFFFFFFE0];
	v17 =	vadd.f32 v20, v17  }
0x1c0: {  	v28 =	vld.idx.msk [tilespmem:v16+s25+$0x0], $0xffff;
	[tilespmem:s9+$0xE0] =	vst v22;
	v16 =	vadd.f32 v18, v21  }
0x1c1: {  	v18 =	vadd.s32 v0, v8;
	v29 =	vld.idx.msk [tilespmem:v19+s25+$0x0], $0xffff;
	[tilespmem:s8+$0xFFFFFFF0] =	vst v17  }
0x1c2: {  	v17 =	vadd.s32 v0, v25;
	v30 =	vadd.s32 v1, v25;
	v31 =	vadd.s32 v2, v25;
	v32 =	vld [tilespmem:s10+$0x0];
	[tilespmem:s8+$0x70] =	vst v16;
	s8 =	smov.u32 s9  }
0x1c3: {  	v33 =	vadd.s32 v0, v26;
	v34 =	vadd.s32 v1, v26;
	v35 =	vadd.s32 v2, v26;
	v36 =	vld.idx.msk [tilespmem:v15+s25+$0x0], $0xffff  }
0x1c4: {  	v37 =	vadd.s32 v0, v27;
	v38 =	vadd.s32 v1, v27;
	v39 =	vadd.s32 v2, v27;
	v40 =	vld [tilespmem:s10+$0xFFFFFEE0]  }
0x1c5: {  	v23 =	vadd.s32 v3, v25;
	v21 =	vadd.s32 v3, v26;
	v24 =	vadd.s32 v3, v27;
	v41 =	vld [tilespmem:s10+$0xFFFFFF60]  }
0x1c6: {  	v20 =	vadd.s32 v4, v25;
	v19 =	vadd.s32 v4, v26;
	v22 =	vadd.s32 v4, v27;
	s10 =	sadd.s32 $0x200, s10;
	v42 =	vld.idx.msk [tilespmem:v18+s25+$0x0], $0xffff  }
0x1c7: {  	v16 =	vadd.s32 v5, v25;
	v18 =	vadd.s32 v5, v27;
	v43 =	vld [tilespmem:s10+$0xFFFFFF90];
	v29 =	vadd.f32 v32, v29  }
0x1c8: {  	v44 =	vadd.s32 v6, v25;
	v15 =	vadd.s32 v5, v26;
	v32 =	vadd.s32 v6, v27;
	v17 =	vld.idx.msk [tilespmem:v17+s25+$0x0], $0xffff  }
0x1c9: {  	v45 =	vadd.s32 v6, v26;
	v37 =	vld.idx.msk [tilespmem:v37+s25+$0x0], $0xffff;
	v28 =	vadd.f32 v40, v28;
	[tilespmem:s9+$0xF0] =	vst v29  }
0x1ca: {  	v27 =	vadd.s32 v7, v27;
	v29 =	vld.idx.msk [tilespmem:v33+s25+$0x0], $0xffff;
	v33 =	vadd.s32 v1, v8;
	v36 =	vadd.f32 v41, v36  }
0x1cb: {  	v25 =	vadd.s32 v7, v25;
	v26 =	vadd.s32 v7, v26;
	v40 =	vld [tilespmem:s10+$0xFFFFFE10];
	[tilespmem:s9+$0xFFFFFFD0] =	vst v28  }
0x1cc: {  	v28 =	vld [tilespmem:s10+$0xFFFFFE90];
	v41 =	vadd.f32 v43, v42;
	[tilespmem:s9+$0x50] =	vst v36  }
0x1cd: {  	s9 =	sadd.s32 $0x200, s9;
	v36 =	vld [tilespmem:s10+$0xFFFFFF10]  }
0x1ce: {  	[tilespmem:s9+$0x80] =	vst v41;
	v41 =	vld.idx.msk [tilespmem:v13+s25+$0x0], $0xffff;
	v13 =	vmov v32  }
0x1cf: {  	v32 =	vld.idx.msk [tilespmem:v33+s25+$0x0], $0xffff  }
0x1d0: {  	v33 =	vadd.f32 v40, v37;
	v37 =	vld [tilespmem:s10+$0xFFFFFFA0]  }
0x1d1: {  	v17 =	vadd.f32 v28, v17;
	v28 =	vld.idx.msk [tilespmem:v12+s25+$0x0], $0xffff;
	v12 =	vmov v44  }
0x1d2: {  	[tilespmem:s9+$0xFFFFFF00] =	vst v33;
	v29 =	vadd.f32 v36, v29;
	v33 =	vld.idx.msk [tilespmem:v14+s25+$0x0], $0xffff;
	v14 =	vmov v45  }
0x1d3: {  	v36 =	vld.idx.msk [tilespmem:v38+s25+$0x0], $0xffff;
	[tilespmem:s9+$0xFFFFFF80] =	vst v17;
	v17 =	vadd.s32 v2, v8  }
0x1d4: {  	v30 =	vld.idx.msk [tilespmem:v30+s25+$0x0], $0xffff;
	[tilespmem:s9+$0x0] =	vst v29  }
0x1d5: {  	v29 =	vld.idx.msk [tilespmem:v34+s25+$0x0], $0xffff;
	v32 =	vadd.f32 v37, v32  }
0x1d6: {  	v34 =	vld [tilespmem:s10+$0xFFFFFE20]  }
0x1d7: {  	v37 =	vld [tilespmem:s10+$0xFFFFFEA0];
	[tilespmem:s9+$0x90] =	vst v32  }
0x1d8: {  	v17 =	vld.idx.msk [tilespmem:v17+s25+$0x0], $0xffff  }
0x1d9: {  	v32 =	vld [tilespmem:s10+$0xFFFFFFB0]  }
0x1da: {  	v38 =	vld [tilespmem:s10+$0xFFFFFF20]  }
0x1db: {  	v34 =	vadd.f32 v34, v36;
	v36 =	vld [tilespmem:s12+$0xFFFFFE70]  }
0x1dc: {  	v30 =	vadd.f32 v37, v30;
	v37 =	vadd.s32 v3, v8;
	v40 =	vld [tilespmem:s12+$0xFFFFFEF0]  }
0x1dd: {  	[tilespmem:s9+$0xFFFFFF10] =	vst v34;
	v34 =	vld [tilespmem:s12+$0xFFFFFF70]  }
0x1de: {  	v39 =	vld.idx.msk [tilespmem:v39+s25+$0x0], $0xffff;
	[tilespmem:s9+$0xFFFFFF90] =	vst v30;
	v17 =	vadd.f32 v32, v17  }
0x1df: {  	v30 =	vld.idx.msk [tilespmem:v31+s25+$0x0], $0xffff;
	v29 =	vadd.f32 v38, v29  }
0x1e0: {  	v31 =	vld [tilespmem:s10+$0xFFFFFE30];
	[tilespmem:s9+$0xA0] =	vst v17;
	v17 =	vadd.f32 v36, v41  }
0x1e1: {  	[tilespmem:s9+$0x10] =	vst v29;
	v29 =	vld.idx.msk [tilespmem:v37+s25+$0x0], $0xffff;
	v28 =	vadd.f32 v40, v28  }
0x1e2: {  	v32 =	vld [tilespmem:s10+$0xFFFFFFC0];
	[tilespmem:s8+$0xFFFFFF60] =	vst v17;
	v17 =	vadd.f32 v34, v33  }
0x1e3: {  	v33 =	vld.idx.msk [tilespmem:v35+s25+$0x0], $0xffff;
	[tilespmem:s8+$0xFFFFFFE0] =	vst v28  }
0x1e4: {  	v28 =	vld [tilespmem:s10+$0xFFFFFEB0];
	[tilespmem:s8+$0x60] =	vst v17  }
0x1e5: {  	v34 =	vadd.s32 v4, v8;
	v17 =	vadd.f32 v31, v39;
	v31 =	vld [tilespmem:s10+$0xFFFFFF30]  }
0x1e6: {  	v35 =	vld.idx.msk [tilespmem:v9+s25+$0x0], $0xffff;
	v9 =	vmov v27  }
0x1e7: {  	[tilespmem:s9+$0xFFFFFF20] =	vst v17;
	v27 =	vadd.f32 v32, v29;
	v17 =	vld.idx.msk [tilespmem:v10+s25+$0x0], $0xffff;
	v10 =	vmov v25  }
0x1e8: {  	v24 =	vld.idx.msk [tilespmem:v24+s25+$0x0], $0xffff  }
0x1e9: {  	v25 =	vld [tilespmem:s10+$0xFFFFFE40];
	v28 =	vadd.f32 v28, v30;
	[tilespmem:s9+$0xB0] =	vst v27  }
0x1ea: {  	v27 =	vadd.f32 v31, v33;
	v29 =	vld.idx.msk [tilespmem:v34+s25+$0x0], $0xffff  }
0x1eb: {  	[tilespmem:s9+$0xFFFFFFA0] =	vst v28;
	v28 =	vld [tilespmem:s10+$0xFFFFFFD0]  }
0x1ec: {  	v23 =	vld.idx.msk [tilespmem:v23+s25+$0x0], $0xffff;
	[tilespmem:s9+$0x20] =	vst v27  }
0x1ed: {  	v27 =	vld.idx.msk [tilespmem:v21+s25+$0x0], $0xffff  }
0x1ee: {  	v21 =	vadd.f32 v25, v24;
	v24 =	vld [tilespmem:s10+$0xFFFFFEC0];
	v25 =	vadd.s32 v5, v8  }
0x1ef: {  	v30 =	vld [tilespmem:s10+$0xFFFFFF40]  }
0x1f0: {  	[tilespmem:s9+$0xFFFFFF30] =	vst v21;
	v28 =	vadd.f32 v28, v29;
	v21 =	vld.idx.msk [tilespmem:v11+s25+$0x0], $0xffff;
	v11 =	vmov v26  }
0x1f1: {  	v22 =	vld.idx.msk [tilespmem:v22+s25+$0x0], $0xffff  }
0x1f2: {  	v26 =	vld [tilespmem:s10+$0xFFFFFE50];
	[tilespmem:s9+$0xC0] =	vst v28  }
0x1f3: {  	v23 =	vadd.f32 v24, v23;
	v24 =	vld.idx.msk [tilespmem:v25+s25+$0x0], $0xffff  }
0x1f4: {  	v25 =	vadd.f32 v30, v27;
	v27 =	vld [tilespmem:s10+$0xFFFFFFE0]  }
0x1f5: {  	[tilespmem:s9+$0xFFFFFFB0] =	vst v23;
	v23 =	vld [tilespmem:s12+$0xFFFFFE80]  }
0x1f6: {  	v20 =	vld.idx.msk [tilespmem:v20+s25+$0x0], $0xffff;
	[tilespmem:s9+$0x30] =	vst v25  }
0x1f7: {  	v22 =	vadd.f32 v26, v22;
	v19 =	vld.idx.msk [tilespmem:v19+s25+$0x0], $0xffff;
	v26 =	vadd.s32 v6, v8  }
0x1f8: {  	v28 =	vld [tilespmem:s10+$0xFFFFFED0]  }
0x1f9: {  	[tilespmem:s9+$0xFFFFFF40] =	vst v22;
	v29 =	vld [tilespmem:s10+$0xFFFFFF50];
	v22 =	vadd.f32 v27, v24  }
0x1fa: {  	v24 =	vld.idx.msk [tilespmem:v18+s25+$0x0], $0xffff;
	v18 =	vadd.f32 v23, v35  }
.Ltmp4:
0x1fb: {  	v25 =	vld [tilespmem:s10+$0xFFFFFE60];
	[tilespmem:s9+$0xD0] =	vst v22;
	(pc) =	sbr.rel @p1 .LBB2_7-.Ltmp4, $4  }
0x1fc: {  	v22 =	vld.idx.msk [tilespmem:v26+s25+$0x0], $0xffff;
	[tilespmem:s8+$0xFFFFFF70] =	vst v18  }
0x1fd: {  	v18 =	vadd.f32 v28, v20;
	v23 =	vld [tilespmem:s10+$0xFFFFFFF0]  }
0x1fe: {  	v19 =	vadd.f32 v29, v19;
	v20 =	vld [tilespmem:s12+$0xFFFFFF00]  }
0x1ff: {  	s11 =	sadd.s32 $0x40, s11;
	[tilespmem:s9+$0xFFFFFFC0] =	vst v18;
	v18 =	vld [tilespmem:s12+$0xFFFFFF80];
	s12 =	smov.u32 s10  }
0x200: {  	_ =	sdelay $0x3  }
0x201: {  	v16 =	vld.idx.msk [tilespmem:v16+s25+$0x0], $0xffff  }
0x202: {  	[tilespmem:s9+$0x40] =	vst v19;
	v53 =	vld [tilespmem:s10+$0xFFFFFEE0]  }
0x203: {  	v15 =	vld.idx.msk [tilespmem:v15+s25+$0x0], $0xffff  }
0x204: {  	v26 =	vld [tilespmem:s10+$0xFFFFFF60]  }
0x205: {  	v24 =	vadd.f32 v25, v24;
	_ =	sdelay $0x1  }
0x206: {  	[tilespmem:s9+$0xFFFFFF50] =	vst v24;
	v16 =	vadd.f32 v53, v16  }
0x207: {  	v13 =	vld.idx.msk [tilespmem:v13+s25+$0x0], $0xffff  }
0x208: {  	v54 =	vld [tilespmem:s12+$0xFFFFFE70];
	v15 =	vadd.f32 v26, v15;
	[tilespmem:s9+$0xFFFFFFD0] =	vst v16  }
0x209: {  	v8 =	vadd.s32 v7, v8;
	v12 =	vld.idx.msk [tilespmem:v12+s25+$0x0], $0xffff  }
0x20a: {  	[tilespmem:s9+$0x50] =	vst v15;
	v16 =	vld [tilespmem:s12+$0xFFFFFEF0]  }
0x20b: {  	v22 =	vadd.f32 v23, v22;
	v14 =	vld.idx.msk [tilespmem:v14+s25+$0x0], $0xffff  }
0x20c: {  	v55 =	vld [tilespmem:s12+$0xFFFFFF70]  }
0x20d: {  	[tilespmem:s9+$0xE0] =	vst v22;
	v13 =	vadd.f32 v54, v13  }
0x20e: {  	v8 =	vld.idx.msk [tilespmem:v8+s25+$0x0], $0xffff  }
0x20f: {  	v56 =	vld [tilespmem:s10+$0x0];
	[tilespmem:s9+$0xFFFFFF60] =	vst v13;
	v12 =	vadd.f32 v16, v12  }
0x210: {  	v9 =	vld.idx.msk [tilespmem:v9+s25+$0x0], $0xffff  }
0x211: {  	v58 =	vld [tilespmem:s12+$0xFFFFFE80];
	v57 =	vadd.f32 v55, v14;
	[tilespmem:s9+$0xFFFFFFE0] =	vst v12  }
0x212: {  	v10 =	vld.idx.msk [tilespmem:v10+s25+$0x0], $0xffff  }
0x213: {  	[tilespmem:s9+$0x60] =	vst v57;
	v59 =	vld [tilespmem:s12+$0xFFFFFF00]  }
0x214: {  	v11 =	vld.idx.msk [tilespmem:v11+s25+$0x0], $0xffff  }
0x215: {  	v60 =	vadd.f32 v20, v17;
	v61 =	vld [tilespmem:s12+$0xFFFFFF80]  }
0x216: {  	v62 =	vadd.f32 v18, v21  }
0x217: {  	[tilespmem:s8+$0xFFFFFFF0] =	vst v60;
	v8 =	vadd.f32 v56, v8  }
0x218: {  	[tilespmem:s8+$0x70] =	vst v62;
	v9 =	vadd.f32 v58, v9  }
.Ltmp5:
0x219: {  	[tilespmem:s9+$0xF0] =	vst v8;
	v8 =	vadd.f32 v59, v10;
	(pc) =	sbr.rel @p2 .LBB2_10-.Ltmp5, $4  }
0x21a: {  	s22 =	sshll.u32 s21, $0x3;
	[tilespmem:s9+$0xFFFFFF70] =	vst v9;
	v63 =	vadd.f32 v61, v11  }
0x21b: {  	s1 =	sadd.s32 s2, s1;
	s8 =	sand.u32 $0x3FF000, s22;
	[tilespmem:s9+$0xFFFFFFF0] =	vst v8  }
0x21c: {  	s1 =	sadd.s32 s8, s1;
	[tilespmem:s9+$0x70] =	vst v63  }
0x21d: {  	[hbm4b:s1+s16] =	stream.strided.scatter [tilespmem:s30], [sflag:$0x4], $0x2000, s17, s16, $0x38;
	[tilespmem:$0x14500] =	vst v63  }
0x21e: {  	s1 =	sadd.s32 s20, s14  }
0x21f: {  	s1 =	sshrl.u32 s1, $0x3  }
0x220: {  	s1 =	sadd.s32 s5, s1  }
0x221: {  	[tilespmem:s23], [sflag:$0x5] =	stream.linear.gather [hbm4b:s1+s3], $0x80, $0x38;
	[tilespmem:$0x14500] =	vst v63  }
.Ltmp6:
0x222: {  	_ = 	snop;
	(pc) =	sbr.rel .LBB2_4-.Ltmp6, $4  }
0x223: {  	_ =	swait.ge [sflag:s19], $0x80  }
0x224: {  	[sflag:s19] =	ssyncset.done $0x0  }
0x225: {  	s18 =	sadd.s32 $0x1, s18;
	p0 =	por !p0, !p0;
	[sflag:s19] =	ssyncadd.s32 $0xFFFFFF80  }
0x226: {  	[tilespmem:s25], [sflag:$0x2] =	stream.indirect.gather [hbm4b:s6+s23], $0x80, s23, s23, $0xb8;
	[tilespmem:$0x14500] =	vst v63  }
.LBB2_11:
0x227: {  	_ =	sfence.sel $0x180000  }
0x228: {  	[bflag:$0x0] =	sbarrier.arrive $0xFFFF  }
0x229: {  	_ =	strace $0x9000004A  }
0x22a: {  	s0 =	stileid.u32;
	[bflag:$0x2] =	sbarrier.arrive $0xFFFF  }
0x22b: {  	p0 =	sne.s32 s0, $0x0;
	s0 =	rddreg [dreg:$0x3]  }
0x22c: {  	s0 =	sadd.s32 @!p0 $0x100000, s0  }
0x22d: {  	[sflag:s0] =	ssyncadd.tile.s32 @!p0 $0x1;
	_ =	shalt  }
.Lfunc_end2:
_tile_overlayer_lowered:
.L_overlay_start_2:
0x22e: {  	(tag) =	ssettag $0x2  }
0x22f: {  	s0 =	rddreg [dreg:$0x0];
	s2 =	stileid.u32  }
0x230: {  	s1 =	rddreg [dreg:$0x1];
	p0 =	sne.s32 s2, $0x0  }
0x231: {  	s3 =	rddreg [dreg:$0x2];
	[bflag:$0x3] =	sbarrier.arrive $0xFFFF;
	s2 =	simm.s32 @!p0 $0x1C05  }
0x232: {  	[timem:s3], [sflag:s2] =	dma.local @!p0 [hbm:s0], s1  }
0x233: {  	s0 =	simm.s32 @!p0 $0x5  }
0x234: {  	_ =	swait.ge @!p0 [sflag:s0], s1  }
0x235: {  	s1 =	ssub.s32 @!p0 $0x0, s1;
	[sflag:s0] =	ssyncset.done @!p0 $0x0  }
0x236: {  	[sflag:s0] =	ssyncadd.s32 @!p0 s1  }
0x237: {  	[bflag:$0x3] =	sbarrier.arrive $0xFFFF  }
0x238: {  	_ =	shalt  }

</sc_bundles>
